<compile_context>
chip_gen: v7x
topology: tpu7x:2x2x1
jax: 0.10.2.dev20260603
libtpu: 0.0.44.dev20260713+nightly
codegen_flags: <defaults>
</compile_context>

<pallas_src>
import jax
import jax.numpy as jnp
from jax import lax
from jax.experimental import pallas as pl
from jax.experimental.pallas import tpu as pltpu
from jax.experimental.pallas import tpu_sc as plsc

N_CORES = 2
N_SUBCORES = 16
NW = N_CORES * N_SUBCORES
CHUNK = 128
DEG_W = 16


def _make_scatter(npad, n_chunks, width, gather):
    rows_per_tile = npad // N_SUBCORES
    n_slabs = rows_per_tile // CHUNK
    mesh = plsc.VectorSubcoreMesh(core_axis_name="c", subcore_axis_name="s")

    scratch = [
        pltpu.VMEM((n_chunks, CHUNK), jnp.int32),
        pltpu.VMEM((CHUNK, width), jnp.float32),
        pltpu.VMEM((CHUNK, width), jnp.float32),
        pltpu.VMEM_SHARED((npad, width), jnp.float32),
        pltpu.SemaphoreType.DMA,
        pltpu.SemaphoreType.DMA,
    ]
    if gather:
        scratch.insert(0, pltpu.VMEM((n_chunks, CHUNK), jnp.int32))
        scratch.insert(3, pltpu.VMEM_SHARED((npad, width), jnp.float32))

    def body(*refs):
        if gather:
            (g_hbm, src_hbm, dst_hbm, out_hbm,
             src_v, dst_v, rows_a, gsh, zbuf, acc, sem, sem_b) = refs
        else:
            dst_hbm, out_hbm, dst_v, rows_a, zbuf, acc, sem, sem_b = refs
        rows_v, rows_b = rows_a, zbuf
        c = lax.axis_index("c")
        s = lax.axis_index("s")
        wid = c * N_SUBCORES + s

        def zrow(i, _):
            for j in range(width // 16):
                zbuf[i, pl.ds(j * 16, 16)] = jnp.zeros((16,), jnp.float32)
                if not gather:
                    rows_v[i, pl.ds(j * 16, 16)] = jnp.ones((16,), jnp.float32)
            return 0
        lax.fori_loop(0, CHUNK, zrow, 0)

        for k in range(n_slabs):
            ds = pl.ds(s * rows_per_tile + k * CHUNK, CHUNK)
            pltpu.sync_copy(zbuf, acc.at[ds])
            if gather:
                pltpu.sync_copy(g_hbm.at[ds], gsh.at[ds])

        pltpu.sync_copy(dst_hbm.at[wid], dst_v)
        if gather:
            pltpu.sync_copy(src_hbm.at[wid], src_v)
        plsc.subcore_barrier()

        if gather:
            def edge_pair(i, _):
                jj = 2 * i
                cp_a = pltpu.async_copy(gsh.at[src_v.at[jj]], rows_a, sem)
                cp_b = pltpu.async_copy(gsh.at[src_v.at[jj + 1]], rows_b,
                                        sem_b)
                cp_a.wait()
                pltpu.sync_copy(rows_a, acc.at[dst_v.at[jj]], add=True)
                cp_b.wait()
                pltpu.sync_copy(rows_b, acc.at[dst_v.at[jj + 1]], add=True)
                return 0
            lax.fori_loop(0, n_chunks // 2, edge_pair, 0)
        else:
            def edge_chunk(j, _):
                pltpu.sync_copy(rows_v, acc.at[dst_v.at[j]], add=True)
                return 0
            lax.fori_loop(0, n_chunks, edge_chunk, 0)
        plsc.subcore_barrier()

        for k in range(n_slabs):
            ds = pl.ds(s * rows_per_tile + k * CHUNK, CHUNK)
            pltpu.sync_copy(acc.at[ds], out_hbm.at[c, ds])

    return pl.kernel(
        body,
        out_type=jax.ShapeDtypeStruct((N_CORES, npad, width), jnp.float32),
        mesh=mesh,
        scratch_types=scratch,
        compiler_params=pltpu.CompilerParams(use_tc_tiling_on_sc=False),
    )



def _k0_body(x_ref, w1_ref, o_ref):
    o_ref[...] = jnp.dot(x_ref[...], w1_ref[...],
                         preferred_element_type=jnp.float32)


def _k1_body(xw1_ref, dega_ref, degb_ref, g1_ref, dinv_ref):
    deg = dega_ref[:, 0:1] + degb_ref[:, 0:1] + 1.0
    dinv = lax.rsqrt(deg)
    g1_ref[...] = dinv * xw1_ref[...]
    dinv_ref[...] = dinv


def _k2_body(pa, pb, g1, dinv, b1, w2, g2o):
    s1 = dinv[...] * (pa[...] + pb[...] + g1[...])
    h1 = jnp.maximum(s1 + b1[...], 0.0)
    g2o[...] = dinv[...] * jnp.dot(h1, w2[...],
                                   preferred_element_type=jnp.float32)


def _k3_body(pa, pb, g2, dinv, b2, g3o):
    s2 = dinv[...] * (pa[...] + pb[...] + g2[...])
    g3o[...] = dinv[...] * (s2 + b2[...])


def _k4_body(pa, pb, g3, dinv, w3, b3, g4o):
    s3 = dinv[...] * (pa[...] + pb[...] + g3[...])
    h3 = jnp.maximum(jnp.dot(s3, w3[...], preferred_element_type=jnp.float32)
                     + b3[...], 0.0)
    g4o[...] = dinv[...] * h3


def _k5_body(pa, pb, g4, dinv, w4, b4, out):
    s4 = dinv[...] * (pa[...] + pb[...] + g4[...])
    out[...] = jnp.dot(s4, w4[...], preferred_element_type=jnp.float32) \
        + b4[...]


def kernel(x, edge_index, W1, b1, W2, b2, W3, b3, W4, b4):
    n = x.shape[0]
    e = edge_index.shape[1]
    npad = 2048 * (-(-(n + 1) // 2048))
    dummy = n
    n_chunks = 2 * (-(-e // (NW * CHUNK * 2)))
    epad = NW * CHUNK * n_chunks

    ei = edge_index.astype(jnp.int32)
    src = jnp.full((epad,), dummy, jnp.int32).at[:e].set(ei[0])
    dst = jnp.full((epad,), dummy, jnp.int32).at[:e].set(ei[1])
    src3 = src.reshape(NW, n_chunks, CHUNK)
    dst3 = dst.reshape(NW, n_chunks, CHUNK)
    xp = jnp.zeros((npad, x.shape[1]), jnp.float32).at[:n].set(x)

    deg_scatter = _make_scatter(npad, n_chunks, DEG_W, gather=False)
    scat64 = _make_scatter(npad, n_chunks, 64, gather=True)
    scat32 = _make_scatter(npad, n_chunks, 32, gather=True)

    sds = jax.ShapeDtypeStruct
    xw1 = pl.pallas_call(_k0_body, out_shape=sds((npad, 64), jnp.float32))(
        xp, W1)
    degp = deg_scatter(dst3)

    g1, dinv = pl.pallas_call(
        _k1_body,
        out_shape=[sds((npad, 64), jnp.float32), sds((npad, 1), jnp.float32)],
    )(xw1, degp[0], degp[1])

    p1 = scat64(g1, src3, dst3)
    g2 = pl.pallas_call(_k2_body, out_shape=sds((npad, 32), jnp.float32))(
        p1[0], p1[1], g1, dinv, b1.reshape(1, -1), W2)

    p2 = scat32(g2, src3, dst3)
    g3 = pl.pallas_call(_k3_body, out_shape=sds((npad, 32), jnp.float32))(
        p2[0], p2[1], g2, dinv, b2.reshape(1, -1))

    p3 = scat32(g3, src3, dst3)
    g4 = pl.pallas_call(_k4_body, out_shape=sds((npad, 64), jnp.float32))(
        p3[0], p3[1], g3, dinv, W3, b3.reshape(1, -1))

    p4 = scat64(g4, src3, dst3)
    out = pl.pallas_call(_k5_body, out_shape=sds((npad, 128), jnp.float32))(
        p4[0], p4[1], g4, dinv, W4, b4.reshape(1, -1))

    return out[:n]

# --- scband reference (transcript-rebuilt; emitter-appended) ---
"""Pipeline reference for scband-gnnautoencoder-54185307406397 (READ-ONLY COPY).

The authoritative reference and input builder live on the scoring server;
editing this copy changes nothing except your own understanding.
"""

import jax, jax.numpy as jnp
import numpy as np

N_NODES = 10000


def _glorot(key, shape):
    fan_in, fan_out = shape[0], shape[1]
    limit = jnp.sqrt(6.0 / (fan_in + fan_out))
    return jax.random.uniform(key, shape, dtype=jnp.float32, minval=-limit, maxval=limit)


def setup_inputs(seed: int = 0) -> dict:
    key = jax.random.key(seed)
    ks = jax.random.split(key, 12)
    x = jax.random.normal(ks[0], (N_NODES, 128), dtype=jnp.float32)
    edge_index = jax.random.randint(ks[1], (2, 320000), 0, N_NODES, dtype=jnp.int64)
    # Encoder: GCN(128->64), GCN(64->32); Decoder: GCN(32->64), GCN(64->128)
    W1 = _glorot(ks[2], (128, 64)); b1 = jnp.zeros((64,), jnp.float32)
    W2 = _glorot(ks[3], (64, 32));  b2 = jnp.zeros((32,), jnp.float32)
    W3 = _glorot(ks[4], (32, 64));  b3 = jnp.zeros((64,), jnp.float32)
    W4 = _glorot(ks[5], (64, 128)); b4 = jnp.zeros((128,), jnp.float32)
    return {"x": x, "edge_index": edge_index,
            "W1": W1, "b1": b1, "W2": W2, "b2": b2,
            "W3": W3, "b3": b3, "W4": W4, "b4": b4}


def _gcn_conv(x, src, dst, W, b, n):
    # PyG GCNConv: x' = D^{-1/2} (A + I) D^{-1/2} (X W) + b, self-loops already in src/dst
    h = x @ W
    ones = jnp.ones(src.shape[0], dtype=h.dtype)
    deg = jnp.zeros((n,), dtype=h.dtype).at[dst].add(ones)
    dinv = jnp.where(deg > 0, jax.lax.rsqrt(deg), 0.0)
    norm = dinv[src] * dinv[dst]
    msg = h[src] * norm[:, None]
    out = jnp.zeros((n, h.shape[1]), dtype=h.dtype).at[dst].add(msg)
    return out + b


def reference(x, edge_index, W1, b1, W2, b2, W3, b3, W4, b4):
    n = x.shape[0]
    loops = jnp.arange(n, dtype=edge_index.dtype)
    src = jnp.concatenate([edge_index[0], loops])
    dst = jnp.concatenate([edge_index[1], loops])
    # Encoder (dropout is identity at inference)
    h = _gcn_conv(x, src, dst, W1, b1, n)
    h = jax.nn.relu(h)
    h = _gcn_conv(h, src, dst, W2, b2, n)
    # Decoder
    h = _gcn_conv(h, src, dst, W3, b3, n)
    h = jax.nn.relu(h)
    h = _gcn_conv(h, src, dst, W4, b4, n)
    return h

if __name__ == "__main__":
    import jax
    _d = setup_inputs()
    print(jax.jit(kernel)(*tuple(_d.values())))

</pallas_src>

<mosaic_0001>
#map = affine_map<(d0, d1) -> (0, 0)>
#map1 = affine_map<(d0, d1) -> (0, 0, 0)>
module attributes {stable_mosaic.version = 14 : i64} {
  func.func @body(%arg0: i32, %arg1: i32, %arg2: memref<10240x32xf32, #tpu.memory_space<hbm>>, %arg3: memref<32x80x128xi32, #tpu.memory_space<hbm>>, %arg4: memref<32x80x128xi32, #tpu.memory_space<hbm>>, %arg5: memref<2x10240x32xf32, #tpu.memory_space<hbm>>, %arg6: memref<80x128xi32, #tpu.memory_space<vmem>>, %arg7: memref<80x128xi32, #tpu.memory_space<vmem>>, %arg8: memref<128x32xf32, #tpu.memory_space<vmem>>, %arg9: memref<10240x32xf32, #tpu.memory_space<vmem_shared>>, %arg10: memref<128x32xf32, #tpu.memory_space<vmem>>, %arg11: memref<10240x32xf32, #tpu.memory_space<vmem_shared>>, %arg12: memref<!tpu.dma_semaphore, #tpu.memory_space<semaphore_mem>>, %arg13: memref<!tpu.dma_semaphore, #tpu.memory_space<semaphore_mem>>) attributes {dimension_semantics = [#tpu.dimension_semantics<core_parallel>, #tpu.dimension_semantics<subcore_parallel>], iteration_bounds = array<i64: 2, 16>, scalar_prefetch = 0 : i64, scratch_operands = 8 : i64, tpu.core_type = #tpu.core_type<sc_vector_subcore>, window_params = [{transform_indices = #map}, {transform_indices = #map1}, {transform_indices = #map1}, {transform_indices = #map1}]} {
    %mul3A = arith.constant 16 : i32
    %mul3A_0 = arith.muli %arg0, %mul3A : i32
    %add3A = arith.addi %mul3A_0, %arg1 : i32
    %scan3A = arith.constant 0 : i32
    %scan3A_1 = arith.constant 0 : i32
    %scan3A_2 = arith.constant 128 : i32
    %scan3A_3 = arith.addi %scan3A_1, %scan3A_2 : i32
    %scan3A_4 = arith.constant 1 : i32
    %scan3A_5 = scf.for %scan3A_55 = %scan3A_1 to %scan3A_3 step %scan3A_4 iter_args(%scan3A_56 = %scan3A) -> (i32)  : i32 {
      %broadcast_in_dim3A = arith.constant 0.000000e+00 : f32
      %broadcast_in_dim3A_57 = vector.broadcast %broadcast_in_dim3A : f32 to vector<16xf32>
      %swap3A = arith.index_cast %scan3A_55 : i32 to index
      %swap3A_58 = arith.constant 0 : index
      %swap3A_59 = tpu.vector_load %arg10[%swap3A, %swap3A_58] {strides = array<i32>} : memref<128x32xf32, #tpu.memory_space<vmem>>, vector<1x16xf32>,
      %swap3A_60 = vector.shape_cast %swap3A_59 : vector<1x16xf32> to vector<16xf32>
      %swap3A_61 = vector.shape_cast %broadcast_in_dim3A_57 : vector<16xf32> to vector<1x16xf32>
      tpu.vector_store %arg10[%swap3A, %swap3A_58], %swap3A_61 {strides = array<i32>} : memref<128x32xf32, #tpu.memory_space<vmem>>, vector<1x16xf32>,
      %broadcast_in_dim3A_62 = arith.constant 0.000000e+00 : f32
      %broadcast_in_dim3A_63 = vector.broadcast %broadcast_in_dim3A_62 : f32 to vector<16xf32>
      %swap3A_64 = arith.index_cast %scan3A_55 : i32 to index
      %swap3A_65 = arith.constant 16 : index
      %swap3A_66 = tpu.vector_load %arg10[%swap3A_64, %swap3A_65] {strides = array<i32>} : memref<128x32xf32, #tpu.memory_space<vmem>>, vector<1x16xf32>,
      %swap3A_67 = vector.shape_cast %swap3A_66 : vector<1x16xf32> to vector<16xf32>
      %swap3A_68 = vector.shape_cast %broadcast_in_dim3A_63 : vector<16xf32> to vector<1x16xf32>
      tpu.vector_store %arg10[%swap3A_64, %swap3A_65], %swap3A_68 {strides = array<i32>} : memref<128x32xf32, #tpu.memory_space<vmem>>, vector<1x16xf32>,
      %scan3A_69 = arith.constant 0 : i32
      scf.yield %scan3A_69 : i32
    }
    %scan3A_6 = arith.constant 128 : i32
    %mul3A_7 = arith.constant 640 : i32
    %mul3A_8 = arith.muli %arg1, %mul3A_7 : i32
    %add3A_9 = arith.constant 0 : i32
    %add3A_10 = arith.addi %mul3A_8, %add3A_9 : i32
    "tpu.region"() ({
      %run_scoped3A = tpu.sem_alloc : memref<!tpu.dma_semaphore, #tpu.memory_space<semaphore_mem>>
      %dma_start3A = arith.constant 0 : i32
      %dma_start3A_55 = tpu.memref_slice %arg11[%add3A_10, %dma_start3A] : memref<10240x32xf32, #tpu.memory_space<vmem_shared>> -> memref<128x32xf32, #tpu.memory_space<vmem_shared>>
      %dma_start3A_56 = arith.constant 0 : i32
      %dma_start3A_57 = tpu.memref_slice %arg11[%add3A_10, %dma_start3A_56] : memref<10240x32xf32, #tpu.memory_space<vmem_shared>> -> memref<128x32xf32, #tpu.memory_space<vmem_shared>>
      tpu.enqueue_dma source(%arg10 : memref<128x32xf32, #tpu.memory_space<vmem>>) target(%dma_start3A_57 : memref<128x32xf32, #tpu.memory_space<vmem_shared>>) target_semaphore(%run_scoped3A : memref<!tpu.dma_semaphore, #tpu.memory_space<semaphore_mem>>)
      %dma_wait3A = arith.constant 0 : i32
      %dma_wait3A_58 = tpu.memref_slice %arg11[%add3A_10, %dma_wait3A] : memref<10240x32xf32, #tpu.memory_space<vmem_shared>> -> memref<128x32xf32, #tpu.memory_space<vmem_shared>>
      %dma_wait3A_59 = arith.constant 0 : i32
      %dma_wait3A_60 = tpu.memref_slice %arg11[%add3A_10, %dma_wait3A_59] : memref<10240x32xf32, #tpu.memory_space<vmem_shared>> -> memref<128x32xf32, #tpu.memory_space<vmem_shared>>
      tpu.wait_dma2 semaphore(%run_scoped3A : memref<!tpu.dma_semaphore, #tpu.memory_space<semaphore_mem>>) src(%arg10 : memref<128x32xf32, #tpu.memory_space<vmem>>) dst(%dma_wait3A_60 : memref<128x32xf32, #tpu.memory_space<vmem_shared>>)
      tpu.yield
    }) : () -> ()
    "tpu.region"() ({
      %run_scoped3A = tpu.sem_alloc : memref<!tpu.dma_semaphore, #tpu.memory_space<semaphore_mem>>
      %dma_start3A = arith.constant 0 : i32
      %dma_start3A_55 = tpu.memref_slice %arg9[%add3A_10, %dma_start3A] : memref<10240x32xf32, #tpu.memory_space<vmem_shared>> -> memref<128x32xf32, #tpu.memory_space<vmem_shared>>
      %dma_start3A_56 = arith.constant 0 : i32
      %dma_start3A_57 = tpu.memref_slice %arg2[%add3A_10, %dma_start3A_56] : memref<10240x32xf32, #tpu.memory_space<hbm>> -> memref<128x32xf32, #tpu.memory_space<hbm>>
      tpu.enqueue_dma source(%dma_start3A_57 : memref<128x32xf32, #tpu.memory_space<hbm>>) target(%dma_start3A_55 : memref<128x32xf32, #tpu.memory_space<vmem_shared>>) target_semaphore(%run_scoped3A : memref<!tpu.dma_semaphore, #tpu.memory_space<semaphore_mem>>)
      %dma_wait3A = arith.constant 0 : i32
      %dma_wait3A_58 = tpu.memref_slice %arg9[%add3A_10, %dma_wait3A] : memref<10240x32xf32, #tpu.memory_space<vmem_shared>> -> memref<128x32xf32, #tpu.memory_space<vmem_shared>>
      %dma_wait3A_59 = arith.constant 0 : i32
      %dma_wait3A_60 = tpu.memref_slice %arg2[%add3A_10, %dma_wait3A_59] : memref<10240x32xf32, #tpu.memory_space<hbm>> -> memref<128x32xf32, #tpu.memory_space<hbm>>
      tpu.wait_dma2 semaphore(%run_scoped3A : memref<!tpu.dma_semaphore, #tpu.memory_space<semaphore_mem>>) src(%dma_wait3A_60 : memref<128x32xf32, #tpu.memory_space<hbm>>) dst(%dma_wait3A_58 : memref<128x32xf32, #tpu.memory_space<vmem_shared>>)
      tpu.yield
    }) : () -> ()
    %mul3A_11 = arith.constant 640 : i32
    %mul3A_12 = arith.muli %arg1, %mul3A_11 : i32
    %add3A_13 = arith.constant 128 : i32
    %add3A_14 = arith.addi %mul3A_12, %add3A_13 : i32
    "tpu.region"() ({
      %run_scoped3A = tpu.sem_alloc : memref<!tpu.dma_semaphore, #tpu.memory_space<semaphore_mem>>
      %dma_start3A = arith.constant 0 : i32
      %dma_start3A_55 = tpu.memref_slice %arg11[%add3A_14, %dma_start3A] : memref<10240x32xf32, #tpu.memory_space<vmem_shared>> -> memref<128x32xf32, #tpu.memory_space<vmem_shared>>
      %dma_start3A_56 = arith.constant 0 : i32
      %dma_start3A_57 = tpu.memref_slice %arg11[%add3A_14, %dma_start3A_56] : memref<10240x32xf32, #tpu.memory_space<vmem_shared>> -> memref<128x32xf32, #tpu.memory_space<vmem_shared>>
      tpu.enqueue_dma source(%arg10 : memref<128x32xf32, #tpu.memory_space<vmem>>) target(%dma_start3A_57 : memref<128x32xf32, #tpu.memory_space<vmem_shared>>) target_semaphore(%run_scoped3A : memref<!tpu.dma_semaphore, #tpu.memory_space<semaphore_mem>>)
      %dma_wait3A = arith.constant 0 : i32
      %dma_wait3A_58 = tpu.memref_slice %arg11[%add3A_14, %dma_wait3A] : memref<10240x32xf32, #tpu.memory_space<vmem_shared>> -> memref<128x32xf32, #tpu.memory_space<vmem_shared>>
      %dma_wait3A_59 = arith.constant 0 : i32
      %dma_wait3A_60 = tpu.memref_slice %arg11[%add3A_14, %dma_wait3A_59] : memref<10240x32xf32, #tpu.memory_space<vmem_shared>> -> memref<128x32xf32, #tpu.memory_space<vmem_shared>>
      tpu.wait_dma2 semaphore(%run_scoped3A : memref<!tpu.dma_semaphore, #tpu.memory_space<semaphore_mem>>) src(%arg10 : memref<128x32xf32, #tpu.memory_space<vmem>>) dst(%dma_wait3A_60 : memref<128x32xf32, #tpu.memory_space<vmem_shared>>)
      tpu.yield
    }) : () -> ()
    "tpu.region"() ({
      %run_scoped3A = tpu.sem_alloc : memref<!tpu.dma_semaphore, #tpu.memory_space<semaphore_mem>>
      %dma_start3A = arith.constant 0 : i32
      %dma_start3A_55 = tpu.memref_slice %arg9[%add3A_14, %dma_start3A] : memref<10240x32xf32, #tpu.memory_space<vmem_shared>> -> memref<128x32xf32, #tpu.memory_space<vmem_shared>>
      %dma_start3A_56 = arith.constant 0 : i32
      %dma_start3A_57 = tpu.memref_slice %arg2[%add3A_14, %dma_start3A_56] : memref<10240x32xf32, #tpu.memory_space<hbm>> -> memref<128x32xf32, #tpu.memory_space<hbm>>
      tpu.enqueue_dma source(%dma_start3A_57 : memref<128x32xf32, #tpu.memory_space<hbm>>) target(%dma_start3A_55 : memref<128x32xf32, #tpu.memory_space<vmem_shared>>) target_semaphore(%run_scoped3A : memref<!tpu.dma_semaphore, #tpu.memory_space<semaphore_mem>>)
      %dma_wait3A = arith.constant 0 : i32
      %dma_wait3A_58 = tpu.memref_slice %arg9[%add3A_14, %dma_wait3A] : memref<10240x32xf32, #tpu.memory_space<vmem_shared>> -> memref<128x32xf32, #tpu.memory_space<vmem_shared>>
      %dma_wait3A_59 = arith.constant 0 : i32
      %dma_wait3A_60 = tpu.memref_slice %arg2[%add3A_14, %dma_wait3A_59] : memref<10240x32xf32, #tpu.memory_space<hbm>> -> memref<128x32xf32, #tpu.memory_space<hbm>>
      tpu.wait_dma2 semaphore(%run_scoped3A : memref<!tpu.dma_semaphore, #tpu.memory_space<semaphore_mem>>) src(%dma_wait3A_60 : memref<128x32xf32, #tpu.memory_space<hbm>>) dst(%dma_wait3A_58 : memref<128x32xf32, #tpu.memory_space<vmem_shared>>)
      tpu.yield
    }) : () -> ()
    %mul3A_15 = arith.constant 640 : i32
    %mul3A_16 = arith.muli %arg1, %mul3A_15 : i32
    %add3A_17 = arith.constant 256 : i32
    %add3A_18 = arith.addi %mul3A_16, %add3A_17 : i32
    "tpu.region"() ({
      %run_scoped3A = tpu.sem_alloc : memref<!tpu.dma_semaphore, #tpu.memory_space<semaphore_mem>>
      %dma_start3A = arith.constant 0 : i32
      %dma_start3A_55 = tpu.memref_slice %arg11[%add3A_18, %dma_start3A] : memref<10240x32xf32, #tpu.memory_space<vmem_shared>> -> memref<128x32xf32, #tpu.memory_space<vmem_shared>>
      %dma_start3A_56 = arith.constant 0 : i32
      %dma_start3A_57 = tpu.memref_slice %arg11[%add3A_18, %dma_start3A_56] : memref<10240x32xf32, #tpu.memory_space<vmem_shared>> -> memref<128x32xf32, #tpu.memory_space<vmem_shared>>
      tpu.enqueue_dma source(%arg10 : memref<128x32xf32, #tpu.memory_space<vmem>>) target(%dma_start3A_57 : memref<128x32xf32, #tpu.memory_space<vmem_shared>>) target_semaphore(%run_scoped3A : memref<!tpu.dma_semaphore, #tpu.memory_space<semaphore_mem>>)
      %dma_wait3A = arith.constant 0 : i32
      %dma_wait3A_58 = tpu.memref_slice %arg11[%add3A_18, %dma_wait3A] : memref<10240x32xf32, #tpu.memory_space<vmem_shared>> -> memref<128x32xf32, #tpu.memory_space<vmem_shared>>
      %dma_wait3A_59 = arith.constant 0 : i32
      %dma_wait3A_60 = tpu.memref_slice %arg11[%add3A_18, %dma_wait3A_59] : memref<10240x32xf32, #tpu.memory_space<vmem_shared>> -> memref<128x32xf32, #tpu.memory_space<vmem_shared>>
      tpu.wait_dma2 semaphore(%run_scoped3A : memref<!tpu.dma_semaphore, #tpu.memory_space<semaphore_mem>>) src(%arg10 : memref<128x32xf32, #tpu.memory_space<vmem>>) dst(%dma_wait3A_60 : memref<128x32xf32, #tpu.memory_space<vmem_shared>>)
      tpu.yield
    }) : () -> ()
    "tpu.region"() ({
      %run_scoped3A = tpu.sem_alloc : memref<!tpu.dma_semaphore, #tpu.memory_space<semaphore_mem>>
      %dma_start3A = arith.constant 0 : i32
      %dma_start3A_55 = tpu.memref_slice %arg9[%add3A_18, %dma_start3A] : memref<10240x32xf32, #tpu.memory_space<vmem_shared>> -> memref<128x32xf32, #tpu.memory_space<vmem_shared>>
      %dma_start3A_56 = arith.constant 0 : i32
      %dma_start3A_57 = tpu.memref_slice %arg2[%add3A_18, %dma_start3A_56] : memref<10240x32xf32, #tpu.memory_space<hbm>> -> memref<128x32xf32, #tpu.memory_space<hbm>>
      tpu.enqueue_dma source(%dma_start3A_57 : memref<128x32xf32, #tpu.memory_space<hbm>>) target(%dma_start3A_55 : memref<128x32xf32, #tpu.memory_space<vmem_shared>>) target_semaphore(%run_scoped3A : memref<!tpu.dma_semaphore, #tpu.memory_space<semaphore_mem>>)
      %dma_wait3A = arith.constant 0 : i32
      %dma_wait3A_58 = tpu.memref_slice %arg9[%add3A_18, %dma_wait3A] : memref<10240x32xf32, #tpu.memory_space<vmem_shared>> -> memref<128x32xf32, #tpu.memory_space<vmem_shared>>
      %dma_wait3A_59 = arith.constant 0 : i32
      %dma_wait3A_60 = tpu.memref_slice %arg2[%add3A_18, %dma_wait3A_59] : memref<10240x32xf32, #tpu.memory_space<hbm>> -> memref<128x32xf32, #tpu.memory_space<hbm>>
      tpu.wait_dma2 semaphore(%run_scoped3A : memref<!tpu.dma_semaphore, #tpu.memory_space<semaphore_mem>>) src(%dma_wait3A_60 : memref<128x32xf32, #tpu.memory_space<hbm>>) dst(%dma_wait3A_58 : memref<128x32xf32, #tpu.memory_space<vmem_shared>>)
      tpu.yield
    }) : () -> ()
    %mul3A_19 = arith.constant 640 : i32
    %mul3A_20 = arith.muli %arg1, %mul3A_19 : i32
    %add3A_21 = arith.constant 384 : i32
    %add3A_22 = arith.addi %mul3A_20, %add3A_21 : i32
    "tpu.region"() ({
      %run_scoped3A = tpu.sem_alloc : memref<!tpu.dma_semaphore, #tpu.memory_space<semaphore_mem>>
      %dma_start3A = arith.constant 0 : i32
      %dma_start3A_55 = tpu.memref_slice %arg11[%add3A_22, %dma_start3A] : memref<10240x32xf32, #tpu.memory_space<vmem_shared>> -> memref<128x32xf32, #tpu.memory_space<vmem_shared>>
      %dma_start3A_56 = arith.constant 0 : i32
      %dma_start3A_57 = tpu.memref_slice %arg11[%add3A_22, %dma_start3A_56] : memref<10240x32xf32, #tpu.memory_space<vmem_shared>> -> memref<128x32xf32, #tpu.memory_space<vmem_shared>>
      tpu.enqueue_dma source(%arg10 : memref<128x32xf32, #tpu.memory_space<vmem>>) target(%dma_start3A_57 : memref<128x32xf32, #tpu.memory_space<vmem_shared>>) target_semaphore(%run_scoped3A : memref<!tpu.dma_semaphore, #tpu.memory_space<semaphore_mem>>)
      %dma_wait3A = arith.constant 0 : i32
      %dma_wait3A_58 = tpu.memref_slice %arg11[%add3A_22, %dma_wait3A] : memref<10240x32xf32, #tpu.memory_space<vmem_shared>> -> memref<128x32xf32, #tpu.memory_space<vmem_shared>>
      %dma_wait3A_59 = arith.constant 0 : i32
      %dma_wait3A_60 = tpu.memref_slice %arg11[%add3A_22, %dma_wait3A_59] : memref<10240x32xf32, #tpu.memory_space<vmem_shared>> -> memref<128x32xf32, #tpu.memory_space<vmem_shared>>
      tpu.wait_dma2 semaphore(%run_scoped3A : memref<!tpu.dma_semaphore, #tpu.memory_space<semaphore_mem>>) src(%arg10 : memref<128x32xf32, #tpu.memory_space<vmem>>) dst(%dma_wait3A_60 : memref<128x32xf32, #tpu.memory_space<vmem_shared>>)
      tpu.yield
    }) : () -> ()
    "tpu.region"() ({
      %run_scoped3A = tpu.sem_alloc : memref<!tpu.dma_semaphore, #tpu.memory_space<semaphore_mem>>
      %dma_start3A = arith.constant 0 : i32
      %dma_start3A_55 = tpu.memref_slice %arg9[%add3A_22, %dma_start3A] : memref<10240x32xf32, #tpu.memory_space<vmem_shared>> -> memref<128x32xf32, #tpu.memory_space<vmem_shared>>
      %dma_start3A_56 = arith.constant 0 : i32
      %dma_start3A_57 = tpu.memref_slice %arg2[%add3A_22, %dma_start3A_56] : memref<10240x32xf32, #tpu.memory_space<hbm>> -> memref<128x32xf32, #tpu.memory_space<hbm>>
      tpu.enqueue_dma source(%dma_start3A_57 : memref<128x32xf32, #tpu.memory_space<hbm>>) target(%dma_start3A_55 : memref<128x32xf32, #tpu.memory_space<vmem_shared>>) target_semaphore(%run_scoped3A : memref<!tpu.dma_semaphore, #tpu.memory_space<semaphore_mem>>)
      %dma_wait3A = arith.constant 0 : i32
      %dma_wait3A_58 = tpu.memref_slice %arg9[%add3A_22, %dma_wait3A] : memref<10240x32xf32, #tpu.memory_space<vmem_shared>> -> memref<128x32xf32, #tpu.memory_space<vmem_shared>>
      %dma_wait3A_59 = arith.constant 0 : i32
      %dma_wait3A_60 = tpu.memref_slice %arg2[%add3A_22, %dma_wait3A_59] : memref<10240x32xf32, #tpu.memory_space<hbm>> -> memref<128x32xf32, #tpu.memory_space<hbm>>
      tpu.wait_dma2 semaphore(%run_scoped3A : memref<!tpu.dma_semaphore, #tpu.memory_space<semaphore_mem>>) src(%dma_wait3A_60 : memref<128x32xf32, #tpu.memory_space<hbm>>) dst(%dma_wait3A_58 : memref<128x32xf32, #tpu.memory_space<vmem_shared>>)
      tpu.yield
    }) : () -> ()
    %mul3A_23 = arith.constant 640 : i32
    %mul3A_24 = arith.muli %arg1, %mul3A_23 : i32
    %add3A_25 = arith.constant 512 : i32
    %add3A_26 = arith.addi %mul3A_24, %add3A_25 : i32
    "tpu.region"() ({
      %run_scoped3A = tpu.sem_alloc : memref<!tpu.dma_semaphore, #tpu.memory_space<semaphore_mem>>
      %dma_start3A = arith.constant 0 : i32
      %dma_start3A_55 = tpu.memref_slice %arg11[%add3A_26, %dma_start3A] : memref<10240x32xf32, #tpu.memory_space<vmem_shared>> -> memref<128x32xf32, #tpu.memory_space<vmem_shared>>
      %dma_start3A_56 = arith.constant 0 : i32
      %dma_start3A_57 = tpu.memref_slice %arg11[%add3A_26, %dma_start3A_56] : memref<10240x32xf32, #tpu.memory_space<vmem_shared>> -> memref<128x32xf32, #tpu.memory_space<vmem_shared>>
      tpu.enqueue_dma source(%arg10 : memref<128x32xf32, #tpu.memory_space<vmem>>) target(%dma_start3A_57 : memref<128x32xf32, #tpu.memory_space<vmem_shared>>) target_semaphore(%run_scoped3A : memref<!tpu.dma_semaphore, #tpu.memory_space<semaphore_mem>>)
      %dma_wait3A = arith.constant 0 : i32
      %dma_wait3A_58 = tpu.memref_slice %arg11[%add3A_26, %dma_wait3A] : memref<10240x32xf32, #tpu.memory_space<vmem_shared>> -> memref<128x32xf32, #tpu.memory_space<vmem_shared>>
      %dma_wait3A_59 = arith.constant 0 : i32
      %dma_wait3A_60 = tpu.memref_slice %arg11[%add3A_26, %dma_wait3A_59] : memref<10240x32xf32, #tpu.memory_space<vmem_shared>> -> memref<128x32xf32, #tpu.memory_space<vmem_shared>>
      tpu.wait_dma2 semaphore(%run_scoped3A : memref<!tpu.dma_semaphore, #tpu.memory_space<semaphore_mem>>) src(%arg10 : memref<128x32xf32, #tpu.memory_space<vmem>>) dst(%dma_wait3A_60 : memref<128x32xf32, #tpu.memory_space<vmem_shared>>)
      tpu.yield
    }) : () -> ()
    "tpu.region"() ({
      %run_scoped3A = tpu.sem_alloc : memref<!tpu.dma_semaphore, #tpu.memory_space<semaphore_mem>>
      %dma_start3A = arith.constant 0 : i32
      %dma_start3A_55 = tpu.memref_slice %arg9[%add3A_26, %dma_start3A] : memref<10240x32xf32, #tpu.memory_space<vmem_shared>> -> memref<128x32xf32, #tpu.memory_space<vmem_shared>>
      %dma_start3A_56 = arith.constant 0 : i32
      %dma_start3A_57 = tpu.memref_slice %arg2[%add3A_26, %dma_start3A_56] : memref<10240x32xf32, #tpu.memory_space<hbm>> -> memref<128x32xf32, #tpu.memory_space<hbm>>
      tpu.enqueue_dma source(%dma_start3A_57 : memref<128x32xf32, #tpu.memory_space<hbm>>) target(%dma_start3A_55 : memref<128x32xf32, #tpu.memory_space<vmem_shared>>) target_semaphore(%run_scoped3A : memref<!tpu.dma_semaphore, #tpu.memory_space<semaphore_mem>>)
      %dma_wait3A = arith.constant 0 : i32
      %dma_wait3A_58 = tpu.memref_slice %arg9[%add3A_26, %dma_wait3A] : memref<10240x32xf32, #tpu.memory_space<vmem_shared>> -> memref<128x32xf32, #tpu.memory_space<vmem_shared>>
      %dma_wait3A_59 = arith.constant 0 : i32
      %dma_wait3A_60 = tpu.memref_slice %arg2[%add3A_26, %dma_wait3A_59] : memref<10240x32xf32, #tpu.memory_space<hbm>> -> memref<128x32xf32, #tpu.memory_space<hbm>>
      tpu.wait_dma2 semaphore(%run_scoped3A : memref<!tpu.dma_semaphore, #tpu.memory_space<semaphore_mem>>) src(%dma_wait3A_60 : memref<128x32xf32, #tpu.memory_space<hbm>>) dst(%dma_wait3A_58 : memref<128x32xf32, #tpu.memory_space<vmem_shared>>)
      tpu.yield
    }) : () -> ()
    "tpu.region"() ({
      %run_scoped3A = tpu.sem_alloc : memref<!tpu.dma_semaphore, #tpu.memory_space<semaphore_mem>>
      %dma_start3A = arith.constant 0 : i32
      %dma_start3A_55 = arith.constant 0 : i32
      %dma_start3A_56 = tpu.memref_slice %arg4[%add3A, %dma_start3A, %dma_start3A_55] : memref<32x80x128xi32, #tpu.memory_space<hbm>> -> memref<1x80x128xi32, #tpu.memory_space<hbm>>
      %dma_start3A_57 = tpu.memref_squeeze %dma_start3A_56 : memref<1x80x128xi32, #tpu.memory_space<hbm>> -> memref<80x128xi32, #tpu.memory_space<hbm>>
      %dma_start3A_58 = arith.constant 0 : i32
      %dma_start3A_59 = arith.constant 0 : i32
      %dma_start3A_60 = tpu.memref_slice %arg4[%add3A, %dma_start3A_58, %dma_start3A_59] : memref<32x80x128xi32, #tpu.memory_space<hbm>> -> memref<1x80x128xi32, #tpu.memory_space<hbm>>
      %dma_start3A_61 = tpu.memref_squeeze %dma_start3A_60 : memref<1x80x128xi32, #tpu.memory_space<hbm>> -> memref<80x128xi32, #tpu.memory_space<hbm>>
      tpu.enqueue_dma source(%dma_start3A_61 : memref<80x128xi32, #tpu.memory_space<hbm>>) target(%arg7 : memref<80x128xi32, #tpu.memory_space<vmem>>) target_semaphore(%run_scoped3A : memref<!tpu.dma_semaphore, #tpu.memory_space<semaphore_mem>>)
      %dma_wait3A = arith.constant 0 : i32
      %dma_wait3A_62 = arith.constant 0 : i32
      %dma_wait3A_63 = tpu.memref_slice %arg4[%add3A, %dma_wait3A, %dma_wait3A_62] : memref<32x80x128xi32, #tpu.memory_space<hbm>> -> memref<1x80x128xi32, #tpu.memory_space<hbm>>
      %dma_wait3A_64 = tpu.memref_squeeze %dma_wait3A_63 : memref<1x80x128xi32, #tpu.memory_space<hbm>> -> memref<80x128xi32, #tpu.memory_space<hbm>>
      %dma_wait3A_65 = arith.constant 0 : i32
      %dma_wait3A_66 = arith.constant 0 : i32
      %dma_wait3A_67 = tpu.memref_slice %arg4[%add3A, %dma_wait3A_65, %dma_wait3A_66] : memref<32x80x128xi32, #tpu.memory_space<hbm>> -> memref<1x80x128xi32, #tpu.memory_space<hbm>>
      %dma_wait3A_68 = tpu.memref_squeeze %dma_wait3A_67 : memref<1x80x128xi32, #tpu.memory_space<hbm>> -> memref<80x128xi32, #tpu.memory_space<hbm>>
      tpu.wait_dma2 semaphore(%run_scoped3A : memref<!tpu.dma_semaphore, #tpu.memory_space<semaphore_mem>>) src(%dma_wait3A_68 : memref<80x128xi32, #tpu.memory_space<hbm>>) dst(%arg7 : memref<80x128xi32, #tpu.memory_space<vmem>>)
      tpu.yield
    }) : () -> ()
    "tpu.region"() ({
      %run_scoped3A = tpu.sem_alloc : memref<!tpu.dma_semaphore, #tpu.memory_space<semaphore_mem>>
      %dma_start3A = arith.constant 0 : i32
      %dma_start3A_55 = arith.constant 0 : i32
      %dma_start3A_56 = tpu.memref_slice %arg3[%add3A, %dma_start3A, %dma_start3A_55] : memref<32x80x128xi32, #tpu.memory_space<hbm>> -> memref<1x80x128xi32, #tpu.memory_space<hbm>>
      %dma_start3A_57 = tpu.memref_squeeze %dma_start3A_56 : memref<1x80x128xi32, #tpu.memory_space<hbm>> -> memref<80x128xi32, #tpu.memory_space<hbm>>
      %dma_start3A_58 = arith.constant 0 : i32
      %dma_start3A_59 = arith.constant 0 : i32
      %dma_start3A_60 = tpu.memref_slice %arg3[%add3A, %dma_start3A_58, %dma_start3A_59] : memref<32x80x128xi32, #tpu.memory_space<hbm>> -> memref<1x80x128xi32, #tpu.memory_space<hbm>>
      %dma_start3A_61 = tpu.memref_squeeze %dma_start3A_60 : memref<1x80x128xi32, #tpu.memory_space<hbm>> -> memref<80x128xi32, #tpu.memory_space<hbm>>
      tpu.enqueue_dma source(%dma_start3A_61 : memref<80x128xi32, #tpu.memory_space<hbm>>) target(%arg6 : memref<80x128xi32, #tpu.memory_space<vmem>>) target_semaphore(%run_scoped3A : memref<!tpu.dma_semaphore, #tpu.memory_space<semaphore_mem>>)
      %dma_wait3A = arith.constant 0 : i32
      %dma_wait3A_62 = arith.constant 0 : i32
      %dma_wait3A_63 = tpu.memref_slice %arg3[%add3A, %dma_wait3A, %dma_wait3A_62] : memref<32x80x128xi32, #tpu.memory_space<hbm>> -> memref<1x80x128xi32, #tpu.memory_space<hbm>>
      %dma_wait3A_64 = tpu.memref_squeeze %dma_wait3A_63 : memref<1x80x128xi32, #tpu.memory_space<hbm>> -> memref<80x128xi32, #tpu.memory_space<hbm>>
      %dma_wait3A_65 = arith.constant 0 : i32
      %dma_wait3A_66 = arith.constant 0 : i32
      %dma_wait3A_67 = tpu.memref_slice %arg3[%add3A, %dma_wait3A_65, %dma_wait3A_66] : memref<32x80x128xi32, #tpu.memory_space<hbm>> -> memref<1x80x128xi32, #tpu.memory_space<hbm>>
      %dma_wait3A_68 = tpu.memref_squeeze %dma_wait3A_67 : memref<1x80x128xi32, #tpu.memory_space<hbm>> -> memref<80x128xi32, #tpu.memory_space<hbm>>
      tpu.wait_dma2 semaphore(%run_scoped3A : memref<!tpu.dma_semaphore, #tpu.memory_space<semaphore_mem>>) src(%dma_wait3A_68 : memref<80x128xi32, #tpu.memory_space<hbm>>) dst(%arg6 : memref<80x128xi32, #tpu.memory_space<vmem>>)
      tpu.yield
    }) : () -> ()
    %barrier3A = arith.constant 0 : index
    tpu.barrier barrier_id(%barrier3A)
    %scan3A_27 = arith.constant 0 : i32
    %scan3A_28 = arith.constant 0 : i32
    %scan3A_29 = arith.constant 40 : i32
    %scan3A_30 = arith.addi %scan3A_28, %scan3A_29 : i32
    %scan3A_31 = arith.constant 1 : i32
    %scan3A_32 = scf.for %scan3A_55 = %scan3A_28 to %scan3A_30 step %scan3A_31 iter_args(%scan3A_56 = %scan3A_27) -> (i32)  : i32 {
      %mul3A_57 = arith.constant 2 : i32
      %mul3A_58 = arith.muli %mul3A_57, %scan3A_55 : i32
      %dma_start3A = arith.constant 0 : i32
      %dma_start3A_59 = tpu.memref_slice %arg6[%mul3A_58, %dma_start3A] : memref<80x128xi32, #tpu.memory_space<vmem>> -> memref<1x128xi32, #tpu.memory_space<vmem>>
      %dma_start3A_60 = tpu.memref_squeeze %dma_start3A_59 : memref<1x128xi32, #tpu.memory_space<vmem>> -> memref<128xi32, #tpu.memory_space<vmem>>
      %dma_start3A_61 = arith.constant 0 : i32
      %dma_start3A_62 = arith.constant 0 : i32
      %dma_start3A_63 = tpu.memref_slice %arg9[%dma_start3A_61, %dma_start3A_62] : memref<10240x32xf32, #tpu.memory_space<vmem_shared>> -> memref<10240x32xf32, #tpu.memory_space<vmem_shared>>
      tpu.enqueue_indirect_dma source(%dma_start3A_63 : memref<10240x32xf32, #tpu.memory_space<vmem_shared>>) target(%arg8 : memref<128x32xf32, #tpu.memory_space<vmem>>) offsets(%dma_start3A_60 : memref<128xi32, #tpu.memory_space<vmem>>) semaphore(%arg12 : memref<!tpu.dma_semaphore, #tpu.memory_space<semaphore_mem>>)
      %add3A_64 = arith.constant 1 : i32
      %add3A_65 = arith.addi %mul3A_58, %add3A_64 : i32
      %dma_start3A_66 = arith.constant 0 : i32
      %dma_start3A_67 = tpu.memref_slice %arg6[%add3A_65, %dma_start3A_66] : memref<80x128xi32, #tpu.memory_space<vmem>> -> memref<1x128xi32, #tpu.memory_space<vmem>>
      %dma_start3A_68 = tpu.memref_squeeze %dma_start3A_67 : memref<1x128xi32, #tpu.memory_space<vmem>> -> memref<128xi32, #tpu.memory_space<vmem>>
      %dma_start3A_69 = arith.constant 0 : i32
      %dma_start3A_70 = arith.constant 0 : i32
      %dma_start3A_71 = tpu.memref_slice %arg9[%dma_start3A_69, %dma_start3A_70] : memref<10240x32xf32, #tpu.memory_space<vmem_shared>> -> memref<10240x32xf32, #tpu.memory_space<vmem_shared>>
      tpu.enqueue_indirect_dma source(%dma_start3A_71 : memref<10240x32xf32, #tpu.memory_space<vmem_shared>>) target(%arg10 : memref<128x32xf32, #tpu.memory_space<vmem>>) offsets(%dma_start3A_68 : memref<128xi32, #tpu.memory_space<vmem>>) semaphore(%arg13 : memref<!tpu.dma_semaphore, #tpu.memory_space<semaphore_mem>>)
      %dma_wait3A = arith.constant 0 : i32
      %dma_wait3A_72 = tpu.memref_slice %arg6[%mul3A_58, %dma_wait3A] : memref<80x128xi32, #tpu.memory_space<vmem>> -> memref<1x128xi32, #tpu.memory_space<vmem>>
      %dma_wait3A_73 = tpu.memref_squeeze %dma_wait3A_72 : memref<1x128xi32, #tpu.memory_space<vmem>> -> memref<128xi32, #tpu.memory_space<vmem>>
      %dma_wait3A_74 = arith.constant 0 : i32
      %dma_wait3A_75 = arith.constant 0 : i32
      %dma_wait3A_76 = tpu.memref_slice %arg9[%dma_wait3A_74, %dma_wait3A_75] : memref<10240x32xf32, #tpu.memory_space<vmem_shared>> -> memref<10240x32xf32, #tpu.memory_space<vmem_shared>>
      tpu.wait_indirect_dma semaphore(%arg12 : memref<!tpu.dma_semaphore, #tpu.memory_space<semaphore_mem>>) src(%dma_wait3A_76 : memref<10240x32xf32, #tpu.memory_space<vmem_shared>>) dst(%arg8 : memref<128x32xf32, #tpu.memory_space<vmem>>)
      "tpu.region"() ({
        %run_scoped3A = tpu.sem_alloc : memref<!tpu.dma_semaphore, #tpu.memory_space<semaphore_mem>>
        %dma_start3A_86 = arith.constant 0 : i32
        %dma_start3A_87 = tpu.memref_slice %arg7[%mul3A_58, %dma_start3A_86] : memref<80x128xi32, #tpu.memory_space<vmem>> -> memref<1x128xi32, #tpu.memory_space<vmem>>
        %dma_start3A_88 = tpu.memref_squeeze %dma_start3A_87 : memref<1x128xi32, #tpu.memory_space<vmem>> -> memref<128xi32, #tpu.memory_space<vmem>>
        %dma_start3A_89 = arith.constant 0 : i32
        %dma_start3A_90 = arith.constant 0 : i32
        %dma_start3A_91 = tpu.memref_slice %arg11[%dma_start3A_89, %dma_start3A_90] : memref<10240x32xf32, #tpu.memory_space<vmem_shared>> -> memref<10240x32xf32, #tpu.memory_space<vmem_shared>>
        tpu.enqueue_indirect_dma source(%arg8 : memref<128x32xf32, #tpu.memory_space<vmem>>) target(%dma_start3A_91 : memref<10240x32xf32, #tpu.memory_space<vmem_shared>>) offsets(%dma_start3A_88 : memref<128xi32, #tpu.memory_space<vmem>>) semaphore(%run_scoped3A : memref<!tpu.dma_semaphore, #tpu.memory_space<semaphore_mem>>) {add = true}
        %dma_wait3A_92 = arith.constant 0 : i32
        %dma_wait3A_93 = tpu.memref_slice %arg7[%mul3A_58, %dma_wait3A_92] : memref<80x128xi32, #tpu.memory_space<vmem>> -> memref<1x128xi32, #tpu.memory_space<vmem>>
        %dma_wait3A_94 = tpu.memref_squeeze %dma_wait3A_93 : memref<1x128xi32, #tpu.memory_space<vmem>> -> memref<128xi32, #tpu.memory_space<vmem>>
        %dma_wait3A_95 = arith.constant 0 : i32
        %dma_wait3A_96 = arith.constant 0 : i32
        %dma_wait3A_97 = tpu.memref_slice %arg11[%dma_wait3A_95, %dma_wait3A_96] : memref<10240x32xf32, #tpu.memory_space<vmem_shared>> -> memref<10240x32xf32, #tpu.memory_space<vmem_shared>>
        tpu.wait_indirect_dma semaphore(%run_scoped3A : memref<!tpu.dma_semaphore, #tpu.memory_space<semaphore_mem>>) src(%arg8 : memref<128x32xf32, #tpu.memory_space<vmem>>) dst(%dma_wait3A_97 : memref<10240x32xf32, #tpu.memory_space<vmem_shared>>)
        tpu.yield
      }) : () -> ()
      %dma_wait3A_77 = arith.constant 0 : i32
      %dma_wait3A_78 = tpu.memref_slice %arg6[%add3A_65, %dma_wait3A_77] : memref<80x128xi32, #tpu.memory_space<vmem>> -> memref<1x128xi32, #tpu.memory_space<vmem>>
      %dma_wait3A_79 = tpu.memref_squeeze %dma_wait3A_78 : memref<1x128xi32, #tpu.memory_space<vmem>> -> memref<128xi32, #tpu.memory_space<vmem>>
      %dma_wait3A_80 = arith.constant 0 : i32
      %dma_wait3A_81 = arith.constant 0 : i32
      %dma_wait3A_82 = tpu.memref_slice %arg9[%dma_wait3A_80, %dma_wait3A_81] : memref<10240x32xf32, #tpu.memory_space<vmem_shared>> -> memref<10240x32xf32, #tpu.memory_space<vmem_shared>>
      tpu.wait_indirect_dma semaphore(%arg13 : memref<!tpu.dma_semaphore, #tpu.memory_space<semaphore_mem>>) src(%dma_wait3A_82 : memref<10240x32xf32, #tpu.memory_space<vmem_shared>>) dst(%arg10 : memref<128x32xf32, #tpu.memory_space<vmem>>)
      %add3A_83 = arith.constant 1 : i32
      %add3A_84 = arith.addi %mul3A_58, %add3A_83 : i32
      "tpu.region"() ({
        %run_scoped3A = tpu.sem_alloc : memref<!tpu.dma_semaphore, #tpu.memory_space<semaphore_mem>>
        %dma_start3A_86 = arith.constant 0 : i32
        %dma_start3A_87 = tpu.memref_slice %arg7[%add3A_84, %dma_start3A_86] : memref<80x128xi32, #tpu.memory_space<vmem>> -> memref<1x128xi32, #tpu.memory_space<vmem>>
        %dma_start3A_88 = tpu.memref_squeeze %dma_start3A_87 : memref<1x128xi32, #tpu.memory_space<vmem>> -> memref<128xi32, #tpu.memory_space<vmem>>
        %dma_start3A_89 = arith.constant 0 : i32
        %dma_start3A_90 = arith.constant 0 : i32
        %dma_start3A_91 = tpu.memref_slice %arg11[%dma_start3A_89, %dma_start3A_90] : memref<10240x32xf32, #tpu.memory_space<vmem_shared>> -> memref<10240x32xf32, #tpu.memory_space<vmem_shared>>
        tpu.enqueue_indirect_dma source(%arg10 : memref<128x32xf32, #tpu.memory_space<vmem>>) target(%dma_start3A_91 : memref<10240x32xf32, #tpu.memory_space<vmem_shared>>) offsets(%dma_start3A_88 : memref<128xi32, #tpu.memory_space<vmem>>) semaphore(%run_scoped3A : memref<!tpu.dma_semaphore, #tpu.memory_space<semaphore_mem>>) {add = true}
        %dma_wait3A_92 = arith.constant 0 : i32
        %dma_wait3A_93 = tpu.memref_slice %arg7[%add3A_84, %dma_wait3A_92] : memref<80x128xi32, #tpu.memory_space<vmem>> -> memref<1x128xi32, #tpu.memory_space<vmem>>
        %dma_wait3A_94 = tpu.memref_squeeze %dma_wait3A_93 : memref<1x128xi32, #tpu.memory_space<vmem>> -> memref<128xi32, #tpu.memory_space<vmem>>
        %dma_wait3A_95 = arith.constant 0 : i32
        %dma_wait3A_96 = arith.constant 0 : i32
        %dma_wait3A_97 = tpu.memref_slice %arg11[%dma_wait3A_95, %dma_wait3A_96] : memref<10240x32xf32, #tpu.memory_space<vmem_shared>> -> memref<10240x32xf32, #tpu.memory_space<vmem_shared>>
        tpu.wait_indirect_dma semaphore(%run_scoped3A : memref<!tpu.dma_semaphore, #tpu.memory_space<semaphore_mem>>) src(%arg10 : memref<128x32xf32, #tpu.memory_space<vmem>>) dst(%dma_wait3A_97 : memref<10240x32xf32, #tpu.memory_space<vmem_shared>>)
        tpu.yield
      }) : () -> ()
      %scan3A_85 = arith.constant 0 : i32
      scf.yield %scan3A_85 : i32
    }
    %scan3A_33 = arith.constant 40 : i32
    %barrier3A_34 = arith.constant 0 : index
    tpu.barrier barrier_id(%barrier3A_34)
    %mul3A_35 = arith.constant 640 : i32
    %mul3A_36 = arith.muli %arg1, %mul3A_35 : i32
    %add3A_37 = arith.constant 0 : i32
    %add3A_38 = arith.addi %mul3A_36, %add3A_37 : i32
    "tpu.region"() ({
      %run_scoped3A = tpu.sem_alloc : memref<!tpu.dma_semaphore, #tpu.memory_space<semaphore_mem>>
      %dma_start3A = arith.constant 0 : i32
      %dma_start3A_55 = tpu.memref_slice %arg5[%arg0, %add3A_38, %dma_start3A] : memref<2x10240x32xf32, #tpu.memory_space<hbm>> -> memref<1x128x32xf32, #tpu.memory_space<hbm>>
      %dma_start3A_56 = tpu.memref_squeeze %dma_start3A_55 : memref<1x128x32xf32, #tpu.memory_space<hbm>> -> memref<128x32xf32, #tpu.memory_space<hbm>>
      %dma_start3A_57 = arith.constant 0 : i32
      %dma_start3A_58 = tpu.memref_slice %arg11[%add3A_38, %dma_start3A_57] : memref<10240x32xf32, #tpu.memory_space<vmem_shared>> -> memref<128x32xf32, #tpu.memory_space<vmem_shared>>
      tpu.enqueue_dma source(%dma_start3A_58 : memref<128x32xf32, #tpu.memory_space<vmem_shared>>) target(%dma_start3A_56 : memref<128x32xf32, #tpu.memory_space<hbm>>) target_semaphore(%run_scoped3A : memref<!tpu.dma_semaphore, #tpu.memory_space<semaphore_mem>>)
      %dma_wait3A = arith.constant 0 : i32
      %dma_wait3A_59 = tpu.memref_slice %arg5[%arg0, %add3A_38, %dma_wait3A] : memref<2x10240x32xf32, #tpu.memory_space<hbm>> -> memref<1x128x32xf32, #tpu.memory_space<hbm>>
      %dma_wait3A_60 = tpu.memref_squeeze %dma_wait3A_59 : memref<1x128x32xf32, #tpu.memory_space<hbm>> -> memref<128x32xf32, #tpu.memory_space<hbm>>
      %dma_wait3A_61 = arith.constant 0 : i32
      %dma_wait3A_62 = tpu.memref_slice %arg11[%add3A_38, %dma_wait3A_61] : memref<10240x32xf32, #tpu.memory_space<vmem_shared>> -> memref<128x32xf32, #tpu.memory_space<vmem_shared>>
      tpu.wait_dma2 semaphore(%run_scoped3A : memref<!tpu.dma_semaphore, #tpu.memory_space<semaphore_mem>>) src(%dma_wait3A_62 : memref<128x32xf32, #tpu.memory_space<vmem_shared>>) dst(%dma_wait3A_60 : memref<128x32xf32, #tpu.memory_space<hbm>>)
      tpu.yield
    }) : () -> ()
    %mul3A_39 = arith.constant 640 : i32
    %mul3A_40 = arith.muli %arg1, %mul3A_39 : i32
    %add3A_41 = arith.constant 128 : i32
    %add3A_42 = arith.addi %mul3A_40, %add3A_41 : i32
    "tpu.region"() ({
      %run_scoped3A = tpu.sem_alloc : memref<!tpu.dma_semaphore, #tpu.memory_space<semaphore_mem>>
      %dma_start3A = arith.constant 0 : i32
      %dma_start3A_55 = tpu.memref_slice %arg5[%arg0, %add3A_42, %dma_start3A] : memref<2x10240x32xf32, #tpu.memory_space<hbm>> -> memref<1x128x32xf32, #tpu.memory_space<hbm>>
      %dma_start3A_56 = tpu.memref_squeeze %dma_start3A_55 : memref<1x128x32xf32, #tpu.memory_space<hbm>> -> memref<128x32xf32, #tpu.memory_space<hbm>>
      %dma_start3A_57 = arith.constant 0 : i32
      %dma_start3A_58 = tpu.memref_slice %arg11[%add3A_42, %dma_start3A_57] : memref<10240x32xf32, #tpu.memory_space<vmem_shared>> -> memref<128x32xf32, #tpu.memory_space<vmem_shared>>
      tpu.enqueue_dma source(%dma_start3A_58 : memref<128x32xf32, #tpu.memory_space<vmem_shared>>) target(%dma_start3A_56 : memref<128x32xf32, #tpu.memory_space<hbm>>) target_semaphore(%run_scoped3A : memref<!tpu.dma_semaphore, #tpu.memory_space<semaphore_mem>>)
      %dma_wait3A = arith.constant 0 : i32
      %dma_wait3A_59 = tpu.memref_slice %arg5[%arg0, %add3A_42, %dma_wait3A] : memref<2x10240x32xf32, #tpu.memory_space<hbm>> -> memref<1x128x32xf32, #tpu.memory_space<hbm>>
      %dma_wait3A_60 = tpu.memref_squeeze %dma_wait3A_59 : memref<1x128x32xf32, #tpu.memory_space<hbm>> -> memref<128x32xf32, #tpu.memory_space<hbm>>
      %dma_wait3A_61 = arith.constant 0 : i32
      %dma_wait3A_62 = tpu.memref_slice %arg11[%add3A_42, %dma_wait3A_61] : memref<10240x32xf32, #tpu.memory_space<vmem_shared>> -> memref<128x32xf32, #tpu.memory_space<vmem_shared>>
      tpu.wait_dma2 semaphore(%run_scoped3A : memref<!tpu.dma_semaphore, #tpu.memory_space<semaphore_mem>>) src(%dma_wait3A_62 : memref<128x32xf32, #tpu.memory_space<vmem_shared>>) dst(%dma_wait3A_60 : memref<128x32xf32, #tpu.memory_space<hbm>>)
      tpu.yield
    }) : () -> ()
    %mul3A_43 = arith.constant 640 : i32
    %mul3A_44 = arith.muli %arg1, %mul3A_43 : i32
    %add3A_45 = arith.constant 256 : i32
    %add3A_46 = arith.addi %mul3A_44, %add3A_45 : i32
    "tpu.region"() ({
      %run_scoped3A = tpu.sem_alloc : memref<!tpu.dma_semaphore, #tpu.memory_space<semaphore_mem>>
      %dma_start3A = arith.constant 0 : i32
      %dma_start3A_55 = tpu.memref_slice %arg5[%arg0, %add3A_46, %dma_start3A] : memref<2x10240x32xf32, #tpu.memory_space<hbm>> -> memref<1x128x32xf32, #tpu.memory_space<hbm>>
      %dma_start3A_56 = tpu.memref_squeeze %dma_start3A_55 : memref<1x128x32xf32, #tpu.memory_space<hbm>> -> memref<128x32xf32, #tpu.memory_space<hbm>>
      %dma_start3A_57 = arith.constant 0 : i32
      %dma_start3A_58 = tpu.memref_slice %arg11[%add3A_46, %dma_start3A_57] : memref<10240x32xf32, #tpu.memory_space<vmem_shared>> -> memref<128x32xf32, #tpu.memory_space<vmem_shared>>
      tpu.enqueue_dma source(%dma_start3A_58 : memref<128x32xf32, #tpu.memory_space<vmem_shared>>) target(%dma_start3A_56 : memref<128x32xf32, #tpu.memory_space<hbm>>) target_semaphore(%run_scoped3A : memref<!tpu.dma_semaphore, #tpu.memory_space<semaphore_mem>>)
      %dma_wait3A = arith.constant 0 : i32
      %dma_wait3A_59 = tpu.memref_slice %arg5[%arg0, %add3A_46, %dma_wait3A] : memref<2x10240x32xf32, #tpu.memory_space<hbm>> -> memref<1x128x32xf32, #tpu.memory_space<hbm>>
      %dma_wait3A_60 = tpu.memref_squeeze %dma_wait3A_59 : memref<1x128x32xf32, #tpu.memory_space<hbm>> -> memref<128x32xf32, #tpu.memory_space<hbm>>
      %dma_wait3A_61 = arith.constant 0 : i32
      %dma_wait3A_62 = tpu.memref_slice %arg11[%add3A_46, %dma_wait3A_61] : memref<10240x32xf32, #tpu.memory_space<vmem_shared>> -> memref<128x32xf32, #tpu.memory_space<vmem_shared>>
      tpu.wait_dma2 semaphore(%run_scoped3A : memref<!tpu.dma_semaphore, #tpu.memory_space<semaphore_mem>>) src(%dma_wait3A_62 : memref<128x32xf32, #tpu.memory_space<vmem_shared>>) dst(%dma_wait3A_60 : memref<128x32xf32, #tpu.memory_space<hbm>>)
      tpu.yield
    }) : () -> ()
    %mul3A_47 = arith.constant 640 : i32
    %mul3A_48 = arith.muli %arg1, %mul3A_47 : i32
    %add3A_49 = arith.constant 384 : i32
    %add3A_50 = arith.addi %mul3A_48, %add3A_49 : i32
    "tpu.region"() ({
      %run_scoped3A = tpu.sem_alloc : memref<!tpu.dma_semaphore, #tpu.memory_space<semaphore_mem>>
      %dma_start3A = arith.constant 0 : i32
      %dma_start3A_55 = tpu.memref_slice %arg5[%arg0, %add3A_50, %dma_start3A] : memref<2x10240x32xf32, #tpu.memory_space<hbm>> -> memref<1x128x32xf32, #tpu.memory_space<hbm>>
      %dma_start3A_56 = tpu.memref_squeeze %dma_start3A_55 : memref<1x128x32xf32, #tpu.memory_space<hbm>> -> memref<128x32xf32, #tpu.memory_space<hbm>>
      %dma_start3A_57 = arith.constant 0 : i32
      %dma_start3A_58 = tpu.memref_slice %arg11[%add3A_50, %dma_start3A_57] : memref<10240x32xf32, #tpu.memory_space<vmem_shared>> -> memref<128x32xf32, #tpu.memory_space<vmem_shared>>
      tpu.enqueue_dma source(%dma_start3A_58 : memref<128x32xf32, #tpu.memory_space<vmem_shared>>) target(%dma_start3A_56 : memref<128x32xf32, #tpu.memory_space<hbm>>) target_semaphore(%run_scoped3A : memref<!tpu.dma_semaphore, #tpu.memory_space<semaphore_mem>>)
      %dma_wait3A = arith.constant 0 : i32
      %dma_wait3A_59 = tpu.memref_slice %arg5[%arg0, %add3A_50, %dma_wait3A] : memref<2x10240x32xf32, #tpu.memory_space<hbm>> -> memref<1x128x32xf32, #tpu.memory_space<hbm>>
      %dma_wait3A_60 = tpu.memref_squeeze %dma_wait3A_59 : memref<1x128x32xf32, #tpu.memory_space<hbm>> -> memref<128x32xf32, #tpu.memory_space<hbm>>
      %dma_wait3A_61 = arith.constant 0 : i32
      %dma_wait3A_62 = tpu.memref_slice %arg11[%add3A_50, %dma_wait3A_61] : memref<10240x32xf32, #tpu.memory_space<vmem_shared>> -> memref<128x32xf32, #tpu.memory_space<vmem_shared>>
      tpu.wait_dma2 semaphore(%run_scoped3A : memref<!tpu.dma_semaphore, #tpu.memory_space<semaphore_mem>>) src(%dma_wait3A_62 : memref<128x32xf32, #tpu.memory_space<vmem_shared>>) dst(%dma_wait3A_60 : memref<128x32xf32, #tpu.memory_space<hbm>>)
      tpu.yield
    }) : () -> ()
    %mul3A_51 = arith.constant 640 : i32
    %mul3A_52 = arith.muli %arg1, %mul3A_51 : i32
    %add3A_53 = arith.constant 512 : i32
    %add3A_54 = arith.addi %mul3A_52, %add3A_53 : i32
    "tpu.region"() ({
      %run_scoped3A = tpu.sem_alloc : memref<!tpu.dma_semaphore, #tpu.memory_space<semaphore_mem>>
      %dma_start3A = arith.constant 0 : i32
      %dma_start3A_55 = tpu.memref_slice %arg5[%arg0, %add3A_54, %dma_start3A] : memref<2x10240x32xf32, #tpu.memory_space<hbm>> -> memref<1x128x32xf32, #tpu.memory_space<hbm>>
      %dma_start3A_56 = tpu.memref_squeeze %dma_start3A_55 : memref<1x128x32xf32, #tpu.memory_space<hbm>> -> memref<128x32xf32, #tpu.memory_space<hbm>>
      %dma_start3A_57 = arith.constant 0 : i32
      %dma_start3A_58 = tpu.memref_slice %arg11[%add3A_54, %dma_start3A_57] : memref<10240x32xf32, #tpu.memory_space<vmem_shared>> -> memref<128x32xf32, #tpu.memory_space<vmem_shared>>
      tpu.enqueue_dma source(%dma_start3A_58 : memref<128x32xf32, #tpu.memory_space<vmem_shared>>) target(%dma_start3A_56 : memref<128x32xf32, #tpu.memory_space<hbm>>) target_semaphore(%run_scoped3A : memref<!tpu.dma_semaphore, #tpu.memory_space<semaphore_mem>>)
      %dma_wait3A = arith.constant 0 : i32
      %dma_wait3A_59 = tpu.memref_slice %arg5[%arg0, %add3A_54, %dma_wait3A] : memref<2x10240x32xf32, #tpu.memory_space<hbm>> -> memref<1x128x32xf32, #tpu.memory_space<hbm>>
      %dma_wait3A_60 = tpu.memref_squeeze %dma_wait3A_59 : memref<1x128x32xf32, #tpu.memory_space<hbm>> -> memref<128x32xf32, #tpu.memory_space<hbm>>
      %dma_wait3A_61 = arith.constant 0 : i32
      %dma_wait3A_62 = tpu.memref_slice %arg11[%add3A_54, %dma_wait3A_61] : memref<10240x32xf32, #tpu.memory_space<vmem_shared>> -> memref<128x32xf32, #tpu.memory_space<vmem_shared>>
      tpu.wait_dma2 semaphore(%run_scoped3A : memref<!tpu.dma_semaphore, #tpu.memory_space<semaphore_mem>>) src(%dma_wait3A_62 : memref<128x32xf32, #tpu.memory_space<vmem_shared>>) dst(%dma_wait3A_60 : memref<128x32xf32, #tpu.memory_space<hbm>>)
      tpu.yield
    }) : () -> ()
    return
  }
}

#map = affine_map<(d0, d1) -> (0, 0, 0)>
module attributes {stable_mosaic.version = 14 : i64} {
  func.func @body(%arg0: i32, %arg1: i32, %arg2: memref<32x80x128xi32, #tpu.memory_space<hbm>>, %arg3: memref<2x10240x16xf32, #tpu.memory_space<hbm>>, %arg4: memref<80x128xi32, #tpu.memory_space<vmem>>, %arg5: memref<128x16xf32, #tpu.memory_space<vmem>>, %arg6: memref<128x16xf32, #tpu.memory_space<vmem>>, %arg7: memref<10240x16xf32, #tpu.memory_space<vmem_shared>>, %arg8: memref<!tpu.dma_semaphore, #tpu.memory_space<semaphore_mem>>, %arg9: memref<!tpu.dma_semaphore, #tpu.memory_space<semaphore_mem>>) attributes {dimension_semantics = [#tpu.dimension_semantics<core_parallel>, #tpu.dimension_semantics<subcore_parallel>], iteration_bounds = array<i64: 2, 16>, scalar_prefetch = 0 : i64, scratch_operands = 6 : i64, tpu.core_type = #tpu.core_type<sc_vector_subcore>, window_params = [{transform_indices = #map}, {transform_indices = #map}]} {
    %mul3A = arith.constant 16 : i32
    %mul3A_0 = arith.muli %arg0, %mul3A : i32
    %add3A = arith.addi %mul3A_0, %arg1 : i32
    %scan3A = arith.constant 0 : i32
    %scan3A_1 = arith.constant 0 : i32
    %scan3A_2 = arith.constant 128 : i32
    %scan3A_3 = arith.addi %scan3A_1, %scan3A_2 : i32
    %scan3A_4 = arith.constant 1 : i32
    %scan3A_5 = scf.for %scan3A_55 = %scan3A_1 to %scan3A_3 step %scan3A_4 iter_args(%scan3A_56 = %scan3A) -> (i32)  : i32 {
      %broadcast_in_dim3A = arith.constant 0.000000e+00 : f32
      %broadcast_in_dim3A_57 = vector.broadcast %broadcast_in_dim3A : f32 to vector<16xf32>
      %swap3A = arith.index_cast %scan3A_55 : i32 to index
      %swap3A_58 = arith.constant 0 : index
      %swap3A_59 = tpu.vector_load %arg6[%swap3A, %swap3A_58] {strides = array<i32>} : memref<128x16xf32, #tpu.memory_space<vmem>>, vector<1x16xf32>,
      %swap3A_60 = vector.shape_cast %swap3A_59 : vector<1x16xf32> to vector<16xf32>
      %swap3A_61 = vector.shape_cast %broadcast_in_dim3A_57 : vector<16xf32> to vector<1x16xf32>
      tpu.vector_store %arg6[%swap3A, %swap3A_58], %swap3A_61 {strides = array<i32>} : memref<128x16xf32, #tpu.memory_space<vmem>>, vector<1x16xf32>,
      %broadcast_in_dim3A_62 = arith.constant 1.000000e+00 : f32
      %broadcast_in_dim3A_63 = vector.broadcast %broadcast_in_dim3A_62 : f32 to vector<16xf32>
      %swap3A_64 = arith.index_cast %scan3A_55 : i32 to index
      %swap3A_65 = arith.constant 0 : index
      %swap3A_66 = tpu.vector_load %arg5[%swap3A_64, %swap3A_65] {strides = array<i32>} : memref<128x16xf32, #tpu.memory_space<vmem>>, vector<1x16xf32>,
      %swap3A_67 = vector.shape_cast %swap3A_66 : vector<1x16xf32> to vector<16xf32>
      %swap3A_68 = vector.shape_cast %broadcast_in_dim3A_63 : vector<16xf32> to vector<1x16xf32>
      tpu.vector_store %arg5[%swap3A_64, %swap3A_65], %swap3A_68 {strides = array<i32>} : memref<128x16xf32, #tpu.memory_space<vmem>>, vector<1x16xf32>,
      %scan3A_69 = arith.constant 0 : i32
      scf.yield %scan3A_69 : i32
    }
    %scan3A_6 = arith.constant 128 : i32
    %mul3A_7 = arith.constant 640 : i32
    %mul3A_8 = arith.muli %arg1, %mul3A_7 : i32
    %add3A_9 = arith.constant 0 : i32
    %add3A_10 = arith.addi %mul3A_8, %add3A_9 : i32
    "tpu.region"() ({
      %run_scoped3A = tpu.sem_alloc : memref<!tpu.dma_semaphore, #tpu.memory_space<semaphore_mem>>
      %dma_start3A = arith.constant 0 : i32
      %dma_start3A_55 = tpu.memref_slice %arg7[%add3A_10, %dma_start3A] : memref<10240x16xf32, #tpu.memory_space<vmem_shared>> -> memref<128x16xf32, #tpu.memory_space<vmem_shared>>
      %dma_start3A_56 = arith.constant 0 : i32
      %dma_start3A_57 = tpu.memref_slice %arg7[%add3A_10, %dma_start3A_56] : memref<10240x16xf32, #tpu.memory_space<vmem_shared>> -> memref<128x16xf32, #tpu.memory_space<vmem_shared>>
      tpu.enqueue_dma source(%arg6 : memref<128x16xf32, #tpu.memory_space<vmem>>) target(%dma_start3A_57 : memref<128x16xf32, #tpu.memory_space<vmem_shared>>) target_semaphore(%run_scoped3A : memref<!tpu.dma_semaphore, #tpu.memory_space<semaphore_mem>>)
      %dma_wait3A = arith.constant 0 : i32
      %dma_wait3A_58 = tpu.memref_slice %arg7[%add3A_10, %dma_wait3A] : memref<10240x16xf32, #tpu.memory_space<vmem_shared>> -> memref<128x16xf32, #tpu.memory_space<vmem_shared>>
      %dma_wait3A_59 = arith.constant 0 : i32
      %dma_wait3A_60 = tpu.memref_slice %arg7[%add3A_10, %dma_wait3A_59] : memref<10240x16xf32, #tpu.memory_space<vmem_shared>> -> memref<128x16xf32, #tpu.memory_space<vmem_shared>>
      tpu.wait_dma2 semaphore(%run_scoped3A : memref<!tpu.dma_semaphore, #tpu.memory_space<semaphore_mem>>) src(%arg6 : memref<128x16xf32, #tpu.memory_space<vmem>>) dst(%dma_wait3A_60 : memref<128x16xf32, #tpu.memory_space<vmem_shared>>)
      tpu.yield
    }) : () -> ()
    %mul3A_11 = arith.constant 640 : i32
    %mul3A_12 = arith.muli %arg1, %mul3A_11 : i32
    %add3A_13 = arith.constant 128 : i32
    %add3A_14 = arith.addi %mul3A_12, %add3A_13 : i32
    "tpu.region"() ({
      %run_scoped3A = tpu.sem_alloc : memref<!tpu.dma_semaphore, #tpu.memory_space<semaphore_mem>>
      %dma_start3A = arith.constant 0 : i32
      %dma_start3A_55 = tpu.memref_slice %arg7[%add3A_14, %dma_start3A] : memref<10240x16xf32, #tpu.memory_space<vmem_shared>> -> memref<128x16xf32, #tpu.memory_space<vmem_shared>>
      %dma_start3A_56 = arith.constant 0 : i32
      %dma_start3A_57 = tpu.memref_slice %arg7[%add3A_14, %dma_start3A_56] : memref<10240x16xf32, #tpu.memory_space<vmem_shared>> -> memref<128x16xf32, #tpu.memory_space<vmem_shared>>
      tpu.enqueue_dma source(%arg6 : memref<128x16xf32, #tpu.memory_space<vmem>>) target(%dma_start3A_57 : memref<128x16xf32, #tpu.memory_space<vmem_shared>>) target_semaphore(%run_scoped3A : memref<!tpu.dma_semaphore, #tpu.memory_space<semaphore_mem>>)
      %dma_wait3A = arith.constant 0 : i32
      %dma_wait3A_58 = tpu.memref_slice %arg7[%add3A_14, %dma_wait3A] : memref<10240x16xf32, #tpu.memory_space<vmem_shared>> -> memref<128x16xf32, #tpu.memory_space<vmem_shared>>
      %dma_wait3A_59 = arith.constant 0 : i32
      %dma_wait3A_60 = tpu.memref_slice %arg7[%add3A_14, %dma_wait3A_59] : memref<10240x16xf32, #tpu.memory_space<vmem_shared>> -> memref<128x16xf32, #tpu.memory_space<vmem_shared>>
      tpu.wait_dma2 semaphore(%run_scoped3A : memref<!tpu.dma_semaphore, #tpu.memory_space<semaphore_mem>>) src(%arg6 : memref<128x16xf32, #tpu.memory_space<vmem>>) dst(%dma_wait3A_60 : memref<128x16xf32, #tpu.memory_space<vmem_shared>>)
      tpu.yield
    }) : () -> ()
    %mul3A_15 = arith.constant 640 : i32
    %mul3A_16 = arith.muli %arg1, %mul3A_15 : i32
    %add3A_17 = arith.constant 256 : i32
    %add3A_18 = arith.addi %mul3A_16, %add3A_17 : i32
    "tpu.region"() ({
      %run_scoped3A = tpu.sem_alloc : memref<!tpu.dma_semaphore, #tpu.memory_space<semaphore_mem>>
      %dma_start3A = arith.constant 0 : i32
      %dma_start3A_55 = tpu.memref_slice %arg7[%add3A_18, %dma_start3A] : memref<10240x16xf32, #tpu.memory_space<vmem_shared>> -> memref<128x16xf32, #tpu.memory_space<vmem_shared>>
      %dma_start3A_56 = arith.constant 0 : i32
      %dma_start3A_57 = tpu.memref_slice %arg7[%add3A_18, %dma_start3A_56] : memref<10240x16xf32, #tpu.memory_space<vmem_shared>> -> memref<128x16xf32, #tpu.memory_space<vmem_shared>>
      tpu.enqueue_dma source(%arg6 : memref<128x16xf32, #tpu.memory_space<vmem>>) target(%dma_start3A_57 : memref<128x16xf32, #tpu.memory_space<vmem_shared>>) target_semaphore(%run_scoped3A : memref<!tpu.dma_semaphore, #tpu.memory_space<semaphore_mem>>)
      %dma_wait3A = arith.constant 0 : i32
      %dma_wait3A_58 = tpu.memref_slice %arg7[%add3A_18, %dma_wait3A] : memref<10240x16xf32, #tpu.memory_space<vmem_shared>> -> memref<128x16xf32, #tpu.memory_space<vmem_shared>>
      %dma_wait3A_59 = arith.constant 0 : i32
      %dma_wait3A_60 = tpu.memref_slice %arg7[%add3A_18, %dma_wait3A_59] : memref<10240x16xf32, #tpu.memory_space<vmem_shared>> -> memref<128x16xf32, #tpu.memory_space<vmem_shared>>
      tpu.wait_dma2 semaphore(%run_scoped3A : memref<!tpu.dma_semaphore, #tpu.memory_space<semaphore_mem>>) src(%arg6 : memref<128x16xf32, #tpu.memory_space<vmem>>) dst(%dma_wait3A_60 : memref<128x16xf32, #tpu.memory_space<vmem_shared>>)
      tpu.yield
    }) : () -> ()
    %mul3A_19 = arith.constant 640 : i32
    %mul3A_20 = arith.muli %arg1, %mul3A_19 : i32
    %add3A_21 = arith.constant 384 : i32
    %add3A_22 = arith.addi %mul3A_20, %add3A_21 : i32
    "tpu.region"() ({
      %run_scoped3A = tpu.sem_alloc : memref<!tpu.dma_semaphore, #tpu.memory_space<semaphore_mem>>
      %dma_start3A = arith.constant 0 : i32
      %dma_start3A_55 = tpu.memref_slice %arg7[%add3A_22, %dma_start3A] : memref<10240x16xf32, #tpu.memory_space<vmem_shared>> -> memref<128x16xf32, #tpu.memory_space<vmem_shared>>
      %dma_start3A_56 = arith.constant 0 : i32
      %dma_start3A_57 = tpu.memref_slice %arg7[%add3A_22, %dma_start3A_56] : memref<10240x16xf32, #tpu.memory_space<vmem_shared>> -> memref<128x16xf32, #tpu.memory_space<vmem_shared>>
      tpu.enqueue_dma source(%arg6 : memref<128x16xf32, #tpu.memory_space<vmem>>) target(%dma_start3A_57 : memref<128x16xf32, #tpu.memory_space<vmem_shared>>) target_semaphore(%run_scoped3A : memref<!tpu.dma_semaphore, #tpu.memory_space<semaphore_mem>>)
      %dma_wait3A = arith.constant 0 : i32
      %dma_wait3A_58 = tpu.memref_slice %arg7[%add3A_22, %dma_wait3A] : memref<10240x16xf32, #tpu.memory_space<vmem_shared>> -> memref<128x16xf32, #tpu.memory_space<vmem_shared>>
      %dma_wait3A_59 = arith.constant 0 : i32
      %dma_wait3A_60 = tpu.memref_slice %arg7[%add3A_22, %dma_wait3A_59] : memref<10240x16xf32, #tpu.memory_space<vmem_shared>> -> memref<128x16xf32, #tpu.memory_space<vmem_shared>>
      tpu.wait_dma2 semaphore(%run_scoped3A : memref<!tpu.dma_semaphore, #tpu.memory_space<semaphore_mem>>) src(%arg6 : memref<128x16xf32, #tpu.memory_space<vmem>>) dst(%dma_wait3A_60 : memref<128x16xf32, #tpu.memory_space<vmem_shared>>)
      tpu.yield
    }) : () -> ()
    %mul3A_23 = arith.constant 640 : i32
    %mul3A_24 = arith.muli %arg1, %mul3A_23 : i32
    %add3A_25 = arith.constant 512 : i32
    %add3A_26 = arith.addi %mul3A_24, %add3A_25 : i32
    "tpu.region"() ({
      %run_scoped3A = tpu.sem_alloc : memref<!tpu.dma_semaphore, #tpu.memory_space<semaphore_mem>>
      %dma_start3A = arith.constant 0 : i32
      %dma_start3A_55 = tpu.memref_slice %arg7[%add3A_26, %dma_start3A] : memref<10240x16xf32, #tpu.memory_space<vmem_shared>> -> memref<128x16xf32, #tpu.memory_space<vmem_shared>>
      %dma_start3A_56 = arith.constant 0 : i32
      %dma_start3A_57 = tpu.memref_slice %arg7[%add3A_26, %dma_start3A_56] : memref<10240x16xf32, #tpu.memory_space<vmem_shared>> -> memref<128x16xf32, #tpu.memory_space<vmem_shared>>
      tpu.enqueue_dma source(%arg6 : memref<128x16xf32, #tpu.memory_space<vmem>>) target(%dma_start3A_57 : memref<128x16xf32, #tpu.memory_space<vmem_shared>>) target_semaphore(%run_scoped3A : memref<!tpu.dma_semaphore, #tpu.memory_space<semaphore_mem>>)
      %dma_wait3A = arith.constant 0 : i32
      %dma_wait3A_58 = tpu.memref_slice %arg7[%add3A_26, %dma_wait3A] : memref<10240x16xf32, #tpu.memory_space<vmem_shared>> -> memref<128x16xf32, #tpu.memory_space<vmem_shared>>
      %dma_wait3A_59 = arith.constant 0 : i32
      %dma_wait3A_60 = tpu.memref_slice %arg7[%add3A_26, %dma_wait3A_59] : memref<10240x16xf32, #tpu.memory_space<vmem_shared>> -> memref<128x16xf32, #tpu.memory_space<vmem_shared>>
      tpu.wait_dma2 semaphore(%run_scoped3A : memref<!tpu.dma_semaphore, #tpu.memory_space<semaphore_mem>>) src(%arg6 : memref<128x16xf32, #tpu.memory_space<vmem>>) dst(%dma_wait3A_60 : memref<128x16xf32, #tpu.memory_space<vmem_shared>>)
      tpu.yield
    }) : () -> ()
    "tpu.region"() ({
      %run_scoped3A = tpu.sem_alloc : memref<!tpu.dma_semaphore, #tpu.memory_space<semaphore_mem>>
      %dma_start3A = arith.constant 0 : i32
      %dma_start3A_55 = arith.constant 0 : i32
      %dma_start3A_56 = tpu.memref_slice %arg2[%add3A, %dma_start3A, %dma_start3A_55] : memref<32x80x128xi32, #tpu.memory_space<hbm>> -> memref<1x80x128xi32, #tpu.memory_space<hbm>>
      %dma_start3A_57 = tpu.memref_squeeze %dma_start3A_56 : memref<1x80x128xi32, #tpu.memory_space<hbm>> -> memref<80x128xi32, #tpu.memory_space<hbm>>
      %dma_start3A_58 = arith.constant 0 : i32
      %dma_start3A_59 = arith.constant 0 : i32
      %dma_start3A_60 = tpu.memref_slice %arg2[%add3A, %dma_start3A_58, %dma_start3A_59] : memref<32x80x128xi32, #tpu.memory_space<hbm>> -> memref<1x80x128xi32, #tpu.memory_space<hbm>>
      %dma_start3A_61 = tpu.memref_squeeze %dma_start3A_60 : memref<1x80x128xi32, #tpu.memory_space<hbm>> -> memref<80x128xi32, #tpu.memory_space<hbm>>
      tpu.enqueue_dma source(%dma_start3A_61 : memref<80x128xi32, #tpu.memory_space<hbm>>) target(%arg4 : memref<80x128xi32, #tpu.memory_space<vmem>>) target_semaphore(%run_scoped3A : memref<!tpu.dma_semaphore, #tpu.memory_space<semaphore_mem>>)
      %dma_wait3A = arith.constant 0 : i32
      %dma_wait3A_62 = arith.constant 0 : i32
      %dma_wait3A_63 = tpu.memref_slice %arg2[%add3A, %dma_wait3A, %dma_wait3A_62] : memref<32x80x128xi32, #tpu.memory_space<hbm>> -> memref<1x80x128xi32, #tpu.memory_space<hbm>>
      %dma_wait3A_64 = tpu.memref_squeeze %dma_wait3A_63 : memref<1x80x128xi32, #tpu.memory_space<hbm>> -> memref<80x128xi32, #tpu.memory_space<hbm>>
      %dma_wait3A_65 = arith.constant 0 : i32
      %dma_wait3A_66 = arith.constant 0 : i32
      %dma_wait3A_67 = tpu.memref_slice %arg2[%add3A, %dma_wait3A_65, %dma_wait3A_66] : memref<32x80x128xi32, #tpu.memory_space<hbm>> -> memref<1x80x128xi32, #tpu.memory_space<hbm>>
      %dma_wait3A_68 = tpu.memref_squeeze %dma_wait3A_67 : memref<1x80x128xi32, #tpu.memory_space<hbm>> -> memref<80x128xi32, #tpu.memory_space<hbm>>
      tpu.wait_dma2 semaphore(%run_scoped3A : memref<!tpu.dma_semaphore, #tpu.memory_space<semaphore_mem>>) src(%dma_wait3A_68 : memref<80x128xi32, #tpu.memory_space<hbm>>) dst(%arg4 : memref<80x128xi32, #tpu.memory_space<vmem>>)
      tpu.yield
    }) : () -> ()
    %barrier3A = arith.constant 0 : index
    tpu.barrier barrier_id(%barrier3A)
    %scan3A_27 = arith.constant 0 : i32
    %scan3A_28 = arith.constant 0 : i32
    %scan3A_29 = arith.constant 80 : i32
    %scan3A_30 = arith.addi %scan3A_28, %scan3A_29 : i32
    %scan3A_31 = arith.constant 1 : i32
    %scan3A_32 = scf.for %scan3A_55 = %scan3A_28 to %scan3A_30 step %scan3A_31 iter_args(%scan3A_56 = %scan3A_27) -> (i32)  : i32 {
      "tpu.region"() ({
        %run_scoped3A = tpu.sem_alloc : memref<!tpu.dma_semaphore, #tpu.memory_space<semaphore_mem>>
        %dma_start3A = arith.constant 0 : i32
        %dma_start3A_58 = tpu.memref_slice %arg4[%scan3A_55, %dma_start3A] : memref<80x128xi32, #tpu.memory_space<vmem>> -> memref<1x128xi32, #tpu.memory_space<vmem>>
        %dma_start3A_59 = tpu.memref_squeeze %dma_start3A_58 : memref<1x128xi32, #tpu.memory_space<vmem>> -> memref<128xi32, #tpu.memory_space<vmem>>
        %dma_start3A_60 = arith.constant 0 : i32
        %dma_start3A_61 = arith.constant 0 : i32
        %dma_start3A_62 = tpu.memref_slice %arg7[%dma_start3A_60, %dma_start3A_61] : memref<10240x16xf32, #tpu.memory_space<vmem_shared>> -> memref<10240x16xf32, #tpu.memory_space<vmem_shared>>
        tpu.enqueue_indirect_dma source(%arg5 : memref<128x16xf32, #tpu.memory_space<vmem>>) target(%dma_start3A_62 : memref<10240x16xf32, #tpu.memory_space<vmem_shared>>) offsets(%dma_start3A_59 : memref<128xi32, #tpu.memory_space<vmem>>) semaphore(%run_scoped3A : memref<!tpu.dma_semaphore, #tpu.memory_space<semaphore_mem>>) {add = true}
        %dma_wait3A = arith.constant 0 : i32
        %dma_wait3A_63 = tpu.memref_slice %arg4[%scan3A_55, %dma_wait3A] : memref<80x128xi32, #tpu.memory_space<vmem>> -> memref<1x128xi32, #tpu.memory_space<vmem>>
        %dma_wait3A_64 = tpu.memref_squeeze %dma_wait3A_63 : memref<1x128xi32, #tpu.memory_space<vmem>> -> memref<128xi32, #tpu.memory_space<vmem>>
        %dma_wait3A_65 = arith.constant 0 : i32
        %dma_wait3A_66 = arith.constant 0 : i32
        %dma_wait3A_67 = tpu.memref_slice %arg7[%dma_wait3A_65, %dma_wait3A_66] : memref<10240x16xf32, #tpu.memory_space<vmem_shared>> -> memref<10240x16xf32, #tpu.memory_space<vmem_shared>>
        tpu.wait_indirect_dma semaphore(%run_scoped3A : memref<!tpu.dma_semaphore, #tpu.memory_space<semaphore_mem>>) src(%arg5 : memref<128x16xf32, #tpu.memory_space<vmem>>) dst(%dma_wait3A_67 : memref<10240x16xf32, #tpu.memory_space<vmem_shared>>)
        tpu.yield
      }) : () -> ()
      %scan3A_57 = arith.constant 0 : i32
      scf.yield %scan3A_57 : i32
    }
    %scan3A_33 = arith.constant 80 : i32
    %barrier3A_34 = arith.constant 0 : index
    tpu.barrier barrier_id(%barrier3A_34)
    %mul3A_35 = arith.constant 640 : i32
    %mul3A_36 = arith.muli %arg1, %mul3A_35 : i32
    %add3A_37 = arith.constant 0 : i32
    %add3A_38 = arith.addi %mul3A_36, %add3A_37 : i32
    "tpu.region"() ({
      %run_scoped3A = tpu.sem_alloc : memref<!tpu.dma_semaphore, #tpu.memory_space<semaphore_mem>>
      %dma_start3A = arith.constant 0 : i32
      %dma_start3A_55 = tpu.memref_slice %arg3[%arg0, %add3A_38, %dma_start3A] : memref<2x10240x16xf32, #tpu.memory_space<hbm>> -> memref<1x128x16xf32, #tpu.memory_space<hbm>>
      %dma_start3A_56 = tpu.memref_squeeze %dma_start3A_55 : memref<1x128x16xf32, #tpu.memory_space<hbm>> -> memref<128x16xf32, #tpu.memory_space<hbm>>
      %dma_start3A_57 = arith.constant 0 : i32
      %dma_start3A_58 = tpu.memref_slice %arg7[%add3A_38, %dma_start3A_57] : memref<10240x16xf32, #tpu.memory_space<vmem_shared>> -> memref<128x16xf32, #tpu.memory_space<vmem_shared>>
      tpu.enqueue_dma source(%dma_start3A_58 : memref<128x16xf32, #tpu.memory_space<vmem_shared>>) target(%dma_start3A_56 : memref<128x16xf32, #tpu.memory_space<hbm>>) target_semaphore(%run_scoped3A : memref<!tpu.dma_semaphore, #tpu.memory_space<semaphore_mem>>)
      %dma_wait3A = arith.constant 0 : i32
      %dma_wait3A_59 = tpu.memref_slice %arg3[%arg0, %add3A_38, %dma_wait3A] : memref<2x10240x16xf32, #tpu.memory_space<hbm>> -> memref<1x128x16xf32, #tpu.memory_space<hbm>>
      %dma_wait3A_60 = tpu.memref_squeeze %dma_wait3A_59 : memref<1x128x16xf32, #tpu.memory_space<hbm>> -> memref<128x16xf32, #tpu.memory_space<hbm>>
      %dma_wait3A_61 = arith.constant 0 : i32
      %dma_wait3A_62 = tpu.memref_slice %arg7[%add3A_38, %dma_wait3A_61] : memref<10240x16xf32, #tpu.memory_space<vmem_shared>> -> memref<128x16xf32, #tpu.memory_space<vmem_shared>>
      tpu.wait_dma2 semaphore(%run_scoped3A : memref<!tpu.dma_semaphore, #tpu.memory_space<semaphore_mem>>) src(%dma_wait3A_62 : memref<128x16xf32, #tpu.memory_space<vmem_shared>>) dst(%dma_wait3A_60 : memref<128x16xf32, #tpu.memory_space<hbm>>)
      tpu.yield
    }) : () -> ()
    %mul3A_39 = arith.constant 640 : i32
    %mul3A_40 = arith.muli %arg1, %mul3A_39 : i32
    %add3A_41 = arith.constant 128 : i32
    %add3A_42 = arith.addi %mul3A_40, %add3A_41 : i32
    "tpu.region"() ({
      %run_scoped3A = tpu.sem_alloc : memref<!tpu.dma_semaphore, #tpu.memory_space<semaphore_mem>>
      %dma_start3A = arith.constant 0 : i32
      %dma_start3A_55 = tpu.memref_slice %arg3[%arg0, %add3A_42, %dma_start3A] : memref<2x10240x16xf32, #tpu.memory_space<hbm>> -> memref<1x128x16xf32, #tpu.memory_space<hbm>>
      %dma_start3A_56 = tpu.memref_squeeze %dma_start3A_55 : memref<1x128x16xf32, #tpu.memory_space<hbm>> -> memref<128x16xf32, #tpu.memory_space<hbm>>
      %dma_start3A_57 = arith.constant 0 : i32
      %dma_start3A_58 = tpu.memref_slice %arg7[%add3A_42, %dma_start3A_57] : memref<10240x16xf32, #tpu.memory_space<vmem_shared>> -> memref<128x16xf32, #tpu.memory_space<vmem_shared>>
      tpu.enqueue_dma source(%dma_start3A_58 : memref<128x16xf32, #tpu.memory_space<vmem_shared>>) target(%dma_start3A_56 : memref<128x16xf32, #tpu.memory_space<hbm>>) target_semaphore(%run_scoped3A : memref<!tpu.dma_semaphore, #tpu.memory_space<semaphore_mem>>)
      %dma_wait3A = arith.constant 0 : i32
      %dma_wait3A_59 = tpu.memref_slice %arg3[%arg0, %add3A_42, %dma_wait3A] : memref<2x10240x16xf32, #tpu.memory_space<hbm>> -> memref<1x128x16xf32, #tpu.memory_space<hbm>>
      %dma_wait3A_60 = tpu.memref_squeeze %dma_wait3A_59 : memref<1x128x16xf32, #tpu.memory_space<hbm>> -> memref<128x16xf32, #tpu.memory_space<hbm>>
      %dma_wait3A_61 = arith.constant 0 : i32
      %dma_wait3A_62 = tpu.memref_slice %arg7[%add3A_42, %dma_wait3A_61] : memref<10240x16xf32, #tpu.memory_space<vmem_shared>> -> memref<128x16xf32, #tpu.memory_space<vmem_shared>>
      tpu.wait_dma2 semaphore(%run_scoped3A : memref<!tpu.dma_semaphore, #tpu.memory_space<semaphore_mem>>) src(%dma_wait3A_62 : memref<128x16xf32, #tpu.memory_space<vmem_shared>>) dst(%dma_wait3A_60 : memref<128x16xf32, #tpu.memory_space<hbm>>)
      tpu.yield
    }) : () -> ()
    %mul3A_43 = arith.constant 640 : i32
    %mul3A_44 = arith.muli %arg1, %mul3A_43 : i32
    %add3A_45 = arith.constant 256 : i32
    %add3A_46 = arith.addi %mul3A_44, %add3A_45 : i32
    "tpu.region"() ({
      %run_scoped3A = tpu.sem_alloc : memref<!tpu.dma_semaphore, #tpu.memory_space<semaphore_mem>>
      %dma_start3A = arith.constant 0 : i32
      %dma_start3A_55 = tpu.memref_slice %arg3[%arg0, %add3A_46, %dma_start3A] : memref<2x10240x16xf32, #tpu.memory_space<hbm>> -> memref<1x128x16xf32, #tpu.memory_space<hbm>>
      %dma_start3A_56 = tpu.memref_squeeze %dma_start3A_55 : memref<1x128x16xf32, #tpu.memory_space<hbm>> -> memref<128x16xf32, #tpu.memory_space<hbm>>
      %dma_start3A_57 = arith.constant 0 : i32
      %dma_start3A_58 = tpu.memref_slice %arg7[%add3A_46, %dma_start3A_57] : memref<10240x16xf32, #tpu.memory_space<vmem_shared>> -> memref<128x16xf32, #tpu.memory_space<vmem_shared>>
      tpu.enqueue_dma source(%dma_start3A_58 : memref<128x16xf32, #tpu.memory_space<vmem_shared>>) target(%dma_start3A_56 : memref<128x16xf32, #tpu.memory_space<hbm>>) target_semaphore(%run_scoped3A : memref<!tpu.dma_semaphore, #tpu.memory_space<semaphore_mem>>)
      %dma_wait3A = arith.constant 0 : i32
      %dma_wait3A_59 = tpu.memref_slice %arg3[%arg0, %add3A_46, %dma_wait3A] : memref<2x10240x16xf32, #tpu.memory_space<hbm>> -> memref<1x128x16xf32, #tpu.memory_space<hbm>>
      %dma_wait3A_60 = tpu.memref_squeeze %dma_wait3A_59 : memref<1x128x16xf32, #tpu.memory_space<hbm>> -> memref<128x16xf32, #tpu.memory_space<hbm>>
      %dma_wait3A_61 = arith.constant 0 : i32
      %dma_wait3A_62 = tpu.memref_slice %arg7[%add3A_46, %dma_wait3A_61] : memref<10240x16xf32, #tpu.memory_space<vmem_shared>> -> memref<128x16xf32, #tpu.memory_space<vmem_shared>>
      tpu.wait_dma2 semaphore(%run_scoped3A : memref<!tpu.dma_semaphore, #tpu.memory_space<semaphore_mem>>) src(%dma_wait3A_62 : memref<128x16xf32, #tpu.memory_space<vmem_shared>>) dst(%dma_wait3A_60 : memref<128x16xf32, #tpu.memory_space<hbm>>)
      tpu.yield
    }) : () -> ()
    %mul3A_47 = arith.constant 640 : i32
    %mul3A_48 = arith.muli %arg1, %mul3A_47 : i32
    %add3A_49 = arith.constant 384 : i32
    %add3A_50 = arith.addi %mul3A_48, %add3A_49 : i32
    "tpu.region"() ({
      %run_scoped3A = tpu.sem_alloc : memref<!tpu.dma_semaphore, #tpu.memory_space<semaphore_mem>>
      %dma_start3A = arith.constant 0 : i32
      %dma_start3A_55 = tpu.memref_slice %arg3[%arg0, %add3A_50, %dma_start3A] : memref<2x10240x16xf32, #tpu.memory_space<hbm>> -> memref<1x128x16xf32, #tpu.memory_space<hbm>>
      %dma_start3A_56 = tpu.memref_squeeze %dma_start3A_55 : memref<1x128x16xf32, #tpu.memory_space<hbm>> -> memref<128x16xf32, #tpu.memory_space<hbm>>
      %dma_start3A_57 = arith.constant 0 : i32
      %dma_start3A_58 = tpu.memref_slice %arg7[%add3A_50, %dma_start3A_57] : memref<10240x16xf32, #tpu.memory_space<vmem_shared>> -> memref<128x16xf32, #tpu.memory_space<vmem_shared>>
      tpu.enqueue_dma source(%dma_start3A_58 : memref<128x16xf32, #tpu.memory_space<vmem_shared>>) target(%dma_start3A_56 : memref<128x16xf32, #tpu.memory_space<hbm>>) target_semaphore(%run_scoped3A : memref<!tpu.dma_semaphore, #tpu.memory_space<semaphore_mem>>)
      %dma_wait3A = arith.constant 0 : i32
      %dma_wait3A_59 = tpu.memref_slice %arg3[%arg0, %add3A_50, %dma_wait3A] : memref<2x10240x16xf32, #tpu.memory_space<hbm>> -> memref<1x128x16xf32, #tpu.memory_space<hbm>>
      %dma_wait3A_60 = tpu.memref_squeeze %dma_wait3A_59 : memref<1x128x16xf32, #tpu.memory_space<hbm>> -> memref<128x16xf32, #tpu.memory_space<hbm>>
      %dma_wait3A_61 = arith.constant 0 : i32
      %dma_wait3A_62 = tpu.memref_slice %arg7[%add3A_50, %dma_wait3A_61] : memref<10240x16xf32, #tpu.memory_space<vmem_shared>> -> memref<128x16xf32, #tpu.memory_space<vmem_shared>>
      tpu.wait_dma2 semaphore(%run_scoped3A : memref<!tpu.dma_semaphore, #tpu.memory_space<semaphore_mem>>) src(%dma_wait3A_62 : memref<128x16xf32, #tpu.memory_space<vmem_shared>>) dst(%dma_wait3A_60 : memref<128x16xf32, #tpu.memory_space<hbm>>)
      tpu.yield
    }) : () -> ()
    %mul3A_51 = arith.constant 640 : i32
    %mul3A_52 = arith.muli %arg1, %mul3A_51 : i32
    %add3A_53 = arith.constant 512 : i32
    %add3A_54 = arith.addi %mul3A_52, %add3A_53 : i32
    "tpu.region"() ({
      %run_scoped3A = tpu.sem_alloc : memref<!tpu.dma_semaphore, #tpu.memory_space<semaphore_mem>>
      %dma_start3A = arith.constant 0 : i32
      %dma_start3A_55 = tpu.memref_slice %arg3[%arg0, %add3A_54, %dma_start3A] : memref<2x10240x16xf32, #tpu.memory_space<hbm>> -> memref<1x128x16xf32, #tpu.memory_space<hbm>>
      %dma_start3A_56 = tpu.memref_squeeze %dma_start3A_55 : memref<1x128x16xf32, #tpu.memory_space<hbm>> -> memref<128x16xf32, #tpu.memory_space<hbm>>
      %dma_start3A_57 = arith.constant 0 : i32
      %dma_start3A_58 = tpu.memref_slice %arg7[%add3A_54, %dma_start3A_57] : memref<10240x16xf32, #tpu.memory_space<vmem_shared>> -> memref<128x16xf32, #tpu.memory_space<vmem_shared>>
      tpu.enqueue_dma source(%dma_start3A_58 : memref<128x16xf32, #tpu.memory_space<vmem_shared>>) target(%dma_start3A_56 : memref<128x16xf32, #tpu.memory_space<hbm>>) target_semaphore(%run_scoped3A : memref<!tpu.dma_semaphore, #tpu.memory_space<semaphore_mem>>)
      %dma_wait3A = arith.constant 0 : i32
      %dma_wait3A_59 = tpu.memref_slice %arg3[%arg0, %add3A_54, %dma_wait3A] : memref<2x10240x16xf32, #tpu.memory_space<hbm>> -> memref<1x128x16xf32, #tpu.memory_space<hbm>>
      %dma_wait3A_60 = tpu.memref_squeeze %dma_wait3A_59 : memref<1x128x16xf32, #tpu.memory_space<hbm>> -> memref<128x16xf32, #tpu.memory_space<hbm>>
      %dma_wait3A_61 = arith.constant 0 : i32
      %dma_wait3A_62 = tpu.memref_slice %arg7[%add3A_54, %dma_wait3A_61] : memref<10240x16xf32, #tpu.memory_space<vmem_shared>> -> memref<128x16xf32, #tpu.memory_space<vmem_shared>>
      tpu.wait_dma2 semaphore(%run_scoped3A : memref<!tpu.dma_semaphore, #tpu.memory_space<semaphore_mem>>) src(%dma_wait3A_62 : memref<128x16xf32, #tpu.memory_space<vmem_shared>>) dst(%dma_wait3A_60 : memref<128x16xf32, #tpu.memory_space<hbm>>)
      tpu.yield
    }) : () -> ()
    return
  }
}

#map = affine_map<(d0, d1) -> (0, 0)>
#map1 = affine_map<(d0, d1) -> (0, 0, 0)>
module attributes {stable_mosaic.version = 14 : i64} {
  func.func @body(%arg0: i32, %arg1: i32, %arg2: memref<10240x32xf32, #tpu.memory_space<hbm>>, %arg3: memref<32x80x128xi32, #tpu.memory_space<hbm>>, %arg4: memref<32x80x128xi32, #tpu.memory_space<hbm>>, %arg5: memref<2x10240x32xf32, #tpu.memory_space<hbm>>, %arg6: memref<80x128xi32, #tpu.memory_space<vmem>>, %arg7: memref<80x128xi32, #tpu.memory_space<vmem>>, %arg8: memref<128x32xf32, #tpu.memory_space<vmem>>, %arg9: memref<10240x32xf32, #tpu.memory_space<vmem_shared>>, %arg10: memref<128x32xf32, #tpu.memory_space<vmem>>, %arg11: memref<10240x32xf32, #tpu.memory_space<vmem_shared>>, %arg12: memref<!tpu.dma_semaphore, #tpu.memory_space<semaphore_mem>>, %arg13: memref<!tpu.dma_semaphore, #tpu.memory_space<semaphore_mem>>) attributes {dimension_semantics = [#tpu.dimension_semantics<core_parallel>, #tpu.dimension_semantics<subcore_parallel>], iteration_bounds = array<i64: 2, 16>, scalar_prefetch = 0 : i64, scratch_operands = 8 : i64, tpu.core_type = #tpu.core_type<sc_vector_subcore>, window_params = [{transform_indices = #map}, {transform_indices = #map1}, {transform_indices = #map1}, {transform_indices = #map1}]} {
    %mul3A = arith.constant 16 : i32
    %mul3A_0 = arith.muli %arg0, %mul3A : i32
    %add3A = arith.addi %mul3A_0, %arg1 : i32
    %scan3A = arith.constant 0 : i32
    %scan3A_1 = arith.constant 0 : i32
    %scan3A_2 = arith.constant 128 : i32
    %scan3A_3 = arith.addi %scan3A_1, %scan3A_2 : i32
    %scan3A_4 = arith.constant 1 : i32
    %scan3A_5 = scf.for %scan3A_55 = %scan3A_1 to %scan3A_3 step %scan3A_4 iter_args(%scan3A_56 = %scan3A) -> (i32)  : i32 {
      %broadcast_in_dim3A = arith.constant 0.000000e+00 : f32
      %broadcast_in_dim3A_57 = vector.broadcast %broadcast_in_dim3A : f32 to vector<16xf32>
      %swap3A = arith.index_cast %scan3A_55 : i32 to index
      %swap3A_58 = arith.constant 0 : index
      %swap3A_59 = tpu.vector_load %arg10[%swap3A, %swap3A_58] {strides = array<i32>} : memref<128x32xf32, #tpu.memory_space<vmem>>, vector<1x16xf32>,
      %swap3A_60 = vector.shape_cast %swap3A_59 : vector<1x16xf32> to vector<16xf32>
      %swap3A_61 = vector.shape_cast %broadcast_in_dim3A_57 : vector<16xf32> to vector<1x16xf32>
      tpu.vector_store %arg10[%swap3A, %swap3A_58], %swap3A_61 {strides = array<i32>} : memref<128x32xf32, #tpu.memory_space<vmem>>, vector<1x16xf32>,
      %broadcast_in_dim3A_62 = arith.constant 0.000000e+00 : f32
      %broadcast_in_dim3A_63 = vector.broadcast %broadcast_in_dim3A_62 : f32 to vector<16xf32>
      %swap3A_64 = arith.index_cast %scan3A_55 : i32 to index
      %swap3A_65 = arith.constant 16 : index
      %swap3A_66 = tpu.vector_load %arg10[%swap3A_64, %swap3A_65] {strides = array<i32>} : memref<128x32xf32, #tpu.memory_space<vmem>>, vector<1x16xf32>,
      %swap3A_67 = vector.shape_cast %swap3A_66 : vector<1x16xf32> to vector<16xf32>
      %swap3A_68 = vector.shape_cast %broadcast_in_dim3A_63 : vector<16xf32> to vector<1x16xf32>
      tpu.vector_store %arg10[%swap3A_64, %swap3A_65], %swap3A_68 {strides = array<i32>} : memref<128x32xf32, #tpu.memory_space<vmem>>, vector<1x16xf32>,
      %scan3A_69 = arith.constant 0 : i32
      scf.yield %scan3A_69 : i32
    }
    %scan3A_6 = arith.constant 128 : i32
    %mul3A_7 = arith.constant 640 : i32
    %mul3A_8 = arith.muli %arg1, %mul3A_7 : i32
    %add3A_9 = arith.constant 0 : i32
    %add3A_10 = arith.addi %mul3A_8, %add3A_9 : i32
    "tpu.region"() ({
      %run_scoped3A = tpu.sem_alloc : memref<!tpu.dma_semaphore, #tpu.memory_space<semaphore_mem>>
      %dma_start3A = arith.constant 0 : i32
      %dma_start3A_55 = tpu.memref_slice %arg11[%add3A_10, %dma_start3A] : memref<10240x32xf32, #tpu.memory_space<vmem_shared>> -> memref<128x32xf32, #tpu.memory_space<vmem_shared>>
      %dma_start3A_56 = arith.constant 0 : i32
      %dma_start3A_57 = tpu.memref_slice %arg11[%add3A_10, %dma_start3A_56] : memref<10240x32xf32, #tpu.memory_space<vmem_shared>> -> memref<128x32xf32, #tpu.memory_space<vmem_shared>>
      tpu.enqueue_dma source(%arg10 : memref<128x32xf32, #tpu.memory_space<vmem>>) target(%dma_start3A_57 : memref<128x32xf32, #tpu.memory_space<vmem_shared>>) target_semaphore(%run_scoped3A : memref<!tpu.dma_semaphore, #tpu.memory_space<semaphore_mem>>)
      %dma_wait3A = arith.constant 0 : i32
      %dma_wait3A_58 = tpu.memref_slice %arg11[%add3A_10, %dma_wait3A] : memref<10240x32xf32, #tpu.memory_space<vmem_shared>> -> memref<128x32xf32, #tpu.memory_space<vmem_shared>>
      %dma_wait3A_59 = arith.constant 0 : i32
      %dma_wait3A_60 = tpu.memref_slice %arg11[%add3A_10, %dma_wait3A_59] : memref<10240x32xf32, #tpu.memory_space<vmem_shared>> -> memref<128x32xf32, #tpu.memory_space<vmem_shared>>
      tpu.wait_dma2 semaphore(%run_scoped3A : memref<!tpu.dma_semaphore, #tpu.memory_space<semaphore_mem>>) src(%arg10 : memref<128x32xf32, #tpu.memory_space<vmem>>) dst(%dma_wait3A_60 : memref<128x32xf32, #tpu.memory_space<vmem_shared>>)
      tpu.yield
    }) : () -> ()
    "tpu.region"() ({
      %run_scoped3A = tpu.sem_alloc : memref<!tpu.dma_semaphore, #tpu.memory_space<semaphore_mem>>
      %dma_start3A = arith.constant 0 : i32
      %dma_start3A_55 = tpu.memref_slice %arg9[%add3A_10, %dma_start3A] : memref<10240x32xf32, #tpu.memory_space<vmem_shared>> -> memref<128x32xf32, #tpu.memory_space<vmem_shared>>
      %dma_start3A_56 = arith.constant 0 : i32
      %dma_start3A_57 = tpu.memref_slice %arg2[%add3A_10, %dma_start3A_56] : memref<10240x32xf32, #tpu.memory_space<hbm>> -> memref<128x32xf32, #tpu.memory_space<hbm>>
      tpu.enqueue_dma source(%dma_start3A_57 : memref<128x32xf32, #tpu.memory_space<hbm>>) target(%dma_start3A_55 : memref<128x32xf32, #tpu.memory_space<vmem_shared>>) target_semaphore(%run_scoped3A : memref<!tpu.dma_semaphore, #tpu.memory_space<semaphore_mem>>)
      %dma_wait3A = arith.constant 0 : i32
      %dma_wait3A_58 = tpu.memref_slice %arg9[%add3A_10, %dma_wait3A] : memref<10240x32xf32, #tpu.memory_space<vmem_shared>> -> memref<128x32xf32, #tpu.memory_space<vmem_shared>>
      %dma_wait3A_59 = arith.constant 0 : i32
      %dma_wait3A_60 = tpu.memref_slice %arg2[%add3A_10, %dma_wait3A_59] : memref<10240x32xf32, #tpu.memory_space<hbm>> -> memref<128x32xf32, #tpu.memory_space<hbm>>
      tpu.wait_dma2 semaphore(%run_scoped3A : memref<!tpu.dma_semaphore, #tpu.memory_space<semaphore_mem>>) src(%dma_wait3A_60 : memref<128x32xf32, #tpu.memory_space<hbm>>) dst(%dma_wait3A_58 : memref<128x32xf32, #tpu.memory_space<vmem_shared>>)
      tpu.yield
    }) : () -> ()
    %mul3A_11 = arith.constant 640 : i32
    %mul3A_12 = arith.muli %arg1, %mul3A_11 : i32
    %add3A_13 = arith.constant 128 : i32
    %add3A_14 = arith.addi %mul3A_12, %add3A_13 : i32
    "tpu.region"() ({
      %run_scoped3A = tpu.sem_alloc : memref<!tpu.dma_semaphore, #tpu.memory_space<semaphore_mem>>
      %dma_start3A = arith.constant 0 : i32
      %dma_start3A_55 = tpu.memref_slice %arg11[%add3A_14, %dma_start3A] : memref<10240x32xf32, #tpu.memory_space<vmem_shared>> -> memref<128x32xf32, #tpu.memory_space<vmem_shared>>
      %dma_start3A_56 = arith.constant 0 : i32
      %dma_start3A_57 = tpu.memref_slice %arg11[%add3A_14, %dma_start3A_56] : memref<10240x32xf32, #tpu.memory_space<vmem_shared>> -> memref<128x32xf32, #tpu.memory_space<vmem_shared>>
      tpu.enqueue_dma source(%arg10 : memref<128x32xf32, #tpu.memory_space<vmem>>) target(%dma_start3A_57 : memref<128x32xf32, #tpu.memory_space<vmem_shared>>) target_semaphore(%run_scoped3A : memref<!tpu.dma_semaphore, #tpu.memory_space<semaphore_mem>>)
      %dma_wait3A = arith.constant 0 : i32
      %dma_wait3A_58 = tpu.memref_slice %arg11[%add3A_14, %dma_wait3A] : memref<10240x32xf32, #tpu.memory_space<vmem_shared>> -> memref<128x32xf32, #tpu.memory_space<vmem_shared>>
      %dma_wait3A_59 = arith.constant 0 : i32
      %dma_wait3A_60 = tpu.memref_slice %arg11[%add3A_14, %dma_wait3A_59] : memref<10240x32xf32, #tpu.memory_space<vmem_shared>> -> memref<128x32xf32, #tpu.memory_space<vmem_shared>>
      tpu.wait_dma2 semaphore(%run_scoped3A : memref<!tpu.dma_semaphore, #tpu.memory_space<semaphore_mem>>) src(%arg10 : memref<128x32xf32, #tpu.memory_space<vmem>>) dst(%dma_wait3A_60 : memref<128x32xf32, #tpu.memory_space<vmem_shared>>)
      tpu.yield
    }) : () -> ()
    "tpu.region"() ({
      %run_scoped3A = tpu.sem_alloc : memref<!tpu.dma_semaphore, #tpu.memory_space<semaphore_mem>>
      %dma_start3A = arith.constant 0 : i32
      %dma_start3A_55 = tpu.memref_slice %arg9[%add3A_14, %dma_start3A] : memref<10240x32xf32, #tpu.memory_space<vmem_shared>> -> memref<128x32xf32, #tpu.memory_space<vmem_shared>>
      %dma_start3A_56 = arith.constant 0 : i32
      %dma_start3A_57 = tpu.memref_slice %arg2[%add3A_14, %dma_start3A_56] : memref<10240x32xf32, #tpu.memory_space<hbm>> -> memref<128x32xf32, #tpu.memory_space<hbm>>
      tpu.enqueue_dma source(%dma_start3A_57 : memref<128x32xf32, #tpu.memory_space<hbm>>) target(%dma_start3A_55 : memref<128x32xf32, #tpu.memory_space<vmem_shared>>) target_semaphore(%run_scoped3A : memref<!tpu.dma_semaphore, #tpu.memory_space<semaphore_mem>>)
      %dma_wait3A = arith.constant 0 : i32
      %dma_wait3A_58 = tpu.memref_slice %arg9[%add3A_14, %dma_wait3A] : memref<10240x32xf32, #tpu.memory_space<vmem_shared>> -> memref<128x32xf32, #tpu.memory_space<vmem_shared>>
      %dma_wait3A_59 = arith.constant 0 : i32
      %dma_wait3A_60 = tpu.memref_slice %arg2[%add3A_14, %dma_wait3A_59] : memref<10240x32xf32, #tpu.memory_space<hbm>> -> memref<128x32xf32, #tpu.memory_space<hbm>>
      tpu.wait_dma2 semaphore(%run_scoped3A : memref<!tpu.dma_semaphore, #tpu.memory_space<semaphore_mem>>) src(%dma_wait3A_60 : memref<128x32xf32, #tpu.memory_space<hbm>>) dst(%dma_wait3A_58 : memref<128x32xf32, #tpu.memory_space<vmem_shared>>)
      tpu.yield
    }) : () -> ()
    %mul3A_15 = arith.constant 640 : i32
    %mul3A_16 = arith.muli %arg1, %mul3A_15 : i32
    %add3A_17 = arith.constant 256 : i32
    %add3A_18 = arith.addi %mul3A_16, %add3A_17 : i32
    "tpu.region"() ({
      %run_scoped3A = tpu.sem_alloc : memref<!tpu.dma_semaphore, #tpu.memory_space<semaphore_mem>>
      %dma_start3A = arith.constant 0 : i32
      %dma_start3A_55 = tpu.memref_slice %arg11[%add3A_18, %dma_start3A] : memref<10240x32xf32, #tpu.memory_space<vmem_shared>> -> memref<128x32xf32, #tpu.memory_space<vmem_shared>>
      %dma_start3A_56 = arith.constant 0 : i32
      %dma_start3A_57 = tpu.memref_slice %arg11[%add3A_18, %dma_start3A_56] : memref<10240x32xf32, #tpu.memory_space<vmem_shared>> -> memref<128x32xf32, #tpu.memory_space<vmem_shared>>
      tpu.enqueue_dma source(%arg10 : memref<128x32xf32, #tpu.memory_space<vmem>>) target(%dma_start3A_57 : memref<128x32xf32, #tpu.memory_space<vmem_shared>>) target_semaphore(%run_scoped3A : memref<!tpu.dma_semaphore, #tpu.memory_space<semaphore_mem>>)
      %dma_wait3A = arith.constant 0 : i32
      %dma_wait3A_58 = tpu.memref_slice %arg11[%add3A_18, %dma_wait3A] : memref<10240x32xf32, #tpu.memory_space<vmem_shared>> -> memref<128x32xf32, #tpu.memory_space<vmem_shared>>
      %dma_wait3A_59 = arith.constant 0 : i32
      %dma_wait3A_60 = tpu.memref_slice %arg11[%add3A_18, %dma_wait3A_59] : memref<10240x32xf32, #tpu.memory_space<vmem_shared>> -> memref<128x32xf32, #tpu.memory_space<vmem_shared>>
      tpu.wait_dma2 semaphore(%run_scoped3A : memref<!tpu.dma_semaphore, #tpu.memory_space<semaphore_mem>>) src(%arg10 : memref<128x32xf32, #tpu.memory_space<vmem>>) dst(%dma_wait3A_60 : memref<128x32xf32, #tpu.memory_space<vmem_shared>>)
      tpu.yield
    }) : () -> ()
    "tpu.region"() ({
      %run_scoped3A = tpu.sem_alloc : memref<!tpu.dma_semaphore, #tpu.memory_space<semaphore_mem>>
      %dma_start3A = arith.constant 0 : i32
      %dma_start3A_55 = tpu.memref_slice %arg9[%add3A_18, %dma_start3A] : memref<10240x32xf32, #tpu.memory_space<vmem_shared>> -> memref<128x32xf32, #tpu.memory_space<vmem_shared>>
      %dma_start3A_56 = arith.constant 0 : i32
      %dma_start3A_57 = tpu.memref_slice %arg2[%add3A_18, %dma_start3A_56] : memref<10240x32xf32, #tpu.memory_space<hbm>> -> memref<128x32xf32, #tpu.memory_space<hbm>>
      tpu.enqueue_dma source(%dma_start3A_57 : memref<128x32xf32, #tpu.memory_space<hbm>>) target(%dma_start3A_55 : memref<128x32xf32, #tpu.memory_space<vmem_shared>>) target_semaphore(%run_scoped3A : memref<!tpu.dma_semaphore, #tpu.memory_space<semaphore_mem>>)
      %dma_wait3A = arith.constant 0 : i32
      %dma_wait3A_58 = tpu.memref_slice %arg9[%add3A_18, %dma_wait3A] : memref<10240x32xf32, #tpu.memory_space<vmem_shared>> -> memref<128x32xf32, #tpu.memory_space<vmem_shared>>
      %dma_wait3A_59 = arith.constant 0 : i32
      %dma_wait3A_60 = tpu.memref_slice %arg2[%add3A_18, %dma_wait3A_59] : memref<10240x32xf32, #tpu.memory_space<hbm>> -> memref<128x32xf32, #tpu.memory_space<hbm>>
      tpu.wait_dma2 semaphore(%run_scoped3A : memref<!tpu.dma_semaphore, #tpu.memory_space<semaphore_mem>>) src(%dma_wait3A_60 : memref<128x32xf32, #tpu.memory_space<hbm>>) dst(%dma_wait3A_58 : memref<128x32xf32, #tpu.memory_space<vmem_shared>>)
      tpu.yield
    }) : () -> ()
    %mul3A_19 = arith.constant 640 : i32
    %mul3A_20 = arith.muli %arg1, %mul3A_19 : i32
    %add3A_21 = arith.constant 384 : i32
    %add3A_22 = arith.addi %mul3A_20, %add3A_21 : i32
    "tpu.region"() ({
      %run_scoped3A = tpu.sem_alloc : memref<!tpu.dma_semaphore, #tpu.memory_space<semaphore_mem>>
      %dma_start3A = arith.constant 0 : i32
      %dma_start3A_55 = tpu.memref_slice %arg11[%add3A_22, %dma_start3A] : memref<10240x32xf32, #tpu.memory_space<vmem_shared>> -> memref<128x32xf32, #tpu.memory_space<vmem_shared>>
      %dma_start3A_56 = arith.constant 0 : i32
      %dma_start3A_57 = tpu.memref_slice %arg11[%add3A_22, %dma_start3A_56] : memref<10240x32xf32, #tpu.memory_space<vmem_shared>> -> memref<128x32xf32, #tpu.memory_space<vmem_shared>>
      tpu.enqueue_dma source(%arg10 : memref<128x32xf32, #tpu.memory_space<vmem>>) target(%dma_start3A_57 : memref<128x32xf32, #tpu.memory_space<vmem_shared>>) target_semaphore(%run_scoped3A : memref<!tpu.dma_semaphore, #tpu.memory_space<semaphore_mem>>)
      %dma_wait3A = arith.constant 0 : i32
      %dma_wait3A_58 = tpu.memref_slice %arg11[%add3A_22, %dma_wait3A] : memref<10240x32xf32, #tpu.memory_space<vmem_shared>> -> memref<128x32xf32, #tpu.memory_space<vmem_shared>>
      %dma_wait3A_59 = arith.constant 0 : i32
      %dma_wait3A_60 = tpu.memref_slice %arg11[%add3A_22, %dma_wait3A_59] : memref<10240x32xf32, #tpu.memory_space<vmem_shared>> -> memref<128x32xf32, #tpu.memory_space<vmem_shared>>
      tpu.wait_dma2 semaphore(%run_scoped3A : memref<!tpu.dma_semaphore, #tpu.memory_space<semaphore_mem>>) src(%arg10 : memref<128x32xf32, #tpu.memory_space<vmem>>) dst(%dma_wait3A_60 : memref<128x32xf32, #tpu.memory_space<vmem_shared>>)
      tpu.yield
    }) : () -> ()
    "tpu.region"() ({
      %run_scoped3A = tpu.sem_alloc : memref<!tpu.dma_semaphore, #tpu.memory_space<semaphore_mem>>
      %dma_start3A = arith.constant 0 : i32
      %dma_start3A_55 = tpu.memref_slice %arg9[%add3A_22, %dma_start3A] : memref<10240x32xf32, #tpu.memory_space<vmem_shared>> -> memref<128x32xf32, #tpu.memory_space<vmem_shared>>
      %dma_start3A_56 = arith.constant 0 : i32
      %dma_start3A_57 = tpu.memref_slice %arg2[%add3A_22, %dma_start3A_56] : memref<10240x32xf32, #tpu.memory_space<hbm>> -> memref<128x32xf32, #tpu.memory_space<hbm>>
      tpu.enqueue_dma source(%dma_start3A_57 : memref<128x32xf32, #tpu.memory_space<hbm>>) target(%dma_start3A_55 : memref<128x32xf32, #tpu.memory_space<vmem_shared>>) target_semaphore(%run_scoped3A : memref<!tpu.dma_semaphore, #tpu.memory_space<semaphore_mem>>)
      %dma_wait3A = arith.constant 0 : i32
      %dma_wait3A_58 = tpu.memref_slice %arg9[%add3A_22, %dma_wait3A] : memref<10240x32xf32, #tpu.memory_space<vmem_shared>> -> memref<128x32xf32, #tpu.memory_space<vmem_shared>>
      %dma_wait3A_59 = arith.constant 0 : i32
      %dma_wait3A_60 = tpu.memref_slice %arg2[%add3A_22, %dma_wait3A_59] : memref<10240x32xf32, #tpu.memory_space<hbm>> -> memref<128x32xf32, #tpu.memory_space<hbm>>
      tpu.wait_dma2 semaphore(%run_scoped3A : memref<!tpu.dma_semaphore, #tpu.memory_space<semaphore_mem>>) src(%dma_wait3A_60 : memref<128x32xf32, #tpu.memory_space<hbm>>) dst(%dma_wait3A_58 : memref<128x32xf32, #tpu.memory_space<vmem_shared>>)
      tpu.yield
    }) : () -> ()
    %mul3A_23 = arith.constant 640 : i32
    %mul3A_24 = arith.muli %arg1, %mul3A_23 : i32
    %add3A_25 = arith.constant 512 : i32
    %add3A_26 = arith.addi %mul3A_24, %add3A_25 : i32
    "tpu.region"() ({
      %run_scoped3A = tpu.sem_alloc : memref<!tpu.dma_semaphore, #tpu.memory_space<semaphore_mem>>
      %dma_start3A = arith.constant 0 : i32
      %dma_start3A_55 = tpu.memref_slice %arg11[%add3A_26, %dma_start3A] : memref<10240x32xf32, #tpu.memory_space<vmem_shared>> -> memref<128x32xf32, #tpu.memory_space<vmem_shared>>
      %dma_start3A_56 = arith.constant 0 : i32
      %dma_start3A_57 = tpu.memref_slice %arg11[%add3A_26, %dma_start3A_56] : memref<10240x32xf32, #tpu.memory_space<vmem_shared>> -> memref<128x32xf32, #tpu.memory_space<vmem_shared>>
      tpu.enqueue_dma source(%arg10 : memref<128x32xf32, #tpu.memory_space<vmem>>) target(%dma_start3A_57 : memref<128x32xf32, #tpu.memory_space<vmem_shared>>) target_semaphore(%run_scoped3A : memref<!tpu.dma_semaphore, #tpu.memory_space<semaphore_mem>>)
      %dma_wait3A = arith.constant 0 : i32
      %dma_wait3A_58 = tpu.memref_slice %arg11[%add3A_26, %dma_wait3A] : memref<10240x32xf32, #tpu.memory_space<vmem_shared>> -> memref<128x32xf32, #tpu.memory_space<vmem_shared>>
      %dma_wait3A_59 = arith.constant 0 : i32
      %dma_wait3A_60 = tpu.memref_slice %arg11[%add3A_26, %dma_wait3A_59] : memref<10240x32xf32, #tpu.memory_space<vmem_shared>> -> memref<128x32xf32, #tpu.memory_space<vmem_shared>>
      tpu.wait_dma2 semaphore(%run_scoped3A : memref<!tpu.dma_semaphore, #tpu.memory_space<semaphore_mem>>) src(%arg10 : memref<128x32xf32, #tpu.memory_space<vmem>>) dst(%dma_wait3A_60 : memref<128x32xf32, #tpu.memory_space<vmem_shared>>)
      tpu.yield
    }) : () -> ()
    "tpu.region"() ({
      %run_scoped3A = tpu.sem_alloc : memref<!tpu.dma_semaphore, #tpu.memory_space<semaphore_mem>>
      %dma_start3A = arith.constant 0 : i32
      %dma_start3A_55 = tpu.memref_slice %arg9[%add3A_26, %dma_start3A] : memref<10240x32xf32, #tpu.memory_space<vmem_shared>> -> memref<128x32xf32, #tpu.memory_space<vmem_shared>>
      %dma_start3A_56 = arith.constant 0 : i32
      %dma_start3A_57 = tpu.memref_slice %arg2[%add3A_26, %dma_start3A_56] : memref<10240x32xf32, #tpu.memory_space<hbm>> -> memref<128x32xf32, #tpu.memory_space<hbm>>
      tpu.enqueue_dma source(%dma_start3A_57 : memref<128x32xf32, #tpu.memory_space<hbm>>) target(%dma_start3A_55 : memref<128x32xf32, #tpu.memory_space<vmem_shared>>) target_semaphore(%run_scoped3A : memref<!tpu.dma_semaphore, #tpu.memory_space<semaphore_mem>>)
      %dma_wait3A = arith.constant 0 : i32
      %dma_wait3A_58 = tpu.memref_slice %arg9[%add3A_26, %dma_wait3A] : memref<10240x32xf32, #tpu.memory_space<vmem_shared>> -> memref<128x32xf32, #tpu.memory_space<vmem_shared>>
      %dma_wait3A_59 = arith.constant 0 : i32
      %dma_wait3A_60 = tpu.memref_slice %arg2[%add3A_26, %dma_wait3A_59] : memref<10240x32xf32, #tpu.memory_space<hbm>> -> memref<128x32xf32, #tpu.memory_space<hbm>>
      tpu.wait_dma2 semaphore(%run_scoped3A : memref<!tpu.dma_semaphore, #tpu.memory_space<semaphore_mem>>) src(%dma_wait3A_60 : memref<128x32xf32, #tpu.memory_space<hbm>>) dst(%dma_wait3A_58 : memref<128x32xf32, #tpu.memory_space<vmem_shared>>)
      tpu.yield
    }) : () -> ()
    "tpu.region"() ({
      %run_scoped3A = tpu.sem_alloc : memref<!tpu.dma_semaphore, #tpu.memory_space<semaphore_mem>>
      %dma_start3A = arith.constant 0 : i32
      %dma_start3A_55 = arith.constant 0 : i32
      %dma_start3A_56 = tpu.memref_slice %arg4[%add3A, %dma_start3A, %dma_start3A_55] : memref<32x80x128xi32, #tpu.memory_space<hbm>> -> memref<1x80x128xi32, #tpu.memory_space<hbm>>
      %dma_start3A_57 = tpu.memref_squeeze %dma_start3A_56 : memref<1x80x128xi32, #tpu.memory_space<hbm>> -> memref<80x128xi32, #tpu.memory_space<hbm>>
      %dma_start3A_58 = arith.constant 0 : i32
      %dma_start3A_59 = arith.constant 0 : i32
      %dma_start3A_60 = tpu.memref_slice %arg4[%add3A, %dma_start3A_58, %dma_start3A_59] : memref<32x80x128xi32, #tpu.memory_space<hbm>> -> memref<1x80x128xi32, #tpu.memory_space<hbm>>
      %dma_start3A_61 = tpu.memref_squeeze %dma_start3A_60 : memref<1x80x128xi32, #tpu.memory_space<hbm>> -> memref<80x128xi32, #tpu.memory_space<hbm>>
      tpu.enqueue_dma source(%dma_start3A_61 : memref<80x128xi32, #tpu.memory_space<hbm>>) target(%arg7 : memref<80x128xi32, #tpu.memory_space<vmem>>) target_semaphore(%run_scoped3A : memref<!tpu.dma_semaphore, #tpu.memory_space<semaphore_mem>>)
      %dma_wait3A = arith.constant 0 : i32
      %dma_wait3A_62 = arith.constant 0 : i32
      %dma_wait3A_63 = tpu.memref_slice %arg4[%add3A, %dma_wait3A, %dma_wait3A_62] : memref<32x80x128xi32, #tpu.memory_space<hbm>> -> memref<1x80x128xi32, #tpu.memory_space<hbm>>
      %dma_wait3A_64 = tpu.memref_squeeze %dma_wait3A_63 : memref<1x80x128xi32, #tpu.memory_space<hbm>> -> memref<80x128xi32, #tpu.memory_space<hbm>>
      %dma_wait3A_65 = arith.constant 0 : i32
      %dma_wait3A_66 = arith.constant 0 : i32
      %dma_wait3A_67 = tpu.memref_slice %arg4[%add3A, %dma_wait3A_65, %dma_wait3A_66] : memref<32x80x128xi32, #tpu.memory_space<hbm>> -> memref<1x80x128xi32, #tpu.memory_space<hbm>>
      %dma_wait3A_68 = tpu.memref_squeeze %dma_wait3A_67 : memref<1x80x128xi32, #tpu.memory_space<hbm>> -> memref<80x128xi32, #tpu.memory_space<hbm>>
      tpu.wait_dma2 semaphore(%run_scoped3A : memref<!tpu.dma_semaphore, #tpu.memory_space<semaphore_mem>>) src(%dma_wait3A_68 : memref<80x128xi32, #tpu.memory_space<hbm>>) dst(%arg7 : memref<80x128xi32, #tpu.memory_space<vmem>>)
      tpu.yield
    }) : () -> ()
    "tpu.region"() ({
      %run_scoped3A = tpu.sem_alloc : memref<!tpu.dma_semaphore, #tpu.memory_space<semaphore_mem>>
      %dma_start3A = arith.constant 0 : i32
      %dma_start3A_55 = arith.constant 0 : i32
      %dma_start3A_56 = tpu.memref_slice %arg3[%add3A, %dma_start3A, %dma_start3A_55] : memref<32x80x128xi32, #tpu.memory_space<hbm>> -> memref<1x80x128xi32, #tpu.memory_space<hbm>>
      %dma_start3A_57 = tpu.memref_squeeze %dma_start3A_56 : memref<1x80x128xi32, #tpu.memory_space<hbm>> -> memref<80x128xi32, #tpu.memory_space<hbm>>
      %dma_start3A_58 = arith.constant 0 : i32
      %dma_start3A_59 = arith.constant 0 : i32
      %dma_start3A_60 = tpu.memref_slice %arg3[%add3A, %dma_start3A_58, %dma_start3A_59] : memref<32x80x128xi32, #tpu.memory_space<hbm>> -> memref<1x80x128xi32, #tpu.memory_space<hbm>>
      %dma_start3A_61 = tpu.memref_squeeze %dma_start3A_60 : memref<1x80x128xi32, #tpu.memory_space<hbm>> -> memref<80x128xi32, #tpu.memory_space<hbm>>
      tpu.enqueue_dma source(%dma_start3A_61 : memref<80x128xi32, #tpu.memory_space<hbm>>) target(%arg6 : memref<80x128xi32, #tpu.memory_space<vmem>>) target_semaphore(%run_scoped3A : memref<!tpu.dma_semaphore, #tpu.memory_space<semaphore_mem>>)
      %dma_wait3A = arith.constant 0 : i32
      %dma_wait3A_62 = arith.constant 0 : i32
      %dma_wait3A_63 = tpu.memref_slice %arg3[%add3A, %dma_wait3A, %dma_wait3A_62] : memref<32x80x128xi32, #tpu.memory_space<hbm>> -> memref<1x80x128xi32, #tpu.memory_space<hbm>>
      %dma_wait3A_64 = tpu.memref_squeeze %dma_wait3A_63 : memref<1x80x128xi32, #tpu.memory_space<hbm>> -> memref<80x128xi32, #tpu.memory_space<hbm>>
      %dma_wait3A_65 = arith.constant 0 : i32
      %dma_wait3A_66 = arith.constant 0 : i32
      %dma_wait3A_67 = tpu.memref_slice %arg3[%add3A, %dma_wait3A_65, %dma_wait3A_66] : memref<32x80x128xi32, #tpu.memory_space<hbm>> -> memref<1x80x128xi32, #tpu.memory_space<hbm>>
      %dma_wait3A_68 = tpu.memref_squeeze %dma_wait3A_67 : memref<1x80x128xi32, #tpu.memory_space<hbm>> -> memref<80x128xi32, #tpu.memory_space<hbm>>
      tpu.wait_dma2 semaphore(%run_scoped3A : memref<!tpu.dma_semaphore, #tpu.memory_space<semaphore_mem>>) src(%dma_wait3A_68 : memref<80x128xi32, #tpu.memory_space<hbm>>) dst(%arg6 : memref<80x128xi32, #tpu.memory_space<vmem>>)
      tpu.yield
    }) : () -> ()
    %barrier3A = arith.constant 0 : index
    tpu.barrier barrier_id(%barrier3A)
    %scan3A_27 = arith.constant 0 : i32
    %scan3A_28 = arith.constant 0 : i32
    %scan3A_29 = arith.constant 40 : i32
    %scan3A_30 = arith.addi %scan3A_28, %scan3A_29 : i32
    %scan3A_31 = arith.constant 1 : i32
    %scan3A_32 = scf.for %scan3A_55 = %scan3A_28 to %scan3A_30 step %scan3A_31 iter_args(%scan3A_56 = %scan3A_27) -> (i32)  : i32 {
      %mul3A_57 = arith.constant 2 : i32
      %mul3A_58 = arith.muli %mul3A_57, %scan3A_55 : i32
      %dma_start3A = arith.constant 0 : i32
      %dma_start3A_59 = tpu.memref_slice %arg6[%mul3A_58, %dma_start3A] : memref<80x128xi32, #tpu.memory_space<vmem>> -> memref<1x128xi32, #tpu.memory_space<vmem>>
      %dma_start3A_60 = tpu.memref_squeeze %dma_start3A_59 : memref<1x128xi32, #tpu.memory_space<vmem>> -> memref<128xi32, #tpu.memory_space<vmem>>
      %dma_start3A_61 = arith.constant 0 : i32
      %dma_start3A_62 = arith.constant 0 : i32
      %dma_start3A_63 = tpu.memref_slice %arg9[%dma_start3A_61, %dma_start3A_62] : memref<10240x32xf32, #tpu.memory_space<vmem_shared>> -> memref<10240x32xf32, #tpu.memory_space<vmem_shared>>
      tpu.enqueue_indirect_dma source(%dma_start3A_63 : memref<10240x32xf32, #tpu.memory_space<vmem_shared>>) target(%arg8 : memref<128x32xf32, #tpu.memory_space<vmem>>) offsets(%dma_start3A_60 : memref<128xi32, #tpu.memory_space<vmem>>) semaphore(%arg12 : memref<!tpu.dma_semaphore, #tpu.memory_space<semaphore_mem>>)
      %add3A_64 = arith.constant 1 : i32
      %add3A_65 = arith.addi %mul3A_58, %add3A_64 : i32
      %dma_start3A_66 = arith.constant 0 : i32
      %dma_start3A_67 = tpu.memref_slice %arg6[%add3A_65, %dma_start3A_66] : memref<80x128xi32, #tpu.memory_space<vmem>> -> memref<1x128xi32, #tpu.memory_space<vmem>>
      %dma_start3A_68 = tpu.memref_squeeze %dma_start3A_67 : memref<1x128xi32, #tpu.memory_space<vmem>> -> memref<128xi32, #tpu.memory_space<vmem>>
      %dma_start3A_69 = arith.constant 0 : i32
      %dma_start3A_70 = arith.constant 0 : i32
      %dma_start3A_71 = tpu.memref_slice %arg9[%dma_start3A_69, %dma_start3A_70] : memref<10240x32xf32, #tpu.memory_space<vmem_shared>> -> memref<10240x32xf32, #tpu.memory_space<vmem_shared>>
      tpu.enqueue_indirect_dma source(%dma_start3A_71 : memref<10240x32xf32, #tpu.memory_space<vmem_shared>>) target(%arg10 : memref<128x32xf32, #tpu.memory_space<vmem>>) offsets(%dma_start3A_68 : memref<128xi32, #tpu.memory_space<vmem>>) semaphore(%arg13 : memref<!tpu.dma_semaphore, #tpu.memory_space<semaphore_mem>>)
      %dma_wait3A = arith.constant 0 : i32
      %dma_wait3A_72 = tpu.memref_slice %arg6[%mul3A_58, %dma_wait3A] : memref<80x128xi32, #tpu.memory_space<vmem>> -> memref<1x128xi32, #tpu.memory_space<vmem>>
      %dma_wait3A_73 = tpu.memref_squeeze %dma_wait3A_72 : memref<1x128xi32, #tpu.memory_space<vmem>> -> memref<128xi32, #tpu.memory_space<vmem>>
      %dma_wait3A_74 = arith.constant 0 : i32
      %dma_wait3A_75 = arith.constant 0 : i32
      %dma_wait3A_76 = tpu.memref_slice %arg9[%dma_wait3A_74, %dma_wait3A_75] : memref<10240x32xf32, #tpu.memory_space<vmem_shared>> -> memref<10240x32xf32, #tpu.memory_space<vmem_shared>>
      tpu.wait_indirect_dma semaphore(%arg12 : memref<!tpu.dma_semaphore, #tpu.memory_space<semaphore_mem>>) src(%dma_wait3A_76 : memref<10240x32xf32, #tpu.memory_space<vmem_shared>>) dst(%arg8 : memref<128x32xf32, #tpu.memory_space<vmem>>)
      "tpu.region"() ({
        %run_scoped3A = tpu.sem_alloc : memref<!tpu.dma_semaphore, #tpu.memory_space<semaphore_mem>>
        %dma_start3A_86 = arith.constant 0 : i32
        %dma_start3A_87 = tpu.memref_slice %arg7[%mul3A_58, %dma_start3A_86] : memref<80x128xi32, #tpu.memory_space<vmem>> -> memref<1x128xi32, #tpu.memory_space<vmem>>
        %dma_start3A_88 = tpu.memref_squeeze %dma_start3A_87 : memref<1x128xi32, #tpu.memory_space<vmem>> -> memref<128xi32, #tpu.memory_space<vmem>>
        %dma_start3A_89 = arith.constant 0 : i32
        %dma_start3A_90 = arith.constant 0 : i32
        %dma_start3A_91 = tpu.memref_slice %arg11[%dma_start3A_89, %dma_start3A_90] : memref<10240x32xf32, #tpu.memory_space<vmem_shared>> -> memref<10240x32xf32, #tpu.memory_space<vmem_shared>>
        tpu.enqueue_indirect_dma source(%arg8 : memref<128x32xf32, #tpu.memory_space<vmem>>) target(%dma_start3A_91 : memref<10240x32xf32, #tpu.memory_space<vmem_shared>>) offsets(%dma_start3A_88 : memref<128xi32, #tpu.memory_space<vmem>>) semaphore(%run_scoped3A : memref<!tpu.dma_semaphore, #tpu.memory_space<semaphore_mem>>) {add = true}
        %dma_wait3A_92 = arith.constant 0 : i32
        %dma_wait3A_93 = tpu.memref_slice %arg7[%mul3A_58, %dma_wait3A_92] : memref<80x128xi32, #tpu.memory_space<vmem>> -> memref<1x128xi32, #tpu.memory_space<vmem>>
        %dma_wait3A_94 = tpu.memref_squeeze %dma_wait3A_93 : memref<1x128xi32, #tpu.memory_space<vmem>> -> memref<128xi32, #tpu.memory_space<vmem>>
        %dma_wait3A_95 = arith.constant 0 : i32
        %dma_wait3A_96 = arith.constant 0 : i32
        %dma_wait3A_97 = tpu.memref_slice %arg11[%dma_wait3A_95, %dma_wait3A_96] : memref<10240x32xf32, #tpu.memory_space<vmem_shared>> -> memref<10240x32xf32, #tpu.memory_space<vmem_shared>>
        tpu.wait_indirect_dma semaphore(%run_scoped3A : memref<!tpu.dma_semaphore, #tpu.memory_space<semaphore_mem>>) src(%arg8 : memref<128x32xf32, #tpu.memory_space<vmem>>) dst(%dma_wait3A_97 : memref<10240x32xf32, #tpu.memory_space<vmem_shared>>)
        tpu.yield
      }) : () -> ()
      %dma_wait3A_77 = arith.constant 0 : i32
      %dma_wait3A_78 = tpu.memref_slice %arg6[%add3A_65, %dma_wait3A_77] : memref<80x128xi32, #tpu.memory_space<vmem>> -> memref<1x128xi32, #tpu.memory_space<vmem>>
      %dma_wait3A_79 = tpu.memref_squeeze %dma_wait3A_78 : memref<1x128xi32, #tpu.memory_space<vmem>> -> memref<128xi32, #tpu.memory_space<vmem>>
      %dma_wait3A_80 = arith.constant 0 : i32
      %dma_wait3A_81 = arith.constant 0 : i32
      %dma_wait3A_82 = tpu.memref_slice %arg9[%dma_wait3A_80, %dma_wait3A_81] : memref<10240x32xf32, #tpu.memory_space<vmem_shared>> -> memref<10240x32xf32, #tpu.memory_space<vmem_shared>>
      tpu.wait_indirect_dma semaphore(%arg13 : memref<!tpu.dma_semaphore, #tpu.memory_space<semaphore_mem>>) src(%dma_wait3A_82 : memref<10240x32xf32, #tpu.memory_space<vmem_shared>>) dst(%arg10 : memref<128x32xf32, #tpu.memory_space<vmem>>)
      %add3A_83 = arith.constant 1 : i32
      %add3A_84 = arith.addi %mul3A_58, %add3A_83 : i32
      "tpu.region"() ({
        %run_scoped3A = tpu.sem_alloc : memref<!tpu.dma_semaphore, #tpu.memory_space<semaphore_mem>>
        %dma_start3A_86 = arith.constant 0 : i32
        %dma_start3A_87 = tpu.memref_slice %arg7[%add3A_84, %dma_start3A_86] : memref<80x128xi32, #tpu.memory_space<vmem>> -> memref<1x128xi32, #tpu.memory_space<vmem>>
        %dma_start3A_88 = tpu.memref_squeeze %dma_start3A_87 : memref<1x128xi32, #tpu.memory_space<vmem>> -> memref<128xi32, #tpu.memory_space<vmem>>
        %dma_start3A_89 = arith.constant 0 : i32
        %dma_start3A_90 = arith.constant 0 : i32
        %dma_start3A_91 = tpu.memref_slice %arg11[%dma_start3A_89, %dma_start3A_90] : memref<10240x32xf32, #tpu.memory_space<vmem_shared>> -> memref<10240x32xf32, #tpu.memory_space<vmem_shared>>
        tpu.enqueue_indirect_dma source(%arg10 : memref<128x32xf32, #tpu.memory_space<vmem>>) target(%dma_start3A_91 : memref<10240x32xf32, #tpu.memory_space<vmem_shared>>) offsets(%dma_start3A_88 : memref<128xi32, #tpu.memory_space<vmem>>) semaphore(%run_scoped3A : memref<!tpu.dma_semaphore, #tpu.memory_space<semaphore_mem>>) {add = true}
        %dma_wait3A_92 = arith.constant 0 : i32
        %dma_wait3A_93 = tpu.memref_slice %arg7[%add3A_84, %dma_wait3A_92] : memref<80x128xi32, #tpu.memory_space<vmem>> -> memref<1x128xi32, #tpu.memory_space<vmem>>
        %dma_wait3A_94 = tpu.memref_squeeze %dma_wait3A_93 : memref<1x128xi32, #tpu.memory_space<vmem>> -> memref<128xi32, #tpu.memory_space<vmem>>
        %dma_wait3A_95 = arith.constant 0 : i32
        %dma_wait3A_96 = arith.constant 0 : i32
        %dma_wait3A_97 = tpu.memref_slice %arg11[%dma_wait3A_95, %dma_wait3A_96] : memref<10240x32xf32, #tpu.memory_space<vmem_shared>> -> memref<10240x32xf32, #tpu.memory_space<vmem_shared>>
        tpu.wait_indirect_dma semaphore(%run_scoped3A : memref<!tpu.dma_semaphore, #tpu.memory_space<semaphore_mem>>) src(%arg10 : memref<128x32xf32, #tpu.memory_space<vmem>>) dst(%dma_wait3A_97 : memref<10240x32xf32, #tpu.memory_space<vmem_shared>>)
        tpu.yield
      }) : () -> ()
      %scan3A_85 = arith.constant 0 : i32
      scf.yield %scan3A_85 : i32
    }
    %scan3A_33 = arith.constant 40 : i32
    %barrier3A_34 = arith.constant 0 : index
    tpu.barrier barrier_id(%barrier3A_34)
    %mul3A_35 = arith.constant 640 : i32
    %mul3A_36 = arith.muli %arg1, %mul3A_35 : i32
    %add3A_37 = arith.constant 0 : i32
    %add3A_38 = arith.addi %mul3A_36, %add3A_37 : i32
    "tpu.region"() ({
      %run_scoped3A = tpu.sem_alloc : memref<!tpu.dma_semaphore, #tpu.memory_space<semaphore_mem>>
      %dma_start3A = arith.constant 0 : i32
      %dma_start3A_55 = tpu.memref_slice %arg5[%arg0, %add3A_38, %dma_start3A] : memref<2x10240x32xf32, #tpu.memory_space<hbm>> -> memref<1x128x32xf32, #tpu.memory_space<hbm>>
      %dma_start3A_56 = tpu.memref_squeeze %dma_start3A_55 : memref<1x128x32xf32, #tpu.memory_space<hbm>> -> memref<128x32xf32, #tpu.memory_space<hbm>>
      %dma_start3A_57 = arith.constant 0 : i32
      %dma_start3A_58 = tpu.memref_slice %arg11[%add3A_38, %dma_start3A_57] : memref<10240x32xf32, #tpu.memory_space<vmem_shared>> -> memref<128x32xf32, #tpu.memory_space<vmem_shared>>
      tpu.enqueue_dma source(%dma_start3A_58 : memref<128x32xf32, #tpu.memory_space<vmem_shared>>) target(%dma_start3A_56 : memref<128x32xf32, #tpu.memory_space<hbm>>) target_semaphore(%run_scoped3A : memref<!tpu.dma_semaphore, #tpu.memory_space<semaphore_mem>>)
      %dma_wait3A = arith.constant 0 : i32
      %dma_wait3A_59 = tpu.memref_slice %arg5[%arg0, %add3A_38, %dma_wait3A] : memref<2x10240x32xf32, #tpu.memory_space<hbm>> -> memref<1x128x32xf32, #tpu.memory_space<hbm>>
      %dma_wait3A_60 = tpu.memref_squeeze %dma_wait3A_59 : memref<1x128x32xf32, #tpu.memory_space<hbm>> -> memref<128x32xf32, #tpu.memory_space<hbm>>
      %dma_wait3A_61 = arith.constant 0 : i32
      %dma_wait3A_62 = tpu.memref_slice %arg11[%add3A_38, %dma_wait3A_61] : memref<10240x32xf32, #tpu.memory_space<vmem_shared>> -> memref<128x32xf32, #tpu.memory_space<vmem_shared>>
      tpu.wait_dma2 semaphore(%run_scoped3A : memref<!tpu.dma_semaphore, #tpu.memory_space<semaphore_mem>>) src(%dma_wait3A_62 : memref<128x32xf32, #tpu.memory_space<vmem_shared>>) dst(%dma_wait3A_60 : memref<128x32xf32, #tpu.memory_space<hbm>>)
      tpu.yield
    }) : () -> ()
    %mul3A_39 = arith.constant 640 : i32
    %mul3A_40 = arith.muli %arg1, %mul3A_39 : i32
    %add3A_41 = arith.constant 128 : i32
    %add3A_42 = arith.addi %mul3A_40, %add3A_41 : i32
    "tpu.region"() ({
      %run_scoped3A = tpu.sem_alloc : memref<!tpu.dma_semaphore, #tpu.memory_space<semaphore_mem>>
      %dma_start3A = arith.constant 0 : i32
      %dma_start3A_55 = tpu.memref_slice %arg5[%arg0, %add3A_42, %dma_start3A] : memref<2x10240x32xf32, #tpu.memory_space<hbm>> -> memref<1x128x32xf32, #tpu.memory_space<hbm>>
      %dma_start3A_56 = tpu.memref_squeeze %dma_start3A_55 : memref<1x128x32xf32, #tpu.memory_space<hbm>> -> memref<128x32xf32, #tpu.memory_space<hbm>>
      %dma_start3A_57 = arith.constant 0 : i32
      %dma_start3A_58 = tpu.memref_slice %arg11[%add3A_42, %dma_start3A_57] : memref<10240x32xf32, #tpu.memory_space<vmem_shared>> -> memref<128x32xf32, #tpu.memory_space<vmem_shared>>
      tpu.enqueue_dma source(%dma_start3A_58 : memref<128x32xf32, #tpu.memory_space<vmem_shared>>) target(%dma_start3A_56 : memref<128x32xf32, #tpu.memory_space<hbm>>) target_semaphore(%run_scoped3A : memref<!tpu.dma_semaphore, #tpu.memory_space<semaphore_mem>>)
      %dma_wait3A = arith.constant 0 : i32
      %dma_wait3A_59 = tpu.memref_slice %arg5[%arg0, %add3A_42, %dma_wait3A] : memref<2x10240x32xf32, #tpu.memory_space<hbm>> -> memref<1x128x32xf32, #tpu.memory_space<hbm>>
      %dma_wait3A_60 = tpu.memref_squeeze %dma_wait3A_59 : memref<1x128x32xf32, #tpu.memory_space<hbm>> -> memref<128x32xf32, #tpu.memory_space<hbm>>
      %dma_wait3A_61 = arith.constant 0 : i32
      %dma_wait3A_62 = tpu.memref_slice %arg11[%add3A_42, %dma_wait3A_61] : memref<10240x32xf32, #tpu.memory_space<vmem_shared>> -> memref<128x32xf32, #tpu.memory_space<vmem_shared>>
      tpu.wait_dma2 semaphore(%run_scoped3A : memref<!tpu.dma_semaphore, #tpu.memory_space<semaphore_mem>>) src(%dma_wait3A_62 : memref<128x32xf32, #tpu.memory_space<vmem_shared>>) dst(%dma_wait3A_60 : memref<128x32xf32, #tpu.memory_space<hbm>>)
      tpu.yield
    }) : () -> ()
    %mul3A_43 = arith.constant 640 : i32
    %mul3A_44 = arith.muli %arg1, %mul3A_43 : i32
    %add3A_45 = arith.constant 256 : i32
    %add3A_46 = arith.addi %mul3A_44, %add3A_45 : i32
    "tpu.region"() ({
      %run_scoped3A = tpu.sem_alloc : memref<!tpu.dma_semaphore, #tpu.memory_space<semaphore_mem>>
      %dma_start3A = arith.constant 0 : i32
      %dma_start3A_55 = tpu.memref_slice %arg5[%arg0, %add3A_46, %dma_start3A] : memref<2x10240x32xf32, #tpu.memory_space<hbm>> -> memref<1x128x32xf32, #tpu.memory_space<hbm>>
      %dma_start3A_56 = tpu.memref_squeeze %dma_start3A_55 : memref<1x128x32xf32, #tpu.memory_space<hbm>> -> memref<128x32xf32, #tpu.memory_space<hbm>>
      %dma_start3A_57 = arith.constant 0 : i32
      %dma_start3A_58 = tpu.memref_slice %arg11[%add3A_46, %dma_start3A_57] : memref<10240x32xf32, #tpu.memory_space<vmem_shared>> -> memref<128x32xf32, #tpu.memory_space<vmem_shared>>
      tpu.enqueue_dma source(%dma_start3A_58 : memref<128x32xf32, #tpu.memory_space<vmem_shared>>) target(%dma_start3A_56 : memref<128x32xf32, #tpu.memory_space<hbm>>) target_semaphore(%run_scoped3A : memref<!tpu.dma_semaphore, #tpu.memory_space<semaphore_mem>>)
      %dma_wait3A = arith.constant 0 : i32
      %dma_wait3A_59 = tpu.memref_slice %arg5[%arg0, %add3A_46, %dma_wait3A] : memref<2x10240x32xf32, #tpu.memory_space<hbm>> -> memref<1x128x32xf32, #tpu.memory_space<hbm>>
      %dma_wait3A_60 = tpu.memref_squeeze %dma_wait3A_59 : memref<1x128x32xf32, #tpu.memory_space<hbm>> -> memref<128x32xf32, #tpu.memory_space<hbm>>
      %dma_wait3A_61 = arith.constant 0 : i32
      %dma_wait3A_62 = tpu.memref_slice %arg11[%add3A_46, %dma_wait3A_61] : memref<10240x32xf32, #tpu.memory_space<vmem_shared>> -> memref<128x32xf32, #tpu.memory_space<vmem_shared>>
      tpu.wait_dma2 semaphore(%run_scoped3A : memref<!tpu.dma_semaphore, #tpu.memory_space<semaphore_mem>>) src(%dma_wait3A_62 : memref<128x32xf32, #tpu.memory_space<vmem_shared>>) dst(%dma_wait3A_60 : memref<128x32xf32, #tpu.memory_space<hbm>>)
      tpu.yield
    }) : () -> ()
    %mul3A_47 = arith.constant 640 : i32
    %mul3A_48 = arith.muli %arg1, %mul3A_47 : i32
    %add3A_49 = arith.constant 384 : i32
    %add3A_50 = arith.addi %mul3A_48, %add3A_49 : i32
    "tpu.region"() ({
      %run_scoped3A = tpu.sem_alloc : memref<!tpu.dma_semaphore, #tpu.memory_space<semaphore_mem>>
      %dma_start3A = arith.constant 0 : i32
      %dma_start3A_55 = tpu.memref_slice %arg5[%arg0, %add3A_50, %dma_start3A] : memref<2x10240x32xf32, #tpu.memory_space<hbm>> -> memref<1x128x32xf32, #tpu.memory_space<hbm>>
      %dma_start3A_56 = tpu.memref_squeeze %dma_start3A_55 : memref<1x128x32xf32, #tpu.memory_space<hbm>> -> memref<128x32xf32, #tpu.memory_space<hbm>>
      %dma_start3A_57 = arith.constant 0 : i32
      %dma_start3A_58 = tpu.memref_slice %arg11[%add3A_50, %dma_start3A_57] : memref<10240x32xf32, #tpu.memory_space<vmem_shared>> -> memref<128x32xf32, #tpu.memory_space<vmem_shared>>
      tpu.enqueue_dma source(%dma_start3A_58 : memref<128x32xf32, #tpu.memory_space<vmem_shared>>) target(%dma_start3A_56 : memref<128x32xf32, #tpu.memory_space<hbm>>) target_semaphore(%run_scoped3A : memref<!tpu.dma_semaphore, #tpu.memory_space<semaphore_mem>>)
      %dma_wait3A = arith.constant 0 : i32
      %dma_wait3A_59 = tpu.memref_slice %arg5[%arg0, %add3A_50, %dma_wait3A] : memref<2x10240x32xf32, #tpu.memory_space<hbm>> -> memref<1x128x32xf32, #tpu.memory_space<hbm>>
      %dma_wait3A_60 = tpu.memref_squeeze %dma_wait3A_59 : memref<1x128x32xf32, #tpu.memory_space<hbm>> -> memref<128x32xf32, #tpu.memory_space<hbm>>
      %dma_wait3A_61 = arith.constant 0 : i32
      %dma_wait3A_62 = tpu.memref_slice %arg11[%add3A_50, %dma_wait3A_61] : memref<10240x32xf32, #tpu.memory_space<vmem_shared>> -> memref<128x32xf32, #tpu.memory_space<vmem_shared>>
      tpu.wait_dma2 semaphore(%run_scoped3A : memref<!tpu.dma_semaphore, #tpu.memory_space<semaphore_mem>>) src(%dma_wait3A_62 : memref<128x32xf32, #tpu.memory_space<vmem_shared>>) dst(%dma_wait3A_60 : memref<128x32xf32, #tpu.memory_space<hbm>>)
      tpu.yield
    }) : () -> ()
    %mul3A_51 = arith.constant 640 : i32
    %mul3A_52 = arith.muli %arg1, %mul3A_51 : i32
    %add3A_53 = arith.constant 512 : i32
    %add3A_54 = arith.addi %mul3A_52, %add3A_53 : i32
    "tpu.region"() ({
      %run_scoped3A = tpu.sem_alloc : memref<!tpu.dma_semaphore, #tpu.memory_space<semaphore_mem>>
      %dma_start3A = arith.constant 0 : i32
      %dma_start3A_55 = tpu.memref_slice %arg5[%arg0, %add3A_54, %dma_start3A] : memref<2x10240x32xf32, #tpu.memory_space<hbm>> -> memref<1x128x32xf32, #tpu.memory_space<hbm>>
      %dma_start3A_56 = tpu.memref_squeeze %dma_start3A_55 : memref<1x128x32xf32, #tpu.memory_space<hbm>> -> memref<128x32xf32, #tpu.memory_space<hbm>>
      %dma_start3A_57 = arith.constant 0 : i32
      %dma_start3A_58 = tpu.memref_slice %arg11[%add3A_54, %dma_start3A_57] : memref<10240x32xf32, #tpu.memory_space<vmem_shared>> -> memref<128x32xf32, #tpu.memory_space<vmem_shared>>
      tpu.enqueue_dma source(%dma_start3A_58 : memref<128x32xf32, #tpu.memory_space<vmem_shared>>) target(%dma_start3A_56 : memref<128x32xf32, #tpu.memory_space<hbm>>) target_semaphore(%run_scoped3A : memref<!tpu.dma_semaphore, #tpu.memory_space<semaphore_mem>>)
      %dma_wait3A = arith.constant 0 : i32
      %dma_wait3A_59 = tpu.memref_slice %arg5[%arg0, %add3A_54, %dma_wait3A] : memref<2x10240x32xf32, #tpu.memory_space<hbm>> -> memref<1x128x32xf32, #tpu.memory_space<hbm>>
      %dma_wait3A_60 = tpu.memref_squeeze %dma_wait3A_59 : memref<1x128x32xf32, #tpu.memory_space<hbm>> -> memref<128x32xf32, #tpu.memory_space<hbm>>
      %dma_wait3A_61 = arith.constant 0 : i32
      %dma_wait3A_62 = tpu.memref_slice %arg11[%add3A_54, %dma_wait3A_61] : memref<10240x32xf32, #tpu.memory_space<vmem_shared>> -> memref<128x32xf32, #tpu.memory_space<vmem_shared>>
      tpu.wait_dma2 semaphore(%run_scoped3A : memref<!tpu.dma_semaphore, #tpu.memory_space<semaphore_mem>>) src(%dma_wait3A_62 : memref<128x32xf32, #tpu.memory_space<vmem_shared>>) dst(%dma_wait3A_60 : memref<128x32xf32, #tpu.memory_space<hbm>>)
      tpu.yield
    }) : () -> ()
    return
  }
}

#map = affine_map<(d0, d1) -> (0, 0)>
#map1 = affine_map<(d0, d1) -> (0, 0, 0)>
module attributes {stable_mosaic.version = 14 : i64} {
  func.func @body(%arg0: i32, %arg1: i32, %arg2: memref<10240x64xf32, #tpu.memory_space<hbm>>, %arg3: memref<32x80x128xi32, #tpu.memory_space<hbm>>, %arg4: memref<32x80x128xi32, #tpu.memory_space<hbm>>, %arg5: memref<2x10240x64xf32, #tpu.memory_space<hbm>>, %arg6: memref<80x128xi32, #tpu.memory_space<vmem>>, %arg7: memref<80x128xi32, #tpu.memory_space<vmem>>, %arg8: memref<128x64xf32, #tpu.memory_space<vmem>>, %arg9: memref<10240x64xf32, #tpu.memory_space<vmem_shared>>, %arg10: memref<128x64xf32, #tpu.memory_space<vmem>>, %arg11: memref<10240x64xf32, #tpu.memory_space<vmem_shared>>, %arg12: memref<!tpu.dma_semaphore, #tpu.memory_space<semaphore_mem>>, %arg13: memref<!tpu.dma_semaphore, #tpu.memory_space<semaphore_mem>>) attributes {dimension_semantics = [#tpu.dimension_semantics<core_parallel>, #tpu.dimension_semantics<subcore_parallel>], iteration_bounds = array<i64: 2, 16>, scalar_prefetch = 0 : i64, scratch_operands = 8 : i64, tpu.core_type = #tpu.core_type<sc_vector_subcore>, window_params = [{transform_indices = #map}, {transform_indices = #map1}, {transform_indices = #map1}, {transform_indices = #map1}]} {
    %mul3A = arith.constant 16 : i32
    %mul3A_0 = arith.muli %arg0, %mul3A : i32
    %add3A = arith.addi %mul3A_0, %arg1 : i32
    %scan3A = arith.constant 0 : i32
    %scan3A_1 = arith.constant 0 : i32
    %scan3A_2 = arith.constant 128 : i32
    %scan3A_3 = arith.addi %scan3A_1, %scan3A_2 : i32
    %scan3A_4 = arith.constant 1 : i32
    %scan3A_5 = scf.for %scan3A_55 = %scan3A_1 to %scan3A_3 step %scan3A_4 iter_args(%scan3A_56 = %scan3A) -> (i32)  : i32 {
      %broadcast_in_dim3A = arith.constant 0.000000e+00 : f32
      %broadcast_in_dim3A_57 = vector.broadcast %broadcast_in_dim3A : f32 to vector<16xf32>
      %swap3A = arith.index_cast %scan3A_55 : i32 to index
      %swap3A_58 = arith.constant 0 : index
      %swap3A_59 = tpu.vector_load %arg10[%swap3A, %swap3A_58] {strides = array<i32>} : memref<128x64xf32, #tpu.memory_space<vmem>>, vector<1x16xf32>,
      %swap3A_60 = vector.shape_cast %swap3A_59 : vector<1x16xf32> to vector<16xf32>
      %swap3A_61 = vector.shape_cast %broadcast_in_dim3A_57 : vector<16xf32> to vector<1x16xf32>
      tpu.vector_store %arg10[%swap3A, %swap3A_58], %swap3A_61 {strides = array<i32>} : memref<128x64xf32, #tpu.memory_space<vmem>>, vector<1x16xf32>,
      %broadcast_in_dim3A_62 = arith.constant 0.000000e+00 : f32
      %broadcast_in_dim3A_63 = vector.broadcast %broadcast_in_dim3A_62 : f32 to vector<16xf32>
      %swap3A_64 = arith.index_cast %scan3A_55 : i32 to index
      %swap3A_65 = arith.constant 16 : index
      %swap3A_66 = tpu.vector_load %arg10[%swap3A_64, %swap3A_65] {strides = array<i32>} : memref<128x64xf32, #tpu.memory_space<vmem>>, vector<1x16xf32>,
      %swap3A_67 = vector.shape_cast %swap3A_66 : vector<1x16xf32> to vector<16xf32>
      %swap3A_68 = vector.shape_cast %broadcast_in_dim3A_63 : vector<16xf32> to vector<1x16xf32>
      tpu.vector_store %arg10[%swap3A_64, %swap3A_65], %swap3A_68 {strides = array<i32>} : memref<128x64xf32, #tpu.memory_space<vmem>>, vector<1x16xf32>,
      %broadcast_in_dim3A_69 = arith.constant 0.000000e+00 : f32
      %broadcast_in_dim3A_70 = vector.broadcast %broadcast_in_dim3A_69 : f32 to vector<16xf32>
      %swap3A_71 = arith.index_cast %scan3A_55 : i32 to index
      %swap3A_72 = arith.constant 32 : index
      %swap3A_73 = tpu.vector_load %arg10[%swap3A_71, %swap3A_72] {strides = array<i32>} : memref<128x64xf32, #tpu.memory_space<vmem>>, vector<1x16xf32>,
      %swap3A_74 = vector.shape_cast %swap3A_73 : vector<1x16xf32> to vector<16xf32>
      %swap3A_75 = vector.shape_cast %broadcast_in_dim3A_70 : vector<16xf32> to vector<1x16xf32>
      tpu.vector_store %arg10[%swap3A_71, %swap3A_72], %swap3A_75 {strides = array<i32>} : memref<128x64xf32, #tpu.memory_space<vmem>>, vector<1x16xf32>,
      %broadcast_in_dim3A_76 = arith.constant 0.000000e+00 : f32
      %broadcast_in_dim3A_77 = vector.broadcast %broadcast_in_dim3A_76 : f32 to vector<16xf32>
      %swap3A_78 = arith.index_cast %scan3A_55 : i32 to index
      %swap3A_79 = arith.constant 48 : index
      %swap3A_80 = tpu.vector_load %arg10[%swap3A_78, %swap3A_79] {strides = array<i32>} : memref<128x64xf32, #tpu.memory_space<vmem>>, vector<1x16xf32>,
      %swap3A_81 = vector.shape_cast %swap3A_80 : vector<1x16xf32> to vector<16xf32>
      %swap3A_82 = vector.shape_cast %broadcast_in_dim3A_77 : vector<16xf32> to vector<1x16xf32>
      tpu.vector_store %arg10[%swap3A_78, %swap3A_79], %swap3A_82 {strides = array<i32>} : memref<128x64xf32, #tpu.memory_space<vmem>>, vector<1x16xf32>,
      %scan3A_83 = arith.constant 0 : i32
      scf.yield %scan3A_83 : i32
    }
    %scan3A_6 = arith.constant 128 : i32
    %mul3A_7 = arith.constant 640 : i32
    %mul3A_8 = arith.muli %arg1, %mul3A_7 : i32
    %add3A_9 = arith.constant 0 : i32
    %add3A_10 = arith.addi %mul3A_8, %add3A_9 : i32
    "tpu.region"() ({
      %run_scoped3A = tpu.sem_alloc : memref<!tpu.dma_semaphore, #tpu.memory_space<semaphore_mem>>
      %dma_start3A = arith.constant 0 : i32
      %dma_start3A_55 = tpu.memref_slice %arg11[%add3A_10, %dma_start3A] : memref<10240x64xf32, #tpu.memory_space<vmem_shared>> -> memref<128x64xf32, #tpu.memory_space<vmem_shared>>
      %dma_start3A_56 = arith.constant 0 : i32
      %dma_start3A_57 = tpu.memref_slice %arg11[%add3A_10, %dma_start3A_56] : memref<10240x64xf32, #tpu.memory_space<vmem_shared>> -> memref<128x64xf32, #tpu.memory_space<vmem_shared>>
      tpu.enqueue_dma source(%arg10 : memref<128x64xf32, #tpu.memory_space<vmem>>) target(%dma_start3A_57 : memref<128x64xf32, #tpu.memory_space<vmem_shared>>) target_semaphore(%run_scoped3A : memref<!tpu.dma_semaphore, #tpu.memory_space<semaphore_mem>>)
      %dma_wait3A = arith.constant 0 : i32
      %dma_wait3A_58 = tpu.memref_slice %arg11[%add3A_10, %dma_wait3A] : memref<10240x64xf32, #tpu.memory_space<vmem_shared>> -> memref<128x64xf32, #tpu.memory_space<vmem_shared>>
      %dma_wait3A_59 = arith.constant 0 : i32
      %dma_wait3A_60 = tpu.memref_slice %arg11[%add3A_10, %dma_wait3A_59] : memref<10240x64xf32, #tpu.memory_space<vmem_shared>> -> memref<128x64xf32, #tpu.memory_space<vmem_shared>>
      tpu.wait_dma2 semaphore(%run_scoped3A : memref<!tpu.dma_semaphore, #tpu.memory_space<semaphore_mem>>) src(%arg10 : memref<128x64xf32, #tpu.memory_space<vmem>>) dst(%dma_wait3A_60 : memref<128x64xf32, #tpu.memory_space<vmem_shared>>)
      tpu.yield
    }) : () -> ()
    "tpu.region"() ({
      %run_scoped3A = tpu.sem_alloc : memref<!tpu.dma_semaphore, #tpu.memory_space<semaphore_mem>>
      %dma_start3A = arith.constant 0 : i32
      %dma_start3A_55 = tpu.memref_slice %arg9[%add3A_10, %dma_start3A] : memref<10240x64xf32, #tpu.memory_space<vmem_shared>> -> memref<128x64xf32, #tpu.memory_space<vmem_shared>>
      %dma_start3A_56 = arith.constant 0 : i32
      %dma_start3A_57 = tpu.memref_slice %arg2[%add3A_10, %dma_start3A_56] : memref<10240x64xf32, #tpu.memory_space<hbm>> -> memref<128x64xf32, #tpu.memory_space<hbm>>
      tpu.enqueue_dma source(%dma_start3A_57 : memref<128x64xf32, #tpu.memory_space<hbm>>) target(%dma_start3A_55 : memref<128x64xf32, #tpu.memory_space<vmem_shared>>) target_semaphore(%run_scoped3A : memref<!tpu.dma_semaphore, #tpu.memory_space<semaphore_mem>>)
      %dma_wait3A = arith.constant 0 : i32
      %dma_wait3A_58 = tpu.memref_slice %arg9[%add3A_10, %dma_wait3A] : memref<10240x64xf32, #tpu.memory_space<vmem_shared>> -> memref<128x64xf32, #tpu.memory_space<vmem_shared>>
      %dma_wait3A_59 = arith.constant 0 : i32
      %dma_wait3A_60 = tpu.memref_slice %arg2[%add3A_10, %dma_wait3A_59] : memref<10240x64xf32, #tpu.memory_space<hbm>> -> memref<128x64xf32, #tpu.memory_space<hbm>>
      tpu.wait_dma2 semaphore(%run_scoped3A : memref<!tpu.dma_semaphore, #tpu.memory_space<semaphore_mem>>) src(%dma_wait3A_60 : memref<128x64xf32, #tpu.memory_space<hbm>>) dst(%dma_wait3A_58 : memref<128x64xf32, #tpu.memory_space<vmem_shared>>)
      tpu.yield
    }) : () -> ()
    %mul3A_11 = arith.constant 640 : i32
    %mul3A_12 = arith.muli %arg1, %mul3A_11 : i32
    %add3A_13 = arith.constant 128 : i32
    %add3A_14 = arith.addi %mul3A_12, %add3A_13 : i32
    "tpu.region"() ({
      %run_scoped3A = tpu.sem_alloc : memref<!tpu.dma_semaphore, #tpu.memory_space<semaphore_mem>>
      %dma_start3A = arith.constant 0 : i32
      %dma_start3A_55 = tpu.memref_slice %arg11[%add3A_14, %dma_start3A] : memref<10240x64xf32, #tpu.memory_space<vmem_shared>> -> memref<128x64xf32, #tpu.memory_space<vmem_shared>>
      %dma_start3A_56 = arith.constant 0 : i32
      %dma_start3A_57 = tpu.memref_slice %arg11[%add3A_14, %dma_start3A_56] : memref<10240x64xf32, #tpu.memory_space<vmem_shared>> -> memref<128x64xf32, #tpu.memory_space<vmem_shared>>
      tpu.enqueue_dma source(%arg10 : memref<128x64xf32, #tpu.memory_space<vmem>>) target(%dma_start3A_57 : memref<128x64xf32, #tpu.memory_space<vmem_shared>>) target_semaphore(%run_scoped3A : memref<!tpu.dma_semaphore, #tpu.memory_space<semaphore_mem>>)
      %dma_wait3A = arith.constant 0 : i32
      %dma_wait3A_58 = tpu.memref_slice %arg11[%add3A_14, %dma_wait3A] : memref<10240x64xf32, #tpu.memory_space<vmem_shared>> -> memref<128x64xf32, #tpu.memory_space<vmem_shared>>
      %dma_wait3A_59 = arith.constant 0 : i32
      %dma_wait3A_60 = tpu.memref_slice %arg11[%add3A_14, %dma_wait3A_59] : memref<10240x64xf32, #tpu.memory_space<vmem_shared>> -> memref<128x64xf32, #tpu.memory_space<vmem_shared>>
      tpu.wait_dma2 semaphore(%run_scoped3A : memref<!tpu.dma_semaphore, #tpu.memory_space<semaphore_mem>>) src(%arg10 : memref<128x64xf32, #tpu.memory_space<vmem>>) dst(%dma_wait3A_60 : memref<128x64xf32, #tpu.memory_space<vmem_shared>>)
      tpu.yield
    }) : () -> ()
    "tpu.region"() ({
      %run_scoped3A = tpu.sem_alloc : memref<!tpu.dma_semaphore, #tpu.memory_space<semaphore_mem>>
      %dma_start3A = arith.constant 0 : i32
      %dma_start3A_55 = tpu.memref_slice %arg9[%add3A_14, %dma_start3A] : memref<10240x64xf32, #tpu.memory_space<vmem_shared>> -> memref<128x64xf32, #tpu.memory_space<vmem_shared>>
      %dma_start3A_56 = arith.constant 0 : i32
      %dma_start3A_57 = tpu.memref_slice %arg2[%add3A_14, %dma_start3A_56] : memref<10240x64xf32, #tpu.memory_space<hbm>> -> memref<128x64xf32, #tpu.memory_space<hbm>>
      tpu.enqueue_dma source(%dma_start3A_57 : memref<128x64xf32, #tpu.memory_space<hbm>>) target(%dma_start3A_55 : memref<128x64xf32, #tpu.memory_space<vmem_shared>>) target_semaphore(%run_scoped3A : memref<!tpu.dma_semaphore, #tpu.memory_space<semaphore_mem>>)
      %dma_wait3A = arith.constant 0 : i32
      %dma_wait3A_58 = tpu.memref_slice %arg9[%add3A_14, %dma_wait3A] : memref<10240x64xf32, #tpu.memory_space<vmem_shared>> -> memref<128x64xf32, #tpu.memory_space<vmem_shared>>
      %dma_wait3A_59 = arith.constant 0 : i32
      %dma_wait3A_60 = tpu.memref_slice %arg2[%add3A_14, %dma_wait3A_59] : memref<10240x64xf32, #tpu.memory_space<hbm>> -> memref<128x64xf32, #tpu.memory_space<hbm>>
      tpu.wait_dma2 semaphore(%run_scoped3A : memref<!tpu.dma_semaphore, #tpu.memory_space<semaphore_mem>>) src(%dma_wait3A_60 : memref<128x64xf32, #tpu.memory_space<hbm>>) dst(%dma_wait3A_58 : memref<128x64xf32, #tpu.memory_space<vmem_shared>>)
      tpu.yield
    }) : () -> ()
    %mul3A_15 = arith.constant 640 : i32
    %mul3A_16 = arith.muli %arg1, %mul3A_15 : i32
    %add3A_17 = arith.constant 256 : i32
    %add3A_18 = arith.addi %mul3A_16, %add3A_17 : i32
    "tpu.region"() ({
      %run_scoped3A = tpu.sem_alloc : memref<!tpu.dma_semaphore, #tpu.memory_space<semaphore_mem>>
      %dma_start3A = arith.constant 0 : i32
      %dma_start3A_55 = tpu.memref_slice %arg11[%add3A_18, %dma_start3A] : memref<10240x64xf32, #tpu.memory_space<vmem_shared>> -> memref<128x64xf32, #tpu.memory_space<vmem_shared>>
      %dma_start3A_56 = arith.constant 0 : i32
      %dma_start3A_57 = tpu.memref_slice %arg11[%add3A_18, %dma_start3A_56] : memref<10240x64xf32, #tpu.memory_space<vmem_shared>> -> memref<128x64xf32, #tpu.memory_space<vmem_shared>>
      tpu.enqueue_dma source(%arg10 : memref<128x64xf32, #tpu.memory_space<vmem>>) target(%dma_start3A_57 : memref<128x64xf32, #tpu.memory_space<vmem_shared>>) target_semaphore(%run_scoped3A : memref<!tpu.dma_semaphore, #tpu.memory_space<semaphore_mem>>)
      %dma_wait3A = arith.constant 0 : i32
      %dma_wait3A_58 = tpu.memref_slice %arg11[%add3A_18, %dma_wait3A] : memref<10240x64xf32, #tpu.memory_space<vmem_shared>> -> memref<128x64xf32, #tpu.memory_space<vmem_shared>>
      %dma_wait3A_59 = arith.constant 0 : i32
      %dma_wait3A_60 = tpu.memref_slice %arg11[%add3A_18, %dma_wait3A_59] : memref<10240x64xf32, #tpu.memory_space<vmem_shared>> -> memref<128x64xf32, #tpu.memory_space<vmem_shared>>
      tpu.wait_dma2 semaphore(%run_scoped3A : memref<!tpu.dma_semaphore, #tpu.memory_space<semaphore_mem>>) src(%arg10 : memref<128x64xf32, #tpu.memory_space<vmem>>) dst(%dma_wait3A_60 : memref<128x64xf32, #tpu.memory_space<vmem_shared>>)
      tpu.yield
    }) : () -> ()
    "tpu.region"() ({
      %run_scoped3A = tpu.sem_alloc : memref<!tpu.dma_semaphore, #tpu.memory_space<semaphore_mem>>
      %dma_start3A = arith.constant 0 : i32
      %dma_start3A_55 = tpu.memref_slice %arg9[%add3A_18, %dma_start3A] : memref<10240x64xf32, #tpu.memory_space<vmem_shared>> -> memref<128x64xf32, #tpu.memory_space<vmem_shared>>
      %dma_start3A_56 = arith.constant 0 : i32
      %dma_start3A_57 = tpu.memref_slice %arg2[%add3A_18, %dma_start3A_56] : memref<10240x64xf32, #tpu.memory_space<hbm>> -> memref<128x64xf32, #tpu.memory_space<hbm>>
      tpu.enqueue_dma source(%dma_start3A_57 : memref<128x64xf32, #tpu.memory_space<hbm>>) target(%dma_start3A_55 : memref<128x64xf32, #tpu.memory_space<vmem_shared>>) target_semaphore(%run_scoped3A : memref<!tpu.dma_semaphore, #tpu.memory_space<semaphore_mem>>)
      %dma_wait3A = arith.constant 0 : i32
      %dma_wait3A_58 = tpu.memref_slice %arg9[%add3A_18, %dma_wait3A] : memref<10240x64xf32, #tpu.memory_space<vmem_shared>> -> memref<128x64xf32, #tpu.memory_space<vmem_shared>>
      %dma_wait3A_59 = arith.constant 0 : i32
      %dma_wait3A_60 = tpu.memref_slice %arg2[%add3A_18, %dma_wait3A_59] : memref<10240x64xf32, #tpu.memory_space<hbm>> -> memref<128x64xf32, #tpu.memory_space<hbm>>
      tpu.wait_dma2 semaphore(%run_scoped3A : memref<!tpu.dma_semaphore, #tpu.memory_space<semaphore_mem>>) src(%dma_wait3A_60 : memref<128x64xf32, #tpu.memory_space<hbm>>) dst(%dma_wait3A_58 : memref<128x64xf32, #tpu.memory_space<vmem_shared>>)
      tpu.yield
    }) : () -> ()
    %mul3A_19 = arith.constant 640 : i32
    %mul3A_20 = arith.muli %arg1, %mul3A_19 : i32
    %add3A_21 = arith.constant 384 : i32
    %add3A_22 = arith.addi %mul3A_20, %add3A_21 : i32
    "tpu.region"() ({
      %run_scoped3A = tpu.sem_alloc : memref<!tpu.dma_semaphore, #tpu.memory_space<semaphore_mem>>
      %dma_start3A = arith.constant 0 : i32
      %dma_start3A_55 = tpu.memref_slice %arg11[%add3A_22, %dma_start3A] : memref<10240x64xf32, #tpu.memory_space<vmem_shared>> -> memref<128x64xf32, #tpu.memory_space<vmem_shared>>
      %dma_start3A_56 = arith.constant 0 : i32
      %dma_start3A_57 = tpu.memref_slice %arg11[%add3A_22, %dma_start3A_56] : memref<10240x64xf32, #tpu.memory_space<vmem_shared>> -> memref<128x64xf32, #tpu.memory_space<vmem_shared>>
      tpu.enqueue_dma source(%arg10 : memref<128x64xf32, #tpu.memory_space<vmem>>) target(%dma_start3A_57 : memref<128x64xf32, #tpu.memory_space<vmem_shared>>) target_semaphore(%run_scoped3A : memref<!tpu.dma_semaphore, #tpu.memory_space<semaphore_mem>>)
      %dma_wait3A = arith.constant 0 : i32
      %dma_wait3A_58 = tpu.memref_slice %arg11[%add3A_22, %dma_wait3A] : memref<10240x64xf32, #tpu.memory_space<vmem_shared>> -> memref<128x64xf32, #tpu.memory_space<vmem_shared>>
      %dma_wait3A_59 = arith.constant 0 : i32
      %dma_wait3A_60 = tpu.memref_slice %arg11[%add3A_22, %dma_wait3A_59] : memref<10240x64xf32, #tpu.memory_space<vmem_shared>> -> memref<128x64xf32, #tpu.memory_space<vmem_shared>>
      tpu.wait_dma2 semaphore(%run_scoped3A : memref<!tpu.dma_semaphore, #tpu.memory_space<semaphore_mem>>) src(%arg10 : memref<128x64xf32, #tpu.memory_space<vmem>>) dst(%dma_wait3A_60 : memref<128x64xf32, #tpu.memory_space<vmem_shared>>)
      tpu.yield
    }) : () -> ()
    "tpu.region"() ({
      %run_scoped3A = tpu.sem_alloc : memref<!tpu.dma_semaphore, #tpu.memory_space<semaphore_mem>>
      %dma_start3A = arith.constant 0 : i32
      %dma_start3A_55 = tpu.memref_slice %arg9[%add3A_22, %dma_start3A] : memref<10240x64xf32, #tpu.memory_space<vmem_shared>> -> memref<128x64xf32, #tpu.memory_space<vmem_shared>>
      %dma_start3A_56 = arith.constant 0 : i32
      %dma_start3A_57 = tpu.memref_slice %arg2[%add3A_22, %dma_start3A_56] : memref<10240x64xf32, #tpu.memory_space<hbm>> -> memref<128x64xf32, #tpu.memory_space<hbm>>
      tpu.enqueue_dma source(%dma_start3A_57 : memref<128x64xf32, #tpu.memory_space<hbm>>) target(%dma_start3A_55 : memref<128x64xf32, #tpu.memory_space<vmem_shared>>) target_semaphore(%run_scoped3A : memref<!tpu.dma_semaphore, #tpu.memory_space<semaphore_mem>>)
      %dma_wait3A = arith.constant 0 : i32
      %dma_wait3A_58 = tpu.memref_slice %arg9[%add3A_22, %dma_wait3A] : memref<10240x64xf32, #tpu.memory_space<vmem_shared>> -> memref<128x64xf32, #tpu.memory_space<vmem_shared>>
      %dma_wait3A_59 = arith.constant 0 : i32
      %dma_wait3A_60 = tpu.memref_slice %arg2[%add3A_22, %dma_wait3A_59] : memref<10240x64xf32, #tpu.memory_space<hbm>> -> memref<128x64xf32, #tpu.memory_space<hbm>>
      tpu.wait_dma2 semaphore(%run_scoped3A : memref<!tpu.dma_semaphore, #tpu.memory_space<semaphore_mem>>) src(%dma_wait3A_60 : memref<128x64xf32, #tpu.memory_space<hbm>>) dst(%dma_wait3A_58 : memref<128x64xf32, #tpu.memory_space<vmem_shared>>)
      tpu.yield
    }) : () -> ()
    %mul3A_23 = arith.constant 640 : i32
    %mul3A_24 = arith.muli %arg1, %mul3A_23 : i32
    %add3A_25 = arith.constant 512 : i32
    %add3A_26 = arith.addi %mul3A_24, %add3A_25 : i32
    "tpu.region"() ({
      %run_scoped3A = tpu.sem_alloc : memref<!tpu.dma_semaphore, #tpu.memory_space<semaphore_mem>>
      %dma_start3A = arith.constant 0 : i32
      %dma_start3A_55 = tpu.memref_slice %arg11[%add3A_26, %dma_start3A] : memref<10240x64xf32, #tpu.memory_space<vmem_shared>> -> memref<128x64xf32, #tpu.memory_space<vmem_shared>>
      %dma_start3A_56 = arith.constant 0 : i32
      %dma_start3A_57 = tpu.memref_slice %arg11[%add3A_26, %dma_start3A_56] : memref<10240x64xf32, #tpu.memory_space<vmem_shared>> -> memref<128x64xf32, #tpu.memory_space<vmem_shared>>
      tpu.enqueue_dma source(%arg10 : memref<128x64xf32, #tpu.memory_space<vmem>>) target(%dma_start3A_57 : memref<128x64xf32, #tpu.memory_space<vmem_shared>>) target_semaphore(%run_scoped3A : memref<!tpu.dma_semaphore, #tpu.memory_space<semaphore_mem>>)
      %dma_wait3A = arith.constant 0 : i32
      %dma_wait3A_58 = tpu.memref_slice %arg11[%add3A_26, %dma_wait3A] : memref<10240x64xf32, #tpu.memory_space<vmem_shared>> -> memref<128x64xf32, #tpu.memory_space<vmem_shared>>
      %dma_wait3A_59 = arith.constant 0 : i32
      %dma_wait3A_60 = tpu.memref_slice %arg11[%add3A_26, %dma_wait3A_59] : memref<10240x64xf32, #tpu.memory_space<vmem_shared>> -> memref<128x64xf32, #tpu.memory_space<vmem_shared>>
      tpu.wait_dma2 semaphore(%run_scoped3A : memref<!tpu.dma_semaphore, #tpu.memory_space<semaphore_mem>>) src(%arg10 : memref<128x64xf32, #tpu.memory_space<vmem>>) dst(%dma_wait3A_60 : memref<128x64xf32, #tpu.memory_space<vmem_shared>>)
      tpu.yield
    }) : () -> ()
    "tpu.region"() ({
      %run_scoped3A = tpu.sem_alloc : memref<!tpu.dma_semaphore, #tpu.memory_space<semaphore_mem>>
      %dma_start3A = arith.constant 0 : i32
      %dma_start3A_55 = tpu.memref_slice %arg9[%add3A_26, %dma_start3A] : memref<10240x64xf32, #tpu.memory_space<vmem_shared>> -> memref<128x64xf32, #tpu.memory_space<vmem_shared>>
      %dma_start3A_56 = arith.constant 0 : i32
      %dma_start3A_57 = tpu.memref_slice %arg2[%add3A_26, %dma_start3A_56] : memref<10240x64xf32, #tpu.memory_space<hbm>> -> memref<128x64xf32, #tpu.memory_space<hbm>>
      tpu.enqueue_dma source(%dma_start3A_57 : memref<128x64xf32, #tpu.memory_space<hbm>>) target(%dma_start3A_55 : memref<128x64xf32, #tpu.memory_space<vmem_shared>>) target_semaphore(%run_scoped3A : memref<!tpu.dma_semaphore, #tpu.memory_space<semaphore_mem>>)
      %dma_wait3A = arith.constant 0 : i32
      %dma_wait3A_58 = tpu.memref_slice %arg9[%add3A_26, %dma_wait3A] : memref<10240x64xf32, #tpu.memory_space<vmem_shared>> -> memref<128x64xf32, #tpu.memory_space<vmem_shared>>
      %dma_wait3A_59 = arith.constant 0 : i32
      %dma_wait3A_60 = tpu.memref_slice %arg2[%add3A_26, %dma_wait3A_59] : memref<10240x64xf32, #tpu.memory_space<hbm>> -> memref<128x64xf32, #tpu.memory_space<hbm>>
      tpu.wait_dma2 semaphore(%run_scoped3A : memref<!tpu.dma_semaphore, #tpu.memory_space<semaphore_mem>>) src(%dma_wait3A_60 : memref<128x64xf32, #tpu.memory_space<hbm>>) dst(%dma_wait3A_58 : memref<128x64xf32, #tpu.memory_space<vmem_shared>>)
      tpu.yield
    }) : () -> ()
    "tpu.region"() ({
      %run_scoped3A = tpu.sem_alloc : memref<!tpu.dma_semaphore, #tpu.memory_space<semaphore_mem>>
      %dma_start3A = arith.constant 0 : i32
      %dma_start3A_55 = arith.constant 0 : i32
      %dma_start3A_56 = tpu.memref_slice %arg4[%add3A, %dma_start3A, %dma_start3A_55] : memref<32x80x128xi32, #tpu.memory_space<hbm>> -> memref<1x80x128xi32, #tpu.memory_space<hbm>>
      %dma_start3A_57 = tpu.memref_squeeze %dma_start3A_56 : memref<1x80x128xi32, #tpu.memory_space<hbm>> -> memref<80x128xi32, #tpu.memory_space<hbm>>
      %dma_start3A_58 = arith.constant 0 : i32
      %dma_start3A_59 = arith.constant 0 : i32
      %dma_start3A_60 = tpu.memref_slice %arg4[%add3A, %dma_start3A_58, %dma_start3A_59] : memref<32x80x128xi32, #tpu.memory_space<hbm>> -> memref<1x80x128xi32, #tpu.memory_space<hbm>>
      %dma_start3A_61 = tpu.memref_squeeze %dma_start3A_60 : memref<1x80x128xi32, #tpu.memory_space<hbm>> -> memref<80x128xi32, #tpu.memory_space<hbm>>
      tpu.enqueue_dma source(%dma_start3A_61 : memref<80x128xi32, #tpu.memory_space<hbm>>) target(%arg7 : memref<80x128xi32, #tpu.memory_space<vmem>>) target_semaphore(%run_scoped3A : memref<!tpu.dma_semaphore, #tpu.memory_space<semaphore_mem>>)
      %dma_wait3A = arith.constant 0 : i32
      %dma_wait3A_62 = arith.constant 0 : i32
      %dma_wait3A_63 = tpu.memref_slice %arg4[%add3A, %dma_wait3A, %dma_wait3A_62] : memref<32x80x128xi32, #tpu.memory_space<hbm>> -> memref<1x80x128xi32, #tpu.memory_space<hbm>>
      %dma_wait3A_64 = tpu.memref_squeeze %dma_wait3A_63 : memref<1x80x128xi32, #tpu.memory_space<hbm>> -> memref<80x128xi32, #tpu.memory_space<hbm>>
      %dma_wait3A_65 = arith.constant 0 : i32
      %dma_wait3A_66 = arith.constant 0 : i32
      %dma_wait3A_67 = tpu.memref_slice %arg4[%add3A, %dma_wait3A_65, %dma_wait3A_66] : memref<32x80x128xi32, #tpu.memory_space<hbm>> -> memref<1x80x128xi32, #tpu.memory_space<hbm>>
      %dma_wait3A_68 = tpu.memref_squeeze %dma_wait3A_67 : memref<1x80x128xi32, #tpu.memory_space<hbm>> -> memref<80x128xi32, #tpu.memory_space<hbm>>
      tpu.wait_dma2 semaphore(%run_scoped3A : memref<!tpu.dma_semaphore, #tpu.memory_space<semaphore_mem>>) src(%dma_wait3A_68 : memref<80x128xi32, #tpu.memory_space<hbm>>) dst(%arg7 : memref<80x128xi32, #tpu.memory_space<vmem>>)
      tpu.yield
    }) : () -> ()
    "tpu.region"() ({
      %run_scoped3A = tpu.sem_alloc : memref<!tpu.dma_semaphore, #tpu.memory_space<semaphore_mem>>
      %dma_start3A = arith.constant 0 : i32
      %dma_start3A_55 = arith.constant 0 : i32
      %dma_start3A_56 = tpu.memref_slice %arg3[%add3A, %dma_start3A, %dma_start3A_55] : memref<32x80x128xi32, #tpu.memory_space<hbm>> -> memref<1x80x128xi32, #tpu.memory_space<hbm>>
      %dma_start3A_57 = tpu.memref_squeeze %dma_start3A_56 : memref<1x80x128xi32, #tpu.memory_space<hbm>> -> memref<80x128xi32, #tpu.memory_space<hbm>>
      %dma_start3A_58 = arith.constant 0 : i32
      %dma_start3A_59 = arith.constant 0 : i32
      %dma_start3A_60 = tpu.memref_slice %arg3[%add3A, %dma_start3A_58, %dma_start3A_59] : memref<32x80x128xi32, #tpu.memory_space<hbm>> -> memref<1x80x128xi32, #tpu.memory_space<hbm>>
      %dma_start3A_61 = tpu.memref_squeeze %dma_start3A_60 : memref<1x80x128xi32, #tpu.memory_space<hbm>> -> memref<80x128xi32, #tpu.memory_space<hbm>>
      tpu.enqueue_dma source(%dma_start3A_61 : memref<80x128xi32, #tpu.memory_space<hbm>>) target(%arg6 : memref<80x128xi32, #tpu.memory_space<vmem>>) target_semaphore(%run_scoped3A : memref<!tpu.dma_semaphore, #tpu.memory_space<semaphore_mem>>)
      %dma_wait3A = arith.constant 0 : i32
      %dma_wait3A_62 = arith.constant 0 : i32
      %dma_wait3A_63 = tpu.memref_slice %arg3[%add3A, %dma_wait3A, %dma_wait3A_62] : memref<32x80x128xi32, #tpu.memory_space<hbm>> -> memref<1x80x128xi32, #tpu.memory_space<hbm>>
      %dma_wait3A_64 = tpu.memref_squeeze %dma_wait3A_63 : memref<1x80x128xi32, #tpu.memory_space<hbm>> -> memref<80x128xi32, #tpu.memory_space<hbm>>
      %dma_wait3A_65 = arith.constant 0 : i32
      %dma_wait3A_66 = arith.constant 0 : i32
      %dma_wait3A_67 = tpu.memref_slice %arg3[%add3A, %dma_wait3A_65, %dma_wait3A_66] : memref<32x80x128xi32, #tpu.memory_space<hbm>> -> memref<1x80x128xi32, #tpu.memory_space<hbm>>
      %dma_wait3A_68 = tpu.memref_squeeze %dma_wait3A_67 : memref<1x80x128xi32, #tpu.memory_space<hbm>> -> memref<80x128xi32, #tpu.memory_space<hbm>>
      tpu.wait_dma2 semaphore(%run_scoped3A : memref<!tpu.dma_semaphore, #tpu.memory_space<semaphore_mem>>) src(%dma_wait3A_68 : memref<80x128xi32, #tpu.memory_space<hbm>>) dst(%arg6 : memref<80x128xi32, #tpu.memory_space<vmem>>)
      tpu.yield
    }) : () -> ()
    %barrier3A = arith.constant 0 : index
    tpu.barrier barrier_id(%barrier3A)
    %scan3A_27 = arith.constant 0 : i32
    %scan3A_28 = arith.constant 0 : i32
    %scan3A_29 = arith.constant 40 : i32
    %scan3A_30 = arith.addi %scan3A_28, %scan3A_29 : i32
    %scan3A_31 = arith.constant 1 : i32
    %scan3A_32 = scf.for %scan3A_55 = %scan3A_28 to %scan3A_30 step %scan3A_31 iter_args(%scan3A_56 = %scan3A_27) -> (i32)  : i32 {
      %mul3A_57 = arith.constant 2 : i32
      %mul3A_58 = arith.muli %mul3A_57, %scan3A_55 : i32
      %dma_start3A = arith.constant 0 : i32
      %dma_start3A_59 = tpu.memref_slice %arg6[%mul3A_58, %dma_start3A] : memref<80x128xi32, #tpu.memory_space<vmem>> -> memref<1x128xi32, #tpu.memory_space<vmem>>
      %dma_start3A_60 = tpu.memref_squeeze %dma_start3A_59 : memref<1x128xi32, #tpu.memory_space<vmem>> -> memref<128xi32, #tpu.memory_space<vmem>>
      %dma_start3A_61 = arith.constant 0 : i32
      %dma_start3A_62 = arith.constant 0 : i32
      %dma_start3A_63 = tpu.memref_slice %arg9[%dma_start3A_61, %dma_start3A_62] : memref<10240x64xf32, #tpu.memory_space<vmem_shared>> -> memref<10240x64xf32, #tpu.memory_space<vmem_shared>>
      tpu.enqueue_indirect_dma source(%dma_start3A_63 : memref<10240x64xf32, #tpu.memory_space<vmem_shared>>) target(%arg8 : memref<128x64xf32, #tpu.memory_space<vmem>>) offsets(%dma_start3A_60 : memref<128xi32, #tpu.memory_space<vmem>>) semaphore(%arg12 : memref<!tpu.dma_semaphore, #tpu.memory_space<semaphore_mem>>)
      %add3A_64 = arith.constant 1 : i32
      %add3A_65 = arith.addi %mul3A_58, %add3A_64 : i32
      %dma_start3A_66 = arith.constant 0 : i32
      %dma_start3A_67 = tpu.memref_slice %arg6[%add3A_65, %dma_start3A_66] : memref<80x128xi32, #tpu.memory_space<vmem>> -> memref<1x128xi32, #tpu.memory_space<vmem>>
      %dma_start3A_68 = tpu.memref_squeeze %dma_start3A_67 : memref<1x128xi32, #tpu.memory_space<vmem>> -> memref<128xi32, #tpu.memory_space<vmem>>
      %dma_start3A_69 = arith.constant 0 : i32
      %dma_start3A_70 = arith.constant 0 : i32
      %dma_start3A_71 = tpu.memref_slice %arg9[%dma_start3A_69, %dma_start3A_70] : memref<10240x64xf32, #tpu.memory_space<vmem_shared>> -> memref<10240x64xf32, #tpu.memory_space<vmem_shared>>
      tpu.enqueue_indirect_dma source(%dma_start3A_71 : memref<10240x64xf32, #tpu.memory_space<vmem_shared>>) target(%arg10 : memref<128x64xf32, #tpu.memory_space<vmem>>) offsets(%dma_start3A_68 : memref<128xi32, #tpu.memory_space<vmem>>) semaphore(%arg13 : memref<!tpu.dma_semaphore, #tpu.memory_space<semaphore_mem>>)
      %dma_wait3A = arith.constant 0 : i32
      %dma_wait3A_72 = tpu.memref_slice %arg6[%mul3A_58, %dma_wait3A] : memref<80x128xi32, #tpu.memory_space<vmem>> -> memref<1x128xi32, #tpu.memory_space<vmem>>
      %dma_wait3A_73 = tpu.memref_squeeze %dma_wait3A_72 : memref<1x128xi32, #tpu.memory_space<vmem>> -> memref<128xi32, #tpu.memory_space<vmem>>
      %dma_wait3A_74 = arith.constant 0 : i32
      %dma_wait3A_75 = arith.constant 0 : i32
      %dma_wait3A_76 = tpu.memref_slice %arg9[%dma_wait3A_74, %dma_wait3A_75] : memref<10240x64xf32, #tpu.memory_space<vmem_shared>> -> memref<10240x64xf32, #tpu.memory_space<vmem_shared>>
      tpu.wait_indirect_dma semaphore(%arg12 : memref<!tpu.dma_semaphore, #tpu.memory_space<semaphore_mem>>) src(%dma_wait3A_76 : memref<10240x64xf32, #tpu.memory_space<vmem_shared>>) dst(%arg8 : memref<128x64xf32, #tpu.memory_space<vmem>>)
      "tpu.region"() ({
        %run_scoped3A = tpu.sem_alloc : memref<!tpu.dma_semaphore, #tpu.memory_space<semaphore_mem>>
        %dma_start3A_86 = arith.constant 0 : i32
        %dma_start3A_87 = tpu.memref_slice %arg7[%mul3A_58, %dma_start3A_86] : memref<80x128xi32, #tpu.memory_space<vmem>> -> memref<1x128xi32, #tpu.memory_space<vmem>>
        %dma_start3A_88 = tpu.memref_squeeze %dma_start3A_87 : memref<1x128xi32, #tpu.memory_space<vmem>> -> memref<128xi32, #tpu.memory_space<vmem>>
        %dma_start3A_89 = arith.constant 0 : i32
        %dma_start3A_90 = arith.constant 0 : i32
        %dma_start3A_91 = tpu.memref_slice %arg11[%dma_start3A_89, %dma_start3A_90] : memref<10240x64xf32, #tpu.memory_space<vmem_shared>> -> memref<10240x64xf32, #tpu.memory_space<vmem_shared>>
        tpu.enqueue_indirect_dma source(%arg8 : memref<128x64xf32, #tpu.memory_space<vmem>>) target(%dma_start3A_91 : memref<10240x64xf32, #tpu.memory_space<vmem_shared>>) offsets(%dma_start3A_88 : memref<128xi32, #tpu.memory_space<vmem>>) semaphore(%run_scoped3A : memref<!tpu.dma_semaphore, #tpu.memory_space<semaphore_mem>>) {add = true}
        %dma_wait3A_92 = arith.constant 0 : i32
        %dma_wait3A_93 = tpu.memref_slice %arg7[%mul3A_58, %dma_wait3A_92] : memref<80x128xi32, #tpu.memory_space<vmem>> -> memref<1x128xi32, #tpu.memory_space<vmem>>
        %dma_wait3A_94 = tpu.memref_squeeze %dma_wait3A_93 : memref<1x128xi32, #tpu.memory_space<vmem>> -> memref<128xi32, #tpu.memory_space<vmem>>
        %dma_wait3A_95 = arith.constant 0 : i32
        %dma_wait3A_96 = arith.constant 0 : i32
        %dma_wait3A_97 = tpu.memref_slice %arg11[%dma_wait3A_95, %dma_wait3A_96] : memref<10240x64xf32, #tpu.memory_space<vmem_shared>> -> memref<10240x64xf32, #tpu.memory_space<vmem_shared>>
        tpu.wait_indirect_dma semaphore(%run_scoped3A : memref<!tpu.dma_semaphore, #tpu.memory_space<semaphore_mem>>) src(%arg8 : memref<128x64xf32, #tpu.memory_space<vmem>>) dst(%dma_wait3A_97 : memref<10240x64xf32, #tpu.memory_space<vmem_shared>>)
        tpu.yield
      }) : () -> ()
      %dma_wait3A_77 = arith.constant 0 : i32
      %dma_wait3A_78 = tpu.memref_slice %arg6[%add3A_65, %dma_wait3A_77] : memref<80x128xi32, #tpu.memory_space<vmem>> -> memref<1x128xi32, #tpu.memory_space<vmem>>
      %dma_wait3A_79 = tpu.memref_squeeze %dma_wait3A_78 : memref<1x128xi32, #tpu.memory_space<vmem>> -> memref<128xi32, #tpu.memory_space<vmem>>
      %dma_wait3A_80 = arith.constant 0 : i32
      %dma_wait3A_81 = arith.constant 0 : i32
      %dma_wait3A_82 = tpu.memref_slice %arg9[%dma_wait3A_80, %dma_wait3A_81] : memref<10240x64xf32, #tpu.memory_space<vmem_shared>> -> memref<10240x64xf32, #tpu.memory_space<vmem_shared>>
      tpu.wait_indirect_dma semaphore(%arg13 : memref<!tpu.dma_semaphore, #tpu.memory_space<semaphore_mem>>) src(%dma_wait3A_82 : memref<10240x64xf32, #tpu.memory_space<vmem_shared>>) dst(%arg10 : memref<128x64xf32, #tpu.memory_space<vmem>>)
      %add3A_83 = arith.constant 1 : i32
      %add3A_84 = arith.addi %mul3A_58, %add3A_83 : i32
      "tpu.region"() ({
        %run_scoped3A = tpu.sem_alloc : memref<!tpu.dma_semaphore, #tpu.memory_space<semaphore_mem>>
        %dma_start3A_86 = arith.constant 0 : i32
        %dma_start3A_87 = tpu.memref_slice %arg7[%add3A_84, %dma_start3A_86] : memref<80x128xi32, #tpu.memory_space<vmem>> -> memref<1x128xi32, #tpu.memory_space<vmem>>
        %dma_start3A_88 = tpu.memref_squeeze %dma_start3A_87 : memref<1x128xi32, #tpu.memory_space<vmem>> -> memref<128xi32, #tpu.memory_space<vmem>>
        %dma_start3A_89 = arith.constant 0 : i32
        %dma_start3A_90 = arith.constant 0 : i32
        %dma_start3A_91 = tpu.memref_slice %arg11[%dma_start3A_89, %dma_start3A_90] : memref<10240x64xf32, #tpu.memory_space<vmem_shared>> -> memref<10240x64xf32, #tpu.memory_space<vmem_shared>>
        tpu.enqueue_indirect_dma source(%arg10 : memref<128x64xf32, #tpu.memory_space<vmem>>) target(%dma_start3A_91 : memref<10240x64xf32, #tpu.memory_space<vmem_shared>>) offsets(%dma_start3A_88 : memref<128xi32, #tpu.memory_space<vmem>>) semaphore(%run_scoped3A : memref<!tpu.dma_semaphore, #tpu.memory_space<semaphore_mem>>) {add = true}
        %dma_wait3A_92 = arith.constant 0 : i32
        %dma_wait3A_93 = tpu.memref_slice %arg7[%add3A_84, %dma_wait3A_92] : memref<80x128xi32, #tpu.memory_space<vmem>> -> memref<1x128xi32, #tpu.memory_space<vmem>>
        %dma_wait3A_94 = tpu.memref_squeeze %dma_wait3A_93 : memref<1x128xi32, #tpu.memory_space<vmem>> -> memref<128xi32, #tpu.memory_space<vmem>>
        %dma_wait3A_95 = arith.constant 0 : i32
        %dma_wait3A_96 = arith.constant 0 : i32
        %dma_wait3A_97 = tpu.memref_slice %arg11[%dma_wait3A_95, %dma_wait3A_96] : memref<10240x64xf32, #tpu.memory_space<vmem_shared>> -> memref<10240x64xf32, #tpu.memory_space<vmem_shared>>
        tpu.wait_indirect_dma semaphore(%run_scoped3A : memref<!tpu.dma_semaphore, #tpu.memory_space<semaphore_mem>>) src(%arg10 : memref<128x64xf32, #tpu.memory_space<vmem>>) dst(%dma_wait3A_97 : memref<10240x64xf32, #tpu.memory_space<vmem_shared>>)
        tpu.yield
      }) : () -> ()
      %scan3A_85 = arith.constant 0 : i32
      scf.yield %scan3A_85 : i32
    }
    %scan3A_33 = arith.constant 40 : i32
    %barrier3A_34 = arith.constant 0 : index
    tpu.barrier barrier_id(%barrier3A_34)
    %mul3A_35 = arith.constant 640 : i32
    %mul3A_36 = arith.muli %arg1, %mul3A_35 : i32
    %add3A_37 = arith.constant 0 : i32
    %add3A_38 = arith.addi %mul3A_36, %add3A_37 : i32
    "tpu.region"() ({
      %run_scoped3A = tpu.sem_alloc : memref<!tpu.dma_semaphore, #tpu.memory_space<semaphore_mem>>
      %dma_start3A = arith.constant 0 : i32
      %dma_start3A_55 = tpu.memref_slice %arg5[%arg0, %add3A_38, %dma_start3A] : memref<2x10240x64xf32, #tpu.memory_space<hbm>> -> memref<1x128x64xf32, #tpu.memory_space<hbm>>
      %dma_start3A_56 = tpu.memref_squeeze %dma_start3A_55 : memref<1x128x64xf32, #tpu.memory_space<hbm>> -> memref<128x64xf32, #tpu.memory_space<hbm>>
      %dma_start3A_57 = arith.constant 0 : i32
      %dma_start3A_58 = tpu.memref_slice %arg11[%add3A_38, %dma_start3A_57] : memref<10240x64xf32, #tpu.memory_space<vmem_shared>> -> memref<128x64xf32, #tpu.memory_space<vmem_shared>>
      tpu.enqueue_dma source(%dma_start3A_58 : memref<128x64xf32, #tpu.memory_space<vmem_shared>>) target(%dma_start3A_56 : memref<128x64xf32, #tpu.memory_space<hbm>>) target_semaphore(%run_scoped3A : memref<!tpu.dma_semaphore, #tpu.memory_space<semaphore_mem>>)
      %dma_wait3A = arith.constant 0 : i32
      %dma_wait3A_59 = tpu.memref_slice %arg5[%arg0, %add3A_38, %dma_wait3A] : memref<2x10240x64xf32, #tpu.memory_space<hbm>> -> memref<1x128x64xf32, #tpu.memory_space<hbm>>
      %dma_wait3A_60 = tpu.memref_squeeze %dma_wait3A_59 : memref<1x128x64xf32, #tpu.memory_space<hbm>> -> memref<128x64xf32, #tpu.memory_space<hbm>>
      %dma_wait3A_61 = arith.constant 0 : i32
      %dma_wait3A_62 = tpu.memref_slice %arg11[%add3A_38, %dma_wait3A_61] : memref<10240x64xf32, #tpu.memory_space<vmem_shared>> -> memref<128x64xf32, #tpu.memory_space<vmem_shared>>
      tpu.wait_dma2 semaphore(%run_scoped3A : memref<!tpu.dma_semaphore, #tpu.memory_space<semaphore_mem>>) src(%dma_wait3A_62 : memref<128x64xf32, #tpu.memory_space<vmem_shared>>) dst(%dma_wait3A_60 : memref<128x64xf32, #tpu.memory_space<hbm>>)
      tpu.yield
    }) : () -> ()
    %mul3A_39 = arith.constant 640 : i32
    %mul3A_40 = arith.muli %arg1, %mul3A_39 : i32
    %add3A_41 = arith.constant 128 : i32
    %add3A_42 = arith.addi %mul3A_40, %add3A_41 : i32
    "tpu.region"() ({
      %run_scoped3A = tpu.sem_alloc : memref<!tpu.dma_semaphore, #tpu.memory_space<semaphore_mem>>
      %dma_start3A = arith.constant 0 : i32
      %dma_start3A_55 = tpu.memref_slice %arg5[%arg0, %add3A_42, %dma_start3A] : memref<2x10240x64xf32, #tpu.memory_space<hbm>> -> memref<1x128x64xf32, #tpu.memory_space<hbm>>
      %dma_start3A_56 = tpu.memref_squeeze %dma_start3A_55 : memref<1x128x64xf32, #tpu.memory_space<hbm>> -> memref<128x64xf32, #tpu.memory_space<hbm>>
      %dma_start3A_57 = arith.constant 0 : i32
      %dma_start3A_58 = tpu.memref_slice %arg11[%add3A_42, %dma_start3A_57] : memref<10240x64xf32, #tpu.memory_space<vmem_shared>> -> memref<128x64xf32, #tpu.memory_space<vmem_shared>>
      tpu.enqueue_dma source(%dma_start3A_58 : memref<128x64xf32, #tpu.memory_space<vmem_shared>>) target(%dma_start3A_56 : memref<128x64xf32, #tpu.memory_space<hbm>>) target_semaphore(%run_scoped3A : memref<!tpu.dma_semaphore, #tpu.memory_space<semaphore_mem>>)
      %dma_wait3A = arith.constant 0 : i32
      %dma_wait3A_59 = tpu.memref_slice %arg5[%arg0, %add3A_42, %dma_wait3A] : memref<2x10240x64xf32, #tpu.memory_space<hbm>> -> memref<1x128x64xf32, #tpu.memory_space<hbm>>
      %dma_wait3A_60 = tpu.memref_squeeze %dma_wait3A_59 : memref<1x128x64xf32, #tpu.memory_space<hbm>> -> memref<128x64xf32, #tpu.memory_space<hbm>>
      %dma_wait3A_61 = arith.constant 0 : i32
      %dma_wait3A_62 = tpu.memref_slice %arg11[%add3A_42, %dma_wait3A_61] : memref<10240x64xf32, #tpu.memory_space<vmem_shared>> -> memref<128x64xf32, #tpu.memory_space<vmem_shared>>
      tpu.wait_dma2 semaphore(%run_scoped3A : memref<!tpu.dma_semaphore, #tpu.memory_space<semaphore_mem>>) src(%dma_wait3A_62 : memref<128x64xf32, #tpu.memory_space<vmem_shared>>) dst(%dma_wait3A_60 : memref<128x64xf32, #tpu.memory_space<hbm>>)
      tpu.yield
    }) : () -> ()
    %mul3A_43 = arith.constant 640 : i32
    %mul3A_44 = arith.muli %arg1, %mul3A_43 : i32
    %add3A_45 = arith.constant 256 : i32
    %add3A_46 = arith.addi %mul3A_44, %add3A_45 : i32
    "tpu.region"() ({
      %run_scoped3A = tpu.sem_alloc : memref<!tpu.dma_semaphore, #tpu.memory_space<semaphore_mem>>
      %dma_start3A = arith.constant 0 : i32
      %dma_start3A_55 = tpu.memref_slice %arg5[%arg0, %add3A_46, %dma_start3A] : memref<2x10240x64xf32, #tpu.memory_space<hbm>> -> memref<1x128x64xf32, #tpu.memory_space<hbm>>
      %dma_start3A_56 = tpu.memref_squeeze %dma_start3A_55 : memref<1x128x64xf32, #tpu.memory_space<hbm>> -> memref<128x64xf32, #tpu.memory_space<hbm>>
      %dma_start3A_57 = arith.constant 0 : i32
      %dma_start3A_58 = tpu.memref_slice %arg11[%add3A_46, %dma_start3A_57] : memref<10240x64xf32, #tpu.memory_space<vmem_shared>> -> memref<128x64xf32, #tpu.memory_space<vmem_shared>>
      tpu.enqueue_dma source(%dma_start3A_58 : memref<128x64xf32, #tpu.memory_space<vmem_shared>>) target(%dma_start3A_56 : memref<128x64xf32, #tpu.memory_space<hbm>>) target_semaphore(%run_scoped3A : memref<!tpu.dma_semaphore, #tpu.memory_space<semaphore_mem>>)
      %dma_wait3A = arith.constant 0 : i32
      %dma_wait3A_59 = tpu.memref_slice %arg5[%arg0, %add3A_46, %dma_wait3A] : memref<2x10240x64xf32, #tpu.memory_space<hbm>> -> memref<1x128x64xf32, #tpu.memory_space<hbm>>
      %dma_wait3A_60 = tpu.memref_squeeze %dma_wait3A_59 : memref<1x128x64xf32, #tpu.memory_space<hbm>> -> memref<128x64xf32, #tpu.memory_space<hbm>>
      %dma_wait3A_61 = arith.constant 0 : i32
      %dma_wait3A_62 = tpu.memref_slice %arg11[%add3A_46, %dma_wait3A_61] : memref<10240x64xf32, #tpu.memory_space<vmem_shared>> -> memref<128x64xf32, #tpu.memory_space<vmem_shared>>
      tpu.wait_dma2 semaphore(%run_scoped3A : memref<!tpu.dma_semaphore, #tpu.memory_space<semaphore_mem>>) src(%dma_wait3A_62 : memref<128x64xf32, #tpu.memory_space<vmem_shared>>) dst(%dma_wait3A_60 : memref<128x64xf32, #tpu.memory_space<hbm>>)
      tpu.yield
    }) : () -> ()
    %mul3A_47 = arith.constant 640 : i32
    %mul3A_48 = arith.muli %arg1, %mul3A_47 : i32
    %add3A_49 = arith.constant 384 : i32
    %add3A_50 = arith.addi %mul3A_48, %add3A_49 : i32
    "tpu.region"() ({
      %run_scoped3A = tpu.sem_alloc : memref<!tpu.dma_semaphore, #tpu.memory_space<semaphore_mem>>
      %dma_start3A = arith.constant 0 : i32
      %dma_start3A_55 = tpu.memref_slice %arg5[%arg0, %add3A_50, %dma_start3A] : memref<2x10240x64xf32, #tpu.memory_space<hbm>> -> memref<1x128x64xf32, #tpu.memory_space<hbm>>
      %dma_start3A_56 = tpu.memref_squeeze %dma_start3A_55 : memref<1x128x64xf32, #tpu.memory_space<hbm>> -> memref<128x64xf32, #tpu.memory_space<hbm>>
      %dma_start3A_57 = arith.constant 0 : i32
      %dma_start3A_58 = tpu.memref_slice %arg11[%add3A_50, %dma_start3A_57] : memref<10240x64xf32, #tpu.memory_space<vmem_shared>> -> memref<128x64xf32, #tpu.memory_space<vmem_shared>>
      tpu.enqueue_dma source(%dma_start3A_58 : memref<128x64xf32, #tpu.memory_space<vmem_shared>>) target(%dma_start3A_56 : memref<128x64xf32, #tpu.memory_space<hbm>>) target_semaphore(%run_scoped3A : memref<!tpu.dma_semaphore, #tpu.memory_space<semaphore_mem>>)
      %dma_wait3A = arith.constant 0 : i32
      %dma_wait3A_59 = tpu.memref_slice %arg5[%arg0, %add3A_50, %dma_wait3A] : memref<2x10240x64xf32, #tpu.memory_space<hbm>> -> memref<1x128x64xf32, #tpu.memory_space<hbm>>
      %dma_wait3A_60 = tpu.memref_squeeze %dma_wait3A_59 : memref<1x128x64xf32, #tpu.memory_space<hbm>> -> memref<128x64xf32, #tpu.memory_space<hbm>>
      %dma_wait3A_61 = arith.constant 0 : i32
      %dma_wait3A_62 = tpu.memref_slice %arg11[%add3A_50, %dma_wait3A_61] : memref<10240x64xf32, #tpu.memory_space<vmem_shared>> -> memref<128x64xf32, #tpu.memory_space<vmem_shared>>
      tpu.wait_dma2 semaphore(%run_scoped3A : memref<!tpu.dma_semaphore, #tpu.memory_space<semaphore_mem>>) src(%dma_wait3A_62 : memref<128x64xf32, #tpu.memory_space<vmem_shared>>) dst(%dma_wait3A_60 : memref<128x64xf32, #tpu.memory_space<hbm>>)
      tpu.yield
    }) : () -> ()
    %mul3A_51 = arith.constant 640 : i32
    %mul3A_52 = arith.muli %arg1, %mul3A_51 : i32
    %add3A_53 = arith.constant 512 : i32
    %add3A_54 = arith.addi %mul3A_52, %add3A_53 : i32
    "tpu.region"() ({
      %run_scoped3A = tpu.sem_alloc : memref<!tpu.dma_semaphore, #tpu.memory_space<semaphore_mem>>
      %dma_start3A = arith.constant 0 : i32
      %dma_start3A_55 = tpu.memref_slice %arg5[%arg0, %add3A_54, %dma_start3A] : memref<2x10240x64xf32, #tpu.memory_space<hbm>> -> memref<1x128x64xf32, #tpu.memory_space<hbm>>
      %dma_start3A_56 = tpu.memref_squeeze %dma_start3A_55 : memref<1x128x64xf32, #tpu.memory_space<hbm>> -> memref<128x64xf32, #tpu.memory_space<hbm>>
      %dma_start3A_57 = arith.constant 0 : i32
      %dma_start3A_58 = tpu.memref_slice %arg11[%add3A_54, %dma_start3A_57] : memref<10240x64xf32, #tpu.memory_space<vmem_shared>> -> memref<128x64xf32, #tpu.memory_space<vmem_shared>>
      tpu.enqueue_dma source(%dma_start3A_58 : memref<128x64xf32, #tpu.memory_space<vmem_shared>>) target(%dma_start3A_56 : memref<128x64xf32, #tpu.memory_space<hbm>>) target_semaphore(%run_scoped3A : memref<!tpu.dma_semaphore, #tpu.memory_space<semaphore_mem>>)
      %dma_wait3A = arith.constant 0 : i32
      %dma_wait3A_59 = tpu.memref_slice %arg5[%arg0, %add3A_54, %dma_wait3A] : memref<2x10240x64xf32, #tpu.memory_space<hbm>> -> memref<1x128x64xf32, #tpu.memory_space<hbm>>
      %dma_wait3A_60 = tpu.memref_squeeze %dma_wait3A_59 : memref<1x128x64xf32, #tpu.memory_space<hbm>> -> memref<128x64xf32, #tpu.memory_space<hbm>>
      %dma_wait3A_61 = arith.constant 0 : i32
      %dma_wait3A_62 = tpu.memref_slice %arg11[%add3A_54, %dma_wait3A_61] : memref<10240x64xf32, #tpu.memory_space<vmem_shared>> -> memref<128x64xf32, #tpu.memory_space<vmem_shared>>
      tpu.wait_dma2 semaphore(%run_scoped3A : memref<!tpu.dma_semaphore, #tpu.memory_space<semaphore_mem>>) src(%dma_wait3A_62 : memref<128x64xf32, #tpu.memory_space<vmem_shared>>) dst(%dma_wait3A_60 : memref<128x64xf32, #tpu.memory_space<hbm>>)
      tpu.yield
    }) : () -> ()
    return
  }
}

#map = affine_map<(d0, d1) -> (0, 0)>
#map1 = affine_map<(d0, d1) -> (0, 0, 0)>
module attributes {stable_mosaic.version = 14 : i64} {
  func.func @body(%arg0: i32, %arg1: i32, %arg2: memref<10240x64xf32, #tpu.memory_space<hbm>>, %arg3: memref<32x80x128xi32, #tpu.memory_space<hbm>>, %arg4: memref<32x80x128xi32, #tpu.memory_space<hbm>>, %arg5: memref<2x10240x64xf32, #tpu.memory_space<hbm>>, %arg6: memref<80x128xi32, #tpu.memory_space<vmem>>, %arg7: memref<80x128xi32, #tpu.memory_space<vmem>>, %arg8: memref<128x64xf32, #tpu.memory_space<vmem>>, %arg9: memref<10240x64xf32, #tpu.memory_space<vmem_shared>>, %arg10: memref<128x64xf32, #tpu.memory_space<vmem>>, %arg11: memref<10240x64xf32, #tpu.memory_space<vmem_shared>>, %arg12: memref<!tpu.dma_semaphore, #tpu.memory_space<semaphore_mem>>, %arg13: memref<!tpu.dma_semaphore, #tpu.memory_space<semaphore_mem>>) attributes {dimension_semantics = [#tpu.dimension_semantics<core_parallel>, #tpu.dimension_semantics<subcore_parallel>], iteration_bounds = array<i64: 2, 16>, scalar_prefetch = 0 : i64, scratch_operands = 8 : i64, tpu.core_type = #tpu.core_type<sc_vector_subcore>, window_params = [{transform_indices = #map}, {transform_indices = #map1}, {transform_indices = #map1}, {transform_indices = #map1}]} {
    %mul3A = arith.constant 16 : i32
    %mul3A_0 = arith.muli %arg0, %mul3A : i32
    %add3A = arith.addi %mul3A_0, %arg1 : i32
    %scan3A = arith.constant 0 : i32
    %scan3A_1 = arith.constant 0 : i32
    %scan3A_2 = arith.constant 128 : i32
    %scan3A_3 = arith.addi %scan3A_1, %scan3A_2 : i32
    %scan3A_4 = arith.constant 1 : i32
    %scan3A_5 = scf.for %scan3A_55 = %scan3A_1 to %scan3A_3 step %scan3A_4 iter_args(%scan3A_56 = %scan3A) -> (i32)  : i32 {
      %broadcast_in_dim3A = arith.constant 0.000000e+00 : f32
      %broadcast_in_dim3A_57 = vector.broadcast %broadcast_in_dim3A : f32 to vector<16xf32>
      %swap3A = arith.index_cast %scan3A_55 : i32 to index
      %swap3A_58 = arith.constant 0 : index
      %swap3A_59 = tpu.vector_load %arg10[%swap3A, %swap3A_58] {strides = array<i32>} : memref<128x64xf32, #tpu.memory_space<vmem>>, vector<1x16xf32>,
      %swap3A_60 = vector.shape_cast %swap3A_59 : vector<1x16xf32> to vector<16xf32>
      %swap3A_61 = vector.shape_cast %broadcast_in_dim3A_57 : vector<16xf32> to vector<1x16xf32>
      tpu.vector_store %arg10[%swap3A, %swap3A_58], %swap3A_61 {strides = array<i32>} : memref<128x64xf32, #tpu.memory_space<vmem>>, vector<1x16xf32>,
      %broadcast_in_dim3A_62 = arith.constant 0.000000e+00 : f32
      %broadcast_in_dim3A_63 = vector.broadcast %broadcast_in_dim3A_62 : f32 to vector<16xf32>
      %swap3A_64 = arith.index_cast %scan3A_55 : i32 to index
      %swap3A_65 = arith.constant 16 : index
      %swap3A_66 = tpu.vector_load %arg10[%swap3A_64, %swap3A_65] {strides = array<i32>} : memref<128x64xf32, #tpu.memory_space<vmem>>, vector<1x16xf32>,
      %swap3A_67 = vector.shape_cast %swap3A_66 : vector<1x16xf32> to vector<16xf32>
      %swap3A_68 = vector.shape_cast %broadcast_in_dim3A_63 : vector<16xf32> to vector<1x16xf32>
      tpu.vector_store %arg10[%swap3A_64, %swap3A_65], %swap3A_68 {strides = array<i32>} : memref<128x64xf32, #tpu.memory_space<vmem>>, vector<1x16xf32>,
      %broadcast_in_dim3A_69 = arith.constant 0.000000e+00 : f32
      %broadcast_in_dim3A_70 = vector.broadcast %broadcast_in_dim3A_69 : f32 to vector<16xf32>
      %swap3A_71 = arith.index_cast %scan3A_55 : i32 to index
      %swap3A_72 = arith.constant 32 : index
      %swap3A_73 = tpu.vector_load %arg10[%swap3A_71, %swap3A_72] {strides = array<i32>} : memref<128x64xf32, #tpu.memory_space<vmem>>, vector<1x16xf32>,
      %swap3A_74 = vector.shape_cast %swap3A_73 : vector<1x16xf32> to vector<16xf32>
      %swap3A_75 = vector.shape_cast %broadcast_in_dim3A_70 : vector<16xf32> to vector<1x16xf32>
      tpu.vector_store %arg10[%swap3A_71, %swap3A_72], %swap3A_75 {strides = array<i32>} : memref<128x64xf32, #tpu.memory_space<vmem>>, vector<1x16xf32>,
      %broadcast_in_dim3A_76 = arith.constant 0.000000e+00 : f32
      %broadcast_in_dim3A_77 = vector.broadcast %broadcast_in_dim3A_76 : f32 to vector<16xf32>
      %swap3A_78 = arith.index_cast %scan3A_55 : i32 to index
      %swap3A_79 = arith.constant 48 : index
      %swap3A_80 = tpu.vector_load %arg10[%swap3A_78, %swap3A_79] {strides = array<i32>} : memref<128x64xf32, #tpu.memory_space<vmem>>, vector<1x16xf32>,
      %swap3A_81 = vector.shape_cast %swap3A_80 : vector<1x16xf32> to vector<16xf32>
      %swap3A_82 = vector.shape_cast %broadcast_in_dim3A_77 : vector<16xf32> to vector<1x16xf32>
      tpu.vector_store %arg10[%swap3A_78, %swap3A_79], %swap3A_82 {strides = array<i32>} : memref<128x64xf32, #tpu.memory_space<vmem>>, vector<1x16xf32>,
      %scan3A_83 = arith.constant 0 : i32
      scf.yield %scan3A_83 : i32
    }
    %scan3A_6 = arith.constant 128 : i32
    %mul3A_7 = arith.constant 640 : i32
    %mul3A_8 = arith.muli %arg1, %mul3A_7 : i32
    %add3A_9 = arith.constant 0 : i32
    %add3A_10 = arith.addi %mul3A_8, %add3A_9 : i32
    "tpu.region"() ({
      %run_scoped3A = tpu.sem_alloc : memref<!tpu.dma_semaphore, #tpu.memory_space<semaphore_mem>>
      %dma_start3A = arith.constant 0 : i32
      %dma_start3A_55 = tpu.memref_slice %arg11[%add3A_10, %dma_start3A] : memref<10240x64xf32, #tpu.memory_space<vmem_shared>> -> memref<128x64xf32, #tpu.memory_space<vmem_shared>>
      %dma_start3A_56 = arith.constant 0 : i32
      %dma_start3A_57 = tpu.memref_slice %arg11[%add3A_10, %dma_start3A_56] : memref<10240x64xf32, #tpu.memory_space<vmem_shared>> -> memref<128x64xf32, #tpu.memory_space<vmem_shared>>
      tpu.enqueue_dma source(%arg10 : memref<128x64xf32, #tpu.memory_space<vmem>>) target(%dma_start3A_57 : memref<128x64xf32, #tpu.memory_space<vmem_shared>>) target_semaphore(%run_scoped3A : memref<!tpu.dma_semaphore, #tpu.memory_space<semaphore_mem>>)
      %dma_wait3A = arith.constant 0 : i32
      %dma_wait3A_58 = tpu.memref_slice %arg11[%add3A_10, %dma_wait3A] : memref<10240x64xf32, #tpu.memory_space<vmem_shared>> -> memref<128x64xf32, #tpu.memory_space<vmem_shared>>
      %dma_wait3A_59 = arith.constant 0 : i32
      %dma_wait3A_60 = tpu.memref_slice %arg11[%add3A_10, %dma_wait3A_59] : memref<10240x64xf32, #tpu.memory_space<vmem_shared>> -> memref<128x64xf32, #tpu.memory_space<vmem_shared>>
      tpu.wait_dma2 semaphore(%run_scoped3A : memref<!tpu.dma_semaphore, #tpu.memory_space<semaphore_mem>>) src(%arg10 : memref<128x64xf32, #tpu.memory_space<vmem>>) dst(%dma_wait3A_60 : memref<128x64xf32, #tpu.memory_space<vmem_shared>>)
      tpu.yield
    }) : () -> ()
    "tpu.region"() ({
      %run_scoped3A = tpu.sem_alloc : memref<!tpu.dma_semaphore, #tpu.memory_space<semaphore_mem>>
      %dma_start3A = arith.constant 0 : i32
      %dma_start3A_55 = tpu.memref_slice %arg9[%add3A_10, %dma_start3A] : memref<10240x64xf32, #tpu.memory_space<vmem_shared>> -> memref<128x64xf32, #tpu.memory_space<vmem_shared>>
      %dma_start3A_56 = arith.constant 0 : i32
      %dma_start3A_57 = tpu.memref_slice %arg2[%add3A_10, %dma_start3A_56] : memref<10240x64xf32, #tpu.memory_space<hbm>> -> memref<128x64xf32, #tpu.memory_space<hbm>>
      tpu.enqueue_dma source(%dma_start3A_57 : memref<128x64xf32, #tpu.memory_space<hbm>>) target(%dma_start3A_55 : memref<128x64xf32, #tpu.memory_space<vmem_shared>>) target_semaphore(%run_scoped3A : memref<!tpu.dma_semaphore, #tpu.memory_space<semaphore_mem>>)
      %dma_wait3A = arith.constant 0 : i32
      %dma_wait3A_58 = tpu.memref_slice %arg9[%add3A_10, %dma_wait3A] : memref<10240x64xf32, #tpu.memory_space<vmem_shared>> -> memref<128x64xf32, #tpu.memory_space<vmem_shared>>
      %dma_wait3A_59 = arith.constant 0 : i32
      %dma_wait3A_60 = tpu.memref_slice %arg2[%add3A_10, %dma_wait3A_59] : memref<10240x64xf32, #tpu.memory_space<hbm>> -> memref<128x64xf32, #tpu.memory_space<hbm>>
      tpu.wait_dma2 semaphore(%run_scoped3A : memref<!tpu.dma_semaphore, #tpu.memory_space<semaphore_mem>>) src(%dma_wait3A_60 : memref<128x64xf32, #tpu.memory_space<hbm>>) dst(%dma_wait3A_58 : memref<128x64xf32, #tpu.memory_space<vmem_shared>>)
      tpu.yield
    }) : () -> ()
    %mul3A_11 = arith.constant 640 : i32
    %mul3A_12 = arith.muli %arg1, %mul3A_11 : i32
    %add3A_13 = arith.constant 128 : i32
    %add3A_14 = arith.addi %mul3A_12, %add3A_13 : i32
    "tpu.region"() ({
      %run_scoped3A = tpu.sem_alloc : memref<!tpu.dma_semaphore, #tpu.memory_space<semaphore_mem>>
      %dma_start3A = arith.constant 0 : i32
      %dma_start3A_55 = tpu.memref_slice %arg11[%add3A_14, %dma_start3A] : memref<10240x64xf32, #tpu.memory_space<vmem_shared>> -> memref<128x64xf32, #tpu.memory_space<vmem_shared>>
      %dma_start3A_56 = arith.constant 0 : i32
      %dma_start3A_57 = tpu.memref_slice %arg11[%add3A_14, %dma_start3A_56] : memref<10240x64xf32, #tpu.memory_space<vmem_shared>> -> memref<128x64xf32, #tpu.memory_space<vmem_shared>>
      tpu.enqueue_dma source(%arg10 : memref<128x64xf32, #tpu.memory_space<vmem>>) target(%dma_start3A_57 : memref<128x64xf32, #tpu.memory_space<vmem_shared>>) target_semaphore(%run_scoped3A : memref<!tpu.dma_semaphore, #tpu.memory_space<semaphore_mem>>)
      %dma_wait3A = arith.constant 0 : i32
      %dma_wait3A_58 = tpu.memref_slice %arg11[%add3A_14, %dma_wait3A] : memref<10240x64xf32, #tpu.memory_space<vmem_shared>> -> memref<128x64xf32, #tpu.memory_space<vmem_shared>>
      %dma_wait3A_59 = arith.constant 0 : i32
      %dma_wait3A_60 = tpu.memref_slice %arg11[%add3A_14, %dma_wait3A_59] : memref<10240x64xf32, #tpu.memory_space<vmem_shared>> -> memref<128x64xf32, #tpu.memory_space<vmem_shared>>
      tpu.wait_dma2 semaphore(%run_scoped3A : memref<!tpu.dma_semaphore, #tpu.memory_space<semaphore_mem>>) src(%arg10 : memref<128x64xf32, #tpu.memory_space<vmem>>) dst(%dma_wait3A_60 : memref<128x64xf32, #tpu.memory_space<vmem_shared>>)
      tpu.yield
    }) : () -> ()
    "tpu.region"() ({
      %run_scoped3A = tpu.sem_alloc : memref<!tpu.dma_semaphore, #tpu.memory_space<semaphore_mem>>
      %dma_start3A = arith.constant 0 : i32
      %dma_start3A_55 = tpu.memref_slice %arg9[%add3A_14, %dma_start3A] : memref<10240x64xf32, #tpu.memory_space<vmem_shared>> -> memref<128x64xf32, #tpu.memory_space<vmem_shared>>
      %dma_start3A_56 = arith.constant 0 : i32
      %dma_start3A_57 = tpu.memref_slice %arg2[%add3A_14, %dma_start3A_56] : memref<10240x64xf32, #tpu.memory_space<hbm>> -> memref<128x64xf32, #tpu.memory_space<hbm>>
      tpu.enqueue_dma source(%dma_start3A_57 : memref<128x64xf32, #tpu.memory_space<hbm>>) target(%dma_start3A_55 : memref<128x64xf32, #tpu.memory_space<vmem_shared>>) target_semaphore(%run_scoped3A : memref<!tpu.dma_semaphore, #tpu.memory_space<semaphore_mem>>)
      %dma_wait3A = arith.constant 0 : i32
      %dma_wait3A_58 = tpu.memref_slice %arg9[%add3A_14, %dma_wait3A] : memref<10240x64xf32, #tpu.memory_space<vmem_shared>> -> memref<128x64xf32, #tpu.memory_space<vmem_shared>>
      %dma_wait3A_59 = arith.constant 0 : i32
      %dma_wait3A_60 = tpu.memref_slice %arg2[%add3A_14, %dma_wait3A_59] : memref<10240x64xf32, #tpu.memory_space<hbm>> -> memref<128x64xf32, #tpu.memory_space<hbm>>
      tpu.wait_dma2 semaphore(%run_scoped3A : memref<!tpu.dma_semaphore, #tpu.memory_space<semaphore_mem>>) src(%dma_wait3A_60 : memref<128x64xf32, #tpu.memory_space<hbm>>) dst(%dma_wait3A_58 : memref<128x64xf32, #tpu.memory_space<vmem_shared>>)
      tpu.yield
    }) : () -> ()
    %mul3A_15 = arith.constant 640 : i32
    %mul3A_16 = arith.muli %arg1, %mul3A_15 : i32
    %add3A_17 = arith.constant 256 : i32
    %add3A_18 = arith.addi %mul3A_16, %add3A_17 : i32
    "tpu.region"() ({
      %run_scoped3A = tpu.sem_alloc : memref<!tpu.dma_semaphore, #tpu.memory_space<semaphore_mem>>
      %dma_start3A = arith.constant 0 : i32
      %dma_start3A_55 = tpu.memref_slice %arg11[%add3A_18, %dma_start3A] : memref<10240x64xf32, #tpu.memory_space<vmem_shared>> -> memref<128x64xf32, #tpu.memory_space<vmem_shared>>
      %dma_start3A_56 = arith.constant 0 : i32
      %dma_start3A_57 = tpu.memref_slice %arg11[%add3A_18, %dma_start3A_56] : memref<10240x64xf32, #tpu.memory_space<vmem_shared>> -> memref<128x64xf32, #tpu.memory_space<vmem_shared>>
      tpu.enqueue_dma source(%arg10 : memref<128x64xf32, #tpu.memory_space<vmem>>) target(%dma_start3A_57 : memref<128x64xf32, #tpu.memory_space<vmem_shared>>) target_semaphore(%run_scoped3A : memref<!tpu.dma_semaphore, #tpu.memory_space<semaphore_mem>>)
      %dma_wait3A = arith.constant 0 : i32
      %dma_wait3A_58 = tpu.memref_slice %arg11[%add3A_18, %dma_wait3A] : memref<10240x64xf32, #tpu.memory_space<vmem_shared>> -> memref<128x64xf32, #tpu.memory_space<vmem_shared>>
      %dma_wait3A_59 = arith.constant 0 : i32
      %dma_wait3A_60 = tpu.memref_slice %arg11[%add3A_18, %dma_wait3A_59] : memref<10240x64xf32, #tpu.memory_space<vmem_shared>> -> memref<128x64xf32, #tpu.memory_space<vmem_shared>>
      tpu.wait_dma2 semaphore(%run_scoped3A : memref<!tpu.dma_semaphore, #tpu.memory_space<semaphore_mem>>) src(%arg10 : memref<128x64xf32, #tpu.memory_space<vmem>>) dst(%dma_wait3A_60 : memref<128x64xf32, #tpu.memory_space<vmem_shared>>)
      tpu.yield
    }) : () -> ()
    "tpu.region"() ({
      %run_scoped3A = tpu.sem_alloc : memref<!tpu.dma_semaphore, #tpu.memory_space<semaphore_mem>>
      %dma_start3A = arith.constant 0 : i32
      %dma_start3A_55 = tpu.memref_slice %arg9[%add3A_18, %dma_start3A] : memref<10240x64xf32, #tpu.memory_space<vmem_shared>> -> memref<128x64xf32, #tpu.memory_space<vmem_shared>>
      %dma_start3A_56 = arith.constant 0 : i32
      %dma_start3A_57 = tpu.memref_slice %arg2[%add3A_18, %dma_start3A_56] : memref<10240x64xf32, #tpu.memory_space<hbm>> -> memref<128x64xf32, #tpu.memory_space<hbm>>
      tpu.enqueue_dma source(%dma_start3A_57 : memref<128x64xf32, #tpu.memory_space<hbm>>) target(%dma_start3A_55 : memref<128x64xf32, #tpu.memory_space<vmem_shared>>) target_semaphore(%run_scoped3A : memref<!tpu.dma_semaphore, #tpu.memory_space<semaphore_mem>>)
      %dma_wait3A = arith.constant 0 : i32
      %dma_wait3A_58 = tpu.memref_slice %arg9[%add3A_18, %dma_wait3A] : memref<10240x64xf32, #tpu.memory_space<vmem_shared>> -> memref<128x64xf32, #tpu.memory_space<vmem_shared>>
      %dma_wait3A_59 = arith.constant 0 : i32
      %dma_wait3A_60 = tpu.memref_slice %arg2[%add3A_18, %dma_wait3A_59] : memref<10240x64xf32, #tpu.memory_space<hbm>> -> memref<128x64xf32, #tpu.memory_space<hbm>>
      tpu.wait_dma2 semaphore(%run_scoped3A : memref<!tpu.dma_semaphore, #tpu.memory_space<semaphore_mem>>) src(%dma_wait3A_60 : memref<128x64xf32, #tpu.memory_space<hbm>>) dst(%dma_wait3A_58 : memref<128x64xf32, #tpu.memory_space<vmem_shared>>)
      tpu.yield
    }) : () -> ()
    %mul3A_19 = arith.constant 640 : i32
    %mul3A_20 = arith.muli %arg1, %mul3A_19 : i32
    %add3A_21 = arith.constant 384 : i32
    %add3A_22 = arith.addi %mul3A_20, %add3A_21 : i32
    "tpu.region"() ({
      %run_scoped3A = tpu.sem_alloc : memref<!tpu.dma_semaphore, #tpu.memory_space<semaphore_mem>>
      %dma_start3A = arith.constant 0 : i32
      %dma_start3A_55 = tpu.memref_slice %arg11[%add3A_22, %dma_start3A] : memref<10240x64xf32, #tpu.memory_space<vmem_shared>> -> memref<128x64xf32, #tpu.memory_space<vmem_shared>>
      %dma_start3A_56 = arith.constant 0 : i32
      %dma_start3A_57 = tpu.memref_slice %arg11[%add3A_22, %dma_start3A_56] : memref<10240x64xf32, #tpu.memory_space<vmem_shared>> -> memref<128x64xf32, #tpu.memory_space<vmem_shared>>
      tpu.enqueue_dma source(%arg10 : memref<128x64xf32, #tpu.memory_space<vmem>>) target(%dma_start3A_57 : memref<128x64xf32, #tpu.memory_space<vmem_shared>>) target_semaphore(%run_scoped3A : memref<!tpu.dma_semaphore, #tpu.memory_space<semaphore_mem>>)
      %dma_wait3A = arith.constant 0 : i32
      %dma_wait3A_58 = tpu.memref_slice %arg11[%add3A_22, %dma_wait3A] : memref<10240x64xf32, #tpu.memory_space<vmem_shared>> -> memref<128x64xf32, #tpu.memory_space<vmem_shared>>
      %dma_wait3A_59 = arith.constant 0 : i32
      %dma_wait3A_60 = tpu.memref_slice %arg11[%add3A_22, %dma_wait3A_59] : memref<10240x64xf32, #tpu.memory_space<vmem_shared>> -> memref<128x64xf32, #tpu.memory_space<vmem_shared>>
      tpu.wait_dma2 semaphore(%run_scoped3A : memref<!tpu.dma_semaphore, #tpu.memory_space<semaphore_mem>>) src(%arg10 : memref<128x64xf32, #tpu.memory_space<vmem>>) dst(%dma_wait3A_60 : memref<128x64xf32, #tpu.memory_space<vmem_shared>>)
      tpu.yield
    }) : () -> ()
    "tpu.region"() ({
      %run_scoped3A = tpu.sem_alloc : memref<!tpu.dma_semaphore, #tpu.memory_space<semaphore_mem>>
      %dma_start3A = arith.constant 0 : i32
      %dma_start3A_55 = tpu.memref_slice %arg9[%add3A_22, %dma_start3A] : memref<10240x64xf32, #tpu.memory_space<vmem_shared>> -> memref<128x64xf32, #tpu.memory_space<vmem_shared>>
      %dma_start3A_56 = arith.constant 0 : i32
      %dma_start3A_57 = tpu.memref_slice %arg2[%add3A_22, %dma_start3A_56] : memref<10240x64xf32, #tpu.memory_space<hbm>> -> memref<128x64xf32, #tpu.memory_space<hbm>>
      tpu.enqueue_dma source(%dma_start3A_57 : memref<128x64xf32, #tpu.memory_space<hbm>>) target(%dma_start3A_55 : memref<128x64xf32, #tpu.memory_space<vmem_shared>>) target_semaphore(%run_scoped3A : memref<!tpu.dma_semaphore, #tpu.memory_space<semaphore_mem>>)
      %dma_wait3A = arith.constant 0 : i32
      %dma_wait3A_58 = tpu.memref_slice %arg9[%add3A_22, %dma_wait3A] : memref<10240x64xf32, #tpu.memory_space<vmem_shared>> -> memref<128x64xf32, #tpu.memory_space<vmem_shared>>
      %dma_wait3A_59 = arith.constant 0 : i32
      %dma_wait3A_60 = tpu.memref_slice %arg2[%add3A_22, %dma_wait3A_59] : memref<10240x64xf32, #tpu.memory_space<hbm>> -> memref<128x64xf32, #tpu.memory_space<hbm>>
      tpu.wait_dma2 semaphore(%run_scoped3A : memref<!tpu.dma_semaphore, #tpu.memory_space<semaphore_mem>>) src(%dma_wait3A_60 : memref<128x64xf32, #tpu.memory_space<hbm>>) dst(%dma_wait3A_58 : memref<128x64xf32, #tpu.memory_space<vmem_shared>>)
      tpu.yield
    }) : () -> ()
    %mul3A_23 = arith.constant 640 : i32
    %mul3A_24 = arith.muli %arg1, %mul3A_23 : i32
    %add3A_25 = arith.constant 512 : i32
    %add3A_26 = arith.addi %mul3A_24, %add3A_25 : i32
    "tpu.region"() ({
      %run_scoped3A = tpu.sem_alloc : memref<!tpu.dma_semaphore, #tpu.memory_space<semaphore_mem>>
      %dma_start3A = arith.constant 0 : i32
      %dma_start3A_55 = tpu.memref_slice %arg11[%add3A_26, %dma_start3A] : memref<10240x64xf32, #tpu.memory_space<vmem_shared>> -> memref<128x64xf32, #tpu.memory_space<vmem_shared>>
      %dma_start3A_56 = arith.constant 0 : i32
      %dma_start3A_57 = tpu.memref_slice %arg11[%add3A_26, %dma_start3A_56] : memref<10240x64xf32, #tpu.memory_space<vmem_shared>> -> memref<128x64xf32, #tpu.memory_space<vmem_shared>>
      tpu.enqueue_dma source(%arg10 : memref<128x64xf32, #tpu.memory_space<vmem>>) target(%dma_start3A_57 : memref<128x64xf32, #tpu.memory_space<vmem_shared>>) target_semaphore(%run_scoped3A : memref<!tpu.dma_semaphore, #tpu.memory_space<semaphore_mem>>)
      %dma_wait3A = arith.constant 0 : i32
      %dma_wait3A_58 = tpu.memref_slice %arg11[%add3A_26, %dma_wait3A] : memref<10240x64xf32, #tpu.memory_space<vmem_shared>> -> memref<128x64xf32, #tpu.memory_space<vmem_shared>>
      %dma_wait3A_59 = arith.constant 0 : i32
      %dma_wait3A_60 = tpu.memref_slice %arg11[%add3A_26, %dma_wait3A_59] : memref<10240x64xf32, #tpu.memory_space<vmem_shared>> -> memref<128x64xf32, #tpu.memory_space<vmem_shared>>
      tpu.wait_dma2 semaphore(%run_scoped3A : memref<!tpu.dma_semaphore, #tpu.memory_space<semaphore_mem>>) src(%arg10 : memref<128x64xf32, #tpu.memory_space<vmem>>) dst(%dma_wait3A_60 : memref<128x64xf32, #tpu.memory_space<vmem_shared>>)
      tpu.yield
    }) : () -> ()
    "tpu.region"() ({
      %run_scoped3A = tpu.sem_alloc : memref<!tpu.dma_semaphore, #tpu.memory_space<semaphore_mem>>
      %dma_start3A = arith.constant 0 : i32
      %dma_start3A_55 = tpu.memref_slice %arg9[%add3A_26, %dma_start3A] : memref<10240x64xf32, #tpu.memory_space<vmem_shared>> -> memref<128x64xf32, #tpu.memory_space<vmem_shared>>
      %dma_start3A_56 = arith.constant 0 : i32
      %dma_start3A_57 = tpu.memref_slice %arg2[%add3A_26, %dma_start3A_56] : memref<10240x64xf32, #tpu.memory_space<hbm>> -> memref<128x64xf32, #tpu.memory_space<hbm>>
      tpu.enqueue_dma source(%dma_start3A_57 : memref<128x64xf32, #tpu.memory_space<hbm>>) target(%dma_start3A_55 : memref<128x64xf32, #tpu.memory_space<vmem_shared>>) target_semaphore(%run_scoped3A : memref<!tpu.dma_semaphore, #tpu.memory_space<semaphore_mem>>)
      %dma_wait3A = arith.constant 0 : i32
      %dma_wait3A_58 = tpu.memref_slice %arg9[%add3A_26, %dma_wait3A] : memref<10240x64xf32, #tpu.memory_space<vmem_shared>> -> memref<128x64xf32, #tpu.memory_space<vmem_shared>>
      %dma_wait3A_59 = arith.constant 0 : i32
      %dma_wait3A_60 = tpu.memref_slice %arg2[%add3A_26, %dma_wait3A_59] : memref<10240x64xf32, #tpu.memory_space<hbm>> -> memref<128x64xf32, #tpu.memory_space<hbm>>
      tpu.wait_dma2 semaphore(%run_scoped3A : memref<!tpu.dma_semaphore, #tpu.memory_space<semaphore_mem>>) src(%dma_wait3A_60 : memref<128x64xf32, #tpu.memory_space<hbm>>) dst(%dma_wait3A_58 : memref<128x64xf32, #tpu.memory_space<vmem_shared>>)
      tpu.yield
    }) : () -> ()
    "tpu.region"() ({
      %run_scoped3A = tpu.sem_alloc : memref<!tpu.dma_semaphore, #tpu.memory_space<semaphore_mem>>
      %dma_start3A = arith.constant 0 : i32
      %dma_start3A_55 = arith.constant 0 : i32
      %dma_start3A_56 = tpu.memref_slice %arg4[%add3A, %dma_start3A, %dma_start3A_55] : memref<32x80x128xi32, #tpu.memory_space<hbm>> -> memref<1x80x128xi32, #tpu.memory_space<hbm>>
      %dma_start3A_57 = tpu.memref_squeeze %dma_start3A_56 : memref<1x80x128xi32, #tpu.memory_space<hbm>> -> memref<80x128xi32, #tpu.memory_space<hbm>>
      %dma_start3A_58 = arith.constant 0 : i32
      %dma_start3A_59 = arith.constant 0 : i32
      %dma_start3A_60 = tpu.memref_slice %arg4[%add3A, %dma_start3A_58, %dma_start3A_59] : memref<32x80x128xi32, #tpu.memory_space<hbm>> -> memref<1x80x128xi32, #tpu.memory_space<hbm>>
      %dma_start3A_61 = tpu.memref_squeeze %dma_start3A_60 : memref<1x80x128xi32, #tpu.memory_space<hbm>> -> memref<80x128xi32, #tpu.memory_space<hbm>>
      tpu.enqueue_dma source(%dma_start3A_61 : memref<80x128xi32, #tpu.memory_space<hbm>>) target(%arg7 : memref<80x128xi32, #tpu.memory_space<vmem>>) target_semaphore(%run_scoped3A : memref<!tpu.dma_semaphore, #tpu.memory_space<semaphore_mem>>)
      %dma_wait3A = arith.constant 0 : i32
      %dma_wait3A_62 = arith.constant 0 : i32
      %dma_wait3A_63 = tpu.memref_slice %arg4[%add3A, %dma_wait3A, %dma_wait3A_62] : memref<32x80x128xi32, #tpu.memory_space<hbm>> -> memref<1x80x128xi32, #tpu.memory_space<hbm>>
      %dma_wait3A_64 = tpu.memref_squeeze %dma_wait3A_63 : memref<1x80x128xi32, #tpu.memory_space<hbm>> -> memref<80x128xi32, #tpu.memory_space<hbm>>
      %dma_wait3A_65 = arith.constant 0 : i32
      %dma_wait3A_66 = arith.constant 0 : i32
      %dma_wait3A_67 = tpu.memref_slice %arg4[%add3A, %dma_wait3A_65, %dma_wait3A_66] : memref<32x80x128xi32, #tpu.memory_space<hbm>> -> memref<1x80x128xi32, #tpu.memory_space<hbm>>
      %dma_wait3A_68 = tpu.memref_squeeze %dma_wait3A_67 : memref<1x80x128xi32, #tpu.memory_space<hbm>> -> memref<80x128xi32, #tpu.memory_space<hbm>>
      tpu.wait_dma2 semaphore(%run_scoped3A : memref<!tpu.dma_semaphore, #tpu.memory_space<semaphore_mem>>) src(%dma_wait3A_68 : memref<80x128xi32, #tpu.memory_space<hbm>>) dst(%arg7 : memref<80x128xi32, #tpu.memory_space<vmem>>)
      tpu.yield
    }) : () -> ()
    "tpu.region"() ({
      %run_scoped3A = tpu.sem_alloc : memref<!tpu.dma_semaphore, #tpu.memory_space<semaphore_mem>>
      %dma_start3A = arith.constant 0 : i32
      %dma_start3A_55 = arith.constant 0 : i32
      %dma_start3A_56 = tpu.memref_slice %arg3[%add3A, %dma_start3A, %dma_start3A_55] : memref<32x80x128xi32, #tpu.memory_space<hbm>> -> memref<1x80x128xi32, #tpu.memory_space<hbm>>
      %dma_start3A_57 = tpu.memref_squeeze %dma_start3A_56 : memref<1x80x128xi32, #tpu.memory_space<hbm>> -> memref<80x128xi32, #tpu.memory_space<hbm>>
      %dma_start3A_58 = arith.constant 0 : i32
      %dma_start3A_59 = arith.constant 0 : i32
      %dma_start3A_60 = tpu.memref_slice %arg3[%add3A, %dma_start3A_58, %dma_start3A_59] : memref<32x80x128xi32, #tpu.memory_space<hbm>> -> memref<1x80x128xi32, #tpu.memory_space<hbm>>
      %dma_start3A_61 = tpu.memref_squeeze %dma_start3A_60 : memref<1x80x128xi32, #tpu.memory_space<hbm>> -> memref<80x128xi32, #tpu.memory_space<hbm>>
      tpu.enqueue_dma source(%dma_start3A_61 : memref<80x128xi32, #tpu.memory_space<hbm>>) target(%arg6 : memref<80x128xi32, #tpu.memory_space<vmem>>) target_semaphore(%run_scoped3A : memref<!tpu.dma_semaphore, #tpu.memory_space<semaphore_mem>>)
      %dma_wait3A = arith.constant 0 : i32
      %dma_wait3A_62 = arith.constant 0 : i32
      %dma_wait3A_63 = tpu.memref_slice %arg3[%add3A, %dma_wait3A, %dma_wait3A_62] : memref<32x80x128xi32, #tpu.memory_space<hbm>> -> memref<1x80x128xi32, #tpu.memory_space<hbm>>
      %dma_wait3A_64 = tpu.memref_squeeze %dma_wait3A_63 : memref<1x80x128xi32, #tpu.memory_space<hbm>> -> memref<80x128xi32, #tpu.memory_space<hbm>>
      %dma_wait3A_65 = arith.constant 0 : i32
      %dma_wait3A_66 = arith.constant 0 : i32
      %dma_wait3A_67 = tpu.memref_slice %arg3[%add3A, %dma_wait3A_65, %dma_wait3A_66] : memref<32x80x128xi32, #tpu.memory_space<hbm>> -> memref<1x80x128xi32, #tpu.memory_space<hbm>>
      %dma_wait3A_68 = tpu.memref_squeeze %dma_wait3A_67 : memref<1x80x128xi32, #tpu.memory_space<hbm>> -> memref<80x128xi32, #tpu.memory_space<hbm>>
      tpu.wait_dma2 semaphore(%run_scoped3A : memref<!tpu.dma_semaphore, #tpu.memory_space<semaphore_mem>>) src(%dma_wait3A_68 : memref<80x128xi32, #tpu.memory_space<hbm>>) dst(%arg6 : memref<80x128xi32, #tpu.memory_space<vmem>>)
      tpu.yield
    }) : () -> ()
    %barrier3A = arith.constant 0 : index
    tpu.barrier barrier_id(%barrier3A)
    %scan3A_27 = arith.constant 0 : i32
    %scan3A_28 = arith.constant 0 : i32
    %scan3A_29 = arith.constant 40 : i32
    %scan3A_30 = arith.addi %scan3A_28, %scan3A_29 : i32
    %scan3A_31 = arith.constant 1 : i32
    %scan3A_32 = scf.for %scan3A_55 = %scan3A_28 to %scan3A_30 step %scan3A_31 iter_args(%scan3A_56 = %scan3A_27) -> (i32)  : i32 {
      %mul3A_57 = arith.constant 2 : i32
      %mul3A_58 = arith.muli %mul3A_57, %scan3A_55 : i32
      %dma_start3A = arith.constant 0 : i32
      %dma_start3A_59 = tpu.memref_slice %arg6[%mul3A_58, %dma_start3A] : memref<80x128xi32, #tpu.memory_space<vmem>> -> memref<1x128xi32, #tpu.memory_space<vmem>>
      %dma_start3A_60 = tpu.memref_squeeze %dma_start3A_59 : memref<1x128xi32, #tpu.memory_space<vmem>> -> memref<128xi32, #tpu.memory_space<vmem>>
      %dma_start3A_61 = arith.constant 0 : i32
      %dma_start3A_62 = arith.constant 0 : i32
      %dma_start3A_63 = tpu.memref_slice %arg9[%dma_start3A_61, %dma_start3A_62] : memref<10240x64xf32, #tpu.memory_space<vmem_shared>> -> memref<10240x64xf32, #tpu.memory_space<vmem_shared>>
      tpu.enqueue_indirect_dma source(%dma_start3A_63 : memref<10240x64xf32, #tpu.memory_space<vmem_shared>>) target(%arg8 : memref<128x64xf32, #tpu.memory_space<vmem>>) offsets(%dma_start3A_60 : memref<128xi32, #tpu.memory_space<vmem>>) semaphore(%arg12 : memref<!tpu.dma_semaphore, #tpu.memory_space<semaphore_mem>>)
      %add3A_64 = arith.constant 1 : i32
      %add3A_65 = arith.addi %mul3A_58, %add3A_64 : i32
      %dma_start3A_66 = arith.constant 0 : i32
      %dma_start3A_67 = tpu.memref_slice %arg6[%add3A_65, %dma_start3A_66] : memref<80x128xi32, #tpu.memory_space<vmem>> -> memref<1x128xi32, #tpu.memory_space<vmem>>
      %dma_start3A_68 = tpu.memref_squeeze %dma_start3A_67 : memref<1x128xi32, #tpu.memory_space<vmem>> -> memref<128xi32, #tpu.memory_space<vmem>>
      %dma_start3A_69 = arith.constant 0 : i32
      %dma_start3A_70 = arith.constant 0 : i32
      %dma_start3A_71 = tpu.memref_slice %arg9[%dma_start3A_69, %dma_start3A_70] : memref<10240x64xf32, #tpu.memory_space<vmem_shared>> -> memref<10240x64xf32, #tpu.memory_space<vmem_shared>>
      tpu.enqueue_indirect_dma source(%dma_start3A_71 : memref<10240x64xf32, #tpu.memory_space<vmem_shared>>) target(%arg10 : memref<128x64xf32, #tpu.memory_space<vmem>>) offsets(%dma_start3A_68 : memref<128xi32, #tpu.memory_space<vmem>>) semaphore(%arg13 : memref<!tpu.dma_semaphore, #tpu.memory_space<semaphore_mem>>)
      %dma_wait3A = arith.constant 0 : i32
      %dma_wait3A_72 = tpu.memref_slice %arg6[%mul3A_58, %dma_wait3A] : memref<80x128xi32, #tpu.memory_space<vmem>> -> memref<1x128xi32, #tpu.memory_space<vmem>>
      %dma_wait3A_73 = tpu.memref_squeeze %dma_wait3A_72 : memref<1x128xi32, #tpu.memory_space<vmem>> -> memref<128xi32, #tpu.memory_space<vmem>>
      %dma_wait3A_74 = arith.constant 0 : i32
      %dma_wait3A_75 = arith.constant 0 : i32
      %dma_wait3A_76 = tpu.memref_slice %arg9[%dma_wait3A_74, %dma_wait3A_75] : memref<10240x64xf32, #tpu.memory_space<vmem_shared>> -> memref<10240x64xf32, #tpu.memory_space<vmem_shared>>
      tpu.wait_indirect_dma semaphore(%arg12 : memref<!tpu.dma_semaphore, #tpu.memory_space<semaphore_mem>>) src(%dma_wait3A_76 : memref<10240x64xf32, #tpu.memory_space<vmem_shared>>) dst(%arg8 : memref<128x64xf32, #tpu.memory_space<vmem>>)
      "tpu.region"() ({
        %run_scoped3A = tpu.sem_alloc : memref<!tpu.dma_semaphore, #tpu.memory_space<semaphore_mem>>
        %dma_start3A_86 = arith.constant 0 : i32
        %dma_start3A_87 = tpu.memref_slice %arg7[%mul3A_58, %dma_start3A_86] : memref<80x128xi32, #tpu.memory_space<vmem>> -> memref<1x128xi32, #tpu.memory_space<vmem>>
        %dma_start3A_88 = tpu.memref_squeeze %dma_start3A_87 : memref<1x128xi32, #tpu.memory_space<vmem>> -> memref<128xi32, #tpu.memory_space<vmem>>
        %dma_start3A_89 = arith.constant 0 : i32
        %dma_start3A_90 = arith.constant 0 : i32
        %dma_start3A_91 = tpu.memref_slice %arg11[%dma_start3A_89, %dma_start3A_90] : memref<10240x64xf32, #tpu.memory_space<vmem_shared>> -> memref<10240x64xf32, #tpu.memory_space<vmem_shared>>
        tpu.enqueue_indirect_dma source(%arg8 : memref<128x64xf32, #tpu.memory_space<vmem>>) target(%dma_start3A_91 : memref<10240x64xf32, #tpu.memory_space<vmem_shared>>) offsets(%dma_start3A_88 : memref<128xi32, #tpu.memory_space<vmem>>) semaphore(%run_scoped3A : memref<!tpu.dma_semaphore, #tpu.memory_space<semaphore_mem>>) {add = true}
        %dma_wait3A_92 = arith.constant 0 : i32
        %dma_wait3A_93 = tpu.memref_slice %arg7[%mul3A_58, %dma_wait3A_92] : memref<80x128xi32, #tpu.memory_space<vmem>> -> memref<1x128xi32, #tpu.memory_space<vmem>>
        %dma_wait3A_94 = tpu.memref_squeeze %dma_wait3A_93 : memref<1x128xi32, #tpu.memory_space<vmem>> -> memref<128xi32, #tpu.memory_space<vmem>>
        %dma_wait3A_95 = arith.constant 0 : i32
        %dma_wait3A_96 = arith.constant 0 : i32
        %dma_wait3A_97 = tpu.memref_slice %arg11[%dma_wait3A_95, %dma_wait3A_96] : memref<10240x64xf32, #tpu.memory_space<vmem_shared>> -> memref<10240x64xf32, #tpu.memory_space<vmem_shared>>
        tpu.wait_indirect_dma semaphore(%run_scoped3A : memref<!tpu.dma_semaphore, #tpu.memory_space<semaphore_mem>>) src(%arg8 : memref<128x64xf32, #tpu.memory_space<vmem>>) dst(%dma_wait3A_97 : memref<10240x64xf32, #tpu.memory_space<vmem_shared>>)
        tpu.yield
      }) : () -> ()
      %dma_wait3A_77 = arith.constant 0 : i32
      %dma_wait3A_78 = tpu.memref_slice %arg6[%add3A_65, %dma_wait3A_77] : memref<80x128xi32, #tpu.memory_space<vmem>> -> memref<1x128xi32, #tpu.memory_space<vmem>>
      %dma_wait3A_79 = tpu.memref_squeeze %dma_wait3A_78 : memref<1x128xi32, #tpu.memory_space<vmem>> -> memref<128xi32, #tpu.memory_space<vmem>>
      %dma_wait3A_80 = arith.constant 0 : i32
      %dma_wait3A_81 = arith.constant 0 : i32
      %dma_wait3A_82 = tpu.memref_slice %arg9[%dma_wait3A_80, %dma_wait3A_81] : memref<10240x64xf32, #tpu.memory_space<vmem_shared>> -> memref<10240x64xf32, #tpu.memory_space<vmem_shared>>
      tpu.wait_indirect_dma semaphore(%arg13 : memref<!tpu.dma_semaphore, #tpu.memory_space<semaphore_mem>>) src(%dma_wait3A_82 : memref<10240x64xf32, #tpu.memory_space<vmem_shared>>) dst(%arg10 : memref<128x64xf32, #tpu.memory_space<vmem>>)
      %add3A_83 = arith.constant 1 : i32
      %add3A_84 = arith.addi %mul3A_58, %add3A_83 : i32
      "tpu.region"() ({
        %run_scoped3A = tpu.sem_alloc : memref<!tpu.dma_semaphore, #tpu.memory_space<semaphore_mem>>
        %dma_start3A_86 = arith.constant 0 : i32
        %dma_start3A_87 = tpu.memref_slice %arg7[%add3A_84, %dma_start3A_86] : memref<80x128xi32, #tpu.memory_space<vmem>> -> memref<1x128xi32, #tpu.memory_space<vmem>>
        %dma_start3A_88 = tpu.memref_squeeze %dma_start3A_87 : memref<1x128xi32, #tpu.memory_space<vmem>> -> memref<128xi32, #tpu.memory_space<vmem>>
        %dma_start3A_89 = arith.constant 0 : i32
        %dma_start3A_90 = arith.constant 0 : i32
        %dma_start3A_91 = tpu.memref_slice %arg11[%dma_start3A_89, %dma_start3A_90] : memref<10240x64xf32, #tpu.memory_space<vmem_shared>> -> memref<10240x64xf32, #tpu.memory_space<vmem_shared>>
        tpu.enqueue_indirect_dma source(%arg10 : memref<128x64xf32, #tpu.memory_space<vmem>>) target(%dma_start3A_91 : memref<10240x64xf32, #tpu.memory_space<vmem_shared>>) offsets(%dma_start3A_88 : memref<128xi32, #tpu.memory_space<vmem>>) semaphore(%run_scoped3A : memref<!tpu.dma_semaphore, #tpu.memory_space<semaphore_mem>>) {add = true}
        %dma_wait3A_92 = arith.constant 0 : i32
        %dma_wait3A_93 = tpu.memref_slice %arg7[%add3A_84, %dma_wait3A_92] : memref<80x128xi32, #tpu.memory_space<vmem>> -> memref<1x128xi32, #tpu.memory_space<vmem>>
        %dma_wait3A_94 = tpu.memref_squeeze %dma_wait3A_93 : memref<1x128xi32, #tpu.memory_space<vmem>> -> memref<128xi32, #tpu.memory_space<vmem>>
        %dma_wait3A_95 = arith.constant 0 : i32
        %dma_wait3A_96 = arith.constant 0 : i32
        %dma_wait3A_97 = tpu.memref_slice %arg11[%dma_wait3A_95, %dma_wait3A_96] : memref<10240x64xf32, #tpu.memory_space<vmem_shared>> -> memref<10240x64xf32, #tpu.memory_space<vmem_shared>>
        tpu.wait_indirect_dma semaphore(%run_scoped3A : memref<!tpu.dma_semaphore, #tpu.memory_space<semaphore_mem>>) src(%arg10 : memref<128x64xf32, #tpu.memory_space<vmem>>) dst(%dma_wait3A_97 : memref<10240x64xf32, #tpu.memory_space<vmem_shared>>)
        tpu.yield
      }) : () -> ()
      %scan3A_85 = arith.constant 0 : i32
      scf.yield %scan3A_85 : i32
    }
    %scan3A_33 = arith.constant 40 : i32
    %barrier3A_34 = arith.constant 0 : index
    tpu.barrier barrier_id(%barrier3A_34)
    %mul3A_35 = arith.constant 640 : i32
    %mul3A_36 = arith.muli %arg1, %mul3A_35 : i32
    %add3A_37 = arith.constant 0 : i32
    %add3A_38 = arith.addi %mul3A_36, %add3A_37 : i32
    "tpu.region"() ({
      %run_scoped3A = tpu.sem_alloc : memref<!tpu.dma_semaphore, #tpu.memory_space<semaphore_mem>>
      %dma_start3A = arith.constant 0 : i32
      %dma_start3A_55 = tpu.memref_slice %arg5[%arg0, %add3A_38, %dma_start3A] : memref<2x10240x64xf32, #tpu.memory_space<hbm>> -> memref<1x128x64xf32, #tpu.memory_space<hbm>>
      %dma_start3A_56 = tpu.memref_squeeze %dma_start3A_55 : memref<1x128x64xf32, #tpu.memory_space<hbm>> -> memref<128x64xf32, #tpu.memory_space<hbm>>
      %dma_start3A_57 = arith.constant 0 : i32
      %dma_start3A_58 = tpu.memref_slice %arg11[%add3A_38, %dma_start3A_57] : memref<10240x64xf32, #tpu.memory_space<vmem_shared>> -> memref<128x64xf32, #tpu.memory_space<vmem_shared>>
      tpu.enqueue_dma source(%dma_start3A_58 : memref<128x64xf32, #tpu.memory_space<vmem_shared>>) target(%dma_start3A_56 : memref<128x64xf32, #tpu.memory_space<hbm>>) target_semaphore(%run_scoped3A : memref<!tpu.dma_semaphore, #tpu.memory_space<semaphore_mem>>)
      %dma_wait3A = arith.constant 0 : i32
      %dma_wait3A_59 = tpu.memref_slice %arg5[%arg0, %add3A_38, %dma_wait3A] : memref<2x10240x64xf32, #tpu.memory_space<hbm>> -> memref<1x128x64xf32, #tpu.memory_space<hbm>>
      %dma_wait3A_60 = tpu.memref_squeeze %dma_wait3A_59 : memref<1x128x64xf32, #tpu.memory_space<hbm>> -> memref<128x64xf32, #tpu.memory_space<hbm>>
      %dma_wait3A_61 = arith.constant 0 : i32
      %dma_wait3A_62 = tpu.memref_slice %arg11[%add3A_38, %dma_wait3A_61] : memref<10240x64xf32, #tpu.memory_space<vmem_shared>> -> memref<128x64xf32, #tpu.memory_space<vmem_shared>>
      tpu.wait_dma2 semaphore(%run_scoped3A : memref<!tpu.dma_semaphore, #tpu.memory_space<semaphore_mem>>) src(%dma_wait3A_62 : memref<128x64xf32, #tpu.memory_space<vmem_shared>>) dst(%dma_wait3A_60 : memref<128x64xf32, #tpu.memory_space<hbm>>)
      tpu.yield
    }) : () -> ()
    %mul3A_39 = arith.constant 640 : i32
    %mul3A_40 = arith.muli %arg1, %mul3A_39 : i32
    %add3A_41 = arith.constant 128 : i32
    %add3A_42 = arith.addi %mul3A_40, %add3A_41 : i32
    "tpu.region"() ({
      %run_scoped3A = tpu.sem_alloc : memref<!tpu.dma_semaphore, #tpu.memory_space<semaphore_mem>>
      %dma_start3A = arith.constant 0 : i32
      %dma_start3A_55 = tpu.memref_slice %arg5[%arg0, %add3A_42, %dma_start3A] : memref<2x10240x64xf32, #tpu.memory_space<hbm>> -> memref<1x128x64xf32, #tpu.memory_space<hbm>>
      %dma_start3A_56 = tpu.memref_squeeze %dma_start3A_55 : memref<1x128x64xf32, #tpu.memory_space<hbm>> -> memref<128x64xf32, #tpu.memory_space<hbm>>
      %dma_start3A_57 = arith.constant 0 : i32
      %dma_start3A_58 = tpu.memref_slice %arg11[%add3A_42, %dma_start3A_57] : memref<10240x64xf32, #tpu.memory_space<vmem_shared>> -> memref<128x64xf32, #tpu.memory_space<vmem_shared>>
      tpu.enqueue_dma source(%dma_start3A_58 : memref<128x64xf32, #tpu.memory_space<vmem_shared>>) target(%dma_start3A_56 : memref<128x64xf32, #tpu.memory_space<hbm>>) target_semaphore(%run_scoped3A : memref<!tpu.dma_semaphore, #tpu.memory_space<semaphore_mem>>)
      %dma_wait3A = arith.constant 0 : i32
      %dma_wait3A_59 = tpu.memref_slice %arg5[%arg0, %add3A_42, %dma_wait3A] : memref<2x10240x64xf32, #tpu.memory_space<hbm>> -> memref<1x128x64xf32, #tpu.memory_space<hbm>>
      %dma_wait3A_60 = tpu.memref_squeeze %dma_wait3A_59 : memref<1x128x64xf32, #tpu.memory_space<hbm>> -> memref<128x64xf32, #tpu.memory_space<hbm>>
      %dma_wait3A_61 = arith.constant 0 : i32
      %dma_wait3A_62 = tpu.memref_slice %arg11[%add3A_42, %dma_wait3A_61] : memref<10240x64xf32, #tpu.memory_space<vmem_shared>> -> memref<128x64xf32, #tpu.memory_space<vmem_shared>>
      tpu.wait_dma2 semaphore(%run_scoped3A : memref<!tpu.dma_semaphore, #tpu.memory_space<semaphore_mem>>) src(%dma_wait3A_62 : memref<128x64xf32, #tpu.memory_space<vmem_shared>>) dst(%dma_wait3A_60 : memref<128x64xf32, #tpu.memory_space<hbm>>)
      tpu.yield
    }) : () -> ()
    %mul3A_43 = arith.constant 640 : i32
    %mul3A_44 = arith.muli %arg1, %mul3A_43 : i32
    %add3A_45 = arith.constant 256 : i32
    %add3A_46 = arith.addi %mul3A_44, %add3A_45 : i32
    "tpu.region"() ({
      %run_scoped3A = tpu.sem_alloc : memref<!tpu.dma_semaphore, #tpu.memory_space<semaphore_mem>>
      %dma_start3A = arith.constant 0 : i32
      %dma_start3A_55 = tpu.memref_slice %arg5[%arg0, %add3A_46, %dma_start3A] : memref<2x10240x64xf32, #tpu.memory_space<hbm>> -> memref<1x128x64xf32, #tpu.memory_space<hbm>>
      %dma_start3A_56 = tpu.memref_squeeze %dma_start3A_55 : memref<1x128x64xf32, #tpu.memory_space<hbm>> -> memref<128x64xf32, #tpu.memory_space<hbm>>
      %dma_start3A_57 = arith.constant 0 : i32
      %dma_start3A_58 = tpu.memref_slice %arg11[%add3A_46, %dma_start3A_57] : memref<10240x64xf32, #tpu.memory_space<vmem_shared>> -> memref<128x64xf32, #tpu.memory_space<vmem_shared>>
      tpu.enqueue_dma source(%dma_start3A_58 : memref<128x64xf32, #tpu.memory_space<vmem_shared>>) target(%dma_start3A_56 : memref<128x64xf32, #tpu.memory_space<hbm>>) target_semaphore(%run_scoped3A : memref<!tpu.dma_semaphore, #tpu.memory_space<semaphore_mem>>)
      %dma_wait3A = arith.constant 0 : i32
      %dma_wait3A_59 = tpu.memref_slice %arg5[%arg0, %add3A_46, %dma_wait3A] : memref<2x10240x64xf32, #tpu.memory_space<hbm>> -> memref<1x128x64xf32, #tpu.memory_space<hbm>>
      %dma_wait3A_60 = tpu.memref_squeeze %dma_wait3A_59 : memref<1x128x64xf32, #tpu.memory_space<hbm>> -> memref<128x64xf32, #tpu.memory_space<hbm>>
      %dma_wait3A_61 = arith.constant 0 : i32
      %dma_wait3A_62 = tpu.memref_slice %arg11[%add3A_46, %dma_wait3A_61] : memref<10240x64xf32, #tpu.memory_space<vmem_shared>> -> memref<128x64xf32, #tpu.memory_space<vmem_shared>>
      tpu.wait_dma2 semaphore(%run_scoped3A : memref<!tpu.dma_semaphore, #tpu.memory_space<semaphore_mem>>) src(%dma_wait3A_62 : memref<128x64xf32, #tpu.memory_space<vmem_shared>>) dst(%dma_wait3A_60 : memref<128x64xf32, #tpu.memory_space<hbm>>)
      tpu.yield
    }) : () -> ()
    %mul3A_47 = arith.constant 640 : i32
    %mul3A_48 = arith.muli %arg1, %mul3A_47 : i32
    %add3A_49 = arith.constant 384 : i32
    %add3A_50 = arith.addi %mul3A_48, %add3A_49 : i32
    "tpu.region"() ({
      %run_scoped3A = tpu.sem_alloc : memref<!tpu.dma_semaphore, #tpu.memory_space<semaphore_mem>>
      %dma_start3A = arith.constant 0 : i32
      %dma_start3A_55 = tpu.memref_slice %arg5[%arg0, %add3A_50, %dma_start3A] : memref<2x10240x64xf32, #tpu.memory_space<hbm>> -> memref<1x128x64xf32, #tpu.memory_space<hbm>>
      %dma_start3A_56 = tpu.memref_squeeze %dma_start3A_55 : memref<1x128x64xf32, #tpu.memory_space<hbm>> -> memref<128x64xf32, #tpu.memory_space<hbm>>
      %dma_start3A_57 = arith.constant 0 : i32
      %dma_start3A_58 = tpu.memref_slice %arg11[%add3A_50, %dma_start3A_57] : memref<10240x64xf32, #tpu.memory_space<vmem_shared>> -> memref<128x64xf32, #tpu.memory_space<vmem_shared>>
      tpu.enqueue_dma source(%dma_start3A_58 : memref<128x64xf32, #tpu.memory_space<vmem_shared>>) target(%dma_start3A_56 : memref<128x64xf32, #tpu.memory_space<hbm>>) target_semaphore(%run_scoped3A : memref<!tpu.dma_semaphore, #tpu.memory_space<semaphore_mem>>)
      %dma_wait3A = arith.constant 0 : i32
      %dma_wait3A_59 = tpu.memref_slice %arg5[%arg0, %add3A_50, %dma_wait3A] : memref<2x10240x64xf32, #tpu.memory_space<hbm>> -> memref<1x128x64xf32, #tpu.memory_space<hbm>>
      %dma_wait3A_60 = tpu.memref_squeeze %dma_wait3A_59 : memref<1x128x64xf32, #tpu.memory_space<hbm>> -> memref<128x64xf32, #tpu.memory_space<hbm>>
      %dma_wait3A_61 = arith.constant 0 : i32
      %dma_wait3A_62 = tpu.memref_slice %arg11[%add3A_50, %dma_wait3A_61] : memref<10240x64xf32, #tpu.memory_space<vmem_shared>> -> memref<128x64xf32, #tpu.memory_space<vmem_shared>>
      tpu.wait_dma2 semaphore(%run_scoped3A : memref<!tpu.dma_semaphore, #tpu.memory_space<semaphore_mem>>) src(%dma_wait3A_62 : memref<128x64xf32, #tpu.memory_space<vmem_shared>>) dst(%dma_wait3A_60 : memref<128x64xf32, #tpu.memory_space<hbm>>)
      tpu.yield
    }) : () -> ()
    %mul3A_51 = arith.constant 640 : i32
    %mul3A_52 = arith.muli %arg1, %mul3A_51 : i32
    %add3A_53 = arith.constant 512 : i32
    %add3A_54 = arith.addi %mul3A_52, %add3A_53 : i32
    "tpu.region"() ({
      %run_scoped3A = tpu.sem_alloc : memref<!tpu.dma_semaphore, #tpu.memory_space<semaphore_mem>>
      %dma_start3A = arith.constant 0 : i32
      %dma_start3A_55 = tpu.memref_slice %arg5[%arg0, %add3A_54, %dma_start3A] : memref<2x10240x64xf32, #tpu.memory_space<hbm>> -> memref<1x128x64xf32, #tpu.memory_space<hbm>>
      %dma_start3A_56 = tpu.memref_squeeze %dma_start3A_55 : memref<1x128x64xf32, #tpu.memory_space<hbm>> -> memref<128x64xf32, #tpu.memory_space<hbm>>
      %dma_start3A_57 = arith.constant 0 : i32
      %dma_start3A_58 = tpu.memref_slice %arg11[%add3A_54, %dma_start3A_57] : memref<10240x64xf32, #tpu.memory_space<vmem_shared>> -> memref<128x64xf32, #tpu.memory_space<vmem_shared>>
      tpu.enqueue_dma source(%dma_start3A_58 : memref<128x64xf32, #tpu.memory_space<vmem_shared>>) target(%dma_start3A_56 : memref<128x64xf32, #tpu.memory_space<hbm>>) target_semaphore(%run_scoped3A : memref<!tpu.dma_semaphore, #tpu.memory_space<semaphore_mem>>)
      %dma_wait3A = arith.constant 0 : i32
      %dma_wait3A_59 = tpu.memref_slice %arg5[%arg0, %add3A_54, %dma_wait3A] : memref<2x10240x64xf32, #tpu.memory_space<hbm>> -> memref<1x128x64xf32, #tpu.memory_space<hbm>>
      %dma_wait3A_60 = tpu.memref_squeeze %dma_wait3A_59 : memref<1x128x64xf32, #tpu.memory_space<hbm>> -> memref<128x64xf32, #tpu.memory_space<hbm>>
      %dma_wait3A_61 = arith.constant 0 : i32
      %dma_wait3A_62 = tpu.memref_slice %arg11[%add3A_54, %dma_wait3A_61] : memref<10240x64xf32, #tpu.memory_space<vmem_shared>> -> memref<128x64xf32, #tpu.memory_space<vmem_shared>>
      tpu.wait_dma2 semaphore(%run_scoped3A : memref<!tpu.dma_semaphore, #tpu.memory_space<semaphore_mem>>) src(%dma_wait3A_62 : memref<128x64xf32, #tpu.memory_space<vmem_shared>>) dst(%dma_wait3A_60 : memref<128x64xf32, #tpu.memory_space<hbm>>)
      tpu.yield
    }) : () -> ()
    return
  }
}

module attributes {stable_mosaic.version = 14 : i64} {
  func.func @_k0_body(%arg0: memref<10240x128xf32, #tpu.memory_space<vmem>>, %arg1: memref<128x64xf32, #tpu.memory_space<vmem>>, %arg2: memref<10240x64xf32, #tpu.memory_space<vmem>>) attributes {dimension_semantics = [], scalar_prefetch = 0 : i64, scratch_operands = 0 : i64, tpu.core_type = #tpu.core_type<tc>} {
    %get3A = arith.constant 0 : index
    %get3A_0 = arith.constant 0 : index
    %get3A_1 = vector.load %arg0[%get3A, %get3A_0] : memref<10240x128xf32, #tpu.memory_space<vmem>>, vector<10240x128xf32>
    %get3A_2 = arith.constant 0 : index
    %get3A_3 = arith.constant 0 : index
    %get3A_4 = vector.load %arg1[%get3A_2, %get3A_3] : memref<128x64xf32, #tpu.memory_space<vmem>>, vector<128x64xf32>
    %dot_general3A = arith.constant dense<0.000000e+00> : vector<10240x64xf32>
    %dot_general3A_5 = tpu.matmul %get3A_1, %get3A_4, %dot_general3A {dimension_numbers = #tpu.dot_dimension_numbers<[1], [0], [0], [1], [0, 0, 1, 1], [], []>, transpose_lhs_hint = false} : vector<10240x128xf32>, vector<128x64xf32>, vector<10240x64xf32> -> vector<10240x64xf32>
    %swap3A = arith.constant 0 : index
    %swap3A_6 = arith.constant 0 : index
    %swap3A_7 = vector.load %arg2[%swap3A, %swap3A_6] : memref<10240x64xf32, #tpu.memory_space<vmem>>, vector<10240x64xf32>
    tpu.vector_store %arg2[%swap3A, %swap3A_6], %dot_general3A_5 {strides = array<i32>} : memref<10240x64xf32, #tpu.memory_space<vmem>>, vector<10240x64xf32>,
    return
  }
}

module attributes {stable_mosaic.version = 14 : i64} {
  func.func @_k1_body(%arg0: memref<10240x64xf32, #tpu.memory_space<vmem>>, %arg1: memref<10240x16xf32, #tpu.memory_space<vmem>>, %arg2: memref<10240x16xf32, #tpu.memory_space<vmem>>, %arg3: memref<10240x64xf32, #tpu.memory_space<vmem>>, %arg4: memref<10240x1xf32, #tpu.memory_space<vmem>>) attributes {dimension_semantics = [], scalar_prefetch = 0 : i64, scratch_operands = 0 : i64, tpu.core_type = #tpu.core_type<tc>} {
    %get3A = arith.constant 0 : index
    %get3A_0 = arith.constant 0 : index
    %get3A_1 = vector.load %arg1[%get3A, %get3A_0] : memref<10240x16xf32, #tpu.memory_space<vmem>>, vector<10240x1xf32>
    %get3A_2 = arith.constant 0 : index
    %get3A_3 = arith.constant 0 : index
    %get3A_4 = vector.load %arg2[%get3A_2, %get3A_3] : memref<10240x16xf32, #tpu.memory_space<vmem>>, vector<10240x1xf32>
    %add3A = arith.addf %get3A_1, %get3A_4 : vector<10240x1xf32>
    %add3A_5 = arith.constant 1.000000e+00 : f32
    %add3A_6 = vector.broadcast %add3A_5 : f32 to vector<10240x1xf32>
    %add3A_7 = arith.addf %add3A, %add3A_6 : vector<10240x1xf32>
    %rsqrt3A = math.rsqrt %add3A_7 : vector<10240x1xf32>
    %get3A_8 = arith.constant 0 : index
    %get3A_9 = arith.constant 0 : index
    %get3A_10 = vector.load %arg0[%get3A_8, %get3A_9] : memref<10240x64xf32, #tpu.memory_space<vmem>>, vector<10240x64xf32>
    %mul3A = vector.broadcast %rsqrt3A : vector<10240x1xf32> to vector<10240x64xf32>
    %mul3A_11 = arith.mulf %mul3A, %get3A_10 : vector<10240x64xf32>
    %swap3A = arith.constant 0 : index
    %swap3A_12 = arith.constant 0 : index
    %swap3A_13 = vector.load %arg3[%swap3A, %swap3A_12] : memref<10240x64xf32, #tpu.memory_space<vmem>>, vector<10240x64xf32>
    tpu.vector_store %arg3[%swap3A, %swap3A_12], %mul3A_11 {strides = array<i32>} : memref<10240x64xf32, #tpu.memory_space<vmem>>, vector<10240x64xf32>,
    %swap3A_14 = arith.constant 0 : index
    %swap3A_15 = arith.constant 0 : index
    %swap3A_16 = vector.load %arg4[%swap3A_14, %swap3A_15] : memref<10240x1xf32, #tpu.memory_space<vmem>>, vector<10240x1xf32>
    tpu.vector_store %arg4[%swap3A_14, %swap3A_15], %rsqrt3A {strides = array<i32>} : memref<10240x1xf32, #tpu.memory_space<vmem>>, vector<10240x1xf32>,
    return
  }
}

module attributes {stable_mosaic.version = 14 : i64} {
  func.func @_k2_body(%arg0: memref<10240x64xf32, #tpu.memory_space<vmem>>, %arg1: memref<10240x64xf32, #tpu.memory_space<vmem>>, %arg2: memref<10240x64xf32, #tpu.memory_space<vmem>>, %arg3: memref<10240x1xf32, #tpu.memory_space<vmem>>, %arg4: memref<1x64xf32, #tpu.memory_space<vmem>>, %arg5: memref<64x32xf32, #tpu.memory_space<vmem>>, %arg6: memref<10240x32xf32, #tpu.memory_space<vmem>>) attributes {dimension_semantics = [], scalar_prefetch = 0 : i64, scratch_operands = 0 : i64, tpu.core_type = #tpu.core_type<tc>} {
    %get3A = arith.constant 0 : index
    %get3A_0 = arith.constant 0 : index
    %get3A_1 = vector.load %arg3[%get3A, %get3A_0] : memref<10240x1xf32, #tpu.memory_space<vmem>>, vector<10240x1xf32>
    %get3A_2 = arith.constant 0 : index
    %get3A_3 = arith.constant 0 : index
    %get3A_4 = vector.load %arg0[%get3A_2, %get3A_3] : memref<10240x64xf32, #tpu.memory_space<vmem>>, vector<10240x64xf32>
    %get3A_5 = arith.constant 0 : index
    %get3A_6 = arith.constant 0 : index
    %get3A_7 = vector.load %arg1[%get3A_5, %get3A_6] : memref<10240x64xf32, #tpu.memory_space<vmem>>, vector<10240x64xf32>
    %add3A = arith.addf %get3A_4, %get3A_7 : vector<10240x64xf32>
    %get3A_8 = arith.constant 0 : index
    %get3A_9 = arith.constant 0 : index
    %get3A_10 = vector.load %arg2[%get3A_8, %get3A_9] : memref<10240x64xf32, #tpu.memory_space<vmem>>, vector<10240x64xf32>
    %add3A_11 = arith.addf %add3A, %get3A_10 : vector<10240x64xf32>
    %mul3A = vector.broadcast %get3A_1 : vector<10240x1xf32> to vector<10240x64xf32>
    %mul3A_12 = arith.mulf %mul3A, %add3A_11 : vector<10240x64xf32>
    %get3A_13 = arith.constant 0 : index
    %get3A_14 = arith.constant 0 : index
    %get3A_15 = vector.load %arg4[%get3A_13, %get3A_14] : memref<1x64xf32, #tpu.memory_space<vmem>>, vector<1x64xf32>
    %add3A_16 = vector.broadcast %get3A_15 : vector<1x64xf32> to vector<10240x64xf32>
    %add3A_17 = arith.addf %mul3A_12, %add3A_16 : vector<10240x64xf32>
    %max3A = arith.constant 0.000000e+00 : f32
    %max3A_18 = vector.broadcast %max3A : f32 to vector<10240x64xf32>
    %max3A_19 = arith.maximumf %add3A_17, %max3A_18 : vector<10240x64xf32>
    %get3A_20 = arith.constant 0 : index
    %get3A_21 = arith.constant 0 : index
    %get3A_22 = vector.load %arg3[%get3A_20, %get3A_21] : memref<10240x1xf32, #tpu.memory_space<vmem>>, vector<10240x1xf32>
    %get3A_23 = arith.constant 0 : index
    %get3A_24 = arith.constant 0 : index
    %get3A_25 = vector.load %arg5[%get3A_23, %get3A_24] : memref<64x32xf32, #tpu.memory_space<vmem>>, vector<64x32xf32>
    %dot_general3A = arith.constant dense<0.000000e+00> : vector<10240x32xf32>
    %dot_general3A_26 = tpu.matmul %max3A_19, %get3A_25, %dot_general3A {dimension_numbers = #tpu.dot_dimension_numbers<[1], [0], [0], [1], [0, 0, 1, 1], [], []>, transpose_lhs_hint = false} : vector<10240x64xf32>, vector<64x32xf32>, vector<10240x32xf32> -> vector<10240x32xf32>
    %mul3A_27 = vector.broadcast %get3A_22 : vector<10240x1xf32> to vector<10240x32xf32>
    %mul3A_28 = arith.mulf %mul3A_27, %dot_general3A_26 : vector<10240x32xf32>
    %swap3A = arith.constant 0 : index
    %swap3A_29 = arith.constant 0 : index
    %swap3A_30 = vector.load %arg6[%swap3A, %swap3A_29] : memref<10240x32xf32, #tpu.memory_space<vmem>>, vector<10240x32xf32>
    tpu.vector_store %arg6[%swap3A, %swap3A_29], %mul3A_28 {strides = array<i32>} : memref<10240x32xf32, #tpu.memory_space<vmem>>, vector<10240x32xf32>,
    return
  }
}

module attributes {stable_mosaic.version = 14 : i64} {
  func.func @_k3_body(%arg0: memref<10240x32xf32, #tpu.memory_space<vmem>>, %arg1: memref<10240x32xf32, #tpu.memory_space<vmem>>, %arg2: memref<10240x32xf32, #tpu.memory_space<vmem>>, %arg3: memref<10240x1xf32, #tpu.memory_space<vmem>>, %arg4: memref<1x32xf32, #tpu.memory_space<vmem>>, %arg5: memref<10240x32xf32, #tpu.memory_space<vmem>>) attributes {dimension_semantics = [], scalar_prefetch = 0 : i64, scratch_operands = 0 : i64, tpu.core_type = #tpu.core_type<tc>} {
    %get3A = arith.constant 0 : index
    %get3A_0 = arith.constant 0 : index
    %get3A_1 = vector.load %arg3[%get3A, %get3A_0] : memref<10240x1xf32, #tpu.memory_space<vmem>>, vector<10240x1xf32>
    %get3A_2 = arith.constant 0 : index
    %get3A_3 = arith.constant 0 : index
    %get3A_4 = vector.load %arg0[%get3A_2, %get3A_3] : memref<10240x32xf32, #tpu.memory_space<vmem>>, vector<10240x32xf32>
    %get3A_5 = arith.constant 0 : index
    %get3A_6 = arith.constant 0 : index
    %get3A_7 = vector.load %arg1[%get3A_5, %get3A_6] : memref<10240x32xf32, #tpu.memory_space<vmem>>, vector<10240x32xf32>
    %add3A = arith.addf %get3A_4, %get3A_7 : vector<10240x32xf32>
    %get3A_8 = arith.constant 0 : index
    %get3A_9 = arith.constant 0 : index
    %get3A_10 = vector.load %arg2[%get3A_8, %get3A_9] : memref<10240x32xf32, #tpu.memory_space<vmem>>, vector<10240x32xf32>
    %add3A_11 = arith.addf %add3A, %get3A_10 : vector<10240x32xf32>
    %mul3A = vector.broadcast %get3A_1 : vector<10240x1xf32> to vector<10240x32xf32>
    %mul3A_12 = arith.mulf %mul3A, %add3A_11 : vector<10240x32xf32>
    %get3A_13 = arith.constant 0 : index
    %get3A_14 = arith.constant 0 : index
    %get3A_15 = vector.load %arg3[%get3A_13, %get3A_14] : memref<10240x1xf32, #tpu.memory_space<vmem>>, vector<10240x1xf32>
    %get3A_16 = arith.constant 0 : index
    %get3A_17 = arith.constant 0 : index
    %get3A_18 = vector.load %arg4[%get3A_16, %get3A_17] : memref<1x32xf32, #tpu.memory_space<vmem>>, vector<1x32xf32>
    %add3A_19 = vector.broadcast %get3A_18 : vector<1x32xf32> to vector<10240x32xf32>
    %add3A_20 = arith.addf %mul3A_12, %add3A_19 : vector<10240x32xf32>
    %mul3A_21 = vector.broadcast %get3A_15 : vector<10240x1xf32> to vector<10240x32xf32>
    %mul3A_22 = arith.mulf %mul3A_21, %add3A_20 : vector<10240x32xf32>
    %swap3A = arith.constant 0 : index
    %swap3A_23 = arith.constant 0 : index
    %swap3A_24 = vector.load %arg5[%swap3A, %swap3A_23] : memref<10240x32xf32, #tpu.memory_space<vmem>>, vector<10240x32xf32>
    tpu.vector_store %arg5[%swap3A, %swap3A_23], %mul3A_22 {strides = array<i32>} : memref<10240x32xf32, #tpu.memory_space<vmem>>, vector<10240x32xf32>,
    return
  }
}

module attributes {stable_mosaic.version = 14 : i64} {
  func.func @_k4_body(%arg0: memref<10240x32xf32, #tpu.memory_space<vmem>>, %arg1: memref<10240x32xf32, #tpu.memory_space<vmem>>, %arg2: memref<10240x32xf32, #tpu.memory_space<vmem>>, %arg3: memref<10240x1xf32, #tpu.memory_space<vmem>>, %arg4: memref<32x64xf32, #tpu.memory_space<vmem>>, %arg5: memref<1x64xf32, #tpu.memory_space<vmem>>, %arg6: memref<10240x64xf32, #tpu.memory_space<vmem>>) attributes {dimension_semantics = [], scalar_prefetch = 0 : i64, scratch_operands = 0 : i64, tpu.core_type = #tpu.core_type<tc>} {
    %get3A = arith.constant 0 : index
    %get3A_0 = arith.constant 0 : index
    %get3A_1 = vector.load %arg3[%get3A, %get3A_0] : memref<10240x1xf32, #tpu.memory_space<vmem>>, vector<10240x1xf32>
    %get3A_2 = arith.constant 0 : index
    %get3A_3 = arith.constant 0 : index
    %get3A_4 = vector.load %arg0[%get3A_2, %get3A_3] : memref<10240x32xf32, #tpu.memory_space<vmem>>, vector<10240x32xf32>
    %get3A_5 = arith.constant 0 : index
    %get3A_6 = arith.constant 0 : index
    %get3A_7 = vector.load %arg1[%get3A_5, %get3A_6] : memref<10240x32xf32, #tpu.memory_space<vmem>>, vector<10240x32xf32>
    %add3A = arith.addf %get3A_4, %get3A_7 : vector<10240x32xf32>
    %get3A_8 = arith.constant 0 : index
    %get3A_9 = arith.constant 0 : index
    %get3A_10 = vector.load %arg2[%get3A_8, %get3A_9] : memref<10240x32xf32, #tpu.memory_space<vmem>>, vector<10240x32xf32>
    %add3A_11 = arith.addf %add3A, %get3A_10 : vector<10240x32xf32>
    %mul3A = vector.broadcast %get3A_1 : vector<10240x1xf32> to vector<10240x32xf32>
    %mul3A_12 = arith.mulf %mul3A, %add3A_11 : vector<10240x32xf32>
    %get3A_13 = arith.constant 0 : index
    %get3A_14 = arith.constant 0 : index
    %get3A_15 = vector.load %arg4[%get3A_13, %get3A_14] : memref<32x64xf32, #tpu.memory_space<vmem>>, vector<32x64xf32>
    %dot_general3A = arith.constant dense<0.000000e+00> : vector<10240x64xf32>
    %dot_general3A_16 = tpu.matmul %mul3A_12, %get3A_15, %dot_general3A {dimension_numbers = #tpu.dot_dimension_numbers<[1], [0], [0], [1], [0, 0, 1, 1], [], []>, transpose_lhs_hint = false} : vector<10240x32xf32>, vector<32x64xf32>, vector<10240x64xf32> -> vector<10240x64xf32>
    %get3A_17 = arith.constant 0 : index
    %get3A_18 = arith.constant 0 : index
    %get3A_19 = vector.load %arg5[%get3A_17, %get3A_18] : memref<1x64xf32, #tpu.memory_space<vmem>>, vector<1x64xf32>
    %add3A_20 = vector.broadcast %get3A_19 : vector<1x64xf32> to vector<10240x64xf32>
    %add3A_21 = arith.addf %dot_general3A_16, %add3A_20 : vector<10240x64xf32>
    %max3A = arith.constant 0.000000e+00 : f32
    %max3A_22 = vector.broadcast %max3A : f32 to vector<10240x64xf32>
    %max3A_23 = arith.maximumf %add3A_21, %max3A_22 : vector<10240x64xf32>
    %get3A_24 = arith.constant 0 : index
    %get3A_25 = arith.constant 0 : index
    %get3A_26 = vector.load %arg3[%get3A_24, %get3A_25] : memref<10240x1xf32, #tpu.memory_space<vmem>>, vector<10240x1xf32>
    %mul3A_27 = vector.broadcast %get3A_26 : vector<10240x1xf32> to vector<10240x64xf32>
    %mul3A_28 = arith.mulf %mul3A_27, %max3A_23 : vector<10240x64xf32>
    %swap3A = arith.constant 0 : index
    %swap3A_29 = arith.constant 0 : index
    %swap3A_30 = vector.load %arg6[%swap3A, %swap3A_29] : memref<10240x64xf32, #tpu.memory_space<vmem>>, vector<10240x64xf32>
    tpu.vector_store %arg6[%swap3A, %swap3A_29], %mul3A_28 {strides = array<i32>} : memref<10240x64xf32, #tpu.memory_space<vmem>>, vector<10240x64xf32>,
    return
  }
}

module attributes {stable_mosaic.version = 14 : i64} {
  func.func @_k5_body(%arg0: memref<10240x64xf32, #tpu.memory_space<vmem>>, %arg1: memref<10240x64xf32, #tpu.memory_space<vmem>>, %arg2: memref<10240x64xf32, #tpu.memory_space<vmem>>, %arg3: memref<10240x1xf32, #tpu.memory_space<vmem>>, %arg4: memref<64x128xf32, #tpu.memory_space<vmem>>, %arg5: memref<1x128xf32, #tpu.memory_space<vmem>>, %arg6: memref<10240x128xf32, #tpu.memory_space<vmem>>) attributes {dimension_semantics = [], scalar_prefetch = 0 : i64, scratch_operands = 0 : i64, tpu.core_type = #tpu.core_type<tc>} {
    %get3A = arith.constant 0 : index
    %get3A_0 = arith.constant 0 : index
    %get3A_1 = vector.load %arg3[%get3A, %get3A_0] : memref<10240x1xf32, #tpu.memory_space<vmem>>, vector<10240x1xf32>
    %get3A_2 = arith.constant 0 : index
    %get3A_3 = arith.constant 0 : index
    %get3A_4 = vector.load %arg0[%get3A_2, %get3A_3] : memref<10240x64xf32, #tpu.memory_space<vmem>>, vector<10240x64xf32>
    %get3A_5 = arith.constant 0 : index
    %get3A_6 = arith.constant 0 : index
    %get3A_7 = vector.load %arg1[%get3A_5, %get3A_6] : memref<10240x64xf32, #tpu.memory_space<vmem>>, vector<10240x64xf32>
    %add3A = arith.addf %get3A_4, %get3A_7 : vector<10240x64xf32>
    %get3A_8 = arith.constant 0 : index
    %get3A_9 = arith.constant 0 : index
    %get3A_10 = vector.load %arg2[%get3A_8, %get3A_9] : memref<10240x64xf32, #tpu.memory_space<vmem>>, vector<10240x64xf32>
    %add3A_11 = arith.addf %add3A, %get3A_10 : vector<10240x64xf32>
    %mul3A = vector.broadcast %get3A_1 : vector<10240x1xf32> to vector<10240x64xf32>
    %mul3A_12 = arith.mulf %mul3A, %add3A_11 : vector<10240x64xf32>
    %get3A_13 = arith.constant 0 : index
    %get3A_14 = arith.constant 0 : index
    %get3A_15 = vector.load %arg4[%get3A_13, %get3A_14] : memref<64x128xf32, #tpu.memory_space<vmem>>, vector<64x128xf32>
    %dot_general3A = arith.constant dense<0.000000e+00> : vector<10240x128xf32>
    %dot_general3A_16 = tpu.matmul %mul3A_12, %get3A_15, %dot_general3A {dimension_numbers = #tpu.dot_dimension_numbers<[1], [0], [0], [1], [0, 0, 1, 1], [], []>, transpose_lhs_hint = false} : vector<10240x64xf32>, vector<64x128xf32>, vector<10240x128xf32> -> vector<10240x128xf32>
    %get3A_17 = arith.constant 0 : index
    %get3A_18 = arith.constant 0 : index
    %get3A_19 = vector.load %arg5[%get3A_17, %get3A_18] : memref<1x128xf32, #tpu.memory_space<vmem>>, vector<1x128xf32>
    %add3A_20 = vector.broadcast %get3A_19 : vector<1x128xf32> to vector<10240x128xf32>
    %add3A_21 = arith.addf %dot_general3A_16, %add3A_20 : vector<10240x128xf32>
    %swap3A = arith.constant 0 : index
    %swap3A_22 = arith.constant 0 : index
    %swap3A_23 = vector.load %arg6[%swap3A, %swap3A_22] : memref<10240x128xf32, #tpu.memory_space<vmem>>, vector<10240x128xf32>
    tpu.vector_store %arg6[%swap3A, %swap3A_22], %add3A_21 {strides = array<i32>} : memref<10240x128xf32, #tpu.memory_space<vmem>>, vector<10240x128xf32>,
    return
  }
}

</mosaic_0001>

<sc_bundles>
// kernel: kernel.13.cloned.1.call-start
scs
__scs_entry_jumppad:
0x0: {  	(pc) =	sbr.rel $0x88, $3  }
0x1: {  	(tag) =	ssettag $0x0;
	lr =	simm.s32 $0x1  }
0x2: {  	[smem:$0x3F97] =	sst lr;
	_ =	strace $0xD0000000  }
0x3: {  	_ = 	snop  }
0x4: {  	_ = 	snop  }
0x5: {  	_ = 	snop  }
0x6: {  	_ = 	snop  }
0x7: {  	_ = 	snop  }
__scs_overlays_trampoline_lowered:
0x8: {  	[smem:$0x3FA6] =	sst s0  }
0x9: {  	[smem:$0x3FA7] =	sst s1  }
0xa: {  	[smem:$0x3FA8] =	sst s2  }
0xb: {  	[smem:$0x3FA9] =	sst s3  }
0xc: {  	[smem:$0x3FAA] =	sst s4  }
0xd: {  	[smem:$0x3FAB] =	sst s5  }
0xe: {  	[smem:$0x3FAC] =	sst s6  }
0xf: {  	[smem:$0x3FAD] =	sst s7  }
0x10: {  	[smem:$0x3FAE] =	sst s8  }
0x11: {  	[smem:$0x3FAF] =	sst s9;
	s0 =	simm.s32 @!p0 $0x0  }
0x12: {  	s1 =	sld [smem:$0x3F95];
	s0 =	simm.s32 @p0 $0x1  }
0x13: {  	[smem:$0x3FB0] =	sst s0;
	s0 =	simm.s32 @!p1 $0x0  }
0x14: {  	s2 =	sld [smem:$0x3F94];
	s0 =	simm.s32 @p1 $0x1  }
0x15: {  	[smem:$0x3FB1] =	sst s0;
	s0 =	simm.s32 @!p2 $0x0  }
0x16: {  	s3 =	sld [smem:$0x3FDB];
	s0 =	simm.s32 @p2 $0x1  }
0x17: {  	s4 =	simm.s32 $0x1BF5;
	[smem:$0x3FB3] =	sst s0  }
0x18: {  	s0 =	sld [smem:$0x3F96];
	_ =	swait.ge [sflag:s4], $0x0  }
0x19: {  	s7 =	sld [smem:$0x3F97]  }
0x1a: {  	s8 =	sadd.s32 $0xFFFFE003, lr  }
0x1b: {  	s9 =	sadd.s32 $0xFFFFFEF7, lr;
	s5 =	simm.s32 $0xFFFFFFFF;
	p2 =	slt.u32 s8, $0xFFFFF086  }
0x1c: {  	p1 =	slt.u32 s9, $0xF7A;
	s5 =	simm.s32 @!p2 $0x0  }
0x1d: {  	s5 =	simm.s32 @p1 $0x1;
	p0 =	seq.s32 s7, s2  }
0x1e: {  	s7 =	smul.u32 @!p0 $0xF7A, s2;
	p2 =	seq.s32 @!p0 s5, $0x0  }
0x1f: {  	s9 =	smul.u32 $0xF7A, s1;
	s8 =	simm.s32 @!p0 $0x1BF5;
	p2 =	por !p2, p0  }
0x20: {  	[sflag:s8] =	ssyncset.s32 @!p0 $0xFFFFF086;
	s6 =	sadd.s32 @!p0 s3, s7;
	s7 =	simm.s32 @!p0 $0x108  }
0x21: {  	s3 =	sadd.s32 s3, s9;
	s6 =	sadd.s32 @!p0 $0x88, s6;
	s7 =	simm.s32 @p2 $0x1082  }
0x22: {  	[simem:s7], [sflag:s8] =	dma.local @!p0 [hbm:s6], $0xF7A  }
0x23: {  	s9 =	sor.u32 $0xD0000000, s2;
	s6 =	simm.s32 $0x108;
	_ =	swait.ge @!p0 [sflag:s8], $0x0  }
0x24: {  	s3 =	sadd.s32 $0x88, s3;
	s6 =	simm.s32 @!p1 $0x1082;
	[sflag:s4] =	ssyncset.s32 $0xFFFFF086  }
0x25: {  	[simem:s6], [sflag:s4] =	dma.local [hbm:s3], $0xF7A  }
0x26: {  	[smem:$0x3F97] =	sst s1;
	(tag) =	ssettag s2;
	_ =	strace s9  }
0x27: {  	s1 =	sld [smem:$0x3FA7]  }
0x28: {  	s2 =	sld [smem:$0x3FA8]  }
0x29: {  	s4 =	sld [smem:$0x3FAA]  }
0x2a: {  	p0 =	seq.s32 s5, $0x0;
	s5 =	sld [smem:$0x3FAB]  }
0x2b: {  	s6 =	sld [smem:$0x3FAC]  }
0x2c: {  	s7 =	sld [smem:$0x3FAD]  }
0x2d: {  	s3 =	simm.s32 $0x108;
	s8 =	sld [smem:$0x3FAE]  }
0x2e: {  	s3 =	simm.s32 @!p0 $0x1082;
	s9 =	sld [smem:$0x3FAF]  }
0x2f: {  	lr =	sadd.s32 s0, s3;
	s0 =	sld [smem:$0x3FA6]  }
0x30: {  	s3 =	sld [smem:$0x3FA9]  }
0x31: {  	[smem:$0x3FB2] =	sst s10  }
0x32: {  	s10 =	sld [smem:$0x3FB0];
	_ =	sdelay $0x3  }
0x33: {  	p0 =	seq.s32 s10, $0x1;
	s10 =	sld [smem:$0x3FB2];
	_ =	sdelay $0x3  }
0x34: {  	[smem:$0x3FB2] =	sst s10  }
0x35: {  	s10 =	sld [smem:$0x3FB1];
	_ =	sdelay $0x3  }
0x36: {  	p1 =	seq.s32 s10, $0x1;
	s10 =	sld [smem:$0x3FB2];
	_ =	sdelay $0x3  }
0x37: {  	[smem:$0x3FB2] =	sst s10  }
0x38: {  	s10 =	sld [smem:$0x3FB3]  }
0x39: {  	_ = 	snop;
	(pc) =	sbr.ind lr, $3  }
0x3a: {  	_ = 	snop  }
0x3b: {  	_ = 	snop  }
0x3c: {  	p2 =	seq.s32 s10, $0x1;
	s10 =	sld [smem:$0x3FB2]  }
0x3d: {  	_ =	shalt  }
0x3e: {  	_ =	shalt  }
0x3f: {  	_ =	shalt  }
0x40: {  	_ =	shalt  }
0x41: {  	_ =	shalt  }
0x42: {  	_ =	shalt  }
0x43: {  	_ =	shalt  }
0x44: {  	_ =	shalt  }
0x45: {  	_ =	shalt  }
0x46: {  	_ =	shalt  }
0x47: {  	_ =	shalt  }
0x48: {  	_ =	shalt  }
0x49: {  	_ =	shalt  }
0x4a: {  	_ =	shalt  }
0x4b: {  	_ =	shalt  }
0x4c: {  	_ =	shalt  }
0x4d: {  	_ =	shalt  }
0x4e: {  	_ =	shalt  }
0x4f: {  	_ =	shalt  }
0x50: {  	_ =	shalt  }
0x51: {  	_ =	shalt  }
0x52: {  	_ =	shalt  }
0x53: {  	_ =	shalt  }
0x54: {  	_ =	shalt  }
0x55: {  	_ =	shalt  }
0x56: {  	_ =	shalt  }
0x57: {  	_ =	shalt  }
0x58: {  	_ =	shalt  }
0x59: {  	_ =	shalt  }
0x5a: {  	_ =	shalt  }
0x5b: {  	_ =	shalt  }
0x5c: {  	_ =	shalt  }
0x5d: {  	_ =	shalt  }
0x5e: {  	_ =	shalt  }
0x5f: {  	_ =	shalt  }
0x60: {  	_ =	shalt  }
0x61: {  	_ =	shalt  }
0x62: {  	_ =	shalt  }
0x63: {  	_ =	shalt  }
0x64: {  	_ =	shalt  }
0x65: {  	_ =	shalt  }
0x66: {  	_ =	shalt  }
0x67: {  	_ =	shalt  }
0x68: {  	_ =	shalt  }
0x69: {  	_ =	shalt  }
0x6a: {  	_ =	shalt  }
0x6b: {  	_ =	shalt  }
0x6c: {  	_ =	shalt  }
0x6d: {  	_ =	shalt  }
0x6e: {  	_ =	shalt  }
0x6f: {  	_ =	shalt  }
0x70: {  	_ =	shalt  }
0x71: {  	_ =	shalt  }
0x72: {  	_ =	shalt  }
0x73: {  	_ =	shalt  }
0x74: {  	_ =	shalt  }
0x75: {  	_ =	shalt  }
0x76: {  	_ =	shalt  }
0x77: {  	_ =	shalt  }
0x78: {  	_ =	shalt  }
0x79: {  	_ =	shalt  }
0x7a: {  	_ =	shalt  }
0x7b: {  	_ =	shalt  }
0x7c: {  	_ =	shalt  }
0x7d: {  	_ =	shalt  }
0x7e: {  	_ =	shalt  }
0x7f: {  	_ =	shalt  }
0x80: {  	_ =	shalt  }
0x81: {  	_ =	shalt  }
0x82: {  	_ =	shalt  }
0x83: {  	_ =	shalt  }
0x84: {  	_ =	shalt  }
0x85: {  	_ =	shalt  }
0x86: {  	_ =	shalt  }
0x87: {  	_ =	shalt  }
.Lfunc_end0:
.L_simem_size_0:
called_computation_lowered:
.L_overlay_start_0:
0x88: {  	s2 =	sld [smem:$0x3FD9]  }
0x89: {  	s3 =	sld [smem:$0x3FFE];
	_ =	sdelay $0x1  }
0x8a: {  	s1 =	srdreg.scid  }
0x8b: {  	s0 =	sand.u32 $0x1, s1  }
0x8c: {  	s17 =	sshll.u32 s0, $0xA;
	s2 =	sadd.s32 s3, s2  }
0x8d: {  	s2 =	sadd.s32 s2, s17  }
0x8e: {  	[smem:$0x3FBE] =	sst s2  }
0x8f: {  	_ = 	snop  }
0x90: {  	s2 =	sld [smem:$0x3FD0];
	(tm) =	ssettm $0x1  }
0x91: {  	s18 =	sld [smem:$0x3FFB];
	_ =	sdelay $0x3  }
0x92: {  	_ =	strace s18  }
0x93: {  	s3 =	sld [smem:$0x3FFC];
	_ =	sdelay $0x3  }
0x94: {  	_ =	strace s3  }
0x95: {  	s3 =	sld [smem:$0x3FFD];
	_ =	sdelay $0x3  }
0x96: {  	_ =	strace s3  }
0x97: {  	_ =	strace $0x8FFFFFFF  }
0x98: {  	s19 =	sld [smem:$0x3FDB];
	_ =	sdelay $0x1  }
0x99: {  	s4 =	simm.s32 $_scs_section_size  }
0x9a: {  	s5 =	simm.s32 $_size__tile_overlayer_lowered;
	s6 =	simm.s32 $_tile_overlayer_lowered  }
0x9b: {  	s22 =	simm.s32 $0x1BFF;
	s21 =	sshll.u32 s6, $0x1;
	s3 =	sadd.s32 s4, s19  }
0x9c: {  	s7 =	simm.s32 $0x0;
	s20 =	sshll.u32 s5, $0x1;
	s5 =	sadd.s32 s21, s3  }
0x9d: {  	[timem:s7], [sflag:s22] =	dma.local [hbm:s5], s20  }
0x9e: {  	_ =	swait.ge [sflag:s22], s20  }
0x9f: {  	s4 =	ssub.s32 $0x0, s20;
	[sflag:s22] =	ssyncset.done $0x0  }
0xa0: {  	[sflag:s22] =	ssyncadd.s32 s4;
	_ =	sdelay $0x1  }
0xa1: {  	s23 =	simm.s32 $0x1B8B  }
0xa2: {  	_ =	swait.ge [sflag:s23], $0x1  }
0xa3: {  	[sflag:s23] =	ssyncset.done $0x0  }
0xa4: {  	s25 =	simm.s32 $0x1B8E;
	s24 =	sld [smem:$0x3FFE];
	[sflag:s23] =	ssyncadd.s32 $0xFFFFFFFF  }
0xa5: {  	s26 =	simm.s32 $execute0_lowered;
	[smem:$0x3FD2] =	sst s25  }
0xa6: {  	s5 =	sshll.u32 s26, $0x1;
	_ =	strace $0x80000046;
	[dreg:$0x1] =	wrdreg $0xFFFFFFFF  }
0xa7: {  	s28 =	simm.s32 $_size_execute0_lowered;
	s3 =	sadd.s32 s3, s5;
	[dreg:$0x0] =	wrdreg $0x0  }
0xa8: {  	s5 =	sshll.u32 s28, $0x1;
	[dreg:$0x2] =	wrdreg s3  }
0xa9: {  	[dreg:$0x3] =	wrdreg s5  }
0xaa: {  	[dreg:$0x4] =	wrdreg $0xC0  }
0xab: {  	_ =	task [dreg:s7], $0x5FFFF  }
0xac: {  	[dreg:$0x1] =	wrdreg $0xFFFFFFFF  }
0xad: {  	[dreg:$0x0] =	wrdreg $0x60  }
0xae: {  	[dreg:$0x2] =	wrdreg s24  }
0xaf: {  	[dreg:$0x3] =	wrdreg s2  }
0xb0: {  	[dreg:$0x4] =	wrdreg $0x38000  }
0xb1: {  	[dreg:$0x5] =	wrdreg $0x9  }
0xb2: {  	_ =	task.clear_ibuf [dreg:s7], $0x6FFFF;
	_ =	strace $0x90000046  }
0xb3: {  	s29 =	simm.s32 $0x9;
	_ =	strace $0x80000048  }
0xb4: {  	_ =	swait.ge [sflag:s29], $0x1  }
0xb5: {  	[sflag:s29] =	ssyncadd.s32 $0xFFFFFFFF  }
0xb6: {  	_ =	strace $0x90000048  }
0xb7: {  	_ =	sfence  }
0xb8: {  	s30 =	sld [smem:$0x0];
	_ =	sdelay $0x2  }
0xb9: {  	s31 =	sshll.u32 s1, $0xD;
	s1 =	sshrl.u32 s1, $0x2  }
0xba: {  	s3 =	sand.u32 $0x4000, s31;
	s1 =	sadd.s32 s1, s30  }
0xbb: {  	s0 =	sor.u32 s3, s0;
	s1 =	sshll.u32 s1, $0x11  }
0xbc: {  	s0 =	sor.u32 s1, s0  }
0xbd: {  	s0 =	sadd.s32 $0x8F2B, s0  }
0xbe: {  	[sflag:s0] =	ssyncadd.remote.s32 $0x1  }
0xbf: {  	_ =	sfence.sel $0xFFFF  }
0xc0: {  	[dreg:$0x0] =	wrdreg $0xFFFFFFFF;
	(pc) =	sbr.abs _section_cstart, $3  }
0xc1: {  	[dreg:$0x1] =	wrdreg $0xFFFFFFFF  }
0xc2: {  	_ =	task.clear_ibuf [dreg:s7], $0x2FFFF;
	_ =	strace $0x9FFFFFFF  }
0xc3: {  	(tm) =	ssettm $0x7FFFFFFF  }
tec
execute0_lowered:
.L_overlay_start_1:
0x0: {  	(tag) =	ssettag $0x1  }
0x1: {  	s4 =	rddreg [dreg:$0x0]  }
0x2: {  	s14 =	rddreg [dreg:$0x1]  }
0x3: {  	s0 =	srdreg.scid;
	s2 =	rddreg [dreg:$0x2]  }
0x4: {  	s3 =	simm.s32 $0x0;
	s5 =	sand.u32 $0x1, s0;
	s0 =	stileid.u32  }
0x5: {  	s19 =	simm.s32 $0x2800;
	[smem:$0x7FF] =	sst s3;
	s8 =	smul.u32 $0x2800, s0  }
0x6: {  	s1 =	sshll.u32 s5, $0x4;
	s7 =	ssub.s32 $0x2, s5;
	s13 =	smul.u32 $0x28000, s5  }
0x7: {  	s6 =	sor.u32 s0, s1;
	s1 =	rddreg [dreg:$0x3];
	s9 =	sshrl.u32 s7, $0x1  }
0x8: {  	_ =	strace $0x80000047;
	s6 =	smul.u32 $0x500, s6;
	s15 =	ssub.s32 s7, s9  }
0x9: {  	s29 =	sadd.s32 $0x800, s8;
	s12 =	sadd.s32 $0x1000, s8;
	s16 =	sadd.s32 $0x1800, s8  }
0xa: {  	s17 =	sadd.s32 $0x2000, s8;
	s11 =	sadd.s32 s8, s13;
	s5 =	sadd.s32 s29, s2  }
0xb: {  	s7 =	sadd.s32 s16, s2;
	s11 =	sshrl.u32 s11, $0x3;
	s18 =	sadd.s32 s13, s29  }
0xc: {  	s16 =	sadd.s32 s13, s16;
	s15 =	smax.u32 s15, $0x1;
	s10 =	sadd.s32 s6, s4  }
0xd: {  	s4 =	sadd.s32 s8, s2;
	s6 =	sadd.s32 s12, s2;
	s8 =	sadd.s32 s17, s2  }
0xe: {  	s30 =	sshrl.u32 s18, $0x3;
	s12 =	sadd.s32 s13, s12;
	s16 =	sshrl.u32 s16, $0x3  }
0xf: {  	s17 =	sadd.s32 s13, s17;
	s18 =	simm.s32 $0x80;
	s9 =	sadd.s32 $0x3C00, s10  }
0x10: {  	s10 =	sadd.s32 s14, s11;
	s11 =	sadd.s32 s14, s30;
	s12 =	sshrl.u32 s12, $0x3  }
0x11: {  	s13 =	sadd.s32 s14, s16;
	s31 =	sshrl.u32 s17, $0x3;
	s16 =	simm.s32 $0x3000  }
0x12: {  	v0 =	vimm.f32 $0.0e+00;
	v1 =	vimm.f32 $1.000000000e+00;
	s17 =	simm.s32 $0x1;
	s12 =	sadd.s32 s14, s12;
	s14 =	sadd.s32 s14, s31  }
.LBB2_1:
0x13: {  	s20 =	simm.s32 $0x40;
	s21 =	simm.s32 $0x0  }
.LBB2_2:
0x14: {  	p0 =	sne.s32 s20, $0x1FC0;
	[tilespmem:s21+$0x3000] =	vst v0;
	s22 =	smov.u32 s20;
	s20 =	sadd.s32 $0x40, s20  }
.Ltmp0:
0x15: {  	[tilespmem:s21+$0x2800] =	vst v1;
	(pc) =	sbr.rel @p0 .LBB2_2-.Ltmp0, $2  }
0x16: {  	_ =	sdelay $0x2  }
0x17: {  	s21 =	sshra.s32 s22, $0x2  }
0x18: {  	[tilespmem:s21+$0x3000] =	vst v0  }
0x19: {  	[tilespmem:s21+$0x2800] =	vst v1  }
0x1a: {  	[spmem:s4] =	stream.linear.scatter [tilespmem:s16], [sflag:$0x1], $0x800, $0x38;
	[tilespmem:$0x6000] =	vst v63  }
0x1b: {  	_ =	swait.ge [sflag:s17], $0x800  }
0x1c: {  	[sflag:s17] =	ssyncset.done $0x0  }
0x1d: {  	[sflag:s17] =	ssyncadd.s32 $0xFFFFF800  }
0x1e: {  	[spmem:s5] =	stream.linear.scatter [tilespmem:s16], [sflag:$0x1], $0x800, $0x38;
	[tilespmem:$0x6000] =	vst v63  }
0x1f: {  	_ =	swait.ge [sflag:s17], $0x800  }
0x20: {  	[sflag:s17] =	ssyncset.done $0x0  }
0x21: {  	[sflag:s17] =	ssyncadd.s32 $0xFFFFF800  }
0x22: {  	[spmem:s6] =	stream.linear.scatter [tilespmem:s16], [sflag:$0x1], $0x800, $0x38;
	[tilespmem:$0x6000] =	vst v63  }
0x23: {  	_ =	swait.ge [sflag:s17], $0x800  }
0x24: {  	[sflag:s17] =	ssyncset.done $0x0  }
0x25: {  	[sflag:s17] =	ssyncadd.s32 $0xFFFFF800  }
0x26: {  	[spmem:s7] =	stream.linear.scatter [tilespmem:s16], [sflag:$0x1], $0x800, $0x38;
	[tilespmem:$0x6000] =	vst v63  }
0x27: {  	_ =	swait.ge [sflag:s17], $0x800  }
0x28: {  	[sflag:s17] =	ssyncset.done $0x0  }
0x29: {  	[sflag:s17] =	ssyncadd.s32 $0xFFFFF800  }
0x2a: {  	[spmem:s8] =	stream.linear.scatter [tilespmem:s16], [sflag:$0x1], $0x800, $0x38;
	[tilespmem:$0x6000] =	vst v63  }
0x2b: {  	_ =	swait.ge [sflag:s17], $0x800  }
0x2c: {  	[sflag:s17] =	ssyncset.done $0x0  }
0x2d: {  	s20 =	simm.s32 $0x0;
	[sflag:s17] =	ssyncadd.s32 $0xFFFFF800  }
0x2e: {  	[tilespmem:s20], [sflag:$0x1] =	stream.linear.gather [hbm4b:s9+s20], $0x2800, $0x38;
	[tilespmem:$0x6000] =	vst v63  }
0x2f: {  	_ =	swait.ge [sflag:s17], $0x2800  }
0x30: {  	[sflag:s17] =	ssyncset.done $0x0  }
0x31: {  	[sflag:s17] =	ssyncadd.s32 $0xFFFFD800  }
0x32: {  	s31 =	simm.s32 $0x0;
	[bflag:$0x0] =	sbarrier.arrive $0xFFFF  }
0x33: {  	[spmem:s2] =	stream.indirect.scatter.add.f32 [tilespmem:s19], [sflag:$0x1], $0x10, s31, s18, $0xb8;
	[tilespmem:$0x6000] =	vst v63  }
0x34: {  	_ =	swait.ge [sflag:s17], $0x800  }
0x35: {  	s20 =	simm.s32 $0x200;
	[sflag:s17] =	ssyncset.done $0x0  }
.LBB2_4:
0x36: {  	s21 =	sshra.s32 s20, $0x2;
	[sflag:s17] =	ssyncadd.s32 $0xFFFFF800;
	p0 =	sne.s32 s20, $0x9E00  }
0x37: {  	[spmem:s2] =	stream.indirect.scatter.add.f32 [tilespmem:s19], [sflag:$0x1], $0x10, s21, s18, $0xb8;
	[tilespmem:$0x6000] =	vst v63  }
.Ltmp1:
0x38: {  	_ = 	snop;
	(pc) =	sbr.rel @p0 .LBB2_4-.Ltmp1, $4  }
0x39: {  	_ = 	snop  }
0x3a: {  	s20 =	sadd.s32 $0x200, s20  }
0x3b: {  	_ =	swait.ge [sflag:s17], $0x800  }
0x3c: {  	[sflag:s17] =	ssyncset.done $0x0  }
0x3d: {  	[sflag:s17] =	ssyncadd.s32 $0xFFFFF800;
	s20 =	sshll.u32 s0, $0x6  }
0x3e: {  	s21 =	sshrl.u32 s4, $0x3;
	[bflag:$0x0] =	sbarrier.arrive $0xFFFF;
	s20 =	sor.u32 $0x1C01, s20  }
0x3f: {  	[hbm:s10], [sflag:s20] =	dma.local [spmem:s21], $0x100  }
0x40: {  	_ =	swait.ge [sflag:s17], $0x100  }
0x41: {  	[sflag:s17] =	ssyncset.done $0x0  }
0x42: {  	s28 =	sshrl.u32 s5, $0x3;
	[sflag:s17] =	ssyncadd.s32 $0xFFFFFF00  }
0x43: {  	[hbm:s11], [sflag:s20] =	dma.local [spmem:s28], $0x100  }
0x44: {  	_ =	swait.ge [sflag:s17], $0x100  }
0x45: {  	[sflag:s17] =	ssyncset.done $0x0  }
0x46: {  	s29 =	sshrl.u32 s6, $0x3;
	[sflag:s17] =	ssyncadd.s32 $0xFFFFFF00  }
0x47: {  	[hbm:s12], [sflag:s20] =	dma.local [spmem:s29], $0x100  }
0x48: {  	_ =	swait.ge [sflag:s17], $0x100  }
0x49: {  	[sflag:s17] =	ssyncset.done $0x0  }
0x4a: {  	s30 =	sshrl.u32 s7, $0x3;
	[sflag:s17] =	ssyncadd.s32 $0xFFFFFF00  }
0x4b: {  	[hbm:s13], [sflag:s20] =	dma.local [spmem:s30], $0x100  }
0x4c: {  	s3 =	sadd.s32 $0x1, s3;
	_ =	swait.ge [sflag:s17], $0x100  }
0x4d: {  	p0 =	sne.s32 s3, s15;
	[sflag:s17] =	ssyncset.done $0x0  }
.Ltmp2:
0x4e: {  	s31 =	sshrl.u32 s8, $0x3;
	[sflag:s17] =	ssyncadd.s32 $0xFFFFFF00;
	(pc) =	sbr.rel @p0 .LBB2_1-.Ltmp2, $4  }
0x4f: {  	[hbm:s14], [sflag:s20] =	dma.local [spmem:s31], $0x100  }
0x50: {  	_ =	swait.ge [sflag:s17], $0x100  }
0x51: {  	[sflag:s17] =	ssyncset.done $0x0  }
0x52: {  	[sflag:s17] =	ssyncadd.s32 $0xFFFFFF00  }
0x53: {  	_ =	sfence.sel $0x180000  }
0x54: {  	[bflag:$0x0] =	sbarrier.arrive $0xFFFF  }
0x55: {  	p0 =	sne.s32 s0, $0x0;
	_ =	strace $0x90000047  }
0x56: {  	s0 =	sadd.s32 @!p0 $0x100000, s1;
	[bflag:$0x2] =	sbarrier.arrive $0xFFFF  }
0x57: {  	[sflag:s0] =	ssyncadd.tile.s32 @!p0 $0x1;
	_ =	shalt  }
.Lfunc_end2:
_tile_overlayer_lowered:
.L_overlay_start_2:
0x58: {  	(tag) =	ssettag $0x2  }
0x59: {  	s0 =	rddreg [dreg:$0x0];
	s2 =	stileid.u32  }
0x5a: {  	s1 =	rddreg [dreg:$0x1];
	p0 =	sne.s32 s2, $0x0  }
0x5b: {  	s3 =	rddreg [dreg:$0x2];
	[bflag:$0x3] =	sbarrier.arrive $0xFFFF;
	s2 =	simm.s32 @!p0 $0x1C01  }
0x5c: {  	[timem:s3], [sflag:s2] =	dma.local @!p0 [hbm:s0], s1  }
0x5d: {  	s0 =	simm.s32 @!p0 $0x1  }
0x5e: {  	_ =	swait.ge @!p0 [sflag:s0], s1  }
0x5f: {  	s1 =	ssub.s32 @!p0 $0x0, s1;
	[sflag:s0] =	ssyncset.done @!p0 $0x0  }
0x60: {  	[sflag:s0] =	ssyncadd.s32 @!p0 s1  }
0x61: {  	[bflag:$0x3] =	sbarrier.arrive $0xFFFF  }
0x62: {  	_ =	shalt  }

// kernel: kernel.16.cloned.1.call-start
scs
__scs_entry_jumppad:
0x0: {  	(pc) =	sbr.rel $0x88, $3  }
0x1: {  	(tag) =	ssettag $0x0;
	lr =	simm.s32 $0x1  }
0x2: {  	[smem:$0x3F97] =	sst lr;
	_ =	strace $0xD0000000  }
0x3: {  	_ = 	snop  }
0x4: {  	_ = 	snop  }
0x5: {  	_ = 	snop  }
0x6: {  	_ = 	snop  }
0x7: {  	_ = 	snop  }
__scs_overlays_trampoline_lowered:
0x8: {  	[smem:$0x3FA6] =	sst s0  }
0x9: {  	[smem:$0x3FA7] =	sst s1  }
0xa: {  	[smem:$0x3FA8] =	sst s2  }
0xb: {  	[smem:$0x3FA9] =	sst s3  }
0xc: {  	[smem:$0x3FAA] =	sst s4  }
0xd: {  	[smem:$0x3FAB] =	sst s5  }
0xe: {  	[smem:$0x3FAC] =	sst s6  }
0xf: {  	[smem:$0x3FAD] =	sst s7  }
0x10: {  	[smem:$0x3FAE] =	sst s8  }
0x11: {  	[smem:$0x3FAF] =	sst s9;
	s0 =	simm.s32 @!p0 $0x0  }
0x12: {  	s1 =	sld [smem:$0x3F95];
	s0 =	simm.s32 @p0 $0x1  }
0x13: {  	[smem:$0x3FB0] =	sst s0;
	s0 =	simm.s32 @!p1 $0x0  }
0x14: {  	s2 =	sld [smem:$0x3F94];
	s0 =	simm.s32 @p1 $0x1  }
0x15: {  	[smem:$0x3FB1] =	sst s0;
	s0 =	simm.s32 @!p2 $0x0  }
0x16: {  	s3 =	sld [smem:$0x3FDB];
	s0 =	simm.s32 @p2 $0x1  }
0x17: {  	s4 =	simm.s32 $0x1BF5;
	[smem:$0x3FB3] =	sst s0  }
0x18: {  	s0 =	sld [smem:$0x3F96];
	_ =	swait.ge [sflag:s4], $0x0  }
0x19: {  	s7 =	sld [smem:$0x3F97]  }
0x1a: {  	s8 =	sadd.s32 $0xFFFFE003, lr  }
0x1b: {  	s9 =	sadd.s32 $0xFFFFFEF7, lr;
	s5 =	simm.s32 $0xFFFFFFFF;
	p2 =	slt.u32 s8, $0xFFFFF086  }
0x1c: {  	p1 =	slt.u32 s9, $0xF7A;
	s5 =	simm.s32 @!p2 $0x0  }
0x1d: {  	s5 =	simm.s32 @p1 $0x1;
	p0 =	seq.s32 s7, s2  }
0x1e: {  	s7 =	smul.u32 @!p0 $0xF7A, s2;
	p2 =	seq.s32 @!p0 s5, $0x0  }
0x1f: {  	s9 =	smul.u32 $0xF7A, s1;
	s8 =	simm.s32 @!p0 $0x1BF5;
	p2 =	por !p2, p0  }
0x20: {  	[sflag:s8] =	ssyncset.s32 @!p0 $0xFFFFF086;
	s6 =	sadd.s32 @!p0 s3, s7;
	s7 =	simm.s32 @!p0 $0x108  }
0x21: {  	s3 =	sadd.s32 s3, s9;
	s6 =	sadd.s32 @!p0 $0x88, s6;
	s7 =	simm.s32 @p2 $0x1082  }
0x22: {  	[simem:s7], [sflag:s8] =	dma.local @!p0 [hbm:s6], $0xF7A  }
0x23: {  	s9 =	sor.u32 $0xD0000000, s2;
	s6 =	simm.s32 $0x108;
	_ =	swait.ge @!p0 [sflag:s8], $0x0  }
0x24: {  	s3 =	sadd.s32 $0x88, s3;
	s6 =	simm.s32 @!p1 $0x1082;
	[sflag:s4] =	ssyncset.s32 $0xFFFFF086  }
0x25: {  	[simem:s6], [sflag:s4] =	dma.local [hbm:s3], $0xF7A  }
0x26: {  	[smem:$0x3F97] =	sst s1;
	(tag) =	ssettag s2;
	_ =	strace s9  }
0x27: {  	s1 =	sld [smem:$0x3FA7]  }
0x28: {  	s2 =	sld [smem:$0x3FA8]  }
0x29: {  	s4 =	sld [smem:$0x3FAA]  }
0x2a: {  	p0 =	seq.s32 s5, $0x0;
	s5 =	sld [smem:$0x3FAB]  }
0x2b: {  	s6 =	sld [smem:$0x3FAC]  }
0x2c: {  	s7 =	sld [smem:$0x3FAD]  }
0x2d: {  	s3 =	simm.s32 $0x108;
	s8 =	sld [smem:$0x3FAE]  }
0x2e: {  	s3 =	simm.s32 @!p0 $0x1082;
	s9 =	sld [smem:$0x3FAF]  }
0x2f: {  	lr =	sadd.s32 s0, s3;
	s0 =	sld [smem:$0x3FA6]  }
0x30: {  	s3 =	sld [smem:$0x3FA9]  }
0x31: {  	[smem:$0x3FB2] =	sst s10  }
0x32: {  	s10 =	sld [smem:$0x3FB0];
	_ =	sdelay $0x3  }
0x33: {  	p0 =	seq.s32 s10, $0x1;
	s10 =	sld [smem:$0x3FB2];
	_ =	sdelay $0x3  }
0x34: {  	[smem:$0x3FB2] =	sst s10  }
0x35: {  	s10 =	sld [smem:$0x3FB1];
	_ =	sdelay $0x3  }
0x36: {  	p1 =	seq.s32 s10, $0x1;
	s10 =	sld [smem:$0x3FB2];
	_ =	sdelay $0x3  }
0x37: {  	[smem:$0x3FB2] =	sst s10  }
0x38: {  	s10 =	sld [smem:$0x3FB3]  }
0x39: {  	_ = 	snop;
	(pc) =	sbr.ind lr, $3  }
0x3a: {  	_ = 	snop  }
0x3b: {  	_ = 	snop  }
0x3c: {  	p2 =	seq.s32 s10, $0x1;
	s10 =	sld [smem:$0x3FB2]  }
0x3d: {  	_ =	shalt  }
0x3e: {  	_ =	shalt  }
0x3f: {  	_ =	shalt  }
0x40: {  	_ =	shalt  }
0x41: {  	_ =	shalt  }
0x42: {  	_ =	shalt  }
0x43: {  	_ =	shalt  }
0x44: {  	_ =	shalt  }
0x45: {  	_ =	shalt  }
0x46: {  	_ =	shalt  }
0x47: {  	_ =	shalt  }
0x48: {  	_ =	shalt  }
0x49: {  	_ =	shalt  }
0x4a: {  	_ =	shalt  }
0x4b: {  	_ =	shalt  }
0x4c: {  	_ =	shalt  }
0x4d: {  	_ =	shalt  }
0x4e: {  	_ =	shalt  }
0x4f: {  	_ =	shalt  }
0x50: {  	_ =	shalt  }
0x51: {  	_ =	shalt  }
0x52: {  	_ =	shalt  }
0x53: {  	_ =	shalt  }
0x54: {  	_ =	shalt  }
0x55: {  	_ =	shalt  }
0x56: {  	_ =	shalt  }
0x57: {  	_ =	shalt  }
0x58: {  	_ =	shalt  }
0x59: {  	_ =	shalt  }
0x5a: {  	_ =	shalt  }
0x5b: {  	_ =	shalt  }
0x5c: {  	_ =	shalt  }
0x5d: {  	_ =	shalt  }
0x5e: {  	_ =	shalt  }
0x5f: {  	_ =	shalt  }
0x60: {  	_ =	shalt  }
0x61: {  	_ =	shalt  }
0x62: {  	_ =	shalt  }
0x63: {  	_ =	shalt  }
0x64: {  	_ =	shalt  }
0x65: {  	_ =	shalt  }
0x66: {  	_ =	shalt  }
0x67: {  	_ =	shalt  }
0x68: {  	_ =	shalt  }
0x69: {  	_ =	shalt  }
0x6a: {  	_ =	shalt  }
0x6b: {  	_ =	shalt  }
0x6c: {  	_ =	shalt  }
0x6d: {  	_ =	shalt  }
0x6e: {  	_ =	shalt  }
0x6f: {  	_ =	shalt  }
0x70: {  	_ =	shalt  }
0x71: {  	_ =	shalt  }
0x72: {  	_ =	shalt  }
0x73: {  	_ =	shalt  }
0x74: {  	_ =	shalt  }
0x75: {  	_ =	shalt  }
0x76: {  	_ =	shalt  }
0x77: {  	_ =	shalt  }
0x78: {  	_ =	shalt  }
0x79: {  	_ =	shalt  }
0x7a: {  	_ =	shalt  }
0x7b: {  	_ =	shalt  }
0x7c: {  	_ =	shalt  }
0x7d: {  	_ =	shalt  }
0x7e: {  	_ =	shalt  }
0x7f: {  	_ =	shalt  }
0x80: {  	_ =	shalt  }
0x81: {  	_ =	shalt  }
0x82: {  	_ =	shalt  }
0x83: {  	_ =	shalt  }
0x84: {  	_ =	shalt  }
0x85: {  	_ =	shalt  }
0x86: {  	_ =	shalt  }
0x87: {  	_ =	shalt  }
.Lfunc_end0:
.L_simem_size_0:
called_computation.1_lowered:
.L_overlay_start_0:
0x88: {  	s2 =	sld [smem:$0x3FD9]  }
0x89: {  	s3 =	sld [smem:$0x3FFE];
	_ =	sdelay $0x1  }
0x8a: {  	s1 =	srdreg.scid  }
0x8b: {  	s0 =	sand.u32 $0x1, s1  }
0x8c: {  	s17 =	sshll.u32 s0, $0xA;
	s2 =	sadd.s32 s3, s2  }
0x8d: {  	s2 =	sadd.s32 s2, s17  }
0x8e: {  	[smem:$0x3FBE] =	sst s2  }
0x8f: {  	_ = 	snop  }
0x90: {  	s2 =	sld [smem:$0x3FD0];
	(tm) =	ssettm $0x1  }
0x91: {  	s18 =	sld [smem:$0x3FFB];
	_ =	sdelay $0x3  }
0x92: {  	_ =	strace s18  }
0x93: {  	s3 =	sld [smem:$0x3FFC];
	_ =	sdelay $0x3  }
0x94: {  	_ =	strace s3  }
0x95: {  	s3 =	sld [smem:$0x3FFD];
	_ =	sdelay $0x3  }
0x96: {  	_ =	strace s3  }
0x97: {  	_ =	strace $0x8FFFFFFF  }
0x98: {  	s19 =	sld [smem:$0x3FDB];
	_ =	sdelay $0x1  }
0x99: {  	s4 =	simm.s32 $_scs_section_size  }
0x9a: {  	s5 =	simm.s32 $_size__tile_overlayer_lowered;
	s6 =	simm.s32 $_tile_overlayer_lowered  }
0x9b: {  	s22 =	simm.s32 $0x1BFF;
	s21 =	sshll.u32 s6, $0x1;
	s3 =	sadd.s32 s4, s19  }
0x9c: {  	s7 =	simm.s32 $0x0;
	s20 =	sshll.u32 s5, $0x1;
	s5 =	sadd.s32 s21, s3  }
0x9d: {  	[timem:s7], [sflag:s22] =	dma.local [hbm:s5], s20  }
0x9e: {  	_ =	swait.ge [sflag:s22], s20  }
0x9f: {  	s4 =	ssub.s32 $0x0, s20;
	[sflag:s22] =	ssyncset.done $0x0  }
0xa0: {  	[sflag:s22] =	ssyncadd.s32 s4;
	_ =	sdelay $0x1  }
0xa1: {  	s23 =	simm.s32 $0x1B8B  }
0xa2: {  	_ =	swait.ge [sflag:s23], $0x1  }
0xa3: {  	[sflag:s23] =	ssyncset.done $0x0  }
0xa4: {  	s25 =	simm.s32 $0x1B8E;
	s24 =	sld [smem:$0x3FFE];
	[sflag:s23] =	ssyncadd.s32 $0xFFFFFFFF  }
0xa5: {  	s26 =	simm.s32 $execute0_lowered;
	[smem:$0x3FD2] =	sst s25  }
0xa6: {  	s5 =	sshll.u32 s26, $0x1;
	_ =	strace $0x80000049;
	[dreg:$0x1] =	wrdreg $0xFFFFFFFF  }
0xa7: {  	s28 =	simm.s32 $_size_execute0_lowered;
	s3 =	sadd.s32 s3, s5;
	[dreg:$0x0] =	wrdreg $0x0  }
0xa8: {  	s5 =	sshll.u32 s28, $0x1;
	[dreg:$0x2] =	wrdreg s3  }
0xa9: {  	[dreg:$0x3] =	wrdreg s5  }
0xaa: {  	[dreg:$0x4] =	wrdreg $0xC0  }
0xab: {  	_ =	task [dreg:s7], $0x5FFFF  }
0xac: {  	[dreg:$0x1] =	wrdreg $0xFFFFFFFF  }
0xad: {  	[dreg:$0x0] =	wrdreg $0x60  }
0xae: {  	[dreg:$0x2] =	wrdreg s2  }
0xaf: {  	[dreg:$0x3] =	wrdreg s24  }
0xb0: {  	[dreg:$0x4] =	wrdreg $0x130000  }
0xb1: {  	[dreg:$0x5] =	wrdreg $0x70000  }
0xb2: {  	[dreg:$0x6] =	wrdreg $0x9  }
0xb3: {  	_ =	task.clear_ibuf [dreg:s7], $0x7FFFF;
	_ =	strace $0x90000049  }
0xb4: {  	s29 =	simm.s32 $0x9;
	_ =	strace $0x8000004B  }
0xb5: {  	_ =	swait.ge [sflag:s29], $0x1  }
0xb6: {  	[sflag:s29] =	ssyncadd.s32 $0xFFFFFFFF  }
0xb7: {  	_ =	strace $0x9000004B  }
0xb8: {  	_ =	sfence  }
0xb9: {  	s30 =	sld [smem:$0x0];
	_ =	sdelay $0x2  }
0xba: {  	s31 =	sshll.u32 s1, $0xD;
	s1 =	sshrl.u32 s1, $0x2  }
0xbb: {  	s3 =	sand.u32 $0x4000, s31;
	s1 =	sadd.s32 s1, s30  }
0xbc: {  	s0 =	sor.u32 s3, s0;
	s1 =	sshll.u32 s1, $0x11  }
0xbd: {  	s0 =	sor.u32 s1, s0  }
0xbe: {  	s0 =	sadd.s32 $0x8F2B, s0  }
0xbf: {  	[sflag:s0] =	ssyncadd.remote.s32 $0x1  }
0xc0: {  	_ =	sfence.sel $0xFFFF  }
0xc1: {  	[dreg:$0x0] =	wrdreg $0xFFFFFFFF;
	(pc) =	sbr.abs _section_cstart, $3  }
0xc2: {  	[dreg:$0x1] =	wrdreg $0xFFFFFFFF  }
0xc3: {  	_ =	task.clear_ibuf [dreg:s7], $0x2FFFF;
	_ =	strace $0x9FFFFFFF  }
0xc4: {  	(tm) =	ssettm $0x7FFFFFFF  }
0xc5: {  	_ =	shalt  }
tec
execute0_lowered:
.L_overlay_start_1:
0x0: {  	(tag) =	ssettag $0x1  }
0x1: {  	s0 =	rddreg [dreg:$0x0]  }
0x2: {  	s5 =	rddreg [dreg:$0x1]  }
0x3: {  	s1 =	srdreg.scid;
	s2 =	rddreg [dreg:$0x2]  }
0x4: {  	s8 =	stileid.u32;
	s3 =	rddreg [dreg:$0x3];
	s29 =	simm.s32 $0x11000  }
0x5: {  	s30 =	simm.s32 $0x3;
	s31 =	simm.s32 $0x1;
	s1 =	sand.u32 $0x1, s1  }
0x6: {  	s10 =	sadd.s32 $0x67C00, s5;
	s4 =	sshll.u32 s1, $0x4;
	s7 =	ssub.s32 $0x2, s1  }
0x7: {  	s1 =	smul.u32 $0xA0000, s1;
	s6 =	sor.u32 s8, s4;
	s4 =	simm.s32 $0x0  }
0x8: {  	s8 =	smul.u32 $0xA000, s8;
	s9 =	sshrl.u32 s7, $0x1;
	[smem:$0x7FF] =	sst s4  }
0x9: {  	s6 =	smul.u32 $0x500, s6;
	s11 =	ssub.s32 s7, s9;
	_ =	strace $0x8000004A  }
0xa: {  	s23 =	sadd.s32 s8, s3;
	s9 =	sshrl.u32 s8, $0x3;
	s12 =	sadd.s32 $0x2000, s8  }
0xb: {  	s15 =	sadd.s32 $0x4000, s8;
	s19 =	sadd.s32 $0x6000, s8;
	s20 =	sadd.s32 $0x8000, s8  }
0xc: {  	s6 =	sadd.s32 s6, s5;
	s5 =	sadd.s32 s8, s2;
	s7 =	sadd.s32 s0, s9  }
0xd: {  	s13 =	sshrl.u32 s12, $0x3;
	s24 =	sadd.s32 s12, s3;
	s25 =	sadd.s32 s15, s3  }
0xe: {  	s14 =	sshrl.u32 s19, $0x3;
	s16 =	sshrl.u32 s20, $0x3;
	s8 =	sadd.s32 s8, s1  }
0xf: {  	s17 =	sadd.s32 s1, s12;
	s22 =	sadd.s32 s1, s15;
	s26 =	sadd.s32 s1, s19  }
0x10: {  	s1 =	sadd.s32 s1, s20;
	s23 =	sshrl.u32 s23, $0x3;
	[dreg:$0x5] =	wrdreg s7  }
0x11: {  	s7 =	sadd.s32 s12, s2;
	s9 =	sadd.s32 s0, s13;
	s13 =	sshrl.u32 s15, $0x3  }
0x12: {  	s14 =	sadd.s32 s0, s14;
	s18 =	sshrl.u32 s8, $0x3;
	s21 =	sshrl.u32 s17, $0x3  }
0x13: {  	s8 =	sshrl.u32 s26, $0x3;
	s1 =	sshrl.u32 s1, $0x3;
	s12 =	sadd.s32 s19, s3  }
0x14: {  	s24 =	sshrl.u32 s24, $0x3;
	s25 =	sshrl.u32 s25, $0x3;
	[dreg:$0x6] =	wrdreg s9  }
0x15: {  	s9 =	sadd.s32 s15, s2;
	s13 =	sadd.s32 s0, s13;
	[dreg:$0x8] =	wrdreg s14  }
0x16: {  	s0 =	sadd.s32 s0, s16;
	s14 =	sadd.s32 s10, s21;
	s16 =	sadd.s32 s10, s8  }
0x17: {  	s17 =	sadd.s32 s10, s1;
	s21 =	sadd.s32 $0xDC00, s6;
	[dreg:$0x7] =	wrdreg s13  }
0x18: {  	s26 =	sshrl.u32 s12, $0x3;
	s1 =	simm.s32 $0x80;
	[dreg:$0x9] =	wrdreg s0  }
0x19: {  	s0 =	sadd.s32 s10, s18;
	s18 =	sadd.s32 s19, s2;
	s19 =	sadd.s32 s20, s2  }
0x1a: {  	s13 =	sadd.s32 s20, s3;
	s20 =	sadd.s32 $0x3C00, s6;
	s6 =	simm.s32 $0x2  }
0x1b: {  	[dreg:$0xa] =	wrdreg s0;
	s0 =	sshrl.u32 s22, $0x3;
	s22 =	smax.u32 s11, $0x1  }
0x1c: {  	v0 =	vimm.f32 $0.0e+00;
	s28 =	sshrl.u32 s13, $0x3;
	s15 =	sadd.s32 s10, s0;
	s0 =	simm.s32 $0x5000  }
.LBB2_1:
0x1d: {  	s10 =	simm.s32 $0x100;
	s8 =	simm.s32 $0x0  }
.LBB2_2:
0x1e: {  	p0 =	sne.s32 s10, $0x7F00;
	[tilespmem:s8+$0x11030] =	vst v0;
	s11 =	smov.u32 s10;
	s10 =	sadd.s32 $0x100, s10  }
.Ltmp0:
0x1f: {  	[tilespmem:s8+$0x11020] =	vst v0;
	(pc) =	sbr.rel @p0 .LBB2_2-.Ltmp0, $3  }
0x20: {  	[tilespmem:s8+$0x11000] =	vst v0  }
0x21: {  	[tilespmem:s8+$0x11010] =	vst v0;
	_ =	sdelay $0x1  }
0x22: {  	s8 =	sshra.s32 s11, $0x2  }
0x23: {  	[tilespmem:s8+$0x11030] =	vst v0  }
0x24: {  	[tilespmem:s8+$0x11020] =	vst v0  }
0x25: {  	[tilespmem:s8+$0x11000] =	vst v0  }
0x26: {  	[tilespmem:s8+$0x11010] =	vst v0  }
0x27: {  	[spmem:s5] =	stream.linear.scatter [tilespmem:s29], [sflag:$0x3], $0x2000, $0x38;
	[tilespmem:$0x1D000] =	vst v63  }
0x28: {  	s10 =	stileid.u32;
	_ =	swait.ge [sflag:s30], $0x2000  }
0x29: {  	s8 =	sshll.u32 s10, $0x6;
	[sflag:s30] =	ssyncset.done $0x0  }
0x2a: {  	s8 =	sor.u32 $0x1C03, s8;
	s10 =	rddreg [dreg:$0x5];
	[sflag:s30] =	ssyncadd.s32 $0xFFFFE000  }
0x2b: {  	[spmem:s23], [sflag:s8] =	dma.local [hbm:s10], $0x400  }
0x2c: {  	_ =	swait.ge [sflag:s30], $0x400  }
0x2d: {  	[sflag:s30] =	ssyncset.done $0x0  }
0x2e: {  	[sflag:s30] =	ssyncadd.s32 $0xFFFFFC00  }
0x2f: {  	[spmem:s7] =	stream.linear.scatter [tilespmem:s29], [sflag:$0x3], $0x2000, $0x38;
	[tilespmem:$0x1D000] =	vst v63  }
0x30: {  	_ =	swait.ge [sflag:s30], $0x2000  }
0x31: {  	[sflag:s30] =	ssyncset.done $0x0  }
0x32: {  	s11 =	rddreg [dreg:$0x6];
	[sflag:s30] =	ssyncadd.s32 $0xFFFFE000  }
0x33: {  	[spmem:s24], [sflag:s8] =	dma.local [hbm:s11], $0x400  }
0x34: {  	_ =	swait.ge [sflag:s30], $0x400  }
0x35: {  	[sflag:s30] =	ssyncset.done $0x0  }
0x36: {  	[sflag:s30] =	ssyncadd.s32 $0xFFFFFC00  }
0x37: {  	[spmem:s9] =	stream.linear.scatter [tilespmem:s29], [sflag:$0x3], $0x2000, $0x38;
	[tilespmem:$0x1D000] =	vst v63  }
0x38: {  	_ =	swait.ge [sflag:s30], $0x2000  }
0x39: {  	[sflag:s30] =	ssyncset.done $0x0  }
0x3a: {  	s12 =	rddreg [dreg:$0x7];
	[sflag:s30] =	ssyncadd.s32 $0xFFFFE000  }
0x3b: {  	[spmem:s25], [sflag:s8] =	dma.local [hbm:s12], $0x400  }
0x3c: {  	_ =	swait.ge [sflag:s30], $0x400  }
0x3d: {  	[sflag:s30] =	ssyncset.done $0x0  }
0x3e: {  	[sflag:s30] =	ssyncadd.s32 $0xFFFFFC00  }
0x3f: {  	[spmem:s18] =	stream.linear.scatter [tilespmem:s29], [sflag:$0x3], $0x2000, $0x38;
	[tilespmem:$0x1D000] =	vst v63  }
0x40: {  	_ =	swait.ge [sflag:s30], $0x2000  }
0x41: {  	[sflag:s30] =	ssyncset.done $0x0  }
0x42: {  	s13 =	rddreg [dreg:$0x8];
	[sflag:s30] =	ssyncadd.s32 $0xFFFFE000  }
0x43: {  	[spmem:s26], [sflag:s8] =	dma.local [hbm:s13], $0x400  }
0x44: {  	_ =	swait.ge [sflag:s30], $0x400  }
0x45: {  	[sflag:s30] =	ssyncset.done $0x0  }
0x46: {  	[sflag:s30] =	ssyncadd.s32 $0xFFFFFC00  }
0x47: {  	[spmem:s19] =	stream.linear.scatter [tilespmem:s29], [sflag:$0x3], $0x2000, $0x38;
	[tilespmem:$0x1D000] =	vst v63  }
0x48: {  	_ =	swait.ge [sflag:s30], $0x2000  }
0x49: {  	[sflag:s30] =	ssyncset.done $0x0  }
0x4a: {  	s11 =	rddreg [dreg:$0x9];
	[sflag:s30] =	ssyncadd.s32 $0xFFFFE000  }
0x4b: {  	[spmem:s28], [sflag:s8] =	dma.local [hbm:s11], $0x400  }
0x4c: {  	_ =	swait.ge [sflag:s30], $0x400  }
0x4d: {  	[sflag:s30] =	ssyncset.done $0x0  }
0x4e: {  	s12 =	simm.s32 $0x0;
	s11 =	simm.s32 $0x2800;
	[sflag:s30] =	ssyncadd.s32 $0xFFFFFC00  }
0x4f: {  	[tilespmem:s11], [sflag:$0x3] =	stream.linear.gather [hbm4b:s20+s12], $0x2800, $0x38;
	[tilespmem:$0x1D000] =	vst v63  }
0x50: {  	_ =	swait.ge [sflag:s30], $0x2800  }
0x51: {  	[sflag:s30] =	ssyncset.done $0x0  }
0x52: {  	[sflag:s30] =	ssyncadd.s32 $0xFFFFD800  }
0x53: {  	[tilespmem:s12], [sflag:$0x3] =	stream.linear.gather [hbm4b:s21+s12], $0x2800, $0x38;
	[tilespmem:$0x1D000] =	vst v63  }
0x54: {  	_ =	swait.ge [sflag:s30], $0x2800  }
0x55: {  	[sflag:s30] =	ssyncset.done $0x0  }
0x56: {  	[sflag:s30] =	ssyncadd.s32 $0xFFFFD800  }
0x57: {  	s13 =	simm.s32 $0x0;
	[bflag:$0x0] =	sbarrier.arrive $0xFFFF  }
0x58: {  	[tilespmem:s0], [sflag:$0x1] =	stream.indirect.gather [spmem:s3], $0x40, s13, s1, $0xb8;
	[tilespmem:$0x1D000] =	vst v63  }
0x59: {  	s11 =	simm.s32 $0x80  }
0x5a: {  	[tilespmem:s29], [sflag:$0x2] =	stream.indirect.gather [spmem:s3], $0x40, s11, s1, $0xb8;
	[tilespmem:$0x1D000] =	vst v63  }
0x5b: {  	_ =	swait.ge [sflag:s31], $0x2000  }
0x5c: {  	[sflag:s31] =	ssyncset.done $0x0  }
0x5d: {  	s12 =	simm.s32 $0x2800;
	[sflag:s31] =	ssyncadd.s32 $0xFFFFE000  }
0x5e: {  	[spmem:s2] =	stream.indirect.scatter.add.f32 [tilespmem:s0], [sflag:$0x3], $0x40, s12, s1, $0xb8;
	[tilespmem:$0x1D000] =	vst v63  }
0x5f: {  	_ =	swait.ge [sflag:s30], $0x2000  }
0x60: {  	[sflag:s30] =	ssyncset.done $0x0  }
0x61: {  	[sflag:s30] =	ssyncadd.s32 $0xFFFFE000  }
0x62: {  	_ =	swait.ge [sflag:s6], $0x2000  }
0x63: {  	[sflag:s6] =	ssyncset.done $0x0  }
0x64: {  	s13 =	simm.s32 $0x2880;
	[sflag:s6] =	ssyncadd.s32 $0xFFFFE000  }
0x65: {  	[spmem:s2] =	stream.indirect.scatter.add.f32 [tilespmem:s29], [sflag:$0x3], $0x40, s13, s1, $0xb8;
	[tilespmem:$0x1D000] =	vst v63  }
0x66: {  	_ =	swait.ge [sflag:s30], $0x2000  }
0x67: {  	s10 =	simm.s32 $0x400;
	s11 =	simm.s32 $0x800;
	[sflag:s30] =	ssyncset.done $0x0  }
.LBB2_4:
0x68: {  	s12 =	sshra.s32 s10, $0x2  }
0x69: {  	[sflag:s30] =	ssyncadd.s32 $0xFFFFE000;
	s10 =	smov.u32 s11;
	s13 =	sadd.s32 $0x400, s11  }
0x6a: {  	[tilespmem:s0], [sflag:$0x1] =	stream.indirect.gather [spmem:s3], $0x40, s12, s1, $0xb8;
	[tilespmem:$0x1D000] =	vst v63  }
0x6b: {  	p0 =	sne.s32 s11, $0x9C00;
	s11 =	sadd.s32 $0x80, s12  }
0x6c: {  	[tilespmem:s29], [sflag:$0x2] =	stream.indirect.gather [spmem:s3], $0x40, s11, s1, $0xb8;
	[tilespmem:$0x1D000] =	vst v63  }
0x6d: {  	_ =	swait.ge [sflag:s31], $0x2000  }
0x6e: {  	[sflag:s31] =	ssyncset.done $0x0  }
0x6f: {  	s11 =	sadd.s32 $0x2800, s12;
	[sflag:s31] =	ssyncadd.s32 $0xFFFFE000  }
0x70: {  	[spmem:s2] =	stream.indirect.scatter.add.f32 [tilespmem:s0], [sflag:$0x3], $0x40, s11, s1, $0xb8;
	[tilespmem:$0x1D000] =	vst v63  }
0x71: {  	_ =	swait.ge [sflag:s30], $0x2000  }
0x72: {  	[sflag:s30] =	ssyncset.done $0x0  }
0x73: {  	[sflag:s30] =	ssyncadd.s32 $0xFFFFE000  }
0x74: {  	_ =	swait.ge [sflag:s6], $0x2000  }
.Ltmp1:
0x75: {  	[sflag:s6] =	ssyncset.done $0x0;
	(pc) =	sbr.rel @p0 .LBB2_4-.Ltmp1, $4  }
0x76: {  	s11 =	sadd.s32 $0x2880, s12;
	[sflag:s6] =	ssyncadd.s32 $0xFFFFE000  }
0x77: {  	[spmem:s2] =	stream.indirect.scatter.add.f32 [tilespmem:s29], [sflag:$0x3], $0x40, s11, s1, $0xb8;
	[tilespmem:$0x1D000] =	vst v63  }
0x78: {  	_ =	swait.ge [sflag:s30], $0x2000  }
0x79: {  	s11 =	smov.u32 s13;
	[sflag:s30] =	ssyncset.done $0x0  }
0x7a: {  	s10 =	sshra.s32 s10, $0x2;
	[sflag:s30] =	ssyncadd.s32 $0xFFFFE000  }
0x7b: {  	[tilespmem:s0], [sflag:$0x1] =	stream.indirect.gather [spmem:s3], $0x40, s10, s1, $0xb8;
	[tilespmem:$0x1D000] =	vst v63  }
0x7c: {  	s11 =	sadd.s32 $0x80, s10  }
0x7d: {  	[tilespmem:s29], [sflag:$0x2] =	stream.indirect.gather [spmem:s3], $0x40, s11, s1, $0xb8;
	[tilespmem:$0x1D000] =	vst v63  }
0x7e: {  	_ =	swait.ge [sflag:s31], $0x2000  }
0x7f: {  	[sflag:s31] =	ssyncset.done $0x0  }
0x80: {  	s13 =	sadd.s32 $0x2800, s10;
	[sflag:s31] =	ssyncadd.s32 $0xFFFFE000  }
0x81: {  	[spmem:s2] =	stream.indirect.scatter.add.f32 [tilespmem:s0], [sflag:$0x3], $0x40, s13, s1, $0xb8;
	[tilespmem:$0x1D000] =	vst v63  }
0x82: {  	_ =	swait.ge [sflag:s30], $0x2000  }
0x83: {  	[sflag:s30] =	ssyncset.done $0x0  }
0x84: {  	[sflag:s30] =	ssyncadd.s32 $0xFFFFE000  }
0x85: {  	_ =	swait.ge [sflag:s6], $0x2000  }
0x86: {  	[sflag:s6] =	ssyncset.done $0x0  }
0x87: {  	s10 =	sadd.s32 $0x2880, s10;
	[sflag:s6] =	ssyncadd.s32 $0xFFFFE000  }
0x88: {  	[spmem:s2] =	stream.indirect.scatter.add.f32 [tilespmem:s29], [sflag:$0x3], $0x40, s10, s1, $0xb8;
	[tilespmem:$0x1D000] =	vst v63  }
0x89: {  	_ =	swait.ge [sflag:s30], $0x2000  }
0x8a: {  	[sflag:s30] =	ssyncset.done $0x0  }
0x8b: {  	[sflag:s30] =	ssyncadd.s32 $0xFFFFE000  }
0x8c: {  	[bflag:$0x0] =	sbarrier.arrive $0xFFFF  }
0x8d: {  	s11 =	sshrl.u32 s5, $0x3;
	s12 =	rddreg [dreg:$0xa]  }
0x8e: {  	[hbm:s12], [sflag:s8] =	dma.local [spmem:s11], $0x400  }
0x8f: {  	_ =	swait.ge [sflag:s30], $0x400  }
0x90: {  	[sflag:s30] =	ssyncset.done $0x0  }
0x91: {  	s13 =	sshrl.u32 s7, $0x3;
	[sflag:s30] =	ssyncadd.s32 $0xFFFFFC00  }
0x92: {  	[hbm:s14], [sflag:s8] =	dma.local [spmem:s13], $0x400  }
0x93: {  	_ =	swait.ge [sflag:s30], $0x400  }
0x94: {  	[sflag:s30] =	ssyncset.done $0x0  }
0x95: {  	s11 =	sshrl.u32 s9, $0x3;
	[sflag:s30] =	ssyncadd.s32 $0xFFFFFC00  }
0x96: {  	[hbm:s15], [sflag:s8] =	dma.local [spmem:s11], $0x400  }
0x97: {  	_ =	swait.ge [sflag:s30], $0x400  }
0x98: {  	[sflag:s30] =	ssyncset.done $0x0  }
0x99: {  	s12 =	sshrl.u32 s18, $0x3;
	[sflag:s30] =	ssyncadd.s32 $0xFFFFFC00  }
0x9a: {  	[hbm:s16], [sflag:s8] =	dma.local [spmem:s12], $0x400  }
0x9b: {  	s4 =	sadd.s32 $0x1, s4;
	_ =	swait.ge [sflag:s30], $0x400  }
0x9c: {  	p0 =	sne.s32 s4, s22;
	[sflag:s30] =	ssyncset.done $0x0  }
.Ltmp2:
0x9d: {  	s13 =	sshrl.u32 s19, $0x3;
	[sflag:s30] =	ssyncadd.s32 $0xFFFFFC00;
	(pc) =	sbr.rel @p0 .LBB2_1-.Ltmp2, $4  }
0x9e: {  	[hbm:s17], [sflag:s8] =	dma.local [spmem:s13], $0x400  }
0x9f: {  	_ =	swait.ge [sflag:s30], $0x400  }
0xa0: {  	[sflag:s30] =	ssyncset.done $0x0  }
0xa1: {  	[sflag:s30] =	ssyncadd.s32 $0xFFFFFC00  }
0xa2: {  	_ =	sfence.sel $0x180000  }
0xa3: {  	[bflag:$0x0] =	sbarrier.arrive $0xFFFF  }
0xa4: {  	_ =	strace $0x9000004A  }
0xa5: {  	s0 =	stileid.u32;
	[bflag:$0x2] =	sbarrier.arrive $0xFFFF  }
0xa6: {  	p0 =	sne.s32 s0, $0x0;
	s0 =	rddreg [dreg:$0x4]  }
0xa7: {  	s0 =	sadd.s32 @!p0 $0x100000, s0  }
0xa8: {  	[sflag:s0] =	ssyncadd.tile.s32 @!p0 $0x1;
	_ =	shalt  }
.Lfunc_end2:
_tile_overlayer_lowered:
.L_overlay_start_2:
0xa9: {  	(tag) =	ssettag $0x2  }
0xaa: {  	s0 =	rddreg [dreg:$0x0];
	s2 =	stileid.u32  }
0xab: {  	s1 =	rddreg [dreg:$0x1];
	p0 =	sne.s32 s2, $0x0  }
0xac: {  	s3 =	rddreg [dreg:$0x2];
	[bflag:$0x3] =	sbarrier.arrive $0xFFFF;
	s2 =	simm.s32 @!p0 $0x1C03  }
0xad: {  	[timem:s3], [sflag:s2] =	dma.local @!p0 [hbm:s0], s1  }
0xae: {  	s0 =	simm.s32 @!p0 $0x3  }
0xaf: {  	_ =	swait.ge @!p0 [sflag:s0], s1  }
0xb0: {  	s1 =	ssub.s32 @!p0 $0x0, s1;
	[sflag:s0] =	ssyncset.done @!p0 $0x0  }
0xb1: {  	[sflag:s0] =	ssyncadd.s32 @!p0 s1  }
0xb2: {  	[bflag:$0x3] =	sbarrier.arrive $0xFFFF  }
0xb3: {  	_ =	shalt  }

// kernel: kernel.19.cloned.1.call-start
scs
__scs_entry_jumppad:
0x0: {  	(pc) =	sbr.rel $0x88, $3  }
0x1: {  	(tag) =	ssettag $0x0;
	lr =	simm.s32 $0x1  }
0x2: {  	[smem:$0x3F97] =	sst lr;
	_ =	strace $0xD0000000  }
0x3: {  	_ = 	snop  }
0x4: {  	_ = 	snop  }
0x5: {  	_ = 	snop  }
0x6: {  	_ = 	snop  }
0x7: {  	_ = 	snop  }
__scs_overlays_trampoline_lowered:
0x8: {  	[smem:$0x3FA6] =	sst s0  }
0x9: {  	[smem:$0x3FA7] =	sst s1  }
0xa: {  	[smem:$0x3FA8] =	sst s2  }
0xb: {  	[smem:$0x3FA9] =	sst s3  }
0xc: {  	[smem:$0x3FAA] =	sst s4  }
0xd: {  	[smem:$0x3FAB] =	sst s5  }
0xe: {  	[smem:$0x3FAC] =	sst s6  }
0xf: {  	[smem:$0x3FAD] =	sst s7  }
0x10: {  	[smem:$0x3FAE] =	sst s8  }
0x11: {  	[smem:$0x3FAF] =	sst s9;
	s0 =	simm.s32 @!p0 $0x0  }
0x12: {  	s1 =	sld [smem:$0x3F95];
	s0 =	simm.s32 @p0 $0x1  }
0x13: {  	[smem:$0x3FB0] =	sst s0;
	s0 =	simm.s32 @!p1 $0x0  }
0x14: {  	s2 =	sld [smem:$0x3F94];
	s0 =	simm.s32 @p1 $0x1  }
0x15: {  	[smem:$0x3FB1] =	sst s0;
	s0 =	simm.s32 @!p2 $0x0  }
0x16: {  	s3 =	sld [smem:$0x3FDB];
	s0 =	simm.s32 @p2 $0x1  }
0x17: {  	s4 =	simm.s32 $0x1BF5;
	[smem:$0x3FB3] =	sst s0  }
0x18: {  	s0 =	sld [smem:$0x3F96];
	_ =	swait.ge [sflag:s4], $0x0  }
0x19: {  	s7 =	sld [smem:$0x3F97]  }
0x1a: {  	s8 =	sadd.s32 $0xFFFFE003, lr  }
0x1b: {  	s9 =	sadd.s32 $0xFFFFFEF7, lr;
	s5 =	simm.s32 $0xFFFFFFFF;
	p2 =	slt.u32 s8, $0xFFFFF086  }
0x1c: {  	p1 =	slt.u32 s9, $0xF7A;
	s5 =	simm.s32 @!p2 $0x0  }
0x1d: {  	s5 =	simm.s32 @p1 $0x1;
	p0 =	seq.s32 s7, s2  }
0x1e: {  	s7 =	smul.u32 @!p0 $0xF7A, s2;
	p2 =	seq.s32 @!p0 s5, $0x0  }
0x1f: {  	s9 =	smul.u32 $0xF7A, s1;
	s8 =	simm.s32 @!p0 $0x1BF5;
	p2 =	por !p2, p0  }
0x20: {  	[sflag:s8] =	ssyncset.s32 @!p0 $0xFFFFF086;
	s6 =	sadd.s32 @!p0 s3, s7;
	s7 =	simm.s32 @!p0 $0x108  }
0x21: {  	s3 =	sadd.s32 s3, s9;
	s6 =	sadd.s32 @!p0 $0x88, s6;
	s7 =	simm.s32 @p2 $0x1082  }
0x22: {  	[simem:s7], [sflag:s8] =	dma.local @!p0 [hbm:s6], $0xF7A  }
0x23: {  	s9 =	sor.u32 $0xD0000000, s2;
	s6 =	simm.s32 $0x108;
	_ =	swait.ge @!p0 [sflag:s8], $0x0  }
0x24: {  	s3 =	sadd.s32 $0x88, s3;
	s6 =	simm.s32 @!p1 $0x1082;
	[sflag:s4] =	ssyncset.s32 $0xFFFFF086  }
0x25: {  	[simem:s6], [sflag:s4] =	dma.local [hbm:s3], $0xF7A  }
0x26: {  	[smem:$0x3F97] =	sst s1;
	(tag) =	ssettag s2;
	_ =	strace s9  }
0x27: {  	s1 =	sld [smem:$0x3FA7]  }
0x28: {  	s2 =	sld [smem:$0x3FA8]  }
0x29: {  	s4 =	sld [smem:$0x3FAA]  }
0x2a: {  	p0 =	seq.s32 s5, $0x0;
	s5 =	sld [smem:$0x3FAB]  }
0x2b: {  	s6 =	sld [smem:$0x3FAC]  }
0x2c: {  	s7 =	sld [smem:$0x3FAD]  }
0x2d: {  	s3 =	simm.s32 $0x108;
	s8 =	sld [smem:$0x3FAE]  }
0x2e: {  	s3 =	simm.s32 @!p0 $0x1082;
	s9 =	sld [smem:$0x3FAF]  }
0x2f: {  	lr =	sadd.s32 s0, s3;
	s0 =	sld [smem:$0x3FA6]  }
0x30: {  	s3 =	sld [smem:$0x3FA9]  }
0x31: {  	[smem:$0x3FB2] =	sst s10  }
0x32: {  	s10 =	sld [smem:$0x3FB0];
	_ =	sdelay $0x3  }
0x33: {  	p0 =	seq.s32 s10, $0x1;
	s10 =	sld [smem:$0x3FB2];
	_ =	sdelay $0x3  }
0x34: {  	[smem:$0x3FB2] =	sst s10  }
0x35: {  	s10 =	sld [smem:$0x3FB1];
	_ =	sdelay $0x3  }
0x36: {  	p1 =	seq.s32 s10, $0x1;
	s10 =	sld [smem:$0x3FB2];
	_ =	sdelay $0x3  }
0x37: {  	[smem:$0x3FB2] =	sst s10  }
0x38: {  	s10 =	sld [smem:$0x3FB3]  }
0x39: {  	_ = 	snop;
	(pc) =	sbr.ind lr, $3  }
0x3a: {  	_ = 	snop  }
0x3b: {  	_ = 	snop  }
0x3c: {  	p2 =	seq.s32 s10, $0x1;
	s10 =	sld [smem:$0x3FB2]  }
0x3d: {  	_ =	shalt  }
0x3e: {  	_ =	shalt  }
0x3f: {  	_ =	shalt  }
0x40: {  	_ =	shalt  }
0x41: {  	_ =	shalt  }
0x42: {  	_ =	shalt  }
0x43: {  	_ =	shalt  }
0x44: {  	_ =	shalt  }
0x45: {  	_ =	shalt  }
0x46: {  	_ =	shalt  }
0x47: {  	_ =	shalt  }
0x48: {  	_ =	shalt  }
0x49: {  	_ =	shalt  }
0x4a: {  	_ =	shalt  }
0x4b: {  	_ =	shalt  }
0x4c: {  	_ =	shalt  }
0x4d: {  	_ =	shalt  }
0x4e: {  	_ =	shalt  }
0x4f: {  	_ =	shalt  }
0x50: {  	_ =	shalt  }
0x51: {  	_ =	shalt  }
0x52: {  	_ =	shalt  }
0x53: {  	_ =	shalt  }
0x54: {  	_ =	shalt  }
0x55: {  	_ =	shalt  }
0x56: {  	_ =	shalt  }
0x57: {  	_ =	shalt  }
0x58: {  	_ =	shalt  }
0x59: {  	_ =	shalt  }
0x5a: {  	_ =	shalt  }
0x5b: {  	_ =	shalt  }
0x5c: {  	_ =	shalt  }
0x5d: {  	_ =	shalt  }
0x5e: {  	_ =	shalt  }
0x5f: {  	_ =	shalt  }
0x60: {  	_ =	shalt  }
0x61: {  	_ =	shalt  }
0x62: {  	_ =	shalt  }
0x63: {  	_ =	shalt  }
0x64: {  	_ =	shalt  }
0x65: {  	_ =	shalt  }
0x66: {  	_ =	shalt  }
0x67: {  	_ =	shalt  }
0x68: {  	_ =	shalt  }
0x69: {  	_ =	shalt  }
0x6a: {  	_ =	shalt  }
0x6b: {  	_ =	shalt  }
0x6c: {  	_ =	shalt  }
0x6d: {  	_ =	shalt  }
0x6e: {  	_ =	shalt  }
0x6f: {  	_ =	shalt  }
0x70: {  	_ =	shalt  }
0x71: {  	_ =	shalt  }
0x72: {  	_ =	shalt  }
0x73: {  	_ =	shalt  }
0x74: {  	_ =	shalt  }
0x75: {  	_ =	shalt  }
0x76: {  	_ =	shalt  }
0x77: {  	_ =	shalt  }
0x78: {  	_ =	shalt  }
0x79: {  	_ =	shalt  }
0x7a: {  	_ =	shalt  }
0x7b: {  	_ =	shalt  }
0x7c: {  	_ =	shalt  }
0x7d: {  	_ =	shalt  }
0x7e: {  	_ =	shalt  }
0x7f: {  	_ =	shalt  }
0x80: {  	_ =	shalt  }
0x81: {  	_ =	shalt  }
0x82: {  	_ =	shalt  }
0x83: {  	_ =	shalt  }
0x84: {  	_ =	shalt  }
0x85: {  	_ =	shalt  }
0x86: {  	_ =	shalt  }
0x87: {  	_ =	shalt  }
.Lfunc_end0:
.L_simem_size_0:
called_computation.2_lowered:
.L_overlay_start_0:
0x88: {  	s2 =	sld [smem:$0x3FD9]  }
0x89: {  	s3 =	sld [smem:$0x3FFE];
	_ =	sdelay $0x1  }
0x8a: {  	s1 =	srdreg.scid  }
0x8b: {  	s0 =	sand.u32 $0x1, s1  }
0x8c: {  	s17 =	sshll.u32 s0, $0xA;
	s2 =	sadd.s32 s3, s2  }
0x8d: {  	s2 =	sadd.s32 s2, s17  }
0x8e: {  	[smem:$0x3FBE] =	sst s2  }
0x8f: {  	_ = 	snop  }
0x90: {  	s2 =	sld [smem:$0x3FD0];
	(tm) =	ssettm $0x1  }
0x91: {  	s18 =	sld [smem:$0x3FFB];
	_ =	sdelay $0x3  }
0x92: {  	_ =	strace s18  }
0x93: {  	s3 =	sld [smem:$0x3FFC];
	_ =	sdelay $0x3  }
0x94: {  	_ =	strace s3  }
0x95: {  	s3 =	sld [smem:$0x3FFD];
	_ =	sdelay $0x3  }
0x96: {  	_ =	strace s3  }
0x97: {  	_ =	strace $0x8FFFFFFF  }
0x98: {  	s19 =	sld [smem:$0x3FDB];
	_ =	sdelay $0x1  }
0x99: {  	s4 =	simm.s32 $_scs_section_size  }
0x9a: {  	s5 =	simm.s32 $_size__tile_overlayer_lowered;
	s6 =	simm.s32 $_tile_overlayer_lowered  }
0x9b: {  	s22 =	simm.s32 $0x1BFF;
	s21 =	sshll.u32 s6, $0x1;
	s3 =	sadd.s32 s4, s19  }
0x9c: {  	s7 =	simm.s32 $0x0;
	s20 =	sshll.u32 s5, $0x1;
	s5 =	sadd.s32 s21, s3  }
0x9d: {  	[timem:s7], [sflag:s22] =	dma.local [hbm:s5], s20  }
0x9e: {  	_ =	swait.ge [sflag:s22], s20  }
0x9f: {  	s4 =	ssub.s32 $0x0, s20;
	[sflag:s22] =	ssyncset.done $0x0  }
0xa0: {  	[sflag:s22] =	ssyncadd.s32 s4;
	_ =	sdelay $0x1  }
0xa1: {  	s23 =	simm.s32 $0x1B8B  }
0xa2: {  	_ =	swait.ge [sflag:s23], $0x1  }
0xa3: {  	[sflag:s23] =	ssyncset.done $0x0  }
0xa4: {  	s25 =	simm.s32 $0x1B8E;
	s24 =	sld [smem:$0x3FFE];
	[sflag:s23] =	ssyncadd.s32 $0xFFFFFFFF  }
0xa5: {  	s26 =	simm.s32 $execute0_lowered;
	[smem:$0x3FD2] =	sst s25  }
0xa6: {  	s5 =	sshll.u32 s26, $0x1;
	_ =	strace $0x8000004C;
	[dreg:$0x1] =	wrdreg $0xFFFFFFFF  }
0xa7: {  	s28 =	simm.s32 $_size_execute0_lowered;
	s3 =	sadd.s32 s3, s5;
	[dreg:$0x0] =	wrdreg $0x0  }
0xa8: {  	s5 =	sshll.u32 s28, $0x1;
	[dreg:$0x2] =	wrdreg s3  }
0xa9: {  	[dreg:$0x3] =	wrdreg s5  }
0xaa: {  	[dreg:$0x4] =	wrdreg $0xC0  }
0xab: {  	_ =	task [dreg:s7], $0x5FFFF  }
0xac: {  	[dreg:$0x1] =	wrdreg $0xFFFFFFFF  }
0xad: {  	[dreg:$0x0] =	wrdreg $0x60  }
0xae: {  	[dreg:$0x2] =	wrdreg s24  }
0xaf: {  	[dreg:$0x3] =	wrdreg s2  }
0xb0: {  	[dreg:$0x4] =	wrdreg $0xC0000  }
0xb1: {  	[dreg:$0x5] =	wrdreg $0x60000  }
0xb2: {  	[dreg:$0x6] =	wrdreg $0x9  }
0xb3: {  	_ =	task.clear_ibuf [dreg:s7], $0x7FFFF;
	_ =	strace $0x9000004C  }
0xb4: {  	s29 =	simm.s32 $0x9;
	_ =	strace $0x8000004E  }
0xb5: {  	_ =	swait.ge [sflag:s29], $0x1  }
0xb6: {  	[sflag:s29] =	ssyncadd.s32 $0xFFFFFFFF  }
0xb7: {  	_ =	strace $0x9000004E  }
0xb8: {  	_ =	sfence  }
0xb9: {  	s30 =	sld [smem:$0x0];
	_ =	sdelay $0x2  }
0xba: {  	s31 =	sshll.u32 s1, $0xD;
	s1 =	sshrl.u32 s1, $0x2  }
0xbb: {  	s3 =	sand.u32 $0x4000, s31;
	s1 =	sadd.s32 s1, s30  }
0xbc: {  	s0 =	sor.u32 s3, s0;
	s1 =	sshll.u32 s1, $0x11  }
0xbd: {  	s0 =	sor.u32 s1, s0  }
0xbe: {  	s0 =	sadd.s32 $0x8F2B, s0  }
0xbf: {  	[sflag:s0] =	ssyncadd.remote.s32 $0x1  }
0xc0: {  	_ =	sfence.sel $0xFFFF  }
0xc1: {  	[dreg:$0x0] =	wrdreg $0xFFFFFFFF;
	(pc) =	sbr.abs _section_cstart, $3  }
0xc2: {  	[dreg:$0x1] =	wrdreg $0xFFFFFFFF  }
0xc3: {  	_ =	task.clear_ibuf [dreg:s7], $0x2FFFF;
	_ =	strace $0x9FFFFFFF  }
0xc4: {  	(tm) =	ssettm $0x7FFFFFFF  }
0xc5: {  	_ =	shalt  }
tec
execute0_lowered:
.L_overlay_start_1:
0x0: {  	(tag) =	ssettag $0x1  }
0x1: {  	s0 =	rddreg [dreg:$0x0]  }
0x2: {  	s6 =	rddreg [dreg:$0x1]  }
0x3: {  	s1 =	srdreg.scid;
	s2 =	rddreg [dreg:$0x2]  }
0x4: {  	s8 =	stileid.u32;
	s3 =	rddreg [dreg:$0x3];
	s29 =	simm.s32 $0xB000  }
0x5: {  	s30 =	simm.s32 $0x3;
	s31 =	simm.s32 $0x1;
	s1 =	sand.u32 $0x1, s1  }
0x6: {  	s10 =	sadd.s32 $0x3FC00, s0;
	s4 =	sshll.u32 s1, $0x4;
	s7 =	ssub.s32 $0x2, s1  }
0x7: {  	s1 =	smul.u32 $0x50000, s1;
	s5 =	sor.u32 s8, s4;
	s4 =	simm.s32 $0x0  }
0x8: {  	s8 =	smul.u32 $0x5000, s8;
	s9 =	sshrl.u32 s7, $0x1;
	[smem:$0x7FF] =	sst s4  }
0x9: {  	s5 =	smul.u32 $0x500, s5;
	s11 =	ssub.s32 s7, s9;
	_ =	strace $0x8000004D  }
0xa: {  	s23 =	sadd.s32 s8, s3;
	s14 =	sshrl.u32 s8, $0x3;
	s12 =	sadd.s32 $0x1000, s8  }
0xb: {  	s19 =	sadd.s32 $0x3000, s8;
	s20 =	sadd.s32 $0x4000, s8;
	s0 =	sadd.s32 s5, s0  }
0xc: {  	s5 =	sadd.s32 s8, s2;
	s7 =	sadd.s32 s10, s14;
	s15 =	sshrl.u32 s12, $0x3  }
0xd: {  	s24 =	sadd.s32 s12, s3;
	s14 =	sshrl.u32 s19, $0x3;
	s17 =	sshrl.u32 s20, $0x3  }
0xe: {  	s18 =	sadd.s32 s1, s12;
	s26 =	sadd.s32 s1, s19;
	s23 =	sshrl.u32 s23, $0x3  }
0xf: {  	[dreg:$0x5] =	wrdreg s7;
	s7 =	sadd.s32 s12, s2;
	s9 =	sadd.s32 s10, s15  }
0x10: {  	s15 =	sadd.s32 $0x2000, s8;
	s16 =	sadd.s32 s10, s14;
	s8 =	sadd.s32 s8, s1  }
0x11: {  	s21 =	sshrl.u32 s18, $0x3;
	s18 =	sadd.s32 s19, s2;
	s12 =	sadd.s32 s19, s3  }
0x12: {  	s19 =	sadd.s32 s20, s2;
	s24 =	sshrl.u32 s24, $0x3;
	[dreg:$0x6] =	wrdreg s9  }
0x13: {  	s9 =	sadd.s32 s15, s2;
	s25 =	sadd.s32 s15, s3;
	s13 =	sshrl.u32 s15, $0x3  }
0x14: {  	[dreg:$0x8] =	wrdreg s16;
	s8 =	sshrl.u32 s8, $0x3;
	s14 =	sadd.s32 s6, s21  }
0x15: {  	s22 =	sadd.s32 s1, s15;
	s1 =	sadd.s32 s1, s20;
	s13 =	sadd.s32 s10, s13  }
0x16: {  	s21 =	sadd.s32 $0xDC00, s0;
	s10 =	sadd.s32 s10, s17;
	[dreg:$0x7] =	wrdreg s13  }
0x17: {  	s8 =	sadd.s32 s6, s8;
	s1 =	sshrl.u32 s1, $0x3;
	[dreg:$0x9] =	wrdreg s10  }
0x18: {  	s25 =	sshrl.u32 s25, $0x3;
	[dreg:$0xa] =	wrdreg s8;
	s8 =	sshrl.u32 s22, $0x3  }
0x19: {  	s10 =	sshrl.u32 s26, $0x3;
	s17 =	sadd.s32 s6, s1;
	s13 =	sadd.s32 s20, s3  }
0x1a: {  	s20 =	sadd.s32 $0x3C00, s0;
	s22 =	smax.u32 s11, $0x1;
	s26 =	sshrl.u32 s12, $0x3  }
0x1b: {  	s1 =	simm.s32 $0x80;
	s0 =	simm.s32 $0x5000;
	s15 =	sadd.s32 s6, s8  }
0x1c: {  	v0 =	vimm.f32 $0.0e+00;
	s16 =	sadd.s32 s6, s10;
	s28 =	sshrl.u32 s13, $0x3;
	s6 =	simm.s32 $0x2  }
.LBB2_1:
0x1d: {  	s8 =	simm.s32 $0x80;
	s10 =	simm.s32 $0x0  }
.LBB2_2:
0x1e: {  	p0 =	sne.s32 s8, $0x3F80;
	[tilespmem:s10+$0xB000] =	vst v0;
	s11 =	smov.u32 s8;
	s8 =	sadd.s32 $0x80, s8  }
.Ltmp0:
0x1f: {  	[tilespmem:s10+$0xB010] =	vst v0;
	(pc) =	sbr.rel @p0 .LBB2_2-.Ltmp0, $2  }
0x20: {  	_ =	sdelay $0x2  }
0x21: {  	s10 =	sshra.s32 s11, $0x2  }
0x22: {  	[tilespmem:s10+$0xB000] =	vst v0  }
0x23: {  	[tilespmem:s10+$0xB010] =	vst v0  }
0x24: {  	[spmem:s5] =	stream.linear.scatter [tilespmem:s29], [sflag:$0x3], $0x1000, $0x38;
	[tilespmem:$0x11000] =	vst v63  }
0x25: {  	s8 =	stileid.u32;
	_ =	swait.ge [sflag:s30], $0x1000  }
0x26: {  	s8 =	sshll.u32 s8, $0x6;
	[sflag:s30] =	ssyncset.done $0x0  }
0x27: {  	s8 =	sor.u32 $0x1C03, s8;
	s13 =	rddreg [dreg:$0x5];
	[sflag:s30] =	ssyncadd.s32 $0xFFFFF000  }
0x28: {  	[spmem:s23], [sflag:s8] =	dma.local [hbm:s13], $0x200  }
0x29: {  	_ =	swait.ge [sflag:s30], $0x200  }
0x2a: {  	[sflag:s30] =	ssyncset.done $0x0  }
0x2b: {  	[sflag:s30] =	ssyncadd.s32 $0xFFFFFE00  }
0x2c: {  	[spmem:s7] =	stream.linear.scatter [tilespmem:s29], [sflag:$0x3], $0x1000, $0x38;
	[tilespmem:$0x11000] =	vst v63  }
0x2d: {  	_ =	swait.ge [sflag:s30], $0x1000  }
0x2e: {  	[sflag:s30] =	ssyncset.done $0x0  }
0x2f: {  	s11 =	rddreg [dreg:$0x6];
	[sflag:s30] =	ssyncadd.s32 $0xFFFFF000  }
0x30: {  	[spmem:s24], [sflag:s8] =	dma.local [hbm:s11], $0x200  }
0x31: {  	_ =	swait.ge [sflag:s30], $0x200  }
0x32: {  	[sflag:s30] =	ssyncset.done $0x0  }
0x33: {  	[sflag:s30] =	ssyncadd.s32 $0xFFFFFE00  }
0x34: {  	[spmem:s9] =	stream.linear.scatter [tilespmem:s29], [sflag:$0x3], $0x1000, $0x38;
	[tilespmem:$0x11000] =	vst v63  }
0x35: {  	_ =	swait.ge [sflag:s30], $0x1000  }
0x36: {  	[sflag:s30] =	ssyncset.done $0x0  }
0x37: {  	s12 =	rddreg [dreg:$0x7];
	[sflag:s30] =	ssyncadd.s32 $0xFFFFF000  }
0x38: {  	[spmem:s25], [sflag:s8] =	dma.local [hbm:s12], $0x200  }
0x39: {  	_ =	swait.ge [sflag:s30], $0x200  }
0x3a: {  	[sflag:s30] =	ssyncset.done $0x0  }
0x3b: {  	[sflag:s30] =	ssyncadd.s32 $0xFFFFFE00  }
0x3c: {  	[spmem:s18] =	stream.linear.scatter [tilespmem:s29], [sflag:$0x3], $0x1000, $0x38;
	[tilespmem:$0x11000] =	vst v63  }
0x3d: {  	_ =	swait.ge [sflag:s30], $0x1000  }
0x3e: {  	[sflag:s30] =	ssyncset.done $0x0  }
0x3f: {  	s13 =	rddreg [dreg:$0x8];
	[sflag:s30] =	ssyncadd.s32 $0xFFFFF000  }
0x40: {  	[spmem:s26], [sflag:s8] =	dma.local [hbm:s13], $0x200  }
0x41: {  	_ =	swait.ge [sflag:s30], $0x200  }
0x42: {  	[sflag:s30] =	ssyncset.done $0x0  }
0x43: {  	[sflag:s30] =	ssyncadd.s32 $0xFFFFFE00  }
0x44: {  	[spmem:s19] =	stream.linear.scatter [tilespmem:s29], [sflag:$0x3], $0x1000, $0x38;
	[tilespmem:$0x11000] =	vst v63  }
0x45: {  	_ =	swait.ge [sflag:s30], $0x1000  }
0x46: {  	[sflag:s30] =	ssyncset.done $0x0  }
0x47: {  	s11 =	rddreg [dreg:$0x9];
	[sflag:s30] =	ssyncadd.s32 $0xFFFFF000  }
0x48: {  	[spmem:s28], [sflag:s8] =	dma.local [hbm:s11], $0x200  }
0x49: {  	_ =	swait.ge [sflag:s30], $0x200  }
0x4a: {  	[sflag:s30] =	ssyncset.done $0x0  }
0x4b: {  	s12 =	simm.s32 $0x0;
	s11 =	simm.s32 $0x2800;
	[sflag:s30] =	ssyncadd.s32 $0xFFFFFE00  }
0x4c: {  	[tilespmem:s11], [sflag:$0x3] =	stream.linear.gather [hbm4b:s20+s12], $0x2800, $0x38;
	[tilespmem:$0x11000] =	vst v63  }
0x4d: {  	_ =	swait.ge [sflag:s30], $0x2800  }
0x4e: {  	[sflag:s30] =	ssyncset.done $0x0  }
0x4f: {  	[sflag:s30] =	ssyncadd.s32 $0xFFFFD800  }
0x50: {  	[tilespmem:s12], [sflag:$0x3] =	stream.linear.gather [hbm4b:s21+s12], $0x2800, $0x38;
	[tilespmem:$0x11000] =	vst v63  }
0x51: {  	_ =	swait.ge [sflag:s30], $0x2800  }
0x52: {  	[sflag:s30] =	ssyncset.done $0x0  }
0x53: {  	[sflag:s30] =	ssyncadd.s32 $0xFFFFD800  }
0x54: {  	s13 =	simm.s32 $0x0;
	[bflag:$0x0] =	sbarrier.arrive $0xFFFF  }
0x55: {  	[tilespmem:s0], [sflag:$0x1] =	stream.indirect.gather [spmem:s3], $0x20, s13, s1, $0xb8;
	[tilespmem:$0x11000] =	vst v63  }
0x56: {  	s11 =	simm.s32 $0x80  }
0x57: {  	[tilespmem:s29], [sflag:$0x2] =	stream.indirect.gather [spmem:s3], $0x20, s11, s1, $0xb8;
	[tilespmem:$0x11000] =	vst v63  }
0x58: {  	_ =	swait.ge [sflag:s31], $0x1000  }
0x59: {  	[sflag:s31] =	ssyncset.done $0x0  }
0x5a: {  	s12 =	simm.s32 $0x2800;
	[sflag:s31] =	ssyncadd.s32 $0xFFFFF000  }
0x5b: {  	[spmem:s2] =	stream.indirect.scatter.add.f32 [tilespmem:s0], [sflag:$0x3], $0x20, s12, s1, $0xb8;
	[tilespmem:$0x11000] =	vst v63  }
0x5c: {  	_ =	swait.ge [sflag:s30], $0x1000  }
0x5d: {  	[sflag:s30] =	ssyncset.done $0x0  }
0x5e: {  	[sflag:s30] =	ssyncadd.s32 $0xFFFFF000  }
0x5f: {  	_ =	swait.ge [sflag:s6], $0x1000  }
0x60: {  	[sflag:s6] =	ssyncset.done $0x0  }
0x61: {  	s13 =	simm.s32 $0x2880;
	[sflag:s6] =	ssyncadd.s32 $0xFFFFF000  }
0x62: {  	[spmem:s2] =	stream.indirect.scatter.add.f32 [tilespmem:s29], [sflag:$0x3], $0x20, s13, s1, $0xb8;
	[tilespmem:$0x11000] =	vst v63  }
0x63: {  	_ =	swait.ge [sflag:s30], $0x1000  }
0x64: {  	s10 =	simm.s32 $0x400;
	s11 =	simm.s32 $0x800;
	[sflag:s30] =	ssyncset.done $0x0  }
.LBB2_4:
0x65: {  	s12 =	sshra.s32 s10, $0x2  }
0x66: {  	[sflag:s30] =	ssyncadd.s32 $0xFFFFF000;
	s10 =	smov.u32 s11;
	s13 =	sadd.s32 $0x400, s11  }
0x67: {  	[tilespmem:s0], [sflag:$0x1] =	stream.indirect.gather [spmem:s3], $0x20, s12, s1, $0xb8;
	[tilespmem:$0x11000] =	vst v63  }
0x68: {  	p0 =	sne.s32 s11, $0x9C00;
	s11 =	sadd.s32 $0x80, s12  }
0x69: {  	[tilespmem:s29], [sflag:$0x2] =	stream.indirect.gather [spmem:s3], $0x20, s11, s1, $0xb8;
	[tilespmem:$0x11000] =	vst v63  }
0x6a: {  	_ =	swait.ge [sflag:s31], $0x1000  }
0x6b: {  	[sflag:s31] =	ssyncset.done $0x0  }
0x6c: {  	s11 =	sadd.s32 $0x2800, s12;
	[sflag:s31] =	ssyncadd.s32 $0xFFFFF000  }
0x6d: {  	[spmem:s2] =	stream.indirect.scatter.add.f32 [tilespmem:s0], [sflag:$0x3], $0x20, s11, s1, $0xb8;
	[tilespmem:$0x11000] =	vst v63  }
0x6e: {  	_ =	swait.ge [sflag:s30], $0x1000  }
0x6f: {  	[sflag:s30] =	ssyncset.done $0x0  }
0x70: {  	[sflag:s30] =	ssyncadd.s32 $0xFFFFF000  }
0x71: {  	_ =	swait.ge [sflag:s6], $0x1000  }
.Ltmp1:
0x72: {  	[sflag:s6] =	ssyncset.done $0x0;
	(pc) =	sbr.rel @p0 .LBB2_4-.Ltmp1, $4  }
0x73: {  	s11 =	sadd.s32 $0x2880, s12;
	[sflag:s6] =	ssyncadd.s32 $0xFFFFF000  }
0x74: {  	[spmem:s2] =	stream.indirect.scatter.add.f32 [tilespmem:s29], [sflag:$0x3], $0x20, s11, s1, $0xb8;
	[tilespmem:$0x11000] =	vst v63  }
0x75: {  	_ =	swait.ge [sflag:s30], $0x1000  }
0x76: {  	s11 =	smov.u32 s13;
	[sflag:s30] =	ssyncset.done $0x0  }
0x77: {  	s10 =	sshra.s32 s10, $0x2;
	[sflag:s30] =	ssyncadd.s32 $0xFFFFF000  }
0x78: {  	[tilespmem:s0], [sflag:$0x1] =	stream.indirect.gather [spmem:s3], $0x20, s10, s1, $0xb8;
	[tilespmem:$0x11000] =	vst v63  }
0x79: {  	s11 =	sadd.s32 $0x80, s10  }
0x7a: {  	[tilespmem:s29], [sflag:$0x2] =	stream.indirect.gather [spmem:s3], $0x20, s11, s1, $0xb8;
	[tilespmem:$0x11000] =	vst v63  }
0x7b: {  	_ =	swait.ge [sflag:s31], $0x1000  }
0x7c: {  	[sflag:s31] =	ssyncset.done $0x0  }
0x7d: {  	s13 =	sadd.s32 $0x2800, s10;
	[sflag:s31] =	ssyncadd.s32 $0xFFFFF000  }
0x7e: {  	[spmem:s2] =	stream.indirect.scatter.add.f32 [tilespmem:s0], [sflag:$0x3], $0x20, s13, s1, $0xb8;
	[tilespmem:$0x11000] =	vst v63  }
0x7f: {  	_ =	swait.ge [sflag:s30], $0x1000  }
0x80: {  	[sflag:s30] =	ssyncset.done $0x0  }
0x81: {  	[sflag:s30] =	ssyncadd.s32 $0xFFFFF000  }
0x82: {  	_ =	swait.ge [sflag:s6], $0x1000  }
0x83: {  	[sflag:s6] =	ssyncset.done $0x0  }
0x84: {  	s10 =	sadd.s32 $0x2880, s10;
	[sflag:s6] =	ssyncadd.s32 $0xFFFFF000  }
0x85: {  	[spmem:s2] =	stream.indirect.scatter.add.f32 [tilespmem:s29], [sflag:$0x3], $0x20, s10, s1, $0xb8;
	[tilespmem:$0x11000] =	vst v63  }
0x86: {  	_ =	swait.ge [sflag:s30], $0x1000  }
0x87: {  	[sflag:s30] =	ssyncset.done $0x0  }
0x88: {  	[sflag:s30] =	ssyncadd.s32 $0xFFFFF000  }
0x89: {  	[bflag:$0x0] =	sbarrier.arrive $0xFFFF  }
0x8a: {  	s11 =	sshrl.u32 s5, $0x3;
	s12 =	rddreg [dreg:$0xa]  }
0x8b: {  	[hbm:s12], [sflag:s8] =	dma.local [spmem:s11], $0x200  }
0x8c: {  	_ =	swait.ge [sflag:s30], $0x200  }
0x8d: {  	[sflag:s30] =	ssyncset.done $0x0  }
0x8e: {  	s13 =	sshrl.u32 s7, $0x3;
	[sflag:s30] =	ssyncadd.s32 $0xFFFFFE00  }
0x8f: {  	[hbm:s14], [sflag:s8] =	dma.local [spmem:s13], $0x200  }
0x90: {  	_ =	swait.ge [sflag:s30], $0x200  }
0x91: {  	[sflag:s30] =	ssyncset.done $0x0  }
0x92: {  	s11 =	sshrl.u32 s9, $0x3;
	[sflag:s30] =	ssyncadd.s32 $0xFFFFFE00  }
0x93: {  	[hbm:s15], [sflag:s8] =	dma.local [spmem:s11], $0x200  }
0x94: {  	_ =	swait.ge [sflag:s30], $0x200  }
0x95: {  	[sflag:s30] =	ssyncset.done $0x0  }
0x96: {  	s12 =	sshrl.u32 s18, $0x3;
	[sflag:s30] =	ssyncadd.s32 $0xFFFFFE00  }
0x97: {  	[hbm:s16], [sflag:s8] =	dma.local [spmem:s12], $0x200  }
0x98: {  	s4 =	sadd.s32 $0x1, s4;
	_ =	swait.ge [sflag:s30], $0x200  }
0x99: {  	p0 =	sne.s32 s4, s22;
	[sflag:s30] =	ssyncset.done $0x0  }
.Ltmp2:
0x9a: {  	s13 =	sshrl.u32 s19, $0x3;
	[sflag:s30] =	ssyncadd.s32 $0xFFFFFE00;
	(pc) =	sbr.rel @p0 .LBB2_1-.Ltmp2, $4  }
0x9b: {  	[hbm:s17], [sflag:s8] =	dma.local [spmem:s13], $0x200  }
0x9c: {  	_ =	swait.ge [sflag:s30], $0x200  }
0x9d: {  	[sflag:s30] =	ssyncset.done $0x0  }
0x9e: {  	[sflag:s30] =	ssyncadd.s32 $0xFFFFFE00  }
0x9f: {  	_ =	sfence.sel $0x180000  }
0xa0: {  	[bflag:$0x0] =	sbarrier.arrive $0xFFFF  }
0xa1: {  	_ =	strace $0x9000004D  }
0xa2: {  	s0 =	stileid.u32;
	[bflag:$0x2] =	sbarrier.arrive $0xFFFF  }
0xa3: {  	p0 =	sne.s32 s0, $0x0;
	s0 =	rddreg [dreg:$0x4]  }
0xa4: {  	s0 =	sadd.s32 @!p0 $0x100000, s0  }
0xa5: {  	[sflag:s0] =	ssyncadd.tile.s32 @!p0 $0x1;
	_ =	shalt  }
.Lfunc_end2:
_tile_overlayer_lowered:
.L_overlay_start_2:
0xa6: {  	(tag) =	ssettag $0x2  }
0xa7: {  	s0 =	rddreg [dreg:$0x0];
	s2 =	stileid.u32  }
0xa8: {  	s1 =	rddreg [dreg:$0x1];
	p0 =	sne.s32 s2, $0x0  }
0xa9: {  	s3 =	rddreg [dreg:$0x2];
	[bflag:$0x3] =	sbarrier.arrive $0xFFFF;
	s2 =	simm.s32 @!p0 $0x1C03  }
0xaa: {  	[timem:s3], [sflag:s2] =	dma.local @!p0 [hbm:s0], s1  }
0xab: {  	s0 =	simm.s32 @!p0 $0x3  }
0xac: {  	_ =	swait.ge @!p0 [sflag:s0], s1  }
0xad: {  	s1 =	ssub.s32 @!p0 $0x0, s1;
	[sflag:s0] =	ssyncset.done @!p0 $0x0  }
0xae: {  	[sflag:s0] =	ssyncadd.s32 @!p0 s1  }
0xaf: {  	[bflag:$0x3] =	sbarrier.arrive $0xFFFF  }
0xb0: {  	_ =	shalt  }

// kernel: kernel.22.cloned.1.call-start
scs
__scs_entry_jumppad:
0x0: {  	(pc) =	sbr.rel $0x88, $3  }
0x1: {  	(tag) =	ssettag $0x0;
	lr =	simm.s32 $0x1  }
0x2: {  	[smem:$0x3F97] =	sst lr;
	_ =	strace $0xD0000000  }
0x3: {  	_ = 	snop  }
0x4: {  	_ = 	snop  }
0x5: {  	_ = 	snop  }
0x6: {  	_ = 	snop  }
0x7: {  	_ = 	snop  }
__scs_overlays_trampoline_lowered:
0x8: {  	[smem:$0x3FA6] =	sst s0  }
0x9: {  	[smem:$0x3FA7] =	sst s1  }
0xa: {  	[smem:$0x3FA8] =	sst s2  }
0xb: {  	[smem:$0x3FA9] =	sst s3  }
0xc: {  	[smem:$0x3FAA] =	sst s4  }
0xd: {  	[smem:$0x3FAB] =	sst s5  }
0xe: {  	[smem:$0x3FAC] =	sst s6  }
0xf: {  	[smem:$0x3FAD] =	sst s7  }
0x10: {  	[smem:$0x3FAE] =	sst s8  }
0x11: {  	[smem:$0x3FAF] =	sst s9;
	s0 =	simm.s32 @!p0 $0x0  }
0x12: {  	s1 =	sld [smem:$0x3F95];
	s0 =	simm.s32 @p0 $0x1  }
0x13: {  	[smem:$0x3FB0] =	sst s0;
	s0 =	simm.s32 @!p1 $0x0  }
0x14: {  	s2 =	sld [smem:$0x3F94];
	s0 =	simm.s32 @p1 $0x1  }
0x15: {  	[smem:$0x3FB1] =	sst s0;
	s0 =	simm.s32 @!p2 $0x0  }
0x16: {  	s3 =	sld [smem:$0x3FDB];
	s0 =	simm.s32 @p2 $0x1  }
0x17: {  	s4 =	simm.s32 $0x1BF5;
	[smem:$0x3FB3] =	sst s0  }
0x18: {  	s0 =	sld [smem:$0x3F96];
	_ =	swait.ge [sflag:s4], $0x0  }
0x19: {  	s7 =	sld [smem:$0x3F97]  }
0x1a: {  	s8 =	sadd.s32 $0xFFFFE003, lr  }
0x1b: {  	s9 =	sadd.s32 $0xFFFFFEF7, lr;
	s5 =	simm.s32 $0xFFFFFFFF;
	p2 =	slt.u32 s8, $0xFFFFF086  }
0x1c: {  	p1 =	slt.u32 s9, $0xF7A;
	s5 =	simm.s32 @!p2 $0x0  }
0x1d: {  	s5 =	simm.s32 @p1 $0x1;
	p0 =	seq.s32 s7, s2  }
0x1e: {  	s7 =	smul.u32 @!p0 $0xF7A, s2;
	p2 =	seq.s32 @!p0 s5, $0x0  }
0x1f: {  	s9 =	smul.u32 $0xF7A, s1;
	s8 =	simm.s32 @!p0 $0x1BF5;
	p2 =	por !p2, p0  }
0x20: {  	[sflag:s8] =	ssyncset.s32 @!p0 $0xFFFFF086;
	s6 =	sadd.s32 @!p0 s3, s7;
	s7 =	simm.s32 @!p0 $0x108  }
0x21: {  	s3 =	sadd.s32 s3, s9;
	s6 =	sadd.s32 @!p0 $0x88, s6;
	s7 =	simm.s32 @p2 $0x1082  }
0x22: {  	[simem:s7], [sflag:s8] =	dma.local @!p0 [hbm:s6], $0xF7A  }
0x23: {  	s9 =	sor.u32 $0xD0000000, s2;
	s6 =	simm.s32 $0x108;
	_ =	swait.ge @!p0 [sflag:s8], $0x0  }
0x24: {  	s3 =	sadd.s32 $0x88, s3;
	s6 =	simm.s32 @!p1 $0x1082;
	[sflag:s4] =	ssyncset.s32 $0xFFFFF086  }
0x25: {  	[simem:s6], [sflag:s4] =	dma.local [hbm:s3], $0xF7A  }
0x26: {  	[smem:$0x3F97] =	sst s1;
	(tag) =	ssettag s2;
	_ =	strace s9  }
0x27: {  	s1 =	sld [smem:$0x3FA7]  }
0x28: {  	s2 =	sld [smem:$0x3FA8]  }
0x29: {  	s4 =	sld [smem:$0x3FAA]  }
0x2a: {  	p0 =	seq.s32 s5, $0x0;
	s5 =	sld [smem:$0x3FAB]  }
0x2b: {  	s6 =	sld [smem:$0x3FAC]  }
0x2c: {  	s7 =	sld [smem:$0x3FAD]  }
0x2d: {  	s3 =	simm.s32 $0x108;
	s8 =	sld [smem:$0x3FAE]  }
0x2e: {  	s3 =	simm.s32 @!p0 $0x1082;
	s9 =	sld [smem:$0x3FAF]  }
0x2f: {  	lr =	sadd.s32 s0, s3;
	s0 =	sld [smem:$0x3FA6]  }
0x30: {  	s3 =	sld [smem:$0x3FA9]  }
0x31: {  	[smem:$0x3FB2] =	sst s10  }
0x32: {  	s10 =	sld [smem:$0x3FB0];
	_ =	sdelay $0x3  }
0x33: {  	p0 =	seq.s32 s10, $0x1;
	s10 =	sld [smem:$0x3FB2];
	_ =	sdelay $0x3  }
0x34: {  	[smem:$0x3FB2] =	sst s10  }
0x35: {  	s10 =	sld [smem:$0x3FB1];
	_ =	sdelay $0x3  }
0x36: {  	p1 =	seq.s32 s10, $0x1;
	s10 =	sld [smem:$0x3FB2];
	_ =	sdelay $0x3  }
0x37: {  	[smem:$0x3FB2] =	sst s10  }
0x38: {  	s10 =	sld [smem:$0x3FB3]  }
0x39: {  	_ = 	snop;
	(pc) =	sbr.ind lr, $3  }
0x3a: {  	_ = 	snop  }
0x3b: {  	_ = 	snop  }
0x3c: {  	p2 =	seq.s32 s10, $0x1;
	s10 =	sld [smem:$0x3FB2]  }
0x3d: {  	_ =	shalt  }
0x3e: {  	_ =	shalt  }
0x3f: {  	_ =	shalt  }
0x40: {  	_ =	shalt  }
0x41: {  	_ =	shalt  }
0x42: {  	_ =	shalt  }
0x43: {  	_ =	shalt  }
0x44: {  	_ =	shalt  }
0x45: {  	_ =	shalt  }
0x46: {  	_ =	shalt  }
0x47: {  	_ =	shalt  }
0x48: {  	_ =	shalt  }
0x49: {  	_ =	shalt  }
0x4a: {  	_ =	shalt  }
0x4b: {  	_ =	shalt  }
0x4c: {  	_ =	shalt  }
0x4d: {  	_ =	shalt  }
0x4e: {  	_ =	shalt  }
0x4f: {  	_ =	shalt  }
0x50: {  	_ =	shalt  }
0x51: {  	_ =	shalt  }
0x52: {  	_ =	shalt  }
0x53: {  	_ =	shalt  }
0x54: {  	_ =	shalt  }
0x55: {  	_ =	shalt  }
0x56: {  	_ =	shalt  }
0x57: {  	_ =	shalt  }
0x58: {  	_ =	shalt  }
0x59: {  	_ =	shalt  }
0x5a: {  	_ =	shalt  }
0x5b: {  	_ =	shalt  }
0x5c: {  	_ =	shalt  }
0x5d: {  	_ =	shalt  }
0x5e: {  	_ =	shalt  }
0x5f: {  	_ =	shalt  }
0x60: {  	_ =	shalt  }
0x61: {  	_ =	shalt  }
0x62: {  	_ =	shalt  }
0x63: {  	_ =	shalt  }
0x64: {  	_ =	shalt  }
0x65: {  	_ =	shalt  }
0x66: {  	_ =	shalt  }
0x67: {  	_ =	shalt  }
0x68: {  	_ =	shalt  }
0x69: {  	_ =	shalt  }
0x6a: {  	_ =	shalt  }
0x6b: {  	_ =	shalt  }
0x6c: {  	_ =	shalt  }
0x6d: {  	_ =	shalt  }
0x6e: {  	_ =	shalt  }
0x6f: {  	_ =	shalt  }
0x70: {  	_ =	shalt  }
0x71: {  	_ =	shalt  }
0x72: {  	_ =	shalt  }
0x73: {  	_ =	shalt  }
0x74: {  	_ =	shalt  }
0x75: {  	_ =	shalt  }
0x76: {  	_ =	shalt  }
0x77: {  	_ =	shalt  }
0x78: {  	_ =	shalt  }
0x79: {  	_ =	shalt  }
0x7a: {  	_ =	shalt  }
0x7b: {  	_ =	shalt  }
0x7c: {  	_ =	shalt  }
0x7d: {  	_ =	shalt  }
0x7e: {  	_ =	shalt  }
0x7f: {  	_ =	shalt  }
0x80: {  	_ =	shalt  }
0x81: {  	_ =	shalt  }
0x82: {  	_ =	shalt  }
0x83: {  	_ =	shalt  }
0x84: {  	_ =	shalt  }
0x85: {  	_ =	shalt  }
0x86: {  	_ =	shalt  }
0x87: {  	_ =	shalt  }
.Lfunc_end0:
.L_simem_size_0:
called_computation.3_lowered:
.L_overlay_start_0:
0x88: {  	s2 =	sld [smem:$0x3FD9]  }
0x89: {  	s3 =	sld [smem:$0x3FFE];
	_ =	sdelay $0x1  }
0x8a: {  	s1 =	srdreg.scid  }
0x8b: {  	s0 =	sand.u32 $0x1, s1  }
0x8c: {  	s17 =	sshll.u32 s0, $0xA;
	s2 =	sadd.s32 s3, s2  }
0x8d: {  	s2 =	sadd.s32 s2, s17  }
0x8e: {  	[smem:$0x3FBE] =	sst s2  }
0x8f: {  	_ = 	snop  }
0x90: {  	s2 =	sld [smem:$0x3FD0];
	(tm) =	ssettm $0x1  }
0x91: {  	s18 =	sld [smem:$0x3FFB];
	_ =	sdelay $0x3  }
0x92: {  	_ =	strace s18  }
0x93: {  	s3 =	sld [smem:$0x3FFC];
	_ =	sdelay $0x3  }
0x94: {  	_ =	strace s3  }
0x95: {  	s3 =	sld [smem:$0x3FFD];
	_ =	sdelay $0x3  }
0x96: {  	_ =	strace s3  }
0x97: {  	_ =	strace $0x8FFFFFFF  }
0x98: {  	s19 =	sld [smem:$0x3FDB];
	_ =	sdelay $0x1  }
0x99: {  	s4 =	simm.s32 $_scs_section_size  }
0x9a: {  	s5 =	simm.s32 $_size__tile_overlayer_lowered;
	s6 =	simm.s32 $_tile_overlayer_lowered  }
0x9b: {  	s22 =	simm.s32 $0x1BFF;
	s21 =	sshll.u32 s6, $0x1;
	s3 =	sadd.s32 s4, s19  }
0x9c: {  	s7 =	simm.s32 $0x0;
	s20 =	sshll.u32 s5, $0x1;
	s5 =	sadd.s32 s21, s3  }
0x9d: {  	[timem:s7], [sflag:s22] =	dma.local [hbm:s5], s20  }
0x9e: {  	_ =	swait.ge [sflag:s22], s20  }
0x9f: {  	s4 =	ssub.s32 $0x0, s20;
	[sflag:s22] =	ssyncset.done $0x0  }
0xa0: {  	[sflag:s22] =	ssyncadd.s32 s4;
	_ =	sdelay $0x1  }
0xa1: {  	s23 =	simm.s32 $0x1B8B  }
0xa2: {  	_ =	swait.ge [sflag:s23], $0x1  }
0xa3: {  	[sflag:s23] =	ssyncset.done $0x0  }
0xa4: {  	s25 =	simm.s32 $0x1B8E;
	s24 =	sld [smem:$0x3FFE];
	[sflag:s23] =	ssyncadd.s32 $0xFFFFFFFF  }
0xa5: {  	s26 =	simm.s32 $execute0_lowered;
	[smem:$0x3FD2] =	sst s25  }
0xa6: {  	s5 =	sshll.u32 s26, $0x1;
	_ =	strace $0x8000004F;
	[dreg:$0x1] =	wrdreg $0xFFFFFFFF  }
0xa7: {  	s28 =	simm.s32 $_size_execute0_lowered;
	s3 =	sadd.s32 s3, s5;
	[dreg:$0x0] =	wrdreg $0x0  }
0xa8: {  	s5 =	sshll.u32 s28, $0x1;
	[dreg:$0x2] =	wrdreg s3  }
0xa9: {  	[dreg:$0x3] =	wrdreg s5  }
0xaa: {  	[dreg:$0x4] =	wrdreg $0xC0  }
0xab: {  	_ =	task [dreg:s7], $0x5FFFF  }
0xac: {  	[dreg:$0x1] =	wrdreg $0xFFFFFFFF  }
0xad: {  	[dreg:$0x0] =	wrdreg $0x60  }
0xae: {  	[dreg:$0x2] =	wrdreg s24  }
0xaf: {  	[dreg:$0x3] =	wrdreg s2  }
0xb0: {  	[dreg:$0x4] =	wrdreg $0xC0000  }
0xb1: {  	[dreg:$0x5] =	wrdreg $0x60000  }
0xb2: {  	[dreg:$0x6] =	wrdreg $0x9  }
0xb3: {  	_ =	task.clear_ibuf [dreg:s7], $0x7FFFF;
	_ =	strace $0x9000004F  }
0xb4: {  	s29 =	simm.s32 $0x9;
	_ =	strace $0x80000051  }
0xb5: {  	_ =	swait.ge [sflag:s29], $0x1  }
0xb6: {  	[sflag:s29] =	ssyncadd.s32 $0xFFFFFFFF  }
0xb7: {  	_ =	strace $0x90000051  }
0xb8: {  	_ =	sfence  }
0xb9: {  	s30 =	sld [smem:$0x0];
	_ =	sdelay $0x2  }
0xba: {  	s31 =	sshll.u32 s1, $0xD;
	s1 =	sshrl.u32 s1, $0x2  }
0xbb: {  	s3 =	sand.u32 $0x4000, s31;
	s1 =	sadd.s32 s1, s30  }
0xbc: {  	s0 =	sor.u32 s3, s0;
	s1 =	sshll.u32 s1, $0x11  }
0xbd: {  	s0 =	sor.u32 s1, s0  }
0xbe: {  	s0 =	sadd.s32 $0x8F2B, s0  }
0xbf: {  	[sflag:s0] =	ssyncadd.remote.s32 $0x1  }
0xc0: {  	_ =	sfence.sel $0xFFFF  }
0xc1: {  	[dreg:$0x0] =	wrdreg $0xFFFFFFFF;
	(pc) =	sbr.abs _section_cstart, $3  }
0xc2: {  	[dreg:$0x1] =	wrdreg $0xFFFFFFFF  }
0xc3: {  	_ =	task.clear_ibuf [dreg:s7], $0x2FFFF;
	_ =	strace $0x9FFFFFFF  }
0xc4: {  	(tm) =	ssettm $0x7FFFFFFF  }
0xc5: {  	_ =	shalt  }
tec
execute0_lowered:
.L_overlay_start_1:
0x0: {  	(tag) =	ssettag $0x1  }
0x1: {  	s0 =	rddreg [dreg:$0x0]  }
0x2: {  	s6 =	rddreg [dreg:$0x1]  }
0x3: {  	s1 =	srdreg.scid;
	s2 =	rddreg [dreg:$0x2]  }
0x4: {  	s8 =	stileid.u32;
	s3 =	rddreg [dreg:$0x3];
	s29 =	simm.s32 $0xB000  }
0x5: {  	s30 =	simm.s32 $0x3;
	s31 =	simm.s32 $0x1;
	s1 =	sand.u32 $0x1, s1  }
0x6: {  	s10 =	sadd.s32 $0x3FC00, s0;
	s4 =	sshll.u32 s1, $0x4;
	s7 =	ssub.s32 $0x2, s1  }
0x7: {  	s1 =	smul.u32 $0x50000, s1;
	s5 =	sor.u32 s8, s4;
	s4 =	simm.s32 $0x0  }
0x8: {  	s8 =	smul.u32 $0x5000, s8;
	s9 =	sshrl.u32 s7, $0x1;
	[smem:$0x7FF] =	sst s4  }
0x9: {  	s5 =	smul.u32 $0x500, s5;
	s11 =	ssub.s32 s7, s9;
	_ =	strace $0x80000050  }
0xa: {  	s23 =	sadd.s32 s8, s3;
	s14 =	sshrl.u32 s8, $0x3;
	s12 =	sadd.s32 $0x1000, s8  }
0xb: {  	s19 =	sadd.s32 $0x3000, s8;
	s20 =	sadd.s32 $0x4000, s8;
	s0 =	sadd.s32 s5, s0  }
0xc: {  	s5 =	sadd.s32 s8, s2;
	s7 =	sadd.s32 s10, s14;
	s15 =	sshrl.u32 s12, $0x3  }
0xd: {  	s24 =	sadd.s32 s12, s3;
	s14 =	sshrl.u32 s19, $0x3;
	s17 =	sshrl.u32 s20, $0x3  }
0xe: {  	s18 =	sadd.s32 s1, s12;
	s26 =	sadd.s32 s1, s19;
	s23 =	sshrl.u32 s23, $0x3  }
0xf: {  	[dreg:$0x5] =	wrdreg s7;
	s7 =	sadd.s32 s12, s2;
	s9 =	sadd.s32 s10, s15  }
0x10: {  	s15 =	sadd.s32 $0x2000, s8;
	s16 =	sadd.s32 s10, s14;
	s8 =	sadd.s32 s8, s1  }
0x11: {  	s21 =	sshrl.u32 s18, $0x3;
	s18 =	sadd.s32 s19, s2;
	s12 =	sadd.s32 s19, s3  }
0x12: {  	s19 =	sadd.s32 s20, s2;
	s24 =	sshrl.u32 s24, $0x3;
	[dreg:$0x6] =	wrdreg s9  }
0x13: {  	s9 =	sadd.s32 s15, s2;
	s25 =	sadd.s32 s15, s3;
	s13 =	sshrl.u32 s15, $0x3  }
0x14: {  	[dreg:$0x8] =	wrdreg s16;
	s8 =	sshrl.u32 s8, $0x3;
	s14 =	sadd.s32 s6, s21  }
0x15: {  	s22 =	sadd.s32 s1, s15;
	s1 =	sadd.s32 s1, s20;
	s13 =	sadd.s32 s10, s13  }
0x16: {  	s21 =	sadd.s32 $0xDC00, s0;
	s10 =	sadd.s32 s10, s17;
	[dreg:$0x7] =	wrdreg s13  }
0x17: {  	s8 =	sadd.s32 s6, s8;
	s1 =	sshrl.u32 s1, $0x3;
	[dreg:$0x9] =	wrdreg s10  }
0x18: {  	s25 =	sshrl.u32 s25, $0x3;
	[dreg:$0xa] =	wrdreg s8;
	s8 =	sshrl.u32 s22, $0x3  }
0x19: {  	s10 =	sshrl.u32 s26, $0x3;
	s17 =	sadd.s32 s6, s1;
	s13 =	sadd.s32 s20, s3  }
0x1a: {  	s20 =	sadd.s32 $0x3C00, s0;
	s22 =	smax.u32 s11, $0x1;
	s26 =	sshrl.u32 s12, $0x3  }
0x1b: {  	s1 =	simm.s32 $0x80;
	s0 =	simm.s32 $0x5000;
	s15 =	sadd.s32 s6, s8  }
0x1c: {  	v0 =	vimm.f32 $0.0e+00;
	s16 =	sadd.s32 s6, s10;
	s28 =	sshrl.u32 s13, $0x3;
	s6 =	simm.s32 $0x2  }
.LBB2_1:
0x1d: {  	s8 =	simm.s32 $0x80;
	s10 =	simm.s32 $0x0  }
.LBB2_2:
0x1e: {  	p0 =	sne.s32 s8, $0x3F80;
	[tilespmem:s10+$0xB000] =	vst v0;
	s11 =	smov.u32 s8;
	s8 =	sadd.s32 $0x80, s8  }
.Ltmp0:
0x1f: {  	[tilespmem:s10+$0xB010] =	vst v0;
	(pc) =	sbr.rel @p0 .LBB2_2-.Ltmp0, $2  }
0x20: {  	_ =	sdelay $0x2  }
0x21: {  	s10 =	sshra.s32 s11, $0x2  }
0x22: {  	[tilespmem:s10+$0xB000] =	vst v0  }
0x23: {  	[tilespmem:s10+$0xB010] =	vst v0  }
0x24: {  	[spmem:s5] =	stream.linear.scatter [tilespmem:s29], [sflag:$0x3], $0x1000, $0x38;
	[tilespmem:$0x11000] =	vst v63  }
0x25: {  	s8 =	stileid.u32;
	_ =	swait.ge [sflag:s30], $0x1000  }
0x26: {  	s8 =	sshll.u32 s8, $0x6;
	[sflag:s30] =	ssyncset.done $0x0  }
0x27: {  	s8 =	sor.u32 $0x1C03, s8;
	s13 =	rddreg [dreg:$0x5];
	[sflag:s30] =	ssyncadd.s32 $0xFFFFF000  }
0x28: {  	[spmem:s23], [sflag:s8] =	dma.local [hbm:s13], $0x200  }
0x29: {  	_ =	swait.ge [sflag:s30], $0x200  }
0x2a: {  	[sflag:s30] =	ssyncset.done $0x0  }
0x2b: {  	[sflag:s30] =	ssyncadd.s32 $0xFFFFFE00  }
0x2c: {  	[spmem:s7] =	stream.linear.scatter [tilespmem:s29], [sflag:$0x3], $0x1000, $0x38;
	[tilespmem:$0x11000] =	vst v63  }
0x2d: {  	_ =	swait.ge [sflag:s30], $0x1000  }
0x2e: {  	[sflag:s30] =	ssyncset.done $0x0  }
0x2f: {  	s11 =	rddreg [dreg:$0x6];
	[sflag:s30] =	ssyncadd.s32 $0xFFFFF000  }
0x30: {  	[spmem:s24], [sflag:s8] =	dma.local [hbm:s11], $0x200  }
0x31: {  	_ =	swait.ge [sflag:s30], $0x200  }
0x32: {  	[sflag:s30] =	ssyncset.done $0x0  }
0x33: {  	[sflag:s30] =	ssyncadd.s32 $0xFFFFFE00  }
0x34: {  	[spmem:s9] =	stream.linear.scatter [tilespmem:s29], [sflag:$0x3], $0x1000, $0x38;
	[tilespmem:$0x11000] =	vst v63  }
0x35: {  	_ =	swait.ge [sflag:s30], $0x1000  }
0x36: {  	[sflag:s30] =	ssyncset.done $0x0  }
0x37: {  	s12 =	rddreg [dreg:$0x7];
	[sflag:s30] =	ssyncadd.s32 $0xFFFFF000  }
0x38: {  	[spmem:s25], [sflag:s8] =	dma.local [hbm:s12], $0x200  }
0x39: {  	_ =	swait.ge [sflag:s30], $0x200  }
0x3a: {  	[sflag:s30] =	ssyncset.done $0x0  }
0x3b: {  	[sflag:s30] =	ssyncadd.s32 $0xFFFFFE00  }
0x3c: {  	[spmem:s18] =	stream.linear.scatter [tilespmem:s29], [sflag:$0x3], $0x1000, $0x38;
	[tilespmem:$0x11000] =	vst v63  }
0x3d: {  	_ =	swait.ge [sflag:s30], $0x1000  }
0x3e: {  	[sflag:s30] =	ssyncset.done $0x0  }
0x3f: {  	s13 =	rddreg [dreg:$0x8];
	[sflag:s30] =	ssyncadd.s32 $0xFFFFF000  }
0x40: {  	[spmem:s26], [sflag:s8] =	dma.local [hbm:s13], $0x200  }
0x41: {  	_ =	swait.ge [sflag:s30], $0x200  }
0x42: {  	[sflag:s30] =	ssyncset.done $0x0  }
0x43: {  	[sflag:s30] =	ssyncadd.s32 $0xFFFFFE00  }
0x44: {  	[spmem:s19] =	stream.linear.scatter [tilespmem:s29], [sflag:$0x3], $0x1000, $0x38;
	[tilespmem:$0x11000] =	vst v63  }
0x45: {  	_ =	swait.ge [sflag:s30], $0x1000  }
0x46: {  	[sflag:s30] =	ssyncset.done $0x0  }
0x47: {  	s11 =	rddreg [dreg:$0x9];
	[sflag:s30] =	ssyncadd.s32 $0xFFFFF000  }
0x48: {  	[spmem:s28], [sflag:s8] =	dma.local [hbm:s11], $0x200  }
0x49: {  	_ =	swait.ge [sflag:s30], $0x200  }
0x4a: {  	[sflag:s30] =	ssyncset.done $0x0  }
0x4b: {  	s12 =	simm.s32 $0x0;
	s11 =	simm.s32 $0x2800;
	[sflag:s30] =	ssyncadd.s32 $0xFFFFFE00  }
0x4c: {  	[tilespmem:s11], [sflag:$0x3] =	stream.linear.gather [hbm4b:s20+s12], $0x2800, $0x38;
	[tilespmem:$0x11000] =	vst v63  }
0x4d: {  	_ =	swait.ge [sflag:s30], $0x2800  }
0x4e: {  	[sflag:s30] =	ssyncset.done $0x0  }
0x4f: {  	[sflag:s30] =	ssyncadd.s32 $0xFFFFD800  }
0x50: {  	[tilespmem:s12], [sflag:$0x3] =	stream.linear.gather [hbm4b:s21+s12], $0x2800, $0x38;
	[tilespmem:$0x11000] =	vst v63  }
0x51: {  	_ =	swait.ge [sflag:s30], $0x2800  }
0x52: {  	[sflag:s30] =	ssyncset.done $0x0  }
0x53: {  	[sflag:s30] =	ssyncadd.s32 $0xFFFFD800  }
0x54: {  	s13 =	simm.s32 $0x0;
	[bflag:$0x0] =	sbarrier.arrive $0xFFFF  }
0x55: {  	[tilespmem:s0], [sflag:$0x1] =	stream.indirect.gather [spmem:s3], $0x20, s13, s1, $0xb8;
	[tilespmem:$0x11000] =	vst v63  }
0x56: {  	s11 =	simm.s32 $0x80  }
0x57: {  	[tilespmem:s29], [sflag:$0x2] =	stream.indirect.gather [spmem:s3], $0x20, s11, s1, $0xb8;
	[tilespmem:$0x11000] =	vst v63  }
0x58: {  	_ =	swait.ge [sflag:s31], $0x1000  }
0x59: {  	[sflag:s31] =	ssyncset.done $0x0  }
0x5a: {  	s12 =	simm.s32 $0x2800;
	[sflag:s31] =	ssyncadd.s32 $0xFFFFF000  }
0x5b: {  	[spmem:s2] =	stream.indirect.scatter.add.f32 [tilespmem:s0], [sflag:$0x3], $0x20, s12, s1, $0xb8;
	[tilespmem:$0x11000] =	vst v63  }
0x5c: {  	_ =	swait.ge [sflag:s30], $0x1000  }
0x5d: {  	[sflag:s30] =	ssyncset.done $0x0  }
0x5e: {  	[sflag:s30] =	ssyncadd.s32 $0xFFFFF000  }
0x5f: {  	_ =	swait.ge [sflag:s6], $0x1000  }
0x60: {  	[sflag:s6] =	ssyncset.done $0x0  }
0x61: {  	s13 =	simm.s32 $0x2880;
	[sflag:s6] =	ssyncadd.s32 $0xFFFFF000  }
0x62: {  	[spmem:s2] =	stream.indirect.scatter.add.f32 [tilespmem:s29], [sflag:$0x3], $0x20, s13, s1, $0xb8;
	[tilespmem:$0x11000] =	vst v63  }
0x63: {  	_ =	swait.ge [sflag:s30], $0x1000  }
0x64: {  	s10 =	simm.s32 $0x400;
	s11 =	simm.s32 $0x800;
	[sflag:s30] =	ssyncset.done $0x0  }
.LBB2_4:
0x65: {  	s12 =	sshra.s32 s10, $0x2  }
0x66: {  	[sflag:s30] =	ssyncadd.s32 $0xFFFFF000;
	s10 =	smov.u32 s11;
	s13 =	sadd.s32 $0x400, s11  }
0x67: {  	[tilespmem:s0], [sflag:$0x1] =	stream.indirect.gather [spmem:s3], $0x20, s12, s1, $0xb8;
	[tilespmem:$0x11000] =	vst v63  }
0x68: {  	p0 =	sne.s32 s11, $0x9C00;
	s11 =	sadd.s32 $0x80, s12  }
0x69: {  	[tilespmem:s29], [sflag:$0x2] =	stream.indirect.gather [spmem:s3], $0x20, s11, s1, $0xb8;
	[tilespmem:$0x11000] =	vst v63  }
0x6a: {  	_ =	swait.ge [sflag:s31], $0x1000  }
0x6b: {  	[sflag:s31] =	ssyncset.done $0x0  }
0x6c: {  	s11 =	sadd.s32 $0x2800, s12;
	[sflag:s31] =	ssyncadd.s32 $0xFFFFF000  }
0x6d: {  	[spmem:s2] =	stream.indirect.scatter.add.f32 [tilespmem:s0], [sflag:$0x3], $0x20, s11, s1, $0xb8;
	[tilespmem:$0x11000] =	vst v63  }
0x6e: {  	_ =	swait.ge [sflag:s30], $0x1000  }
0x6f: {  	[sflag:s30] =	ssyncset.done $0x0  }
0x70: {  	[sflag:s30] =	ssyncadd.s32 $0xFFFFF000  }
0x71: {  	_ =	swait.ge [sflag:s6], $0x1000  }
.Ltmp1:
0x72: {  	[sflag:s6] =	ssyncset.done $0x0;
	(pc) =	sbr.rel @p0 .LBB2_4-.Ltmp1, $4  }
0x73: {  	s11 =	sadd.s32 $0x2880, s12;
	[sflag:s6] =	ssyncadd.s32 $0xFFFFF000  }
0x74: {  	[spmem:s2] =	stream.indirect.scatter.add.f32 [tilespmem:s29], [sflag:$0x3], $0x20, s11, s1, $0xb8;
	[tilespmem:$0x11000] =	vst v63  }
0x75: {  	_ =	swait.ge [sflag:s30], $0x1000  }
0x76: {  	s11 =	smov.u32 s13;
	[sflag:s30] =	ssyncset.done $0x0  }
0x77: {  	s10 =	sshra.s32 s10, $0x2;
	[sflag:s30] =	ssyncadd.s32 $0xFFFFF000  }
0x78: {  	[tilespmem:s0], [sflag:$0x1] =	stream.indirect.gather [spmem:s3], $0x20, s10, s1, $0xb8;
	[tilespmem:$0x11000] =	vst v63  }
0x79: {  	s11 =	sadd.s32 $0x80, s10  }
0x7a: {  	[tilespmem:s29], [sflag:$0x2] =	stream.indirect.gather [spmem:s3], $0x20, s11, s1, $0xb8;
	[tilespmem:$0x11000] =	vst v63  }
0x7b: {  	_ =	swait.ge [sflag:s31], $0x1000  }
0x7c: {  	[sflag:s31] =	ssyncset.done $0x0  }
0x7d: {  	s13 =	sadd.s32 $0x2800, s10;
	[sflag:s31] =	ssyncadd.s32 $0xFFFFF000  }
0x7e: {  	[spmem:s2] =	stream.indirect.scatter.add.f32 [tilespmem:s0], [sflag:$0x3], $0x20, s13, s1, $0xb8;
	[tilespmem:$0x11000] =	vst v63  }
0x7f: {  	_ =	swait.ge [sflag:s30], $0x1000  }
0x80: {  	[sflag:s30] =	ssyncset.done $0x0  }
0x81: {  	[sflag:s30] =	ssyncadd.s32 $0xFFFFF000  }
0x82: {  	_ =	swait.ge [sflag:s6], $0x1000  }
0x83: {  	[sflag:s6] =	ssyncset.done $0x0  }
0x84: {  	s10 =	sadd.s32 $0x2880, s10;
	[sflag:s6] =	ssyncadd.s32 $0xFFFFF000  }
0x85: {  	[spmem:s2] =	stream.indirect.scatter.add.f32 [tilespmem:s29], [sflag:$0x3], $0x20, s10, s1, $0xb8;
	[tilespmem:$0x11000] =	vst v63  }
0x86: {  	_ =	swait.ge [sflag:s30], $0x1000  }
0x87: {  	[sflag:s30] =	ssyncset.done $0x0  }
0x88: {  	[sflag:s30] =	ssyncadd.s32 $0xFFFFF000  }
0x89: {  	[bflag:$0x0] =	sbarrier.arrive $0xFFFF  }
0x8a: {  	s11 =	sshrl.u32 s5, $0x3;
	s12 =	rddreg [dreg:$0xa]  }
0x8b: {  	[hbm:s12], [sflag:s8] =	dma.local [spmem:s11], $0x200  }
0x8c: {  	_ =	swait.ge [sflag:s30], $0x200  }
0x8d: {  	[sflag:s30] =	ssyncset.done $0x0  }
0x8e: {  	s13 =	sshrl.u32 s7, $0x3;
	[sflag:s30] =	ssyncadd.s32 $0xFFFFFE00  }
0x8f: {  	[hbm:s14], [sflag:s8] =	dma.local [spmem:s13], $0x200  }
0x90: {  	_ =	swait.ge [sflag:s30], $0x200  }
0x91: {  	[sflag:s30] =	ssyncset.done $0x0  }
0x92: {  	s11 =	sshrl.u32 s9, $0x3;
	[sflag:s30] =	ssyncadd.s32 $0xFFFFFE00  }
0x93: {  	[hbm:s15], [sflag:s8] =	dma.local [spmem:s11], $0x200  }
0x94: {  	_ =	swait.ge [sflag:s30], $0x200  }
0x95: {  	[sflag:s30] =	ssyncset.done $0x0  }
0x96: {  	s12 =	sshrl.u32 s18, $0x3;
	[sflag:s30] =	ssyncadd.s32 $0xFFFFFE00  }
0x97: {  	[hbm:s16], [sflag:s8] =	dma.local [spmem:s12], $0x200  }
0x98: {  	s4 =	sadd.s32 $0x1, s4;
	_ =	swait.ge [sflag:s30], $0x200  }
0x99: {  	p0 =	sne.s32 s4, s22;
	[sflag:s30] =	ssyncset.done $0x0  }
.Ltmp2:
0x9a: {  	s13 =	sshrl.u32 s19, $0x3;
	[sflag:s30] =	ssyncadd.s32 $0xFFFFFE00;
	(pc) =	sbr.rel @p0 .LBB2_1-.Ltmp2, $4  }
0x9b: {  	[hbm:s17], [sflag:s8] =	dma.local [spmem:s13], $0x200  }
0x9c: {  	_ =	swait.ge [sflag:s30], $0x200  }
0x9d: {  	[sflag:s30] =	ssyncset.done $0x0  }
0x9e: {  	[sflag:s30] =	ssyncadd.s32 $0xFFFFFE00  }
0x9f: {  	_ =	sfence.sel $0x180000  }
0xa0: {  	[bflag:$0x0] =	sbarrier.arrive $0xFFFF  }
0xa1: {  	_ =	strace $0x90000050  }
0xa2: {  	s0 =	stileid.u32;
	[bflag:$0x2] =	sbarrier.arrive $0xFFFF  }
0xa3: {  	p0 =	sne.s32 s0, $0x0;
	s0 =	rddreg [dreg:$0x4]  }
0xa4: {  	s0 =	sadd.s32 @!p0 $0x100000, s0  }
0xa5: {  	[sflag:s0] =	ssyncadd.tile.s32 @!p0 $0x1;
	_ =	shalt  }
.Lfunc_end2:
_tile_overlayer_lowered:
.L_overlay_start_2:
0xa6: {  	(tag) =	ssettag $0x2  }
0xa7: {  	s0 =	rddreg [dreg:$0x0];
	s2 =	stileid.u32  }
0xa8: {  	s1 =	rddreg [dreg:$0x1];
	p0 =	sne.s32 s2, $0x0  }
0xa9: {  	s3 =	rddreg [dreg:$0x2];
	[bflag:$0x3] =	sbarrier.arrive $0xFFFF;
	s2 =	simm.s32 @!p0 $0x1C03  }
0xaa: {  	[timem:s3], [sflag:s2] =	dma.local @!p0 [hbm:s0], s1  }
0xab: {  	s0 =	simm.s32 @!p0 $0x3  }
0xac: {  	_ =	swait.ge @!p0 [sflag:s0], s1  }
0xad: {  	s1 =	ssub.s32 @!p0 $0x0, s1;
	[sflag:s0] =	ssyncset.done @!p0 $0x0  }
0xae: {  	[sflag:s0] =	ssyncadd.s32 @!p0 s1  }
0xaf: {  	[bflag:$0x3] =	sbarrier.arrive $0xFFFF  }
0xb0: {  	_ =	shalt  }

// kernel: kernel.25.cloned.1.call-start
scs
__scs_entry_jumppad:
0x0: {  	(pc) =	sbr.rel $0x88, $3  }
0x1: {  	(tag) =	ssettag $0x0;
	lr =	simm.s32 $0x1  }
0x2: {  	[smem:$0x3F97] =	sst lr;
	_ =	strace $0xD0000000  }
0x3: {  	_ = 	snop  }
0x4: {  	_ = 	snop  }
0x5: {  	_ = 	snop  }
0x6: {  	_ = 	snop  }
0x7: {  	_ = 	snop  }
__scs_overlays_trampoline_lowered:
0x8: {  	[smem:$0x3FA6] =	sst s0  }
0x9: {  	[smem:$0x3FA7] =	sst s1  }
0xa: {  	[smem:$0x3FA8] =	sst s2  }
0xb: {  	[smem:$0x3FA9] =	sst s3  }
0xc: {  	[smem:$0x3FAA] =	sst s4  }
0xd: {  	[smem:$0x3FAB] =	sst s5  }
0xe: {  	[smem:$0x3FAC] =	sst s6  }
0xf: {  	[smem:$0x3FAD] =	sst s7  }
0x10: {  	[smem:$0x3FAE] =	sst s8  }
0x11: {  	[smem:$0x3FAF] =	sst s9;
	s0 =	simm.s32 @!p0 $0x0  }
0x12: {  	s1 =	sld [smem:$0x3F95];
	s0 =	simm.s32 @p0 $0x1  }
0x13: {  	[smem:$0x3FB0] =	sst s0;
	s0 =	simm.s32 @!p1 $0x0  }
0x14: {  	s2 =	sld [smem:$0x3F94];
	s0 =	simm.s32 @p1 $0x1  }
0x15: {  	[smem:$0x3FB1] =	sst s0;
	s0 =	simm.s32 @!p2 $0x0  }
0x16: {  	s3 =	sld [smem:$0x3FDB];
	s0 =	simm.s32 @p2 $0x1  }
0x17: {  	s4 =	simm.s32 $0x1BF5;
	[smem:$0x3FB3] =	sst s0  }
0x18: {  	s0 =	sld [smem:$0x3F96];
	_ =	swait.ge [sflag:s4], $0x0  }
0x19: {  	s7 =	sld [smem:$0x3F97]  }
0x1a: {  	s8 =	sadd.s32 $0xFFFFE003, lr  }
0x1b: {  	s9 =	sadd.s32 $0xFFFFFEF7, lr;
	s5 =	simm.s32 $0xFFFFFFFF;
	p2 =	slt.u32 s8, $0xFFFFF086  }
0x1c: {  	p1 =	slt.u32 s9, $0xF7A;
	s5 =	simm.s32 @!p2 $0x0  }
0x1d: {  	s5 =	simm.s32 @p1 $0x1;
	p0 =	seq.s32 s7, s2  }
0x1e: {  	s7 =	smul.u32 @!p0 $0xF7A, s2;
	p2 =	seq.s32 @!p0 s5, $0x0  }
0x1f: {  	s9 =	smul.u32 $0xF7A, s1;
	s8 =	simm.s32 @!p0 $0x1BF5;
	p2 =	por !p2, p0  }
0x20: {  	[sflag:s8] =	ssyncset.s32 @!p0 $0xFFFFF086;
	s6 =	sadd.s32 @!p0 s3, s7;
	s7 =	simm.s32 @!p0 $0x108  }
0x21: {  	s3 =	sadd.s32 s3, s9;
	s6 =	sadd.s32 @!p0 $0x88, s6;
	s7 =	simm.s32 @p2 $0x1082  }
0x22: {  	[simem:s7], [sflag:s8] =	dma.local @!p0 [hbm:s6], $0xF7A  }
0x23: {  	s9 =	sor.u32 $0xD0000000, s2;
	s6 =	simm.s32 $0x108;
	_ =	swait.ge @!p0 [sflag:s8], $0x0  }
0x24: {  	s3 =	sadd.s32 $0x88, s3;
	s6 =	simm.s32 @!p1 $0x1082;
	[sflag:s4] =	ssyncset.s32 $0xFFFFF086  }
0x25: {  	[simem:s6], [sflag:s4] =	dma.local [hbm:s3], $0xF7A  }
0x26: {  	[smem:$0x3F97] =	sst s1;
	(tag) =	ssettag s2;
	_ =	strace s9  }
0x27: {  	s1 =	sld [smem:$0x3FA7]  }
0x28: {  	s2 =	sld [smem:$0x3FA8]  }
0x29: {  	s4 =	sld [smem:$0x3FAA]  }
0x2a: {  	p0 =	seq.s32 s5, $0x0;
	s5 =	sld [smem:$0x3FAB]  }
0x2b: {  	s6 =	sld [smem:$0x3FAC]  }
0x2c: {  	s7 =	sld [smem:$0x3FAD]  }
0x2d: {  	s3 =	simm.s32 $0x108;
	s8 =	sld [smem:$0x3FAE]  }
0x2e: {  	s3 =	simm.s32 @!p0 $0x1082;
	s9 =	sld [smem:$0x3FAF]  }
0x2f: {  	lr =	sadd.s32 s0, s3;
	s0 =	sld [smem:$0x3FA6]  }
0x30: {  	s3 =	sld [smem:$0x3FA9]  }
0x31: {  	[smem:$0x3FB2] =	sst s10  }
0x32: {  	s10 =	sld [smem:$0x3FB0];
	_ =	sdelay $0x3  }
0x33: {  	p0 =	seq.s32 s10, $0x1;
	s10 =	sld [smem:$0x3FB2];
	_ =	sdelay $0x3  }
0x34: {  	[smem:$0x3FB2] =	sst s10  }
0x35: {  	s10 =	sld [smem:$0x3FB1];
	_ =	sdelay $0x3  }
0x36: {  	p1 =	seq.s32 s10, $0x1;
	s10 =	sld [smem:$0x3FB2];
	_ =	sdelay $0x3  }
0x37: {  	[smem:$0x3FB2] =	sst s10  }
0x38: {  	s10 =	sld [smem:$0x3FB3]  }
0x39: {  	_ = 	snop;
	(pc) =	sbr.ind lr, $3  }
0x3a: {  	_ = 	snop  }
0x3b: {  	_ = 	snop  }
0x3c: {  	p2 =	seq.s32 s10, $0x1;
	s10 =	sld [smem:$0x3FB2]  }
0x3d: {  	_ =	shalt  }
0x3e: {  	_ =	shalt  }
0x3f: {  	_ =	shalt  }
0x40: {  	_ =	shalt  }
0x41: {  	_ =	shalt  }
0x42: {  	_ =	shalt  }
0x43: {  	_ =	shalt  }
0x44: {  	_ =	shalt  }
0x45: {  	_ =	shalt  }
0x46: {  	_ =	shalt  }
0x47: {  	_ =	shalt  }
0x48: {  	_ =	shalt  }
0x49: {  	_ =	shalt  }
0x4a: {  	_ =	shalt  }
0x4b: {  	_ =	shalt  }
0x4c: {  	_ =	shalt  }
0x4d: {  	_ =	shalt  }
0x4e: {  	_ =	shalt  }
0x4f: {  	_ =	shalt  }
0x50: {  	_ =	shalt  }
0x51: {  	_ =	shalt  }
0x52: {  	_ =	shalt  }
0x53: {  	_ =	shalt  }
0x54: {  	_ =	shalt  }
0x55: {  	_ =	shalt  }
0x56: {  	_ =	shalt  }
0x57: {  	_ =	shalt  }
0x58: {  	_ =	shalt  }
0x59: {  	_ =	shalt  }
0x5a: {  	_ =	shalt  }
0x5b: {  	_ =	shalt  }
0x5c: {  	_ =	shalt  }
0x5d: {  	_ =	shalt  }
0x5e: {  	_ =	shalt  }
0x5f: {  	_ =	shalt  }
0x60: {  	_ =	shalt  }
0x61: {  	_ =	shalt  }
0x62: {  	_ =	shalt  }
0x63: {  	_ =	shalt  }
0x64: {  	_ =	shalt  }
0x65: {  	_ =	shalt  }
0x66: {  	_ =	shalt  }
0x67: {  	_ =	shalt  }
0x68: {  	_ =	shalt  }
0x69: {  	_ =	shalt  }
0x6a: {  	_ =	shalt  }
0x6b: {  	_ =	shalt  }
0x6c: {  	_ =	shalt  }
0x6d: {  	_ =	shalt  }
0x6e: {  	_ =	shalt  }
0x6f: {  	_ =	shalt  }
0x70: {  	_ =	shalt  }
0x71: {  	_ =	shalt  }
0x72: {  	_ =	shalt  }
0x73: {  	_ =	shalt  }
0x74: {  	_ =	shalt  }
0x75: {  	_ =	shalt  }
0x76: {  	_ =	shalt  }
0x77: {  	_ =	shalt  }
0x78: {  	_ =	shalt  }
0x79: {  	_ =	shalt  }
0x7a: {  	_ =	shalt  }
0x7b: {  	_ =	shalt  }
0x7c: {  	_ =	shalt  }
0x7d: {  	_ =	shalt  }
0x7e: {  	_ =	shalt  }
0x7f: {  	_ =	shalt  }
0x80: {  	_ =	shalt  }
0x81: {  	_ =	shalt  }
0x82: {  	_ =	shalt  }
0x83: {  	_ =	shalt  }
0x84: {  	_ =	shalt  }
0x85: {  	_ =	shalt  }
0x86: {  	_ =	shalt  }
0x87: {  	_ =	shalt  }
.Lfunc_end0:
.L_simem_size_0:
called_computation.4_lowered:
.L_overlay_start_0:
0x88: {  	s2 =	sld [smem:$0x3FD9]  }
0x89: {  	s3 =	sld [smem:$0x3FFE];
	_ =	sdelay $0x1  }
0x8a: {  	s1 =	srdreg.scid  }
0x8b: {  	s0 =	sand.u32 $0x1, s1  }
0x8c: {  	s17 =	sshll.u32 s0, $0xA;
	s2 =	sadd.s32 s3, s2  }
0x8d: {  	s2 =	sadd.s32 s2, s17  }
0x8e: {  	[smem:$0x3FBE] =	sst s2  }
0x8f: {  	_ = 	snop  }
0x90: {  	s2 =	sld [smem:$0x3FD0];
	(tm) =	ssettm $0x1  }
0x91: {  	s18 =	sld [smem:$0x3FFB];
	_ =	sdelay $0x3  }
0x92: {  	_ =	strace s18  }
0x93: {  	s3 =	sld [smem:$0x3FFC];
	_ =	sdelay $0x3  }
0x94: {  	_ =	strace s3  }
0x95: {  	s3 =	sld [smem:$0x3FFD];
	_ =	sdelay $0x3  }
0x96: {  	_ =	strace s3  }
0x97: {  	_ =	strace $0x8FFFFFFF  }
0x98: {  	s19 =	sld [smem:$0x3FDB];
	_ =	sdelay $0x1  }
0x99: {  	s4 =	simm.s32 $_scs_section_size  }
0x9a: {  	s5 =	simm.s32 $_size__tile_overlayer_lowered;
	s6 =	simm.s32 $_tile_overlayer_lowered  }
0x9b: {  	s22 =	simm.s32 $0x1BFF;
	s21 =	sshll.u32 s6, $0x1;
	s3 =	sadd.s32 s4, s19  }
0x9c: {  	s7 =	simm.s32 $0x0;
	s20 =	sshll.u32 s5, $0x1;
	s5 =	sadd.s32 s21, s3  }
0x9d: {  	[timem:s7], [sflag:s22] =	dma.local [hbm:s5], s20  }
0x9e: {  	_ =	swait.ge [sflag:s22], s20  }
0x9f: {  	s4 =	ssub.s32 $0x0, s20;
	[sflag:s22] =	ssyncset.done $0x0  }
0xa0: {  	[sflag:s22] =	ssyncadd.s32 s4;
	_ =	sdelay $0x1  }
0xa1: {  	s23 =	simm.s32 $0x1B8B  }
0xa2: {  	_ =	swait.ge [sflag:s23], $0x1  }
0xa3: {  	[sflag:s23] =	ssyncset.done $0x0  }
0xa4: {  	s25 =	simm.s32 $0x1B8E;
	s24 =	sld [smem:$0x3FFE];
	[sflag:s23] =	ssyncadd.s32 $0xFFFFFFFF  }
0xa5: {  	s26 =	simm.s32 $execute0_lowered;
	[smem:$0x3FD2] =	sst s25  }
0xa6: {  	s5 =	sshll.u32 s26, $0x1;
	_ =	strace $0x80000052;
	[dreg:$0x1] =	wrdreg $0xFFFFFFFF  }
0xa7: {  	s28 =	simm.s32 $_size_execute0_lowered;
	s3 =	sadd.s32 s3, s5;
	[dreg:$0x0] =	wrdreg $0x0  }
0xa8: {  	s5 =	sshll.u32 s28, $0x1;
	[dreg:$0x2] =	wrdreg s3  }
0xa9: {  	[dreg:$0x3] =	wrdreg s5  }
0xaa: {  	[dreg:$0x4] =	wrdreg $0xC0  }
0xab: {  	_ =	task [dreg:s7], $0x5FFFF  }
0xac: {  	[dreg:$0x1] =	wrdreg $0xFFFFFFFF  }
0xad: {  	[dreg:$0x0] =	wrdreg $0x60  }
0xae: {  	[dreg:$0x2] =	wrdreg s2  }
0xaf: {  	[dreg:$0x3] =	wrdreg s24  }
0xb0: {  	[dreg:$0x4] =	wrdreg $0x130000  }
0xb1: {  	[dreg:$0x5] =	wrdreg $0x70000  }
0xb2: {  	[dreg:$0x6] =	wrdreg $0x9  }
0xb3: {  	_ =	task.clear_ibuf [dreg:s7], $0x7FFFF;
	_ =	strace $0x90000052  }
0xb4: {  	s29 =	simm.s32 $0x9;
	_ =	strace $0x80000054  }
0xb5: {  	_ =	swait.ge [sflag:s29], $0x1  }
0xb6: {  	[sflag:s29] =	ssyncadd.s32 $0xFFFFFFFF  }
0xb7: {  	_ =	strace $0x90000054  }
0xb8: {  	_ =	sfence  }
0xb9: {  	s30 =	sld [smem:$0x0];
	_ =	sdelay $0x2  }
0xba: {  	s31 =	sshll.u32 s1, $0xD;
	s1 =	sshrl.u32 s1, $0x2  }
0xbb: {  	s3 =	sand.u32 $0x4000, s31;
	s1 =	sadd.s32 s1, s30  }
0xbc: {  	s0 =	sor.u32 s3, s0;
	s1 =	sshll.u32 s1, $0x11  }
0xbd: {  	s0 =	sor.u32 s1, s0  }
0xbe: {  	s0 =	sadd.s32 $0x8F2B, s0  }
0xbf: {  	[sflag:s0] =	ssyncadd.remote.s32 $0x1  }
0xc0: {  	_ =	sfence.sel $0xFFFF  }
0xc1: {  	[dreg:$0x0] =	wrdreg $0xFFFFFFFF;
	(pc) =	sbr.abs _section_cstart, $3  }
0xc2: {  	[dreg:$0x1] =	wrdreg $0xFFFFFFFF  }
0xc3: {  	_ =	task.clear_ibuf [dreg:s7], $0x2FFFF;
	_ =	strace $0x9FFFFFFF  }
0xc4: {  	(tm) =	ssettm $0x7FFFFFFF  }
0xc5: {  	_ =	shalt  }
tec
execute0_lowered:
.L_overlay_start_1:
0x0: {  	(tag) =	ssettag $0x1  }
0x1: {  	s0 =	rddreg [dreg:$0x0]  }
0x2: {  	s5 =	rddreg [dreg:$0x1]  }
0x3: {  	s1 =	srdreg.scid;
	s2 =	rddreg [dreg:$0x2]  }
0x4: {  	s8 =	stileid.u32;
	s3 =	rddreg [dreg:$0x3];
	s29 =	simm.s32 $0x11000  }
0x5: {  	s30 =	simm.s32 $0x3;
	s31 =	simm.s32 $0x1;
	s1 =	sand.u32 $0x1, s1  }
0x6: {  	s10 =	sadd.s32 $0x3FC00, s5;
	s4 =	sshll.u32 s1, $0x4;
	s7 =	ssub.s32 $0x2, s1  }
0x7: {  	s1 =	smul.u32 $0xA0000, s1;
	s6 =	sor.u32 s8, s4;
	s4 =	simm.s32 $0x0  }
0x8: {  	s8 =	smul.u32 $0xA000, s8;
	s9 =	sshrl.u32 s7, $0x1;
	[smem:$0x7FF] =	sst s4  }
0x9: {  	s6 =	smul.u32 $0x500, s6;
	s11 =	ssub.s32 s7, s9;
	_ =	strace $0x80000053  }
0xa: {  	s23 =	sadd.s32 s8, s3;
	s9 =	sshrl.u32 s8, $0x3;
	s12 =	sadd.s32 $0x2000, s8  }
0xb: {  	s15 =	sadd.s32 $0x4000, s8;
	s19 =	sadd.s32 $0x6000, s8;
	s20 =	sadd.s32 $0x8000, s8  }
0xc: {  	s6 =	sadd.s32 s6, s5;
	s5 =	sadd.s32 s8, s2;
	s7 =	sadd.s32 s0, s9  }
0xd: {  	s13 =	sshrl.u32 s12, $0x3;
	s24 =	sadd.s32 s12, s3;
	s25 =	sadd.s32 s15, s3  }
0xe: {  	s14 =	sshrl.u32 s19, $0x3;
	s16 =	sshrl.u32 s20, $0x3;
	s8 =	sadd.s32 s8, s1  }
0xf: {  	s17 =	sadd.s32 s1, s12;
	s22 =	sadd.s32 s1, s15;
	s26 =	sadd.s32 s1, s19  }
0x10: {  	s1 =	sadd.s32 s1, s20;
	s23 =	sshrl.u32 s23, $0x3;
	[dreg:$0x5] =	wrdreg s7  }
0x11: {  	s7 =	sadd.s32 s12, s2;
	s9 =	sadd.s32 s0, s13;
	s13 =	sshrl.u32 s15, $0x3  }
0x12: {  	s14 =	sadd.s32 s0, s14;
	s18 =	sshrl.u32 s8, $0x3;
	s21 =	sshrl.u32 s17, $0x3  }
0x13: {  	s8 =	sshrl.u32 s26, $0x3;
	s1 =	sshrl.u32 s1, $0x3;
	s12 =	sadd.s32 s19, s3  }
0x14: {  	s24 =	sshrl.u32 s24, $0x3;
	s25 =	sshrl.u32 s25, $0x3;
	[dreg:$0x6] =	wrdreg s9  }
0x15: {  	s9 =	sadd.s32 s15, s2;
	s13 =	sadd.s32 s0, s13;
	[dreg:$0x8] =	wrdreg s14  }
0x16: {  	s0 =	sadd.s32 s0, s16;
	s14 =	sadd.s32 s10, s21;
	s16 =	sadd.s32 s10, s8  }
0x17: {  	s17 =	sadd.s32 s10, s1;
	s21 =	sadd.s32 $0xDC00, s6;
	[dreg:$0x7] =	wrdreg s13  }
0x18: {  	s26 =	sshrl.u32 s12, $0x3;
	s1 =	simm.s32 $0x80;
	[dreg:$0x9] =	wrdreg s0  }
0x19: {  	s0 =	sadd.s32 s10, s18;
	s18 =	sadd.s32 s19, s2;
	s19 =	sadd.s32 s20, s2  }
0x1a: {  	s13 =	sadd.s32 s20, s3;
	s20 =	sadd.s32 $0x3C00, s6;
	s6 =	simm.s32 $0x2  }
0x1b: {  	[dreg:$0xa] =	wrdreg s0;
	s0 =	sshrl.u32 s22, $0x3;
	s22 =	smax.u32 s11, $0x1  }
0x1c: {  	v0 =	vimm.f32 $0.0e+00;
	s28 =	sshrl.u32 s13, $0x3;
	s15 =	sadd.s32 s10, s0;
	s0 =	simm.s32 $0x5000  }
.LBB2_1:
0x1d: {  	s10 =	simm.s32 $0x100;
	s8 =	simm.s32 $0x0  }
.LBB2_2:
0x1e: {  	p0 =	sne.s32 s10, $0x7F00;
	[tilespmem:s8+$0x11030] =	vst v0;
	s11 =	smov.u32 s10;
	s10 =	sadd.s32 $0x100, s10  }
.Ltmp0:
0x1f: {  	[tilespmem:s8+$0x11020] =	vst v0;
	(pc) =	sbr.rel @p0 .LBB2_2-.Ltmp0, $3  }
0x20: {  	[tilespmem:s8+$0x11000] =	vst v0  }
0x21: {  	[tilespmem:s8+$0x11010] =	vst v0;
	_ =	sdelay $0x1  }
0x22: {  	s8 =	sshra.s32 s11, $0x2  }
0x23: {  	[tilespmem:s8+$0x11030] =	vst v0  }
0x24: {  	[tilespmem:s8+$0x11020] =	vst v0  }
0x25: {  	[tilespmem:s8+$0x11000] =	vst v0  }
0x26: {  	[tilespmem:s8+$0x11010] =	vst v0  }
0x27: {  	[spmem:s5] =	stream.linear.scatter [tilespmem:s29], [sflag:$0x3], $0x2000, $0x38;
	[tilespmem:$0x1D000] =	vst v63  }
0x28: {  	s10 =	stileid.u32;
	_ =	swait.ge [sflag:s30], $0x2000  }
0x29: {  	s8 =	sshll.u32 s10, $0x6;
	[sflag:s30] =	ssyncset.done $0x0  }
0x2a: {  	s8 =	sor.u32 $0x1C03, s8;
	s10 =	rddreg [dreg:$0x5];
	[sflag:s30] =	ssyncadd.s32 $0xFFFFE000  }
0x2b: {  	[spmem:s23], [sflag:s8] =	dma.local [hbm:s10], $0x400  }
0x2c: {  	_ =	swait.ge [sflag:s30], $0x400  }
0x2d: {  	[sflag:s30] =	ssyncset.done $0x0  }
0x2e: {  	[sflag:s30] =	ssyncadd.s32 $0xFFFFFC00  }
0x2f: {  	[spmem:s7] =	stream.linear.scatter [tilespmem:s29], [sflag:$0x3], $0x2000, $0x38;
	[tilespmem:$0x1D000] =	vst v63  }
0x30: {  	_ =	swait.ge [sflag:s30], $0x2000  }
0x31: {  	[sflag:s30] =	ssyncset.done $0x0  }
0x32: {  	s11 =	rddreg [dreg:$0x6];
	[sflag:s30] =	ssyncadd.s32 $0xFFFFE000  }
0x33: {  	[spmem:s24], [sflag:s8] =	dma.local [hbm:s11], $0x400  }
0x34: {  	_ =	swait.ge [sflag:s30], $0x400  }
0x35: {  	[sflag:s30] =	ssyncset.done $0x0  }
0x36: {  	[sflag:s30] =	ssyncadd.s32 $0xFFFFFC00  }
0x37: {  	[spmem:s9] =	stream.linear.scatter [tilespmem:s29], [sflag:$0x3], $0x2000, $0x38;
	[tilespmem:$0x1D000] =	vst v63  }
0x38: {  	_ =	swait.ge [sflag:s30], $0x2000  }
0x39: {  	[sflag:s30] =	ssyncset.done $0x0  }
0x3a: {  	s12 =	rddreg [dreg:$0x7];
	[sflag:s30] =	ssyncadd.s32 $0xFFFFE000  }
0x3b: {  	[spmem:s25], [sflag:s8] =	dma.local [hbm:s12], $0x400  }
0x3c: {  	_ =	swait.ge [sflag:s30], $0x400  }
0x3d: {  	[sflag:s30] =	ssyncset.done $0x0  }
0x3e: {  	[sflag:s30] =	ssyncadd.s32 $0xFFFFFC00  }
0x3f: {  	[spmem:s18] =	stream.linear.scatter [tilespmem:s29], [sflag:$0x3], $0x2000, $0x38;
	[tilespmem:$0x1D000] =	vst v63  }
0x40: {  	_ =	swait.ge [sflag:s30], $0x2000  }
0x41: {  	[sflag:s30] =	ssyncset.done $0x0  }
0x42: {  	s13 =	rddreg [dreg:$0x8];
	[sflag:s30] =	ssyncadd.s32 $0xFFFFE000  }
0x43: {  	[spmem:s26], [sflag:s8] =	dma.local [hbm:s13], $0x400  }
0x44: {  	_ =	swait.ge [sflag:s30], $0x400  }
0x45: {  	[sflag:s30] =	ssyncset.done $0x0  }
0x46: {  	[sflag:s30] =	ssyncadd.s32 $0xFFFFFC00  }
0x47: {  	[spmem:s19] =	stream.linear.scatter [tilespmem:s29], [sflag:$0x3], $0x2000, $0x38;
	[tilespmem:$0x1D000] =	vst v63  }
0x48: {  	_ =	swait.ge [sflag:s30], $0x2000  }
0x49: {  	[sflag:s30] =	ssyncset.done $0x0  }
0x4a: {  	s11 =	rddreg [dreg:$0x9];
	[sflag:s30] =	ssyncadd.s32 $0xFFFFE000  }
0x4b: {  	[spmem:s28], [sflag:s8] =	dma.local [hbm:s11], $0x400  }
0x4c: {  	_ =	swait.ge [sflag:s30], $0x400  }
0x4d: {  	[sflag:s30] =	ssyncset.done $0x0  }
0x4e: {  	s12 =	simm.s32 $0x0;
	s11 =	simm.s32 $0x2800;
	[sflag:s30] =	ssyncadd.s32 $0xFFFFFC00  }
0x4f: {  	[tilespmem:s11], [sflag:$0x3] =	stream.linear.gather [hbm4b:s20+s12], $0x2800, $0x38;
	[tilespmem:$0x1D000] =	vst v63  }
0x50: {  	_ =	swait.ge [sflag:s30], $0x2800  }
0x51: {  	[sflag:s30] =	ssyncset.done $0x0  }
0x52: {  	[sflag:s30] =	ssyncadd.s32 $0xFFFFD800  }
0x53: {  	[tilespmem:s12], [sflag:$0x3] =	stream.linear.gather [hbm4b:s21+s12], $0x2800, $0x38;
	[tilespmem:$0x1D000] =	vst v63  }
0x54: {  	_ =	swait.ge [sflag:s30], $0x2800  }
0x55: {  	[sflag:s30] =	ssyncset.done $0x0  }
0x56: {  	[sflag:s30] =	ssyncadd.s32 $0xFFFFD800  }
0x57: {  	s13 =	simm.s32 $0x0;
	[bflag:$0x0] =	sbarrier.arrive $0xFFFF  }
0x58: {  	[tilespmem:s0], [sflag:$0x1] =	stream.indirect.gather [spmem:s3], $0x40, s13, s1, $0xb8;
	[tilespmem:$0x1D000] =	vst v63  }
0x59: {  	s11 =	simm.s32 $0x80  }
0x5a: {  	[tilespmem:s29], [sflag:$0x2] =	stream.indirect.gather [spmem:s3], $0x40, s11, s1, $0xb8;
	[tilespmem:$0x1D000] =	vst v63  }
0x5b: {  	_ =	swait.ge [sflag:s31], $0x2000  }
0x5c: {  	[sflag:s31] =	ssyncset.done $0x0  }
0x5d: {  	s12 =	simm.s32 $0x2800;
	[sflag:s31] =	ssyncadd.s32 $0xFFFFE000  }
0x5e: {  	[spmem:s2] =	stream.indirect.scatter.add.f32 [tilespmem:s0], [sflag:$0x3], $0x40, s12, s1, $0xb8;
	[tilespmem:$0x1D000] =	vst v63  }
0x5f: {  	_ =	swait.ge [sflag:s30], $0x2000  }
0x60: {  	[sflag:s30] =	ssyncset.done $0x0  }
0x61: {  	[sflag:s30] =	ssyncadd.s32 $0xFFFFE000  }
0x62: {  	_ =	swait.ge [sflag:s6], $0x2000  }
0x63: {  	[sflag:s6] =	ssyncset.done $0x0  }
0x64: {  	s13 =	simm.s32 $0x2880;
	[sflag:s6] =	ssyncadd.s32 $0xFFFFE000  }
0x65: {  	[spmem:s2] =	stream.indirect.scatter.add.f32 [tilespmem:s29], [sflag:$0x3], $0x40, s13, s1, $0xb8;
	[tilespmem:$0x1D000] =	vst v63  }
0x66: {  	_ =	swait.ge [sflag:s30], $0x2000  }
0x67: {  	s10 =	simm.s32 $0x400;
	s11 =	simm.s32 $0x800;
	[sflag:s30] =	ssyncset.done $0x0  }
.LBB2_4:
0x68: {  	s12 =	sshra.s32 s10, $0x2  }
0x69: {  	[sflag:s30] =	ssyncadd.s32 $0xFFFFE000;
	s10 =	smov.u32 s11;
	s13 =	sadd.s32 $0x400, s11  }
0x6a: {  	[tilespmem:s0], [sflag:$0x1] =	stream.indirect.gather [spmem:s3], $0x40, s12, s1, $0xb8;
	[tilespmem:$0x1D000] =	vst v63  }
0x6b: {  	p0 =	sne.s32 s11, $0x9C00;
	s11 =	sadd.s32 $0x80, s12  }
0x6c: {  	[tilespmem:s29], [sflag:$0x2] =	stream.indirect.gather [spmem:s3], $0x40, s11, s1, $0xb8;
	[tilespmem:$0x1D000] =	vst v63  }
0x6d: {  	_ =	swait.ge [sflag:s31], $0x2000  }
0x6e: {  	[sflag:s31] =	ssyncset.done $0x0  }
0x6f: {  	s11 =	sadd.s32 $0x2800, s12;
	[sflag:s31] =	ssyncadd.s32 $0xFFFFE000  }
0x70: {  	[spmem:s2] =	stream.indirect.scatter.add.f32 [tilespmem:s0], [sflag:$0x3], $0x40, s11, s1, $0xb8;
	[tilespmem:$0x1D000] =	vst v63  }
0x71: {  	_ =	swait.ge [sflag:s30], $0x2000  }
0x72: {  	[sflag:s30] =	ssyncset.done $0x0  }
0x73: {  	[sflag:s30] =	ssyncadd.s32 $0xFFFFE000  }
0x74: {  	_ =	swait.ge [sflag:s6], $0x2000  }
.Ltmp1:
0x75: {  	[sflag:s6] =	ssyncset.done $0x0;
	(pc) =	sbr.rel @p0 .LBB2_4-.Ltmp1, $4  }
0x76: {  	s11 =	sadd.s32 $0x2880, s12;
	[sflag:s6] =	ssyncadd.s32 $0xFFFFE000  }
0x77: {  	[spmem:s2] =	stream.indirect.scatter.add.f32 [tilespmem:s29], [sflag:$0x3], $0x40, s11, s1, $0xb8;
	[tilespmem:$0x1D000] =	vst v63  }
0x78: {  	_ =	swait.ge [sflag:s30], $0x2000  }
0x79: {  	s11 =	smov.u32 s13;
	[sflag:s30] =	ssyncset.done $0x0  }
0x7a: {  	s10 =	sshra.s32 s10, $0x2;
	[sflag:s30] =	ssyncadd.s32 $0xFFFFE000  }
0x7b: {  	[tilespmem:s0], [sflag:$0x1] =	stream.indirect.gather [spmem:s3], $0x40, s10, s1, $0xb8;
	[tilespmem:$0x1D000] =	vst v63  }
0x7c: {  	s11 =	sadd.s32 $0x80, s10  }
0x7d: {  	[tilespmem:s29], [sflag:$0x2] =	stream.indirect.gather [spmem:s3], $0x40, s11, s1, $0xb8;
	[tilespmem:$0x1D000] =	vst v63  }
0x7e: {  	_ =	swait.ge [sflag:s31], $0x2000  }
0x7f: {  	[sflag:s31] =	ssyncset.done $0x0  }
0x80: {  	s13 =	sadd.s32 $0x2800, s10;
	[sflag:s31] =	ssyncadd.s32 $0xFFFFE000  }
0x81: {  	[spmem:s2] =	stream.indirect.scatter.add.f32 [tilespmem:s0], [sflag:$0x3], $0x40, s13, s1, $0xb8;
	[tilespmem:$0x1D000] =	vst v63  }
0x82: {  	_ =	swait.ge [sflag:s30], $0x2000  }
0x83: {  	[sflag:s30] =	ssyncset.done $0x0  }
0x84: {  	[sflag:s30] =	ssyncadd.s32 $0xFFFFE000  }
0x85: {  	_ =	swait.ge [sflag:s6], $0x2000  }
0x86: {  	[sflag:s6] =	ssyncset.done $0x0  }
0x87: {  	s10 =	sadd.s32 $0x2880, s10;
	[sflag:s6] =	ssyncadd.s32 $0xFFFFE000  }
0x88: {  	[spmem:s2] =	stream.indirect.scatter.add.f32 [tilespmem:s29], [sflag:$0x3], $0x40, s10, s1, $0xb8;
	[tilespmem:$0x1D000] =	vst v63  }
0x89: {  	_ =	swait.ge [sflag:s30], $0x2000  }
0x8a: {  	[sflag:s30] =	ssyncset.done $0x0  }
0x8b: {  	[sflag:s30] =	ssyncadd.s32 $0xFFFFE000  }
0x8c: {  	[bflag:$0x0] =	sbarrier.arrive $0xFFFF  }
0x8d: {  	s11 =	sshrl.u32 s5, $0x3;
	s12 =	rddreg [dreg:$0xa]  }
0x8e: {  	[hbm:s12], [sflag:s8] =	dma.local [spmem:s11], $0x400  }
0x8f: {  	_ =	swait.ge [sflag:s30], $0x400  }
0x90: {  	[sflag:s30] =	ssyncset.done $0x0  }
0x91: {  	s13 =	sshrl.u32 s7, $0x3;
	[sflag:s30] =	ssyncadd.s32 $0xFFFFFC00  }
0x92: {  	[hbm:s14], [sflag:s8] =	dma.local [spmem:s13], $0x400  }
0x93: {  	_ =	swait.ge [sflag:s30], $0x400  }
0x94: {  	[sflag:s30] =	ssyncset.done $0x0  }
0x95: {  	s11 =	sshrl.u32 s9, $0x3;
	[sflag:s30] =	ssyncadd.s32 $0xFFFFFC00  }
0x96: {  	[hbm:s15], [sflag:s8] =	dma.local [spmem:s11], $0x400  }
0x97: {  	_ =	swait.ge [sflag:s30], $0x400  }
0x98: {  	[sflag:s30] =	ssyncset.done $0x0  }
0x99: {  	s12 =	sshrl.u32 s18, $0x3;
	[sflag:s30] =	ssyncadd.s32 $0xFFFFFC00  }
0x9a: {  	[hbm:s16], [sflag:s8] =	dma.local [spmem:s12], $0x400  }
0x9b: {  	s4 =	sadd.s32 $0x1, s4;
	_ =	swait.ge [sflag:s30], $0x400  }
0x9c: {  	p0 =	sne.s32 s4, s22;
	[sflag:s30] =	ssyncset.done $0x0  }
.Ltmp2:
0x9d: {  	s13 =	sshrl.u32 s19, $0x3;
	[sflag:s30] =	ssyncadd.s32 $0xFFFFFC00;
	(pc) =	sbr.rel @p0 .LBB2_1-.Ltmp2, $4  }
0x9e: {  	[hbm:s17], [sflag:s8] =	dma.local [spmem:s13], $0x400  }
0x9f: {  	_ =	swait.ge [sflag:s30], $0x400  }
0xa0: {  	[sflag:s30] =	ssyncset.done $0x0  }
0xa1: {  	[sflag:s30] =	ssyncadd.s32 $0xFFFFFC00  }
0xa2: {  	_ =	sfence.sel $0x180000  }
0xa3: {  	[bflag:$0x0] =	sbarrier.arrive $0xFFFF  }
0xa4: {  	_ =	strace $0x90000053  }
0xa5: {  	s0 =	stileid.u32;
	[bflag:$0x2] =	sbarrier.arrive $0xFFFF  }
0xa6: {  	p0 =	sne.s32 s0, $0x0;
	s0 =	rddreg [dreg:$0x4]  }
0xa7: {  	s0 =	sadd.s32 @!p0 $0x100000, s0  }
0xa8: {  	[sflag:s0] =	ssyncadd.tile.s32 @!p0 $0x1;
	_ =	shalt  }
.Lfunc_end2:
_tile_overlayer_lowered:
.L_overlay_start_2:
0xa9: {  	(tag) =	ssettag $0x2  }
0xaa: {  	s0 =	rddreg [dreg:$0x0];
	s2 =	stileid.u32  }
0xab: {  	s1 =	rddreg [dreg:$0x1];
	p0 =	sne.s32 s2, $0x0  }
0xac: {  	s3 =	rddreg [dreg:$0x2];
	[bflag:$0x3] =	sbarrier.arrive $0xFFFF;
	s2 =	simm.s32 @!p0 $0x1C03  }
0xad: {  	[timem:s3], [sflag:s2] =	dma.local @!p0 [hbm:s0], s1  }
0xae: {  	s0 =	simm.s32 @!p0 $0x3  }
0xaf: {  	_ =	swait.ge @!p0 [sflag:s0], s1  }
0xb0: {  	s1 =	ssub.s32 @!p0 $0x0, s1;
	[sflag:s0] =	ssyncset.done @!p0 $0x0  }
0xb1: {  	[sflag:s0] =	ssyncadd.s32 @!p0 s1  }
0xb2: {  	[bflag:$0x3] =	sbarrier.arrive $0xFFFF  }
0xb3: {  	_ =	shalt  }

</sc_bundles>
